<compile_context>
chip_gen: v7x
topology: tpu7x:2x2x1
jax: 0.10.2.dev20260603
libtpu: 0.0.44.dev20260713+nightly
codegen_flags: <defaults>
</compile_context>

<pallas_src>
import functools

import jax
import jax.numpy as jnp
from jax import lax
from jax.experimental import pallas as pl
from jax.experimental.pallas import tpu as pltpu
from jax.experimental.pallas import tpu_sc as plsc

N = 10000
E = 320000
D = 128
DE = 4
L = 5
G = 128
OUT = 256

N2 = 10240
NC = 2
NS = 16
NW = NC * NS
EPW = E // NW
K = 80
NCHUNK = EPW // K
RPS = N2 // NS

_MESH = plsc.VectorSubcoreMesh(core_axis_name="c", subcore_axis_name="s")


def _zero_vmem_2d(ref, rows, cols):
    z16 = jnp.zeros((16,), jnp.float32)

    def body(r, carry):
        for c in range(cols // 16):
            ref[r, pl.ds(c * 16, 16)] = z16
        return carry

    lax.fori_loop(0, rows, body, 0)


@functools.partial(
    pl.kernel,
    out_type=jax.ShapeDtypeStruct((NC, N2, D), jnp.float32),
    mesh=_MESH,
    scratch_types=[
        pltpu.VMEM((EPW,), jnp.int32),
        pltpu.VMEM((NCHUNK, K), jnp.int32),
        pltpu.VMEM((K, D), jnp.float32),
        pltpu.VMEM((K, D), jnp.float32),
        pltpu.VMEM_SHARED((N2, D), jnp.float32),
        pltpu.SemaphoreType.DMA,
        pltpu.SemaphoreType.DMA,
    ],
)
def _segsum(h_hbm, src_hbm, dst_hbm, out_hbm,
            srcv, dstv, buf0, buf1, acc, sem0, sem1):
    cid = lax.axis_index("c")
    sid = lax.axis_index("s")
    wid = cid * NS + sid

    pltpu.sync_copy(src_hbm.at[wid], srcv)
    pltpu.sync_copy(dst_hbm.at[wid], dstv)

    _zero_vmem_2d(buf0, K, D)
    for z in range(RPS // K):
        pltpu.sync_copy(buf0, acc.at[pl.ds(sid * RPS + z * K, K)])

    pltpu.async_copy(h_hbm.at[srcv.at[pl.ds(0, K)]], buf0, sem0)
    pltpu.async_copy(h_hbm.at[srcv.at[pl.ds(K, K)]], buf1, sem1)
    plsc.subcore_barrier()

    def outer(j2, carry):
        for b, (buf, sem) in enumerate(((buf0, sem0), (buf1, sem1))):
            j = j2 * 2 + b
            pltpu.make_async_copy(h_hbm.at[srcv.at[pl.ds(0, K)]], buf, sem).wait()
            pltpu.sync_copy(buf, acc.at[dstv.at[j]], add=True)

            @pl.when(j + 2 < NCHUNK)
            def _():
                pltpu.async_copy(h_hbm.at[srcv.at[pl.ds((j + 2) * K, K)]],
                                 buf, sem)
        return carry

    lax.fori_loop(0, NCHUNK // 2, outer, 0)

    j_last = NCHUNK - 1
    pltpu.make_async_copy(h_hbm.at[srcv.at[pl.ds(0, K)]], buf0, sem0).wait()
    pltpu.sync_copy(buf0, acc.at[dstv.at[j_last]], add=True)

    plsc.subcore_barrier()
    pltpu.sync_copy(acc.at[pl.ds(sid * RPS, RPS)],
                    out_hbm.at[cid, pl.ds(sid * RPS, RPS)])


@functools.partial(
    pl.kernel,
    out_type=jax.ShapeDtypeStruct((NC, N2, 16), jnp.float32),
    mesh=_MESH,
    scratch_types=[
        pltpu.VMEM((NCHUNK, K), jnp.int32),
        pltpu.VMEM((K, 16), jnp.float32),
        pltpu.VMEM((K, 16), jnp.float32),
        pltpu.VMEM_SHARED((N2, 16), jnp.float32),
        pltpu.SemaphoreType.DMA,
        pltpu.SemaphoreType.DMA,
    ],
)
def _adeg(eaug_hbm, dst_hbm, out_hbm, dstv, ebuf0, ebuf1, acc16,
          sem0, sem1):
    cid = lax.axis_index("c")
    sid = lax.axis_index("s")
    wid = cid * NS + sid
    base = wid * EPW

    pltpu.sync_copy(dst_hbm.at[wid], dstv)

    _zero_vmem_2d(ebuf0, K, 16)
    for z in range(RPS // K):
        pltpu.sync_copy(ebuf0, acc16.at[pl.ds(sid * RPS + z * K, K)])

    pltpu.async_copy(eaug_hbm.at[pl.ds(base, K)], ebuf0, sem0)
    pltpu.async_copy(eaug_hbm.at[pl.ds(base + K, K)], ebuf1, sem1)
    plsc.subcore_barrier()

    def outer(j2, carry):
        for b, (buf, sem) in enumerate(((ebuf0, sem0), (ebuf1, sem1))):
            j = j2 * 2 + b
            pltpu.make_async_copy(eaug_hbm.at[pl.ds(0, K)], buf, sem).wait()
            pltpu.sync_copy(buf, acc16.at[dstv.at[j]], add=True)

            @pl.when(j + 2 < NCHUNK)
            def _():
                pltpu.async_copy(eaug_hbm.at[pl.ds(base + (j + 2) * K, K)],
                                 buf, sem)
        return carry

    lax.fori_loop(0, NCHUNK // 2, outer, 0)

    j_last = NCHUNK - 1
    pltpu.make_async_copy(eaug_hbm.at[pl.ds(0, K)], ebuf0, sem0).wait()
    pltpu.sync_copy(ebuf0, acc16.at[dstv.at[j_last]], add=True)

    plsc.subcore_barrier()
    pltpu.sync_copy(acc16.at[pl.ds(sid * RPS, RPS)],
                    out_hbm.at[cid, pl.ds(sid * RPS, RPS)])


def _mlp_body(h_ref, s_ref, a_ref, wc_ref, w1_ref, b1_ref, w2_ref, b2_ref,
              out_ref, *, relu_out):
    agg_e = jnp.dot(a_ref[0] + a_ref[1], wc_ref[...],
                    preferred_element_type=jnp.float32)
    u = h_ref[...] + s_ref[0] + s_ref[1] + agg_e
    z = jnp.maximum(jnp.dot(u, w1_ref[...],
                            preferred_element_type=jnp.float32) + b1_ref[...],
                    0.0)
    o = jnp.dot(z, w2_ref[...], preferred_element_type=jnp.float32) + b2_ref[...]
    if relu_out:
        o = jnp.maximum(o, 0.0)
    out_ref[...] = o


def _mlp(h, s2, a2, wc, w1, b1, w2, b2, relu_out):
    B = 2048
    return pl.pallas_call(
        functools.partial(_mlp_body, relu_out=relu_out),
        grid=(N2 // B,),
        in_specs=[
            pl.BlockSpec((B, D), lambda i: (i, 0)),
            pl.BlockSpec((NC, B, D), lambda i: (0, i, 0)),
            pl.BlockSpec((NC, B, 16), lambda i: (0, i, 0)),
            pl.BlockSpec((16, D), lambda i: (0, 0)),
            pl.BlockSpec((D, 2 * D), lambda i: (0, 0)),
            pl.BlockSpec((1, 2 * D), lambda i: (0, 0)),
            pl.BlockSpec((2 * D, D), lambda i: (0, 0)),
            pl.BlockSpec((1, D), lambda i: (0, 0)),
        ],
        out_specs=pl.BlockSpec((B, D), lambda i: (i, 0)),
        out_shape=jax.ShapeDtypeStruct((N2, D), jnp.float32),
    )(h, s2, a2, wc, w1, b1.reshape(1, -1), w2, b2.reshape(1, -1))


def _mlp_pool_body(h_ref, s_ref, a_ref, wc_ref, w1_ref, b1_ref, w2_ref,
                   b2_ref, batch_ref, wout_ref, bout_ref, out_ref,
                   accp, cntp, *, nblk):
    i = pl.program_id(0)
    agg_e = jnp.dot(a_ref[0] + a_ref[1], wc_ref[...],
                    preferred_element_type=jnp.float32)
    u = h_ref[...] + s_ref[0] + s_ref[1] + agg_e
    z = jnp.maximum(jnp.dot(u, w1_ref[...],
                            preferred_element_type=jnp.float32) + b1_ref[...],
                    0.0)
    o = jnp.dot(z, w2_ref[...], preferred_element_type=jnp.float32,
                precision=lax.Precision.HIGHEST) + b2_ref[...]

    B = o.shape[0]
    gids = lax.broadcasted_iota(jnp.int32, (G, B), 0)
    P = (gids == batch_ref[...]).astype(jnp.float32)
    psum = jnp.dot(P, o, preferred_element_type=jnp.float32)
    pcnt = jnp.sum(P, axis=1, keepdims=True)

    @pl.when(i == 0)
    def _():
        accp[...] = jnp.zeros_like(accp)
        cntp[...] = jnp.zeros_like(cntp)

    accp[...] += psum
    cntp[...] += jnp.broadcast_to(pcnt, cntp.shape)

    @pl.when(i == nblk - 1)
    def _():
        pooled = accp[...] / jnp.maximum(cntp[...][:, 0:1], 1.0)
        out_ref[...] = jnp.maximum(
            jnp.dot(pooled, wout_ref[...], preferred_element_type=jnp.float32) + bout_ref[...], 0.0)


def _mlp_pool(h, s2, a2, wc, w1, b1, w2, b2, batch2, wout, bout2):
    B = 2048
    nblk = N2 // B
    return pl.pallas_call(
        functools.partial(_mlp_pool_body, nblk=nblk),
        grid=(nblk,),
        in_specs=[
            pl.BlockSpec((B, D), lambda i: (i, 0)),
            pl.BlockSpec((NC, B, D), lambda i: (0, i, 0)),
            pl.BlockSpec((NC, B, 16), lambda i: (0, i, 0)),
            pl.BlockSpec((16, D), lambda i: (0, 0)),
            pl.BlockSpec((D, 2 * D), lambda i: (0, 0)),
            pl.BlockSpec((1, 2 * D), lambda i: (0, 0)),
            pl.BlockSpec((2 * D, D), lambda i: (0, 0)),
            pl.BlockSpec((1, D), lambda i: (0, 0)),
            pl.BlockSpec((1, B), lambda i: (0, i)),
            pl.BlockSpec((D, OUT), lambda i: (0, 0)),
            pl.BlockSpec((1, OUT), lambda i: (0, 0)),
        ],
        out_specs=pl.BlockSpec((G, OUT), lambda i: (0, 0)),
        out_shape=jax.ShapeDtypeStruct((G, OUT), jnp.float32),
        scratch_shapes=[
            pltpu.VMEM((G, D), jnp.float32),
            pltpu.VMEM((G, 128), jnp.float32),
        ],
    )(h, s2, a2, wc, w1, b1.reshape(1, -1), w2, b2.reshape(1, -1),
      batch2, wout, bout2)


def kernel(x, edge_attr, W1, b1, W2, b2, We, be, Wout, bout, edge_index,
           batch):
    src = edge_index[0].reshape(NW, EPW)
    dst = edge_index[1].reshape(NW, NCHUNK, K)

    eaug = jnp.concatenate(
        [edge_attr,
         jnp.ones((E, 1), jnp.float32),
         jnp.zeros((E, 11), jnp.float32)], axis=1)
    a2 = _adeg(eaug, dst)

    wc_all = jnp.concatenate(
        [We, be[:, None, :], jnp.zeros((L, 11, D), jnp.float32)], axis=1)

    batch2 = jnp.pad(batch, (0, N2 - N), constant_values=G).reshape(1, N2)
    h = jnp.pad(x, ((0, N2 - N), (0, 0)))
    for l in range(L - 1):
        s2 = _segsum(h, src, dst)
        h = _mlp(h, s2, a2, wc_all[l], W1[l], b1[l], W2[l], b2[l],
                 relu_out=True)

    s2 = _segsum(h, src, dst)
    return _mlp_pool(h, s2, a2, wc_all[L - 1], W1[L - 1], b1[L - 1],
                     W2[L - 1], b2[L - 1], batch2, Wout,
                     bout.reshape(1, OUT))

# --- scband reference (transcript-rebuilt; emitter-appended) ---
"""Pipeline reference for scband-molecular-teacher-52802327937163 (READ-ONLY COPY).

The authoritative reference and input builder live on the scoring server;
editing this copy changes nothing except your own understanding.
"""

import jax, jax.numpy as jnp
import numpy as np

N = 10000
E = 320000
D = 128
DE = 4
L = 5
G = 128
OUT = 256


def setup_inputs(seed: int = 0) -> dict:
    key = jax.random.key(seed)
    ks = jax.random.split(key, 14)
    x = jax.random.normal(ks[0], (N, D), dtype=jnp.float32)
    edge_index = jax.random.randint(ks[1], (2, E), 0, N, dtype=jnp.int32)
    edge_attr = jax.random.normal(ks[2], (E, DE), dtype=jnp.float32)
    batch = jnp.sort(jax.random.randint(ks[3], (N,), 0, G, dtype=jnp.int32))
    # GIN-style per-layer parameters (MLP: D -> 2D -> D) + edge-attr projection
    W1 = jax.random.normal(ks[4], (L, D, 2 * D), dtype=jnp.float32) * 0.02
    b1 = jnp.zeros((L, 2 * D), dtype=jnp.float32)
    W2 = jax.random.normal(ks[5], (L, 2 * D, D), dtype=jnp.float32) * 0.02
    b2 = jnp.zeros((L, D), dtype=jnp.float32)
    We = jax.random.normal(ks[6], (L, DE, D), dtype=jnp.float32) * 0.02
    be = jnp.zeros((L, D), dtype=jnp.float32)
    # final projection mole_embd_dim -> output_embed_dim
    Wout = jax.random.normal(ks[7], (D, OUT), dtype=jnp.float32) * 0.02
    bout = jnp.zeros((OUT,), dtype=jnp.float32)
    return {
        "x": x,
        "edge_attr": edge_attr,
        "W1": W1,
        "b1": b1,
        "W2": W2,
        "b2": b2,
        "We": We,
        "be": be,
        "Wout": Wout,
        "bout": bout,
        "edge_index": edge_index,
        "batch": batch,
    }


def reference(x, edge_attr, W1, b1, W2, b2, We, be, Wout, bout, edge_index, batch):
    src = edge_index[0]
    dst = edge_index[1]
    h = x
    for l in range(L):
        # message = h[src] + edge embedding (gather)
        msg = h[src] + edge_attr @ We[l] + be[l]
        # aggregate by destination node (scatter-add)
        agg = jax.ops.segment_sum(msg, dst, num_segments=N)
        z = h + agg
        z = jnp.maximum(z @ W1[l] + b1[l], 0.0)
        h_new = z @ W2[l] + b2[l]
        if l < L - 1:
            h_new = jnp.maximum(h_new, 0.0)
        h = h_new
    # mean pooling per graph (segment reduce)
    counts = jax.ops.segment_sum(jnp.ones((N,), dtype=jnp.float32), batch, num_segments=G)
    pooled = jax.ops.segment_sum(h, batch, num_segments=G) / jnp.clip(counts, 1.0)[:, None]
    # linear -> (dropout in eval = identity) -> relu
    out = jnp.maximum(pooled @ Wout + bout, 0.0)
    return out

if __name__ == "__main__":
    import jax
    _d = setup_inputs()
    print(jax.jit(kernel)(*tuple(_d.values())))

</pallas_src>

<mosaic_0001>
#map = affine_map<(d0, d1) -> (0, 0)>
#map1 = affine_map<(d0, d1) -> (0, 0, 0)>
module attributes {stable_mosaic.version = 14 : i64} {
  func.func @_adeg(%arg0: i32, %arg1: i32, %arg2: memref<320000x16xf32, #tpu.memory_space<hbm>>, %arg3: memref<32x125x80xi32, #tpu.memory_space<hbm>>, %arg4: memref<2x10240x16xf32, #tpu.memory_space<hbm>>, %arg5: memref<125x80xi32, #tpu.memory_space<vmem>>, %arg6: memref<80x16xf32, #tpu.memory_space<vmem>>, %arg7: memref<80x16xf32, #tpu.memory_space<vmem>>, %arg8: memref<10240x16xf32, #tpu.memory_space<vmem_shared>>, %arg9: memref<!tpu.dma_semaphore, #tpu.memory_space<semaphore_mem>>, %arg10: memref<!tpu.dma_semaphore, #tpu.memory_space<semaphore_mem>>) attributes {dimension_semantics = [#tpu.dimension_semantics<core_parallel>, #tpu.dimension_semantics<subcore_parallel>], iteration_bounds = array<i64: 2, 16>, scalar_prefetch = 0 : i64, scratch_operands = 6 : i64, tpu.core_type = #tpu.core_type<sc_vector_subcore>, window_params = [{transform_indices = #map}, {transform_indices = #map1}, {transform_indices = #map1}]} {
    %mul3A = arith.constant 16 : i32
    %mul3A_0 = arith.muli %arg0, %mul3A : i32
    %add3A = arith.addi %mul3A_0, %arg1 : i32
    %mul3A_1 = arith.constant 10000 : i32
    %mul3A_2 = arith.muli %add3A, %mul3A_1 : i32
    "tpu.region"() ({
      %run_scoped3A_66 = tpu.sem_alloc : memref<!tpu.dma_semaphore, #tpu.memory_space<semaphore_mem>>
      %dma_start3A_67 = arith.constant 0 : i32
      %dma_start3A_68 = arith.constant 0 : i32
      %dma_start3A_69 = tpu.memref_slice %arg3[%add3A, %dma_start3A_67, %dma_start3A_68] : memref<32x125x80xi32, #tpu.memory_space<hbm>> -> memref<1x125x80xi32, #tpu.memory_space<hbm>>
      %dma_start3A_70 = tpu.memref_squeeze %dma_start3A_69 : memref<1x125x80xi32, #tpu.memory_space<hbm>> -> memref<125x80xi32, #tpu.memory_space<hbm>>
      %dma_start3A_71 = arith.constant 0 : i32
      %dma_start3A_72 = arith.constant 0 : i32
      %dma_start3A_73 = tpu.memref_slice %arg3[%add3A, %dma_start3A_71, %dma_start3A_72] : memref<32x125x80xi32, #tpu.memory_space<hbm>> -> memref<1x125x80xi32, #tpu.memory_space<hbm>>
      %dma_start3A_74 = tpu.memref_squeeze %dma_start3A_73 : memref<1x125x80xi32, #tpu.memory_space<hbm>> -> memref<125x80xi32, #tpu.memory_space<hbm>>
      tpu.enqueue_dma source(%dma_start3A_74 : memref<125x80xi32, #tpu.memory_space<hbm>>) target(%arg5 : memref<125x80xi32, #tpu.memory_space<vmem>>) target_semaphore(%run_scoped3A_66 : memref<!tpu.dma_semaphore, #tpu.memory_space<semaphore_mem>>)
      %dma_wait3A_75 = arith.constant 0 : i32
      %dma_wait3A_76 = arith.constant 0 : i32
      %dma_wait3A_77 = tpu.memref_slice %arg3[%add3A, %dma_wait3A_75, %dma_wait3A_76] : memref<32x125x80xi32, #tpu.memory_space<hbm>> -> memref<1x125x80xi32, #tpu.memory_space<hbm>>
      %dma_wait3A_78 = tpu.memref_squeeze %dma_wait3A_77 : memref<1x125x80xi32, #tpu.memory_space<hbm>> -> memref<125x80xi32, #tpu.memory_space<hbm>>
      %dma_wait3A_79 = arith.constant 0 : i32
      %dma_wait3A_80 = arith.constant 0 : i32
      %dma_wait3A_81 = tpu.memref_slice %arg3[%add3A, %dma_wait3A_79, %dma_wait3A_80] : memref<32x125x80xi32, #tpu.memory_space<hbm>> -> memref<1x125x80xi32, #tpu.memory_space<hbm>>
      %dma_wait3A_82 = tpu.memref_squeeze %dma_wait3A_81 : memref<1x125x80xi32, #tpu.memory_space<hbm>> -> memref<125x80xi32, #tpu.memory_space<hbm>>
      tpu.wait_dma2 semaphore(%run_scoped3A_66 : memref<!tpu.dma_semaphore, #tpu.memory_space<semaphore_mem>>) src(%dma_wait3A_82 : memref<125x80xi32, #tpu.memory_space<hbm>>) dst(%arg5 : memref<125x80xi32, #tpu.memory_space<vmem>>)
      tpu.yield
    }) : () -> ()
    %broadcast_in_dim3A = arith.constant 0.000000e+00 : f32
    %broadcast_in_dim3A_3 = vector.broadcast %broadcast_in_dim3A : f32 to vector<16xf32>
    %scan3A = arith.constant 0 : i32
    %scan3A_4 = arith.constant 0 : i32
    %scan3A_5 = arith.constant 80 : i32
    %scan3A_6 = arith.addi %scan3A_4, %scan3A_5 : i32
    %scan3A_7 = arith.constant 1 : i32
    scf.for %scan3A_66 = %scan3A_4 to %scan3A_6 step %scan3A_7  : i32 {
      %swap3A = arith.index_cast %scan3A_66 : i32 to index
      %swap3A_67 = arith.constant 0 : index
      %swap3A_68 = tpu.vector_load %arg6[%swap3A, %swap3A_67] {strides = array<i32>} : memref<80x16xf32, #tpu.memory_space<vmem>>, vector<1x16xf32>,
      %swap3A_69 = vector.shape_cast %swap3A_68 : vector<1x16xf32> to vector<16xf32>
      %swap3A_70 = vector.shape_cast %broadcast_in_dim3A_3 : vector<16xf32> to vector<1x16xf32>
      tpu.vector_store %arg6[%swap3A, %swap3A_67], %swap3A_70 {strides = array<i32>} : memref<80x16xf32, #tpu.memory_space<vmem>>, vector<1x16xf32>,
    }
    %scan3A_8 = arith.constant 80 : i32
    %mul3A_9 = arith.constant 640 : i32
    %mul3A_10 = arith.muli %arg1, %mul3A_9 : i32
    %add3A_11 = arith.constant 0 : i32
    %add3A_12 = arith.addi %mul3A_10, %add3A_11 : i32
    "tpu.region"() ({
      %run_scoped3A_66 = tpu.sem_alloc : memref<!tpu.dma_semaphore, #tpu.memory_space<semaphore_mem>>
      %dma_start3A_67 = arith.constant 0 : i32
      %dma_start3A_68 = tpu.memref_slice %arg8[%add3A_12, %dma_start3A_67] : memref<10240x16xf32, #tpu.memory_space<vmem_shared>> -> memref<80x16xf32, #tpu.memory_space<vmem_shared>>
      %dma_start3A_69 = arith.constant 0 : i32
      %dma_start3A_70 = tpu.memref_slice %arg8[%add3A_12, %dma_start3A_69] : memref<10240x16xf32, #tpu.memory_space<vmem_shared>> -> memref<80x16xf32, #tpu.memory_space<vmem_shared>>
      tpu.enqueue_dma source(%arg6 : memref<80x16xf32, #tpu.memory_space<vmem>>) target(%dma_start3A_70 : memref<80x16xf32, #tpu.memory_space<vmem_shared>>) target_semaphore(%run_scoped3A_66 : memref<!tpu.dma_semaphore, #tpu.memory_space<semaphore_mem>>)
      %dma_wait3A_71 = arith.constant 0 : i32
      %dma_wait3A_72 = tpu.memref_slice %arg8[%add3A_12, %dma_wait3A_71] : memref<10240x16xf32, #tpu.memory_space<vmem_shared>> -> memref<80x16xf32, #tpu.memory_space<vmem_shared>>
      %dma_wait3A_73 = arith.constant 0 : i32
      %dma_wait3A_74 = tpu.memref_slice %arg8[%add3A_12, %dma_wait3A_73] : memref<10240x16xf32, #tpu.memory_space<vmem_shared>> -> memref<80x16xf32, #tpu.memory_space<vmem_shared>>
      tpu.wait_dma2 semaphore(%run_scoped3A_66 : memref<!tpu.dma_semaphore, #tpu.memory_space<semaphore_mem>>) src(%arg6 : memref<80x16xf32, #tpu.memory_space<vmem>>) dst(%dma_wait3A_74 : memref<80x16xf32, #tpu.memory_space<vmem_shared>>)
      tpu.yield
    }) : () -> ()
    %mul3A_13 = arith.constant 640 : i32
    %mul3A_14 = arith.muli %arg1, %mul3A_13 : i32
    %add3A_15 = arith.constant 80 : i32
    %add3A_16 = arith.addi %mul3A_14, %add3A_15 : i32
    "tpu.region"() ({
      %run_scoped3A_66 = tpu.sem_alloc : memref<!tpu.dma_semaphore, #tpu.memory_space<semaphore_mem>>
      %dma_start3A_67 = arith.constant 0 : i32
      %dma_start3A_68 = tpu.memref_slice %arg8[%add3A_16, %dma_start3A_67] : memref<10240x16xf32, #tpu.memory_space<vmem_shared>> -> memref<80x16xf32, #tpu.memory_space<vmem_shared>>
      %dma_start3A_69 = arith.constant 0 : i32
      %dma_start3A_70 = tpu.memref_slice %arg8[%add3A_16, %dma_start3A_69] : memref<10240x16xf32, #tpu.memory_space<vmem_shared>> -> memref<80x16xf32, #tpu.memory_space<vmem_shared>>
      tpu.enqueue_dma source(%arg6 : memref<80x16xf32, #tpu.memory_space<vmem>>) target(%dma_start3A_70 : memref<80x16xf32, #tpu.memory_space<vmem_shared>>) target_semaphore(%run_scoped3A_66 : memref<!tpu.dma_semaphore, #tpu.memory_space<semaphore_mem>>)
      %dma_wait3A_71 = arith.constant 0 : i32
      %dma_wait3A_72 = tpu.memref_slice %arg8[%add3A_16, %dma_wait3A_71] : memref<10240x16xf32, #tpu.memory_space<vmem_shared>> -> memref<80x16xf32, #tpu.memory_space<vmem_shared>>
      %dma_wait3A_73 = arith.constant 0 : i32
      %dma_wait3A_74 = tpu.memref_slice %arg8[%add3A_16, %dma_wait3A_73] : memref<10240x16xf32, #tpu.memory_space<vmem_shared>> -> memref<80x16xf32, #tpu.memory_space<vmem_shared>>
      tpu.wait_dma2 semaphore(%run_scoped3A_66 : memref<!tpu.dma_semaphore, #tpu.memory_space<semaphore_mem>>) src(%arg6 : memref<80x16xf32, #tpu.memory_space<vmem>>) dst(%dma_wait3A_74 : memref<80x16xf32, #tpu.memory_space<vmem_shared>>)
      tpu.yield
    }) : () -> ()
    %mul3A_17 = arith.constant 640 : i32
    %mul3A_18 = arith.muli %arg1, %mul3A_17 : i32
    %add3A_19 = arith.constant 160 : i32
    %add3A_20 = arith.addi %mul3A_18, %add3A_19 : i32
    "tpu.region"() ({
      %run_scoped3A_66 = tpu.sem_alloc : memref<!tpu.dma_semaphore, #tpu.memory_space<semaphore_mem>>
      %dma_start3A_67 = arith.constant 0 : i32
      %dma_start3A_68 = tpu.memref_slice %arg8[%add3A_20, %dma_start3A_67] : memref<10240x16xf32, #tpu.memory_space<vmem_shared>> -> memref<80x16xf32, #tpu.memory_space<vmem_shared>>
      %dma_start3A_69 = arith.constant 0 : i32
      %dma_start3A_70 = tpu.memref_slice %arg8[%add3A_20, %dma_start3A_69] : memref<10240x16xf32, #tpu.memory_space<vmem_shared>> -> memref<80x16xf32, #tpu.memory_space<vmem_shared>>
      tpu.enqueue_dma source(%arg6 : memref<80x16xf32, #tpu.memory_space<vmem>>) target(%dma_start3A_70 : memref<80x16xf32, #tpu.memory_space<vmem_shared>>) target_semaphore(%run_scoped3A_66 : memref<!tpu.dma_semaphore, #tpu.memory_space<semaphore_mem>>)
      %dma_wait3A_71 = arith.constant 0 : i32
      %dma_wait3A_72 = tpu.memref_slice %arg8[%add3A_20, %dma_wait3A_71] : memref<10240x16xf32, #tpu.memory_space<vmem_shared>> -> memref<80x16xf32, #tpu.memory_space<vmem_shared>>
      %dma_wait3A_73 = arith.constant 0 : i32
      %dma_wait3A_74 = tpu.memref_slice %arg8[%add3A_20, %dma_wait3A_73] : memref<10240x16xf32, #tpu.memory_space<vmem_shared>> -> memref<80x16xf32, #tpu.memory_space<vmem_shared>>
      tpu.wait_dma2 semaphore(%run_scoped3A_66 : memref<!tpu.dma_semaphore, #tpu.memory_space<semaphore_mem>>) src(%arg6 : memref<80x16xf32, #tpu.memory_space<vmem>>) dst(%dma_wait3A_74 : memref<80x16xf32, #tpu.memory_space<vmem_shared>>)
      tpu.yield
    }) : () -> ()
    %mul3A_21 = arith.constant 640 : i32
    %mul3A_22 = arith.muli %arg1, %mul3A_21 : i32
    %add3A_23 = arith.constant 240 : i32
    %add3A_24 = arith.addi %mul3A_22, %add3A_23 : i32
    "tpu.region"() ({
      %run_scoped3A_66 = tpu.sem_alloc : memref<!tpu.dma_semaphore, #tpu.memory_space<semaphore_mem>>
      %dma_start3A_67 = arith.constant 0 : i32
      %dma_start3A_68 = tpu.memref_slice %arg8[%add3A_24, %dma_start3A_67] : memref<10240x16xf32, #tpu.memory_space<vmem_shared>> -> memref<80x16xf32, #tpu.memory_space<vmem_shared>>
      %dma_start3A_69 = arith.constant 0 : i32
      %dma_start3A_70 = tpu.memref_slice %arg8[%add3A_24, %dma_start3A_69] : memref<10240x16xf32, #tpu.memory_space<vmem_shared>> -> memref<80x16xf32, #tpu.memory_space<vmem_shared>>
      tpu.enqueue_dma source(%arg6 : memref<80x16xf32, #tpu.memory_space<vmem>>) target(%dma_start3A_70 : memref<80x16xf32, #tpu.memory_space<vmem_shared>>) target_semaphore(%run_scoped3A_66 : memref<!tpu.dma_semaphore, #tpu.memory_space<semaphore_mem>>)
      %dma_wait3A_71 = arith.constant 0 : i32
      %dma_wait3A_72 = tpu.memref_slice %arg8[%add3A_24, %dma_wait3A_71] : memref<10240x16xf32, #tpu.memory_space<vmem_shared>> -> memref<80x16xf32, #tpu.memory_space<vmem_shared>>
      %dma_wait3A_73 = arith.constant 0 : i32
      %dma_wait3A_74 = tpu.memref_slice %arg8[%add3A_24, %dma_wait3A_73] : memref<10240x16xf32, #tpu.memory_space<vmem_shared>> -> memref<80x16xf32, #tpu.memory_space<vmem_shared>>
      tpu.wait_dma2 semaphore(%run_scoped3A_66 : memref<!tpu.dma_semaphore, #tpu.memory_space<semaphore_mem>>) src(%arg6 : memref<80x16xf32, #tpu.memory_space<vmem>>) dst(%dma_wait3A_74 : memref<80x16xf32, #tpu.memory_space<vmem_shared>>)
      tpu.yield
    }) : () -> ()
    %mul3A_25 = arith.constant 640 : i32
    %mul3A_26 = arith.muli %arg1, %mul3A_25 : i32
    %add3A_27 = arith.constant 320 : i32
    %add3A_28 = arith.addi %mul3A_26, %add3A_27 : i32
    "tpu.region"() ({
      %run_scoped3A_66 = tpu.sem_alloc : memref<!tpu.dma_semaphore, #tpu.memory_space<semaphore_mem>>
      %dma_start3A_67 = arith.constant 0 : i32
      %dma_start3A_68 = tpu.memref_slice %arg8[%add3A_28, %dma_start3A_67] : memref<10240x16xf32, #tpu.memory_space<vmem_shared>> -> memref<80x16xf32, #tpu.memory_space<vmem_shared>>
      %dma_start3A_69 = arith.constant 0 : i32
      %dma_start3A_70 = tpu.memref_slice %arg8[%add3A_28, %dma_start3A_69] : memref<10240x16xf32, #tpu.memory_space<vmem_shared>> -> memref<80x16xf32, #tpu.memory_space<vmem_shared>>
      tpu.enqueue_dma source(%arg6 : memref<80x16xf32, #tpu.memory_space<vmem>>) target(%dma_start3A_70 : memref<80x16xf32, #tpu.memory_space<vmem_shared>>) target_semaphore(%run_scoped3A_66 : memref<!tpu.dma_semaphore, #tpu.memory_space<semaphore_mem>>)
      %dma_wait3A_71 = arith.constant 0 : i32
      %dma_wait3A_72 = tpu.memref_slice %arg8[%add3A_28, %dma_wait3A_71] : memref<10240x16xf32, #tpu.memory_space<vmem_shared>> -> memref<80x16xf32, #tpu.memory_space<vmem_shared>>
      %dma_wait3A_73 = arith.constant 0 : i32
      %dma_wait3A_74 = tpu.memref_slice %arg8[%add3A_28, %dma_wait3A_73] : memref<10240x16xf32, #tpu.memory_space<vmem_shared>> -> memref<80x16xf32, #tpu.memory_space<vmem_shared>>
      tpu.wait_dma2 semaphore(%run_scoped3A_66 : memref<!tpu.dma_semaphore, #tpu.memory_space<semaphore_mem>>) src(%arg6 : memref<80x16xf32, #tpu.memory_space<vmem>>) dst(%dma_wait3A_74 : memref<80x16xf32, #tpu.memory_space<vmem_shared>>)
      tpu.yield
    }) : () -> ()
    %mul3A_29 = arith.constant 640 : i32
    %mul3A_30 = arith.muli %arg1, %mul3A_29 : i32
    %add3A_31 = arith.constant 400 : i32
    %add3A_32 = arith.addi %mul3A_30, %add3A_31 : i32
    "tpu.region"() ({
      %run_scoped3A_66 = tpu.sem_alloc : memref<!tpu.dma_semaphore, #tpu.memory_space<semaphore_mem>>
      %dma_start3A_67 = arith.constant 0 : i32
      %dma_start3A_68 = tpu.memref_slice %arg8[%add3A_32, %dma_start3A_67] : memref<10240x16xf32, #tpu.memory_space<vmem_shared>> -> memref<80x16xf32, #tpu.memory_space<vmem_shared>>
      %dma_start3A_69 = arith.constant 0 : i32
      %dma_start3A_70 = tpu.memref_slice %arg8[%add3A_32, %dma_start3A_69] : memref<10240x16xf32, #tpu.memory_space<vmem_shared>> -> memref<80x16xf32, #tpu.memory_space<vmem_shared>>
      tpu.enqueue_dma source(%arg6 : memref<80x16xf32, #tpu.memory_space<vmem>>) target(%dma_start3A_70 : memref<80x16xf32, #tpu.memory_space<vmem_shared>>) target_semaphore(%run_scoped3A_66 : memref<!tpu.dma_semaphore, #tpu.memory_space<semaphore_mem>>)
      %dma_wait3A_71 = arith.constant 0 : i32
      %dma_wait3A_72 = tpu.memref_slice %arg8[%add3A_32, %dma_wait3A_71] : memref<10240x16xf32, #tpu.memory_space<vmem_shared>> -> memref<80x16xf32, #tpu.memory_space<vmem_shared>>
      %dma_wait3A_73 = arith.constant 0 : i32
      %dma_wait3A_74 = tpu.memref_slice %arg8[%add3A_32, %dma_wait3A_73] : memref<10240x16xf32, #tpu.memory_space<vmem_shared>> -> memref<80x16xf32, #tpu.memory_space<vmem_shared>>
      tpu.wait_dma2 semaphore(%run_scoped3A_66 : memref<!tpu.dma_semaphore, #tpu.memory_space<semaphore_mem>>) src(%arg6 : memref<80x16xf32, #tpu.memory_space<vmem>>) dst(%dma_wait3A_74 : memref<80x16xf32, #tpu.memory_space<vmem_shared>>)
      tpu.yield
    }) : () -> ()
    %mul3A_33 = arith.constant 640 : i32
    %mul3A_34 = arith.muli %arg1, %mul3A_33 : i32
    %add3A_35 = arith.constant 480 : i32
    %add3A_36 = arith.addi %mul3A_34, %add3A_35 : i32
    "tpu.region"() ({
      %run_scoped3A_66 = tpu.sem_alloc : memref<!tpu.dma_semaphore, #tpu.memory_space<semaphore_mem>>
      %dma_start3A_67 = arith.constant 0 : i32
      %dma_start3A_68 = tpu.memref_slice %arg8[%add3A_36, %dma_start3A_67] : memref<10240x16xf32, #tpu.memory_space<vmem_shared>> -> memref<80x16xf32, #tpu.memory_space<vmem_shared>>
      %dma_start3A_69 = arith.constant 0 : i32
      %dma_start3A_70 = tpu.memref_slice %arg8[%add3A_36, %dma_start3A_69] : memref<10240x16xf32, #tpu.memory_space<vmem_shared>> -> memref<80x16xf32, #tpu.memory_space<vmem_shared>>
      tpu.enqueue_dma source(%arg6 : memref<80x16xf32, #tpu.memory_space<vmem>>) target(%dma_start3A_70 : memref<80x16xf32, #tpu.memory_space<vmem_shared>>) target_semaphore(%run_scoped3A_66 : memref<!tpu.dma_semaphore, #tpu.memory_space<semaphore_mem>>)
      %dma_wait3A_71 = arith.constant 0 : i32
      %dma_wait3A_72 = tpu.memref_slice %arg8[%add3A_36, %dma_wait3A_71] : memref<10240x16xf32, #tpu.memory_space<vmem_shared>> -> memref<80x16xf32, #tpu.memory_space<vmem_shared>>
      %dma_wait3A_73 = arith.constant 0 : i32
      %dma_wait3A_74 = tpu.memref_slice %arg8[%add3A_36, %dma_wait3A_73] : memref<10240x16xf32, #tpu.memory_space<vmem_shared>> -> memref<80x16xf32, #tpu.memory_space<vmem_shared>>
      tpu.wait_dma2 semaphore(%run_scoped3A_66 : memref<!tpu.dma_semaphore, #tpu.memory_space<semaphore_mem>>) src(%arg6 : memref<80x16xf32, #tpu.memory_space<vmem>>) dst(%dma_wait3A_74 : memref<80x16xf32, #tpu.memory_space<vmem_shared>>)
      tpu.yield
    }) : () -> ()
    %mul3A_37 = arith.constant 640 : i32
    %mul3A_38 = arith.muli %arg1, %mul3A_37 : i32
    %add3A_39 = arith.constant 560 : i32
    %add3A_40 = arith.addi %mul3A_38, %add3A_39 : i32
    "tpu.region"() ({
      %run_scoped3A_66 = tpu.sem_alloc : memref<!tpu.dma_semaphore, #tpu.memory_space<semaphore_mem>>
      %dma_start3A_67 = arith.constant 0 : i32
      %dma_start3A_68 = tpu.memref_slice %arg8[%add3A_40, %dma_start3A_67] : memref<10240x16xf32, #tpu.memory_space<vmem_shared>> -> memref<80x16xf32, #tpu.memory_space<vmem_shared>>
      %dma_start3A_69 = arith.constant 0 : i32
      %dma_start3A_70 = tpu.memref_slice %arg8[%add3A_40, %dma_start3A_69] : memref<10240x16xf32, #tpu.memory_space<vmem_shared>> -> memref<80x16xf32, #tpu.memory_space<vmem_shared>>
      tpu.enqueue_dma source(%arg6 : memref<80x16xf32, #tpu.memory_space<vmem>>) target(%dma_start3A_70 : memref<80x16xf32, #tpu.memory_space<vmem_shared>>) target_semaphore(%run_scoped3A_66 : memref<!tpu.dma_semaphore, #tpu.memory_space<semaphore_mem>>)
      %dma_wait3A_71 = arith.constant 0 : i32
      %dma_wait3A_72 = tpu.memref_slice %arg8[%add3A_40, %dma_wait3A_71] : memref<10240x16xf32, #tpu.memory_space<vmem_shared>> -> memref<80x16xf32, #tpu.memory_space<vmem_shared>>
      %dma_wait3A_73 = arith.constant 0 : i32
      %dma_wait3A_74 = tpu.memref_slice %arg8[%add3A_40, %dma_wait3A_73] : memref<10240x16xf32, #tpu.memory_space<vmem_shared>> -> memref<80x16xf32, #tpu.memory_space<vmem_shared>>
      tpu.wait_dma2 semaphore(%run_scoped3A_66 : memref<!tpu.dma_semaphore, #tpu.memory_space<semaphore_mem>>) src(%arg6 : memref<80x16xf32, #tpu.memory_space<vmem>>) dst(%dma_wait3A_74 : memref<80x16xf32, #tpu.memory_space<vmem_shared>>)
      tpu.yield
    }) : () -> ()
    %dma_start3A = arith.constant 0 : i32
    %dma_start3A_41 = tpu.memref_slice %arg2[%mul3A_2, %dma_start3A] : memref<320000x16xf32, #tpu.memory_space<hbm>> -> memref<80x16xf32, #tpu.memory_space<hbm>>
    %dma_start3A_42 = arith.constant 0 : i32
    %dma_start3A_43 = tpu.memref_slice %arg2[%mul3A_2, %dma_start3A_42] : memref<320000x16xf32, #tpu.memory_space<hbm>> -> memref<80x16xf32, #tpu.memory_space<hbm>>
    tpu.enqueue_dma source(%dma_start3A_43 : memref<80x16xf32, #tpu.memory_space<hbm>>) target(%arg6 : memref<80x16xf32, #tpu.memory_space<vmem>>) target_semaphore(%arg9 : memref<!tpu.dma_semaphore, #tpu.memory_space<semaphore_mem>>)
    %add3A_44 = arith.constant 80 : i32
    %add3A_45 = arith.addi %mul3A_2, %add3A_44 : i32
    %dma_start3A_46 = arith.constant 0 : i32
    %dma_start3A_47 = tpu.memref_slice %arg2[%add3A_45, %dma_start3A_46] : memref<320000x16xf32, #tpu.memory_space<hbm>> -> memref<80x16xf32, #tpu.memory_space<hbm>>
    %dma_start3A_48 = arith.constant 0 : i32
    %dma_start3A_49 = tpu.memref_slice %arg2[%add3A_45, %dma_start3A_48] : memref<320000x16xf32, #tpu.memory_space<hbm>> -> memref<80x16xf32, #tpu.memory_space<hbm>>
    tpu.enqueue_dma source(%dma_start3A_49 : memref<80x16xf32, #tpu.memory_space<hbm>>) target(%arg7 : memref<80x16xf32, #tpu.memory_space<vmem>>) target_semaphore(%arg10 : memref<!tpu.dma_semaphore, #tpu.memory_space<semaphore_mem>>)
    %barrier3A = arith.constant 0 : index
    tpu.barrier barrier_id(%barrier3A)
    %scan3A_50 = arith.constant 0 : i32
    %scan3A_51 = arith.constant 0 : i32
    %scan3A_52 = arith.constant 62 : i32
    %scan3A_53 = arith.addi %scan3A_51, %scan3A_52 : i32
    %scan3A_54 = arith.constant 1 : i32
    scf.for %scan3A_66 = %scan3A_51 to %scan3A_53 step %scan3A_54  : i32 {
      %mul3A_67 = arith.constant 2 : i32
      %mul3A_68 = arith.muli %scan3A_66, %mul3A_67 : i32
      %add3A_69 = arith.constant 0 : i32
      %add3A_70 = arith.addi %mul3A_68, %add3A_69 : i32
      %dma_wait3A_71 = arith.constant 0 : i32
      %dma_wait3A_72 = arith.constant 0 : i32
      %dma_wait3A_73 = tpu.memref_slice %arg2[%dma_wait3A_71, %dma_wait3A_72] : memref<320000x16xf32, #tpu.memory_space<hbm>> -> memref<80x16xf32, #tpu.memory_space<hbm>>
      %dma_wait3A_74 = arith.constant 0 : i32
      %dma_wait3A_75 = arith.constant 0 : i32
      %dma_wait3A_76 = tpu.memref_slice %arg2[%dma_wait3A_74, %dma_wait3A_75] : memref<320000x16xf32, #tpu.memory_space<hbm>> -> memref<80x16xf32, #tpu.memory_space<hbm>>
      tpu.wait_dma2 semaphore(%arg9 : memref<!tpu.dma_semaphore, #tpu.memory_space<semaphore_mem>>) src(%dma_wait3A_76 : memref<80x16xf32, #tpu.memory_space<hbm>>) dst(%arg6 : memref<80x16xf32, #tpu.memory_space<vmem>>)
      "tpu.region"() ({
        %run_scoped3A_98 = tpu.sem_alloc : memref<!tpu.dma_semaphore, #tpu.memory_space<semaphore_mem>>
        %dma_start3A_99 = arith.constant 0 : i32
        %dma_start3A_100 = tpu.memref_slice %arg5[%add3A_70, %dma_start3A_99] : memref<125x80xi32, #tpu.memory_space<vmem>> -> memref<1x80xi32, #tpu.memory_space<vmem>>
        %dma_start3A_101 = tpu.memref_squeeze %dma_start3A_100 : memref<1x80xi32, #tpu.memory_space<vmem>> -> memref<80xi32, #tpu.memory_space<vmem>>
        %dma_start3A_102 = arith.constant 0 : i32
        %dma_start3A_103 = arith.constant 0 : i32
        %dma_start3A_104 = tpu.memref_slice %arg8[%dma_start3A_102, %dma_start3A_103] : memref<10240x16xf32, #tpu.memory_space<vmem_shared>> -> memref<10240x16xf32, #tpu.memory_space<vmem_shared>>
        tpu.enqueue_indirect_dma source(%arg6 : memref<80x16xf32, #tpu.memory_space<vmem>>) target(%dma_start3A_104 : memref<10240x16xf32, #tpu.memory_space<vmem_shared>>) offsets(%dma_start3A_101 : memref<80xi32, #tpu.memory_space<vmem>>) semaphore(%run_scoped3A_98 : memref<!tpu.dma_semaphore, #tpu.memory_space<semaphore_mem>>) {add = true}
        %dma_wait3A_105 = arith.constant 0 : i32
        %dma_wait3A_106 = tpu.memref_slice %arg5[%add3A_70, %dma_wait3A_105] : memref<125x80xi32, #tpu.memory_space<vmem>> -> memref<1x80xi32, #tpu.memory_space<vmem>>
        %dma_wait3A_107 = tpu.memref_squeeze %dma_wait3A_106 : memref<1x80xi32, #tpu.memory_space<vmem>> -> memref<80xi32, #tpu.memory_space<vmem>>
        %dma_wait3A_108 = arith.constant 0 : i32
        %dma_wait3A_109 = arith.constant 0 : i32
        %dma_wait3A_110 = tpu.memref_slice %arg8[%dma_wait3A_108, %dma_wait3A_109] : memref<10240x16xf32, #tpu.memory_space<vmem_shared>> -> memref<10240x16xf32, #tpu.memory_space<vmem_shared>>
        tpu.wait_indirect_dma semaphore(%run_scoped3A_98 : memref<!tpu.dma_semaphore, #tpu.memory_space<semaphore_mem>>) src(%arg6 : memref<80x16xf32, #tpu.memory_space<vmem>>) dst(%dma_wait3A_110 : memref<10240x16xf32, #tpu.memory_space<vmem_shared>>)
        tpu.yield
      }) : () -> ()
      %add3A_77 = arith.constant 2 : i32
      %add3A_78 = arith.addi %add3A_70, %add3A_77 : i32
      %lt3A = arith.constant 125 : i32
      %lt3A_79 = arith.cmpi slt, %add3A_78, %lt3A : i32
      %convert_element_type3A = arith.extui %lt3A_79 : i1 to i32
      %cond3A = arith.constant 0 : i32
      %cond3A_80 = arith.cmpi ne, %convert_element_type3A, %cond3A : i32
      scf.if %cond3A_80 {
        %add3A_98 = arith.constant 2 : i32
        %add3A_99 = arith.addi %add3A_70, %add3A_98 : i32
        %mul3A_100 = arith.constant 80 : i32
        %mul3A_101 = arith.muli %add3A_99, %mul3A_100 : i32
        %add3A_102 = arith.addi %mul3A_2, %mul3A_101 : i32
        %dma_start3A_103 = arith.constant 0 : i32
        %dma_start3A_104 = tpu.memref_slice %arg2[%add3A_102, %dma_start3A_103] : memref<320000x16xf32, #tpu.memory_space<hbm>> -> memref<80x16xf32, #tpu.memory_space<hbm>>
        %dma_start3A_105 = arith.constant 0 : i32
        %dma_start3A_106 = tpu.memref_slice %arg2[%add3A_102, %dma_start3A_105] : memref<320000x16xf32, #tpu.memory_space<hbm>> -> memref<80x16xf32, #tpu.memory_space<hbm>>
        tpu.enqueue_dma source(%dma_start3A_106 : memref<80x16xf32, #tpu.memory_space<hbm>>) target(%arg6 : memref<80x16xf32, #tpu.memory_space<vmem>>) target_semaphore(%arg9 : memref<!tpu.dma_semaphore, #tpu.memory_space<semaphore_mem>>)
      } else {
      }
      %mul3A_81 = arith.constant 2 : i32
      %mul3A_82 = arith.muli %scan3A_66, %mul3A_81 : i32
      %add3A_83 = arith.constant 1 : i32
      %add3A_84 = arith.addi %mul3A_82, %add3A_83 : i32
      %dma_wait3A_85 = arith.constant 0 : i32
      %dma_wait3A_86 = arith.constant 0 : i32
      %dma_wait3A_87 = tpu.memref_slice %arg2[%dma_wait3A_85, %dma_wait3A_86] : memref<320000x16xf32, #tpu.memory_space<hbm>> -> memref<80x16xf32, #tpu.memory_space<hbm>>
      %dma_wait3A_88 = arith.constant 0 : i32
      %dma_wait3A_89 = arith.constant 0 : i32
      %dma_wait3A_90 = tpu.memref_slice %arg2[%dma_wait3A_88, %dma_wait3A_89] : memref<320000x16xf32, #tpu.memory_space<hbm>> -> memref<80x16xf32, #tpu.memory_space<hbm>>
      tpu.wait_dma2 semaphore(%arg10 : memref<!tpu.dma_semaphore, #tpu.memory_space<semaphore_mem>>) src(%dma_wait3A_90 : memref<80x16xf32, #tpu.memory_space<hbm>>) dst(%arg7 : memref<80x16xf32, #tpu.memory_space<vmem>>)
      "tpu.region"() ({
        %run_scoped3A_98 = tpu.sem_alloc : memref<!tpu.dma_semaphore, #tpu.memory_space<semaphore_mem>>
        %dma_start3A_99 = arith.constant 0 : i32
        %dma_start3A_100 = tpu.memref_slice %arg5[%add3A_84, %dma_start3A_99] : memref<125x80xi32, #tpu.memory_space<vmem>> -> memref<1x80xi32, #tpu.memory_space<vmem>>
        %dma_start3A_101 = tpu.memref_squeeze %dma_start3A_100 : memref<1x80xi32, #tpu.memory_space<vmem>> -> memref<80xi32, #tpu.memory_space<vmem>>
        %dma_start3A_102 = arith.constant 0 : i32
        %dma_start3A_103 = arith.constant 0 : i32
        %dma_start3A_104 = tpu.memref_slice %arg8[%dma_start3A_102, %dma_start3A_103] : memref<10240x16xf32, #tpu.memory_space<vmem_shared>> -> memref<10240x16xf32, #tpu.memory_space<vmem_shared>>
        tpu.enqueue_indirect_dma source(%arg7 : memref<80x16xf32, #tpu.memory_space<vmem>>) target(%dma_start3A_104 : memref<10240x16xf32, #tpu.memory_space<vmem_shared>>) offsets(%dma_start3A_101 : memref<80xi32, #tpu.memory_space<vmem>>) semaphore(%run_scoped3A_98 : memref<!tpu.dma_semaphore, #tpu.memory_space<semaphore_mem>>) {add = true}
        %dma_wait3A_105 = arith.constant 0 : i32
        %dma_wait3A_106 = tpu.memref_slice %arg5[%add3A_84, %dma_wait3A_105] : memref<125x80xi32, #tpu.memory_space<vmem>> -> memref<1x80xi32, #tpu.memory_space<vmem>>
        %dma_wait3A_107 = tpu.memref_squeeze %dma_wait3A_106 : memref<1x80xi32, #tpu.memory_space<vmem>> -> memref<80xi32, #tpu.memory_space<vmem>>
        %dma_wait3A_108 = arith.constant 0 : i32
        %dma_wait3A_109 = arith.constant 0 : i32
        %dma_wait3A_110 = tpu.memref_slice %arg8[%dma_wait3A_108, %dma_wait3A_109] : memref<10240x16xf32, #tpu.memory_space<vmem_shared>> -> memref<10240x16xf32, #tpu.memory_space<vmem_shared>>
        tpu.wait_indirect_dma semaphore(%run_scoped3A_98 : memref<!tpu.dma_semaphore, #tpu.memory_space<semaphore_mem>>) src(%arg7 : memref<80x16xf32, #tpu.memory_space<vmem>>) dst(%dma_wait3A_110 : memref<10240x16xf32, #tpu.memory_space<vmem_shared>>)
        tpu.yield
      }) : () -> ()
      %add3A_91 = arith.constant 2 : i32
      %add3A_92 = arith.addi %add3A_84, %add3A_91 : i32
      %lt3A_93 = arith.constant 125 : i32
      %lt3A_94 = arith.cmpi slt, %add3A_92, %lt3A_93 : i32
      %convert_element_type3A_95 = arith.extui %lt3A_94 : i1 to i32
      %cond3A_96 = arith.constant 0 : i32
      %cond3A_97 = arith.cmpi ne, %convert_element_type3A_95, %cond3A_96 : i32
      scf.if %cond3A_97 {
        %add3A_98 = arith.constant 2 : i32
        %add3A_99 = arith.addi %add3A_84, %add3A_98 : i32
        %mul3A_100 = arith.constant 80 : i32
        %mul3A_101 = arith.muli %add3A_99, %mul3A_100 : i32
        %add3A_102 = arith.addi %mul3A_2, %mul3A_101 : i32
        %dma_start3A_103 = arith.constant 0 : i32
        %dma_start3A_104 = tpu.memref_slice %arg2[%add3A_102, %dma_start3A_103] : memref<320000x16xf32, #tpu.memory_space<hbm>> -> memref<80x16xf32, #tpu.memory_space<hbm>>
        %dma_start3A_105 = arith.constant 0 : i32
        %dma_start3A_106 = tpu.memref_slice %arg2[%add3A_102, %dma_start3A_105] : memref<320000x16xf32, #tpu.memory_space<hbm>> -> memref<80x16xf32, #tpu.memory_space<hbm>>
        tpu.enqueue_dma source(%dma_start3A_106 : memref<80x16xf32, #tpu.memory_space<hbm>>) target(%arg7 : memref<80x16xf32, #tpu.memory_space<vmem>>) target_semaphore(%arg10 : memref<!tpu.dma_semaphore, #tpu.memory_space<semaphore_mem>>)
      } else {
      }
    }
    %scan3A_55 = arith.constant 62 : i32
    %dma_wait3A = arith.constant 0 : i32
    %dma_wait3A_56 = arith.constant 0 : i32
    %dma_wait3A_57 = tpu.memref_slice %arg2[%dma_wait3A, %dma_wait3A_56] : memref<320000x16xf32, #tpu.memory_space<hbm>> -> memref<80x16xf32, #tpu.memory_space<hbm>>
    %dma_wait3A_58 = arith.constant 0 : i32
    %dma_wait3A_59 = arith.constant 0 : i32
    %dma_wait3A_60 = tpu.memref_slice %arg2[%dma_wait3A_58, %dma_wait3A_59] : memref<320000x16xf32, #tpu.memory_space<hbm>> -> memref<80x16xf32, #tpu.memory_space<hbm>>
    tpu.wait_dma2 semaphore(%arg9 : memref<!tpu.dma_semaphore, #tpu.memory_space<semaphore_mem>>) src(%dma_wait3A_60 : memref<80x16xf32, #tpu.memory_space<hbm>>) dst(%arg6 : memref<80x16xf32, #tpu.memory_space<vmem>>)
    %run_scoped3A = arith.constant 124 : i32
    "tpu.region"() ({
      %run_scoped3A_66 = tpu.sem_alloc : memref<!tpu.dma_semaphore, #tpu.memory_space<semaphore_mem>>
      %dma_start3A_67 = arith.constant 0 : i32
      %dma_start3A_68 = tpu.memref_slice %arg5[%run_scoped3A, %dma_start3A_67] : memref<125x80xi32, #tpu.memory_space<vmem>> -> memref<1x80xi32, #tpu.memory_space<vmem>>
      %dma_start3A_69 = tpu.memref_squeeze %dma_start3A_68 : memref<1x80xi32, #tpu.memory_space<vmem>> -> memref<80xi32, #tpu.memory_space<vmem>>
      %dma_start3A_70 = arith.constant 0 : i32
      %dma_start3A_71 = arith.constant 0 : i32
      %dma_start3A_72 = tpu.memref_slice %arg8[%dma_start3A_70, %dma_start3A_71] : memref<10240x16xf32, #tpu.memory_space<vmem_shared>> -> memref<10240x16xf32, #tpu.memory_space<vmem_shared>>
      tpu.enqueue_indirect_dma source(%arg6 : memref<80x16xf32, #tpu.memory_space<vmem>>) target(%dma_start3A_72 : memref<10240x16xf32, #tpu.memory_space<vmem_shared>>) offsets(%dma_start3A_69 : memref<80xi32, #tpu.memory_space<vmem>>) semaphore(%run_scoped3A_66 : memref<!tpu.dma_semaphore, #tpu.memory_space<semaphore_mem>>) {add = true}
      %dma_wait3A_73 = arith.constant 0 : i32
      %dma_wait3A_74 = tpu.memref_slice %arg5[%run_scoped3A, %dma_wait3A_73] : memref<125x80xi32, #tpu.memory_space<vmem>> -> memref<1x80xi32, #tpu.memory_space<vmem>>
      %dma_wait3A_75 = tpu.memref_squeeze %dma_wait3A_74 : memref<1x80xi32, #tpu.memory_space<vmem>> -> memref<80xi32, #tpu.memory_space<vmem>>
      %dma_wait3A_76 = arith.constant 0 : i32
      %dma_wait3A_77 = arith.constant 0 : i32
      %dma_wait3A_78 = tpu.memref_slice %arg8[%dma_wait3A_76, %dma_wait3A_77] : memref<10240x16xf32, #tpu.memory_space<vmem_shared>> -> memref<10240x16xf32, #tpu.memory_space<vmem_shared>>
      tpu.wait_indirect_dma semaphore(%run_scoped3A_66 : memref<!tpu.dma_semaphore, #tpu.memory_space<semaphore_mem>>) src(%arg6 : memref<80x16xf32, #tpu.memory_space<vmem>>) dst(%dma_wait3A_78 : memref<10240x16xf32, #tpu.memory_space<vmem_shared>>)
      tpu.yield
    }) : () -> ()
    %barrier3A_61 = arith.constant 0 : index
    tpu.barrier barrier_id(%barrier3A_61)
    %mul3A_62 = arith.constant 640 : i32
    %mul3A_63 = arith.muli %arg1, %mul3A_62 : i32
    %mul3A_64 = arith.constant 640 : i32
    %mul3A_65 = arith.muli %arg1, %mul3A_64 : i32
    "tpu.region"() ({
      %run_scoped3A_66 = tpu.sem_alloc : memref<!tpu.dma_semaphore, #tpu.memory_space<semaphore_mem>>
      %dma_start3A_67 = arith.constant 0 : i32
      %dma_start3A_68 = tpu.memref_slice %arg4[%arg0, %mul3A_65, %dma_start3A_67] : memref<2x10240x16xf32, #tpu.memory_space<hbm>> -> memref<1x640x16xf32, #tpu.memory_space<hbm>>
      %dma_start3A_69 = tpu.memref_squeeze %dma_start3A_68 : memref<1x640x16xf32, #tpu.memory_space<hbm>> -> memref<640x16xf32, #tpu.memory_space<hbm>>
      %dma_start3A_70 = arith.constant 0 : i32
      %dma_start3A_71 = tpu.memref_slice %arg8[%mul3A_63, %dma_start3A_70] : memref<10240x16xf32, #tpu.memory_space<vmem_shared>> -> memref<640x16xf32, #tpu.memory_space<vmem_shared>>
      tpu.enqueue_dma source(%dma_start3A_71 : memref<640x16xf32, #tpu.memory_space<vmem_shared>>) target(%dma_start3A_69 : memref<640x16xf32, #tpu.memory_space<hbm>>) target_semaphore(%run_scoped3A_66 : memref<!tpu.dma_semaphore, #tpu.memory_space<semaphore_mem>>)
      %dma_wait3A_72 = arith.constant 0 : i32
      %dma_wait3A_73 = tpu.memref_slice %arg4[%arg0, %mul3A_65, %dma_wait3A_72] : memref<2x10240x16xf32, #tpu.memory_space<hbm>> -> memref<1x640x16xf32, #tpu.memory_space<hbm>>
      %dma_wait3A_74 = tpu.memref_squeeze %dma_wait3A_73 : memref<1x640x16xf32, #tpu.memory_space<hbm>> -> memref<640x16xf32, #tpu.memory_space<hbm>>
      %dma_wait3A_75 = arith.constant 0 : i32
      %dma_wait3A_76 = tpu.memref_slice %arg8[%mul3A_63, %dma_wait3A_75] : memref<10240x16xf32, #tpu.memory_space<vmem_shared>> -> memref<640x16xf32, #tpu.memory_space<vmem_shared>>
      tpu.wait_dma2 semaphore(%run_scoped3A_66 : memref<!tpu.dma_semaphore, #tpu.memory_space<semaphore_mem>>) src(%dma_wait3A_76 : memref<640x16xf32, #tpu.memory_space<vmem_shared>>) dst(%dma_wait3A_74 : memref<640x16xf32, #tpu.memory_space<hbm>>)
      tpu.yield
    }) : () -> ()
    return
  }
}

#map = affine_map<(d0, d1) -> (0, 0)>
#map1 = affine_map<(d0, d1) -> (0, 0, 0)>
module attributes {stable_mosaic.version = 14 : i64} {
  func.func @_segsum(%arg0: i32, %arg1: i32, %arg2: memref<10240x128xf32, #tpu.memory_space<hbm>>, %arg3: memref<32x10000xi32, #tpu.memory_space<hbm>>, %arg4: memref<32x125x80xi32, #tpu.memory_space<hbm>>, %arg5: memref<2x10240x128xf32, #tpu.memory_space<hbm>>, %arg6: memref<10000xi32, #tpu.memory_space<vmem>>, %arg7: memref<125x80xi32, #tpu.memory_space<vmem>>, %arg8: memref<80x128xf32, #tpu.memory_space<vmem>>, %arg9: memref<80x128xf32, #tpu.memory_space<vmem>>, %arg10: memref<10240x128xf32, #tpu.memory_space<vmem_shared>>, %arg11: memref<!tpu.dma_semaphore, #tpu.memory_space<semaphore_mem>>, %arg12: memref<!tpu.dma_semaphore, #tpu.memory_space<semaphore_mem>>) attributes {dimension_semantics = [#tpu.dimension_semantics<core_parallel>, #tpu.dimension_semantics<subcore_parallel>], iteration_bounds = array<i64: 2, 16>, scalar_prefetch = 0 : i64, scratch_operands = 7 : i64, tpu.core_type = #tpu.core_type<sc_vector_subcore>, window_params = [{transform_indices = #map}, {transform_indices = #map}, {transform_indices = #map1}, {transform_indices = #map1}]} {
    %mul3A = arith.constant 16 : i32
    %mul3A_0 = arith.muli %arg0, %mul3A : i32
    %add3A = arith.addi %mul3A_0, %arg1 : i32
    "tpu.region"() ({
      %run_scoped3A_63 = tpu.sem_alloc : memref<!tpu.dma_semaphore, #tpu.memory_space<semaphore_mem>>
      %dma_start3A_64 = arith.constant 0 : i32
      %dma_start3A_65 = tpu.memref_slice %arg3[%add3A, %dma_start3A_64] : memref<32x10000xi32, #tpu.memory_space<hbm>> -> memref<1x10000xi32, #tpu.memory_space<hbm>>
      %dma_start3A_66 = tpu.memref_squeeze %dma_start3A_65 : memref<1x10000xi32, #tpu.memory_space<hbm>> -> memref<10000xi32, #tpu.memory_space<hbm>>
      %dma_start3A_67 = arith.constant 0 : i32
      %dma_start3A_68 = tpu.memref_slice %arg3[%add3A, %dma_start3A_67] : memref<32x10000xi32, #tpu.memory_space<hbm>> -> memref<1x10000xi32, #tpu.memory_space<hbm>>
      %dma_start3A_69 = tpu.memref_squeeze %dma_start3A_68 : memref<1x10000xi32, #tpu.memory_space<hbm>> -> memref<10000xi32, #tpu.memory_space<hbm>>
      tpu.enqueue_dma source(%dma_start3A_69 : memref<10000xi32, #tpu.memory_space<hbm>>) target(%arg6 : memref<10000xi32, #tpu.memory_space<vmem>>) target_semaphore(%run_scoped3A_63 : memref<!tpu.dma_semaphore, #tpu.memory_space<semaphore_mem>>)
      %dma_wait3A_70 = arith.constant 0 : i32
      %dma_wait3A_71 = tpu.memref_slice %arg3[%add3A, %dma_wait3A_70] : memref<32x10000xi32, #tpu.memory_space<hbm>> -> memref<1x10000xi32, #tpu.memory_space<hbm>>
      %dma_wait3A_72 = tpu.memref_squeeze %dma_wait3A_71 : memref<1x10000xi32, #tpu.memory_space<hbm>> -> memref<10000xi32, #tpu.memory_space<hbm>>
      %dma_wait3A_73 = arith.constant 0 : i32
      %dma_wait3A_74 = tpu.memref_slice %arg3[%add3A, %dma_wait3A_73] : memref<32x10000xi32, #tpu.memory_space<hbm>> -> memref<1x10000xi32, #tpu.memory_space<hbm>>
      %dma_wait3A_75 = tpu.memref_squeeze %dma_wait3A_74 : memref<1x10000xi32, #tpu.memory_space<hbm>> -> memref<10000xi32, #tpu.memory_space<hbm>>
      tpu.wait_dma2 semaphore(%run_scoped3A_63 : memref<!tpu.dma_semaphore, #tpu.memory_space<semaphore_mem>>) src(%dma_wait3A_75 : memref<10000xi32, #tpu.memory_space<hbm>>) dst(%arg6 : memref<10000xi32, #tpu.memory_space<vmem>>)
      tpu.yield
    }) : () -> ()
    "tpu.region"() ({
      %run_scoped3A_63 = tpu.sem_alloc : memref<!tpu.dma_semaphore, #tpu.memory_space<semaphore_mem>>
      %dma_start3A_64 = arith.constant 0 : i32
      %dma_start3A_65 = arith.constant 0 : i32
      %dma_start3A_66 = tpu.memref_slice %arg4[%add3A, %dma_start3A_64, %dma_start3A_65] : memref<32x125x80xi32, #tpu.memory_space<hbm>> -> memref<1x125x80xi32, #tpu.memory_space<hbm>>
      %dma_start3A_67 = tpu.memref_squeeze %dma_start3A_66 : memref<1x125x80xi32, #tpu.memory_space<hbm>> -> memref<125x80xi32, #tpu.memory_space<hbm>>
      %dma_start3A_68 = arith.constant 0 : i32
      %dma_start3A_69 = arith.constant 0 : i32
      %dma_start3A_70 = tpu.memref_slice %arg4[%add3A, %dma_start3A_68, %dma_start3A_69] : memref<32x125x80xi32, #tpu.memory_space<hbm>> -> memref<1x125x80xi32, #tpu.memory_space<hbm>>
      %dma_start3A_71 = tpu.memref_squeeze %dma_start3A_70 : memref<1x125x80xi32, #tpu.memory_space<hbm>> -> memref<125x80xi32, #tpu.memory_space<hbm>>
      tpu.enqueue_dma source(%dma_start3A_71 : memref<125x80xi32, #tpu.memory_space<hbm>>) target(%arg7 : memref<125x80xi32, #tpu.memory_space<vmem>>) target_semaphore(%run_scoped3A_63 : memref<!tpu.dma_semaphore, #tpu.memory_space<semaphore_mem>>)
      %dma_wait3A_72 = arith.constant 0 : i32
      %dma_wait3A_73 = arith.constant 0 : i32
      %dma_wait3A_74 = tpu.memref_slice %arg4[%add3A, %dma_wait3A_72, %dma_wait3A_73] : memref<32x125x80xi32, #tpu.memory_space<hbm>> -> memref<1x125x80xi32, #tpu.memory_space<hbm>>
      %dma_wait3A_75 = tpu.memref_squeeze %dma_wait3A_74 : memref<1x125x80xi32, #tpu.memory_space<hbm>> -> memref<125x80xi32, #tpu.memory_space<hbm>>
      %dma_wait3A_76 = arith.constant 0 : i32
      %dma_wait3A_77 = arith.constant 0 : i32
      %dma_wait3A_78 = tpu.memref_slice %arg4[%add3A, %dma_wait3A_76, %dma_wait3A_77] : memref<32x125x80xi32, #tpu.memory_space<hbm>> -> memref<1x125x80xi32, #tpu.memory_space<hbm>>
      %dma_wait3A_79 = tpu.memref_squeeze %dma_wait3A_78 : memref<1x125x80xi32, #tpu.memory_space<hbm>> -> memref<125x80xi32, #tpu.memory_space<hbm>>
      tpu.wait_dma2 semaphore(%run_scoped3A_63 : memref<!tpu.dma_semaphore, #tpu.memory_space<semaphore_mem>>) src(%dma_wait3A_79 : memref<125x80xi32, #tpu.memory_space<hbm>>) dst(%arg7 : memref<125x80xi32, #tpu.memory_space<vmem>>)
      tpu.yield
    }) : () -> ()
    %broadcast_in_dim3A = arith.constant 0.000000e+00 : f32
    %broadcast_in_dim3A_1 = vector.broadcast %broadcast_in_dim3A : f32 to vector<16xf32>
    %scan3A = arith.constant 0 : i32
    %scan3A_2 = arith.constant 0 : i32
    %scan3A_3 = arith.constant 80 : i32
    %scan3A_4 = arith.addi %scan3A_2, %scan3A_3 : i32
    %scan3A_5 = arith.constant 1 : i32
    scf.for %scan3A_63 = %scan3A_2 to %scan3A_4 step %scan3A_5  : i32 {
      %swap3A = arith.index_cast %scan3A_63 : i32 to index
      %swap3A_64 = arith.constant 0 : index
      %swap3A_65 = tpu.vector_load %arg8[%swap3A, %swap3A_64] {strides = array<i32>} : memref<80x128xf32, #tpu.memory_space<vmem>>, vector<1x16xf32>,
      %swap3A_66 = vector.shape_cast %swap3A_65 : vector<1x16xf32> to vector<16xf32>
      %swap3A_67 = vector.shape_cast %broadcast_in_dim3A_1 : vector<16xf32> to vector<1x16xf32>
      tpu.vector_store %arg8[%swap3A, %swap3A_64], %swap3A_67 {strides = array<i32>} : memref<80x128xf32, #tpu.memory_space<vmem>>, vector<1x16xf32>,
      %swap3A_68 = arith.index_cast %scan3A_63 : i32 to index
      %swap3A_69 = arith.constant 16 : index
      %swap3A_70 = tpu.vector_load %arg8[%swap3A_68, %swap3A_69] {strides = array<i32>} : memref<80x128xf32, #tpu.memory_space<vmem>>, vector<1x16xf32>,
      %swap3A_71 = vector.shape_cast %swap3A_70 : vector<1x16xf32> to vector<16xf32>
      %swap3A_72 = vector.shape_cast %broadcast_in_dim3A_1 : vector<16xf32> to vector<1x16xf32>
      tpu.vector_store %arg8[%swap3A_68, %swap3A_69], %swap3A_72 {strides = array<i32>} : memref<80x128xf32, #tpu.memory_space<vmem>>, vector<1x16xf32>,
      %swap3A_73 = arith.index_cast %scan3A_63 : i32 to index
      %swap3A_74 = arith.constant 32 : index
      %swap3A_75 = tpu.vector_load %arg8[%swap3A_73, %swap3A_74] {strides = array<i32>} : memref<80x128xf32, #tpu.memory_space<vmem>>, vector<1x16xf32>,
      %swap3A_76 = vector.shape_cast %swap3A_75 : vector<1x16xf32> to vector<16xf32>
      %swap3A_77 = vector.shape_cast %broadcast_in_dim3A_1 : vector<16xf32> to vector<1x16xf32>
      tpu.vector_store %arg8[%swap3A_73, %swap3A_74], %swap3A_77 {strides = array<i32>} : memref<80x128xf32, #tpu.memory_space<vmem>>, vector<1x16xf32>,
      %swap3A_78 = arith.index_cast %scan3A_63 : i32 to index
      %swap3A_79 = arith.constant 48 : index
      %swap3A_80 = tpu.vector_load %arg8[%swap3A_78, %swap3A_79] {strides = array<i32>} : memref<80x128xf32, #tpu.memory_space<vmem>>, vector<1x16xf32>,
      %swap3A_81 = vector.shape_cast %swap3A_80 : vector<1x16xf32> to vector<16xf32>
      %swap3A_82 = vector.shape_cast %broadcast_in_dim3A_1 : vector<16xf32> to vector<1x16xf32>
      tpu.vector_store %arg8[%swap3A_78, %swap3A_79], %swap3A_82 {strides = array<i32>} : memref<80x128xf32, #tpu.memory_space<vmem>>, vector<1x16xf32>,
      %swap3A_83 = arith.index_cast %scan3A_63 : i32 to index
      %swap3A_84 = arith.constant 64 : index
      %swap3A_85 = tpu.vector_load %arg8[%swap3A_83, %swap3A_84] {strides = array<i32>} : memref<80x128xf32, #tpu.memory_space<vmem>>, vector<1x16xf32>,
      %swap3A_86 = vector.shape_cast %swap3A_85 : vector<1x16xf32> to vector<16xf32>
      %swap3A_87 = vector.shape_cast %broadcast_in_dim3A_1 : vector<16xf32> to vector<1x16xf32>
      tpu.vector_store %arg8[%swap3A_83, %swap3A_84], %swap3A_87 {strides = array<i32>} : memref<80x128xf32, #tpu.memory_space<vmem>>, vector<1x16xf32>,
      %swap3A_88 = arith.index_cast %scan3A_63 : i32 to index
      %swap3A_89 = arith.constant 80 : index
      %swap3A_90 = tpu.vector_load %arg8[%swap3A_88, %swap3A_89] {strides = array<i32>} : memref<80x128xf32, #tpu.memory_space<vmem>>, vector<1x16xf32>,
      %swap3A_91 = vector.shape_cast %swap3A_90 : vector<1x16xf32> to vector<16xf32>
      %swap3A_92 = vector.shape_cast %broadcast_in_dim3A_1 : vector<16xf32> to vector<1x16xf32>
      tpu.vector_store %arg8[%swap3A_88, %swap3A_89], %swap3A_92 {strides = array<i32>} : memref<80x128xf32, #tpu.memory_space<vmem>>, vector<1x16xf32>,
      %swap3A_93 = arith.index_cast %scan3A_63 : i32 to index
      %swap3A_94 = arith.constant 96 : index
      %swap3A_95 = tpu.vector_load %arg8[%swap3A_93, %swap3A_94] {strides = array<i32>} : memref<80x128xf32, #tpu.memory_space<vmem>>, vector<1x16xf32>,
      %swap3A_96 = vector.shape_cast %swap3A_95 : vector<1x16xf32> to vector<16xf32>
      %swap3A_97 = vector.shape_cast %broadcast_in_dim3A_1 : vector<16xf32> to vector<1x16xf32>
      tpu.vector_store %arg8[%swap3A_93, %swap3A_94], %swap3A_97 {strides = array<i32>} : memref<80x128xf32, #tpu.memory_space<vmem>>, vector<1x16xf32>,
      %swap3A_98 = arith.index_cast %scan3A_63 : i32 to index
      %swap3A_99 = arith.constant 112 : index
      %swap3A_100 = tpu.vector_load %arg8[%swap3A_98, %swap3A_99] {strides = array<i32>} : memref<80x128xf32, #tpu.memory_space<vmem>>, vector<1x16xf32>,
      %swap3A_101 = vector.shape_cast %swap3A_100 : vector<1x16xf32> to vector<16xf32>
      %swap3A_102 = vector.shape_cast %broadcast_in_dim3A_1 : vector<16xf32> to vector<1x16xf32>
      tpu.vector_store %arg8[%swap3A_98, %swap3A_99], %swap3A_102 {strides = array<i32>} : memref<80x128xf32, #tpu.memory_space<vmem>>, vector<1x16xf32>,
    }
    %scan3A_6 = arith.constant 80 : i32
    %mul3A_7 = arith.constant 640 : i32
    %mul3A_8 = arith.muli %arg1, %mul3A_7 : i32
    %add3A_9 = arith.constant 0 : i32
    %add3A_10 = arith.addi %mul3A_8, %add3A_9 : i32
    "tpu.region"() ({
      %run_scoped3A_63 = tpu.sem_alloc : memref<!tpu.dma_semaphore, #tpu.memory_space<semaphore_mem>>
      %dma_start3A_64 = arith.constant 0 : i32
      %dma_start3A_65 = tpu.memref_slice %arg10[%add3A_10, %dma_start3A_64] : memref<10240x128xf32, #tpu.memory_space<vmem_shared>> -> memref<80x128xf32, #tpu.memory_space<vmem_shared>>
      %dma_start3A_66 = arith.constant 0 : i32
      %dma_start3A_67 = tpu.memref_slice %arg10[%add3A_10, %dma_start3A_66] : memref<10240x128xf32, #tpu.memory_space<vmem_shared>> -> memref<80x128xf32, #tpu.memory_space<vmem_shared>>
      tpu.enqueue_dma source(%arg8 : memref<80x128xf32, #tpu.memory_space<vmem>>) target(%dma_start3A_67 : memref<80x128xf32, #tpu.memory_space<vmem_shared>>) target_semaphore(%run_scoped3A_63 : memref<!tpu.dma_semaphore, #tpu.memory_space<semaphore_mem>>)
      %dma_wait3A_68 = arith.constant 0 : i32
      %dma_wait3A_69 = tpu.memref_slice %arg10[%add3A_10, %dma_wait3A_68] : memref<10240x128xf32, #tpu.memory_space<vmem_shared>> -> memref<80x128xf32, #tpu.memory_space<vmem_shared>>
      %dma_wait3A_70 = arith.constant 0 : i32
      %dma_wait3A_71 = tpu.memref_slice %arg10[%add3A_10, %dma_wait3A_70] : memref<10240x128xf32, #tpu.memory_space<vmem_shared>> -> memref<80x128xf32, #tpu.memory_space<vmem_shared>>
      tpu.wait_dma2 semaphore(%run_scoped3A_63 : memref<!tpu.dma_semaphore, #tpu.memory_space<semaphore_mem>>) src(%arg8 : memref<80x128xf32, #tpu.memory_space<vmem>>) dst(%dma_wait3A_71 : memref<80x128xf32, #tpu.memory_space<vmem_shared>>)
      tpu.yield
    }) : () -> ()
    %mul3A_11 = arith.constant 640 : i32
    %mul3A_12 = arith.muli %arg1, %mul3A_11 : i32
    %add3A_13 = arith.constant 80 : i32
    %add3A_14 = arith.addi %mul3A_12, %add3A_13 : i32
    "tpu.region"() ({
      %run_scoped3A_63 = tpu.sem_alloc : memref<!tpu.dma_semaphore, #tpu.memory_space<semaphore_mem>>
      %dma_start3A_64 = arith.constant 0 : i32
      %dma_start3A_65 = tpu.memref_slice %arg10[%add3A_14, %dma_start3A_64] : memref<10240x128xf32, #tpu.memory_space<vmem_shared>> -> memref<80x128xf32, #tpu.memory_space<vmem_shared>>
      %dma_start3A_66 = arith.constant 0 : i32
      %dma_start3A_67 = tpu.memref_slice %arg10[%add3A_14, %dma_start3A_66] : memref<10240x128xf32, #tpu.memory_space<vmem_shared>> -> memref<80x128xf32, #tpu.memory_space<vmem_shared>>
      tpu.enqueue_dma source(%arg8 : memref<80x128xf32, #tpu.memory_space<vmem>>) target(%dma_start3A_67 : memref<80x128xf32, #tpu.memory_space<vmem_shared>>) target_semaphore(%run_scoped3A_63 : memref<!tpu.dma_semaphore, #tpu.memory_space<semaphore_mem>>)
      %dma_wait3A_68 = arith.constant 0 : i32
      %dma_wait3A_69 = tpu.memref_slice %arg10[%add3A_14, %dma_wait3A_68] : memref<10240x128xf32, #tpu.memory_space<vmem_shared>> -> memref<80x128xf32, #tpu.memory_space<vmem_shared>>
      %dma_wait3A_70 = arith.constant 0 : i32
      %dma_wait3A_71 = tpu.memref_slice %arg10[%add3A_14, %dma_wait3A_70] : memref<10240x128xf32, #tpu.memory_space<vmem_shared>> -> memref<80x128xf32, #tpu.memory_space<vmem_shared>>
      tpu.wait_dma2 semaphore(%run_scoped3A_63 : memref<!tpu.dma_semaphore, #tpu.memory_space<semaphore_mem>>) src(%arg8 : memref<80x128xf32, #tpu.memory_space<vmem>>) dst(%dma_wait3A_71 : memref<80x128xf32, #tpu.memory_space<vmem_shared>>)
      tpu.yield
    }) : () -> ()
    %mul3A_15 = arith.constant 640 : i32
    %mul3A_16 = arith.muli %arg1, %mul3A_15 : i32
    %add3A_17 = arith.constant 160 : i32
    %add3A_18 = arith.addi %mul3A_16, %add3A_17 : i32
    "tpu.region"() ({
      %run_scoped3A_63 = tpu.sem_alloc : memref<!tpu.dma_semaphore, #tpu.memory_space<semaphore_mem>>
      %dma_start3A_64 = arith.constant 0 : i32
      %dma_start3A_65 = tpu.memref_slice %arg10[%add3A_18, %dma_start3A_64] : memref<10240x128xf32, #tpu.memory_space<vmem_shared>> -> memref<80x128xf32, #tpu.memory_space<vmem_shared>>
      %dma_start3A_66 = arith.constant 0 : i32
      %dma_start3A_67 = tpu.memref_slice %arg10[%add3A_18, %dma_start3A_66] : memref<10240x128xf32, #tpu.memory_space<vmem_shared>> -> memref<80x128xf32, #tpu.memory_space<vmem_shared>>
      tpu.enqueue_dma source(%arg8 : memref<80x128xf32, #tpu.memory_space<vmem>>) target(%dma_start3A_67 : memref<80x128xf32, #tpu.memory_space<vmem_shared>>) target_semaphore(%run_scoped3A_63 : memref<!tpu.dma_semaphore, #tpu.memory_space<semaphore_mem>>)
      %dma_wait3A_68 = arith.constant 0 : i32
      %dma_wait3A_69 = tpu.memref_slice %arg10[%add3A_18, %dma_wait3A_68] : memref<10240x128xf32, #tpu.memory_space<vmem_shared>> -> memref<80x128xf32, #tpu.memory_space<vmem_shared>>
      %dma_wait3A_70 = arith.constant 0 : i32
      %dma_wait3A_71 = tpu.memref_slice %arg10[%add3A_18, %dma_wait3A_70] : memref<10240x128xf32, #tpu.memory_space<vmem_shared>> -> memref<80x128xf32, #tpu.memory_space<vmem_shared>>
      tpu.wait_dma2 semaphore(%run_scoped3A_63 : memref<!tpu.dma_semaphore, #tpu.memory_space<semaphore_mem>>) src(%arg8 : memref<80x128xf32, #tpu.memory_space<vmem>>) dst(%dma_wait3A_71 : memref<80x128xf32, #tpu.memory_space<vmem_shared>>)
      tpu.yield
    }) : () -> ()
    %mul3A_19 = arith.constant 640 : i32
    %mul3A_20 = arith.muli %arg1, %mul3A_19 : i32
    %add3A_21 = arith.constant 240 : i32
    %add3A_22 = arith.addi %mul3A_20, %add3A_21 : i32
    "tpu.region"() ({
      %run_scoped3A_63 = tpu.sem_alloc : memref<!tpu.dma_semaphore, #tpu.memory_space<semaphore_mem>>
      %dma_start3A_64 = arith.constant 0 : i32
      %dma_start3A_65 = tpu.memref_slice %arg10[%add3A_22, %dma_start3A_64] : memref<10240x128xf32, #tpu.memory_space<vmem_shared>> -> memref<80x128xf32, #tpu.memory_space<vmem_shared>>
      %dma_start3A_66 = arith.constant 0 : i32
      %dma_start3A_67 = tpu.memref_slice %arg10[%add3A_22, %dma_start3A_66] : memref<10240x128xf32, #tpu.memory_space<vmem_shared>> -> memref<80x128xf32, #tpu.memory_space<vmem_shared>>
      tpu.enqueue_dma source(%arg8 : memref<80x128xf32, #tpu.memory_space<vmem>>) target(%dma_start3A_67 : memref<80x128xf32, #tpu.memory_space<vmem_shared>>) target_semaphore(%run_scoped3A_63 : memref<!tpu.dma_semaphore, #tpu.memory_space<semaphore_mem>>)
      %dma_wait3A_68 = arith.constant 0 : i32
      %dma_wait3A_69 = tpu.memref_slice %arg10[%add3A_22, %dma_wait3A_68] : memref<10240x128xf32, #tpu.memory_space<vmem_shared>> -> memref<80x128xf32, #tpu.memory_space<vmem_shared>>
      %dma_wait3A_70 = arith.constant 0 : i32
      %dma_wait3A_71 = tpu.memref_slice %arg10[%add3A_22, %dma_wait3A_70] : memref<10240x128xf32, #tpu.memory_space<vmem_shared>> -> memref<80x128xf32, #tpu.memory_space<vmem_shared>>
      tpu.wait_dma2 semaphore(%run_scoped3A_63 : memref<!tpu.dma_semaphore, #tpu.memory_space<semaphore_mem>>) src(%arg8 : memref<80x128xf32, #tpu.memory_space<vmem>>) dst(%dma_wait3A_71 : memref<80x128xf32, #tpu.memory_space<vmem_shared>>)
      tpu.yield
    }) : () -> ()
    %mul3A_23 = arith.constant 640 : i32
    %mul3A_24 = arith.muli %arg1, %mul3A_23 : i32
    %add3A_25 = arith.constant 320 : i32
    %add3A_26 = arith.addi %mul3A_24, %add3A_25 : i32
    "tpu.region"() ({
      %run_scoped3A_63 = tpu.sem_alloc : memref<!tpu.dma_semaphore, #tpu.memory_space<semaphore_mem>>
      %dma_start3A_64 = arith.constant 0 : i32
      %dma_start3A_65 = tpu.memref_slice %arg10[%add3A_26, %dma_start3A_64] : memref<10240x128xf32, #tpu.memory_space<vmem_shared>> -> memref<80x128xf32, #tpu.memory_space<vmem_shared>>
      %dma_start3A_66 = arith.constant 0 : i32
      %dma_start3A_67 = tpu.memref_slice %arg10[%add3A_26, %dma_start3A_66] : memref<10240x128xf32, #tpu.memory_space<vmem_shared>> -> memref<80x128xf32, #tpu.memory_space<vmem_shared>>
      tpu.enqueue_dma source(%arg8 : memref<80x128xf32, #tpu.memory_space<vmem>>) target(%dma_start3A_67 : memref<80x128xf32, #tpu.memory_space<vmem_shared>>) target_semaphore(%run_scoped3A_63 : memref<!tpu.dma_semaphore, #tpu.memory_space<semaphore_mem>>)
      %dma_wait3A_68 = arith.constant 0 : i32
      %dma_wait3A_69 = tpu.memref_slice %arg10[%add3A_26, %dma_wait3A_68] : memref<10240x128xf32, #tpu.memory_space<vmem_shared>> -> memref<80x128xf32, #tpu.memory_space<vmem_shared>>
      %dma_wait3A_70 = arith.constant 0 : i32
      %dma_wait3A_71 = tpu.memref_slice %arg10[%add3A_26, %dma_wait3A_70] : memref<10240x128xf32, #tpu.memory_space<vmem_shared>> -> memref<80x128xf32, #tpu.memory_space<vmem_shared>>
      tpu.wait_dma2 semaphore(%run_scoped3A_63 : memref<!tpu.dma_semaphore, #tpu.memory_space<semaphore_mem>>) src(%arg8 : memref<80x128xf32, #tpu.memory_space<vmem>>) dst(%dma_wait3A_71 : memref<80x128xf32, #tpu.memory_space<vmem_shared>>)
      tpu.yield
    }) : () -> ()
    %mul3A_27 = arith.constant 640 : i32
    %mul3A_28 = arith.muli %arg1, %mul3A_27 : i32
    %add3A_29 = arith.constant 400 : i32
    %add3A_30 = arith.addi %mul3A_28, %add3A_29 : i32
    "tpu.region"() ({
      %run_scoped3A_63 = tpu.sem_alloc : memref<!tpu.dma_semaphore, #tpu.memory_space<semaphore_mem>>
      %dma_start3A_64 = arith.constant 0 : i32
      %dma_start3A_65 = tpu.memref_slice %arg10[%add3A_30, %dma_start3A_64] : memref<10240x128xf32, #tpu.memory_space<vmem_shared>> -> memref<80x128xf32, #tpu.memory_space<vmem_shared>>
      %dma_start3A_66 = arith.constant 0 : i32
      %dma_start3A_67 = tpu.memref_slice %arg10[%add3A_30, %dma_start3A_66] : memref<10240x128xf32, #tpu.memory_space<vmem_shared>> -> memref<80x128xf32, #tpu.memory_space<vmem_shared>>
      tpu.enqueue_dma source(%arg8 : memref<80x128xf32, #tpu.memory_space<vmem>>) target(%dma_start3A_67 : memref<80x128xf32, #tpu.memory_space<vmem_shared>>) target_semaphore(%run_scoped3A_63 : memref<!tpu.dma_semaphore, #tpu.memory_space<semaphore_mem>>)
      %dma_wait3A_68 = arith.constant 0 : i32
      %dma_wait3A_69 = tpu.memref_slice %arg10[%add3A_30, %dma_wait3A_68] : memref<10240x128xf32, #tpu.memory_space<vmem_shared>> -> memref<80x128xf32, #tpu.memory_space<vmem_shared>>
      %dma_wait3A_70 = arith.constant 0 : i32
      %dma_wait3A_71 = tpu.memref_slice %arg10[%add3A_30, %dma_wait3A_70] : memref<10240x128xf32, #tpu.memory_space<vmem_shared>> -> memref<80x128xf32, #tpu.memory_space<vmem_shared>>
      tpu.wait_dma2 semaphore(%run_scoped3A_63 : memref<!tpu.dma_semaphore, #tpu.memory_space<semaphore_mem>>) src(%arg8 : memref<80x128xf32, #tpu.memory_space<vmem>>) dst(%dma_wait3A_71 : memref<80x128xf32, #tpu.memory_space<vmem_shared>>)
      tpu.yield
    }) : () -> ()
    %mul3A_31 = arith.constant 640 : i32
    %mul3A_32 = arith.muli %arg1, %mul3A_31 : i32
    %add3A_33 = arith.constant 480 : i32
    %add3A_34 = arith.addi %mul3A_32, %add3A_33 : i32
    "tpu.region"() ({
      %run_scoped3A_63 = tpu.sem_alloc : memref<!tpu.dma_semaphore, #tpu.memory_space<semaphore_mem>>
      %dma_start3A_64 = arith.constant 0 : i32
      %dma_start3A_65 = tpu.memref_slice %arg10[%add3A_34, %dma_start3A_64] : memref<10240x128xf32, #tpu.memory_space<vmem_shared>> -> memref<80x128xf32, #tpu.memory_space<vmem_shared>>
      %dma_start3A_66 = arith.constant 0 : i32
      %dma_start3A_67 = tpu.memref_slice %arg10[%add3A_34, %dma_start3A_66] : memref<10240x128xf32, #tpu.memory_space<vmem_shared>> -> memref<80x128xf32, #tpu.memory_space<vmem_shared>>
      tpu.enqueue_dma source(%arg8 : memref<80x128xf32, #tpu.memory_space<vmem>>) target(%dma_start3A_67 : memref<80x128xf32, #tpu.memory_space<vmem_shared>>) target_semaphore(%run_scoped3A_63 : memref<!tpu.dma_semaphore, #tpu.memory_space<semaphore_mem>>)
      %dma_wait3A_68 = arith.constant 0 : i32
      %dma_wait3A_69 = tpu.memref_slice %arg10[%add3A_34, %dma_wait3A_68] : memref<10240x128xf32, #tpu.memory_space<vmem_shared>> -> memref<80x128xf32, #tpu.memory_space<vmem_shared>>
      %dma_wait3A_70 = arith.constant 0 : i32
      %dma_wait3A_71 = tpu.memref_slice %arg10[%add3A_34, %dma_wait3A_70] : memref<10240x128xf32, #tpu.memory_space<vmem_shared>> -> memref<80x128xf32, #tpu.memory_space<vmem_shared>>
      tpu.wait_dma2 semaphore(%run_scoped3A_63 : memref<!tpu.dma_semaphore, #tpu.memory_space<semaphore_mem>>) src(%arg8 : memref<80x128xf32, #tpu.memory_space<vmem>>) dst(%dma_wait3A_71 : memref<80x128xf32, #tpu.memory_space<vmem_shared>>)
      tpu.yield
    }) : () -> ()
    %mul3A_35 = arith.constant 640 : i32
    %mul3A_36 = arith.muli %arg1, %mul3A_35 : i32
    %add3A_37 = arith.constant 560 : i32
    %add3A_38 = arith.addi %mul3A_36, %add3A_37 : i32
    "tpu.region"() ({
      %run_scoped3A_63 = tpu.sem_alloc : memref<!tpu.dma_semaphore, #tpu.memory_space<semaphore_mem>>
      %dma_start3A_64 = arith.constant 0 : i32
      %dma_start3A_65 = tpu.memref_slice %arg10[%add3A_38, %dma_start3A_64] : memref<10240x128xf32, #tpu.memory_space<vmem_shared>> -> memref<80x128xf32, #tpu.memory_space<vmem_shared>>
      %dma_start3A_66 = arith.constant 0 : i32
      %dma_start3A_67 = tpu.memref_slice %arg10[%add3A_38, %dma_start3A_66] : memref<10240x128xf32, #tpu.memory_space<vmem_shared>> -> memref<80x128xf32, #tpu.memory_space<vmem_shared>>
      tpu.enqueue_dma source(%arg8 : memref<80x128xf32, #tpu.memory_space<vmem>>) target(%dma_start3A_67 : memref<80x128xf32, #tpu.memory_space<vmem_shared>>) target_semaphore(%run_scoped3A_63 : memref<!tpu.dma_semaphore, #tpu.memory_space<semaphore_mem>>)
      %dma_wait3A_68 = arith.constant 0 : i32
      %dma_wait3A_69 = tpu.memref_slice %arg10[%add3A_38, %dma_wait3A_68] : memref<10240x128xf32, #tpu.memory_space<vmem_shared>> -> memref<80x128xf32, #tpu.memory_space<vmem_shared>>
      %dma_wait3A_70 = arith.constant 0 : i32
      %dma_wait3A_71 = tpu.memref_slice %arg10[%add3A_38, %dma_wait3A_70] : memref<10240x128xf32, #tpu.memory_space<vmem_shared>> -> memref<80x128xf32, #tpu.memory_space<vmem_shared>>
      tpu.wait_dma2 semaphore(%run_scoped3A_63 : memref<!tpu.dma_semaphore, #tpu.memory_space<semaphore_mem>>) src(%arg8 : memref<80x128xf32, #tpu.memory_space<vmem>>) dst(%dma_wait3A_71 : memref<80x128xf32, #tpu.memory_space<vmem_shared>>)
      tpu.yield
    }) : () -> ()
    %dma_start3A = arith.constant 0 : i32
    %dma_start3A_39 = tpu.memref_slice %arg6[%dma_start3A] : memref<10000xi32, #tpu.memory_space<vmem>> -> memref<80xi32, #tpu.memory_space<vmem>>
    %dma_start3A_40 = arith.constant 0 : i32
    %dma_start3A_41 = arith.constant 0 : i32
    %dma_start3A_42 = tpu.memref_slice %arg2[%dma_start3A_40, %dma_start3A_41] : memref<10240x128xf32, #tpu.memory_space<hbm>> -> memref<10240x128xf32, #tpu.memory_space<hbm>>
    tpu.enqueue_indirect_dma source(%dma_start3A_42 : memref<10240x128xf32, #tpu.memory_space<hbm>>) target(%arg8 : memref<80x128xf32, #tpu.memory_space<vmem>>) offsets(%dma_start3A_39 : memref<80xi32, #tpu.memory_space<vmem>>) semaphore(%arg11 : memref<!tpu.dma_semaphore, #tpu.memory_space<semaphore_mem>>)
    %dma_start3A_43 = arith.constant 80 : i32
    %dma_start3A_44 = tpu.memref_slice %arg6[%dma_start3A_43] : memref<10000xi32, #tpu.memory_space<vmem>> -> memref<80xi32, #tpu.memory_space<vmem>>
    %dma_start3A_45 = arith.constant 0 : i32
    %dma_start3A_46 = arith.constant 0 : i32
    %dma_start3A_47 = tpu.memref_slice %arg2[%dma_start3A_45, %dma_start3A_46] : memref<10240x128xf32, #tpu.memory_space<hbm>> -> memref<10240x128xf32, #tpu.memory_space<hbm>>
    tpu.enqueue_indirect_dma source(%dma_start3A_47 : memref<10240x128xf32, #tpu.memory_space<hbm>>) target(%arg9 : memref<80x128xf32, #tpu.memory_space<vmem>>) offsets(%dma_start3A_44 : memref<80xi32, #tpu.memory_space<vmem>>) semaphore(%arg12 : memref<!tpu.dma_semaphore, #tpu.memory_space<semaphore_mem>>)
    %barrier3A = arith.constant 0 : index
    tpu.barrier barrier_id(%barrier3A)
    %scan3A_48 = arith.constant 0 : i32
    %scan3A_49 = arith.constant 0 : i32
    %scan3A_50 = arith.constant 62 : i32
    %scan3A_51 = arith.addi %scan3A_49, %scan3A_50 : i32
    %scan3A_52 = arith.constant 1 : i32
    scf.for %scan3A_63 = %scan3A_49 to %scan3A_51 step %scan3A_52  : i32 {
      %mul3A_64 = arith.constant 2 : i32
      %mul3A_65 = arith.muli %scan3A_63, %mul3A_64 : i32
      %add3A_66 = arith.constant 0 : i32
      %add3A_67 = arith.addi %mul3A_65, %add3A_66 : i32
      %dma_wait3A_68 = arith.constant 0 : i32
      %dma_wait3A_69 = tpu.memref_slice %arg6[%dma_wait3A_68] : memref<10000xi32, #tpu.memory_space<vmem>> -> memref<80xi32, #tpu.memory_space<vmem>>
      %dma_wait3A_70 = arith.constant 0 : i32
      %dma_wait3A_71 = arith.constant 0 : i32
      %dma_wait3A_72 = tpu.memref_slice %arg2[%dma_wait3A_70, %dma_wait3A_71] : memref<10240x128xf32, #tpu.memory_space<hbm>> -> memref<10240x128xf32, #tpu.memory_space<hbm>>
      tpu.wait_indirect_dma semaphore(%arg11 : memref<!tpu.dma_semaphore, #tpu.memory_space<semaphore_mem>>) src(%dma_wait3A_72 : memref<10240x128xf32, #tpu.memory_space<hbm>>) dst(%arg8 : memref<80x128xf32, #tpu.memory_space<vmem>>)
      "tpu.region"() ({
        %run_scoped3A_93 = tpu.sem_alloc : memref<!tpu.dma_semaphore, #tpu.memory_space<semaphore_mem>>
        %dma_start3A_94 = arith.constant 0 : i32
        %dma_start3A_95 = tpu.memref_slice %arg7[%add3A_67, %dma_start3A_94] : memref<125x80xi32, #tpu.memory_space<vmem>> -> memref<1x80xi32, #tpu.memory_space<vmem>>
        %dma_start3A_96 = tpu.memref_squeeze %dma_start3A_95 : memref<1x80xi32, #tpu.memory_space<vmem>> -> memref<80xi32, #tpu.memory_space<vmem>>
        %dma_start3A_97 = arith.constant 0 : i32
        %dma_start3A_98 = arith.constant 0 : i32
        %dma_start3A_99 = tpu.memref_slice %arg10[%dma_start3A_97, %dma_start3A_98] : memref<10240x128xf32, #tpu.memory_space<vmem_shared>> -> memref<10240x128xf32, #tpu.memory_space<vmem_shared>>
        tpu.enqueue_indirect_dma source(%arg8 : memref<80x128xf32, #tpu.memory_space<vmem>>) target(%dma_start3A_99 : memref<10240x128xf32, #tpu.memory_space<vmem_shared>>) offsets(%dma_start3A_96 : memref<80xi32, #tpu.memory_space<vmem>>) semaphore(%run_scoped3A_93 : memref<!tpu.dma_semaphore, #tpu.memory_space<semaphore_mem>>) {add = true}
        %dma_wait3A_100 = arith.constant 0 : i32
        %dma_wait3A_101 = tpu.memref_slice %arg7[%add3A_67, %dma_wait3A_100] : memref<125x80xi32, #tpu.memory_space<vmem>> -> memref<1x80xi32, #tpu.memory_space<vmem>>
        %dma_wait3A_102 = tpu.memref_squeeze %dma_wait3A_101 : memref<1x80xi32, #tpu.memory_space<vmem>> -> memref<80xi32, #tpu.memory_space<vmem>>
        %dma_wait3A_103 = arith.constant 0 : i32
        %dma_wait3A_104 = arith.constant 0 : i32
        %dma_wait3A_105 = tpu.memref_slice %arg10[%dma_wait3A_103, %dma_wait3A_104] : memref<10240x128xf32, #tpu.memory_space<vmem_shared>> -> memref<10240x128xf32, #tpu.memory_space<vmem_shared>>
        tpu.wait_indirect_dma semaphore(%run_scoped3A_93 : memref<!tpu.dma_semaphore, #tpu.memory_space<semaphore_mem>>) src(%arg8 : memref<80x128xf32, #tpu.memory_space<vmem>>) dst(%dma_wait3A_105 : memref<10240x128xf32, #tpu.memory_space<vmem_shared>>)
        tpu.yield
      }) : () -> ()
      %add3A_73 = arith.constant 2 : i32
      %add3A_74 = arith.addi %add3A_67, %add3A_73 : i32
      %lt3A = arith.constant 125 : i32
      %lt3A_75 = arith.cmpi slt, %add3A_74, %lt3A : i32
      %convert_element_type3A = arith.extui %lt3A_75 : i1 to i32
      %cond3A = arith.constant 0 : i32
      %cond3A_76 = arith.cmpi ne, %convert_element_type3A, %cond3A : i32
      scf.if %cond3A_76 {
        %add3A_93 = arith.constant 2 : i32
        %add3A_94 = arith.addi %add3A_67, %add3A_93 : i32
        %mul3A_95 = arith.constant 80 : i32
        %mul3A_96 = arith.muli %add3A_94, %mul3A_95 : i32
        %dma_start3A_97 = tpu.memref_slice %arg6[%mul3A_96] : memref<10000xi32, #tpu.memory_space<vmem>> -> memref<80xi32, #tpu.memory_space<vmem>>
        %dma_start3A_98 = arith.constant 0 : i32
        %dma_start3A_99 = arith.constant 0 : i32
        %dma_start3A_100 = tpu.memref_slice %arg2[%dma_start3A_98, %dma_start3A_99] : memref<10240x128xf32, #tpu.memory_space<hbm>> -> memref<10240x128xf32, #tpu.memory_space<hbm>>
        tpu.enqueue_indirect_dma source(%dma_start3A_100 : memref<10240x128xf32, #tpu.memory_space<hbm>>) target(%arg8 : memref<80x128xf32, #tpu.memory_space<vmem>>) offsets(%dma_start3A_97 : memref<80xi32, #tpu.memory_space<vmem>>) semaphore(%arg11 : memref<!tpu.dma_semaphore, #tpu.memory_space<semaphore_mem>>)
      } else {
      }
      %mul3A_77 = arith.constant 2 : i32
      %mul3A_78 = arith.muli %scan3A_63, %mul3A_77 : i32
      %add3A_79 = arith.constant 1 : i32
      %add3A_80 = arith.addi %mul3A_78, %add3A_79 : i32
      %dma_wait3A_81 = arith.constant 0 : i32
      %dma_wait3A_82 = tpu.memref_slice %arg6[%dma_wait3A_81] : memref<10000xi32, #tpu.memory_space<vmem>> -> memref<80xi32, #tpu.memory_space<vmem>>
      %dma_wait3A_83 = arith.constant 0 : i32
      %dma_wait3A_84 = arith.constant 0 : i32
      %dma_wait3A_85 = tpu.memref_slice %arg2[%dma_wait3A_83, %dma_wait3A_84] : memref<10240x128xf32, #tpu.memory_space<hbm>> -> memref<10240x128xf32, #tpu.memory_space<hbm>>
      tpu.wait_indirect_dma semaphore(%arg12 : memref<!tpu.dma_semaphore, #tpu.memory_space<semaphore_mem>>) src(%dma_wait3A_85 : memref<10240x128xf32, #tpu.memory_space<hbm>>) dst(%arg9 : memref<80x128xf32, #tpu.memory_space<vmem>>)
      "tpu.region"() ({
        %run_scoped3A_93 = tpu.sem_alloc : memref<!tpu.dma_semaphore, #tpu.memory_space<semaphore_mem>>
        %dma_start3A_94 = arith.constant 0 : i32
        %dma_start3A_95 = tpu.memref_slice %arg7[%add3A_80, %dma_start3A_94] : memref<125x80xi32, #tpu.memory_space<vmem>> -> memref<1x80xi32, #tpu.memory_space<vmem>>
        %dma_start3A_96 = tpu.memref_squeeze %dma_start3A_95 : memref<1x80xi32, #tpu.memory_space<vmem>> -> memref<80xi32, #tpu.memory_space<vmem>>
        %dma_start3A_97 = arith.constant 0 : i32
        %dma_start3A_98 = arith.constant 0 : i32
        %dma_start3A_99 = tpu.memref_slice %arg10[%dma_start3A_97, %dma_start3A_98] : memref<10240x128xf32, #tpu.memory_space<vmem_shared>> -> memref<10240x128xf32, #tpu.memory_space<vmem_shared>>
        tpu.enqueue_indirect_dma source(%arg9 : memref<80x128xf32, #tpu.memory_space<vmem>>) target(%dma_start3A_99 : memref<10240x128xf32, #tpu.memory_space<vmem_shared>>) offsets(%dma_start3A_96 : memref<80xi32, #tpu.memory_space<vmem>>) semaphore(%run_scoped3A_93 : memref<!tpu.dma_semaphore, #tpu.memory_space<semaphore_mem>>) {add = true}
        %dma_wait3A_100 = arith.constant 0 : i32
        %dma_wait3A_101 = tpu.memref_slice %arg7[%add3A_80, %dma_wait3A_100] : memref<125x80xi32, #tpu.memory_space<vmem>> -> memref<1x80xi32, #tpu.memory_space<vmem>>
        %dma_wait3A_102 = tpu.memref_squeeze %dma_wait3A_101 : memref<1x80xi32, #tpu.memory_space<vmem>> -> memref<80xi32, #tpu.memory_space<vmem>>
        %dma_wait3A_103 = arith.constant 0 : i32
        %dma_wait3A_104 = arith.constant 0 : i32
        %dma_wait3A_105 = tpu.memref_slice %arg10[%dma_wait3A_103, %dma_wait3A_104] : memref<10240x128xf32, #tpu.memory_space<vmem_shared>> -> memref<10240x128xf32, #tpu.memory_space<vmem_shared>>
        tpu.wait_indirect_dma semaphore(%run_scoped3A_93 : memref<!tpu.dma_semaphore, #tpu.memory_space<semaphore_mem>>) src(%arg9 : memref<80x128xf32, #tpu.memory_space<vmem>>) dst(%dma_wait3A_105 : memref<10240x128xf32, #tpu.memory_space<vmem_shared>>)
        tpu.yield
      }) : () -> ()
      %add3A_86 = arith.constant 2 : i32
      %add3A_87 = arith.addi %add3A_80, %add3A_86 : i32
      %lt3A_88 = arith.constant 125 : i32
      %lt3A_89 = arith.cmpi slt, %add3A_87, %lt3A_88 : i32
      %convert_element_type3A_90 = arith.extui %lt3A_89 : i1 to i32
      %cond3A_91 = arith.constant 0 : i32
      %cond3A_92 = arith.cmpi ne, %convert_element_type3A_90, %cond3A_91 : i32
      scf.if %cond3A_92 {
        %add3A_93 = arith.constant 2 : i32
        %add3A_94 = arith.addi %add3A_80, %add3A_93 : i32
        %mul3A_95 = arith.constant 80 : i32
        %mul3A_96 = arith.muli %add3A_94, %mul3A_95 : i32
        %dma_start3A_97 = tpu.memref_slice %arg6[%mul3A_96] : memref<10000xi32, #tpu.memory_space<vmem>> -> memref<80xi32, #tpu.memory_space<vmem>>
        %dma_start3A_98 = arith.constant 0 : i32
        %dma_start3A_99 = arith.constant 0 : i32
        %dma_start3A_100 = tpu.memref_slice %arg2[%dma_start3A_98, %dma_start3A_99] : memref<10240x128xf32, #tpu.memory_space<hbm>> -> memref<10240x128xf32, #tpu.memory_space<hbm>>
        tpu.enqueue_indirect_dma source(%dma_start3A_100 : memref<10240x128xf32, #tpu.memory_space<hbm>>) target(%arg9 : memref<80x128xf32, #tpu.memory_space<vmem>>) offsets(%dma_start3A_97 : memref<80xi32, #tpu.memory_space<vmem>>) semaphore(%arg12 : memref<!tpu.dma_semaphore, #tpu.memory_space<semaphore_mem>>)
      } else {
      }
    }
    %scan3A_53 = arith.constant 62 : i32
    %dma_wait3A = arith.constant 0 : i32
    %dma_wait3A_54 = tpu.memref_slice %arg6[%dma_wait3A] : memref<10000xi32, #tpu.memory_space<vmem>> -> memref<80xi32, #tpu.memory_space<vmem>>
    %dma_wait3A_55 = arith.constant 0 : i32
    %dma_wait3A_56 = arith.constant 0 : i32
    %dma_wait3A_57 = tpu.memref_slice %arg2[%dma_wait3A_55, %dma_wait3A_56] : memref<10240x128xf32, #tpu.memory_space<hbm>> -> memref<10240x128xf32, #tpu.memory_space<hbm>>
    tpu.wait_indirect_dma semaphore(%arg11 : memref<!tpu.dma_semaphore, #tpu.memory_space<semaphore_mem>>) src(%dma_wait3A_57 : memref<10240x128xf32, #tpu.memory_space<hbm>>) dst(%arg8 : memref<80x128xf32, #tpu.memory_space<vmem>>)
    %run_scoped3A = arith.constant 124 : i32
    "tpu.region"() ({
      %run_scoped3A_63 = tpu.sem_alloc : memref<!tpu.dma_semaphore, #tpu.memory_space<semaphore_mem>>
      %dma_start3A_64 = arith.constant 0 : i32
      %dma_start3A_65 = tpu.memref_slice %arg7[%run_scoped3A, %dma_start3A_64] : memref<125x80xi32, #tpu.memory_space<vmem>> -> memref<1x80xi32, #tpu.memory_space<vmem>>
      %dma_start3A_66 = tpu.memref_squeeze %dma_start3A_65 : memref<1x80xi32, #tpu.memory_space<vmem>> -> memref<80xi32, #tpu.memory_space<vmem>>
      %dma_start3A_67 = arith.constant 0 : i32
      %dma_start3A_68 = arith.constant 0 : i32
      %dma_start3A_69 = tpu.memref_slice %arg10[%dma_start3A_67, %dma_start3A_68] : memref<10240x128xf32, #tpu.memory_space<vmem_shared>> -> memref<10240x128xf32, #tpu.memory_space<vmem_shared>>
      tpu.enqueue_indirect_dma source(%arg8 : memref<80x128xf32, #tpu.memory_space<vmem>>) target(%dma_start3A_69 : memref<10240x128xf32, #tpu.memory_space<vmem_shared>>) offsets(%dma_start3A_66 : memref<80xi32, #tpu.memory_space<vmem>>) semaphore(%run_scoped3A_63 : memref<!tpu.dma_semaphore, #tpu.memory_space<semaphore_mem>>) {add = true}
      %dma_wait3A_70 = arith.constant 0 : i32
      %dma_wait3A_71 = tpu.memref_slice %arg7[%run_scoped3A, %dma_wait3A_70] : memref<125x80xi32, #tpu.memory_space<vmem>> -> memref<1x80xi32, #tpu.memory_space<vmem>>
      %dma_wait3A_72 = tpu.memref_squeeze %dma_wait3A_71 : memref<1x80xi32, #tpu.memory_space<vmem>> -> memref<80xi32, #tpu.memory_space<vmem>>
      %dma_wait3A_73 = arith.constant 0 : i32
      %dma_wait3A_74 = arith.constant 0 : i32
      %dma_wait3A_75 = tpu.memref_slice %arg10[%dma_wait3A_73, %dma_wait3A_74] : memref<10240x128xf32, #tpu.memory_space<vmem_shared>> -> memref<10240x128xf32, #tpu.memory_space<vmem_shared>>
      tpu.wait_indirect_dma semaphore(%run_scoped3A_63 : memref<!tpu.dma_semaphore, #tpu.memory_space<semaphore_mem>>) src(%arg8 : memref<80x128xf32, #tpu.memory_space<vmem>>) dst(%dma_wait3A_75 : memref<10240x128xf32, #tpu.memory_space<vmem_shared>>)
      tpu.yield
    }) : () -> ()
    %barrier3A_58 = arith.constant 0 : index
    tpu.barrier barrier_id(%barrier3A_58)
    %mul3A_59 = arith.constant 640 : i32
    %mul3A_60 = arith.muli %arg1, %mul3A_59 : i32
    %mul3A_61 = arith.constant 640 : i32
    %mul3A_62 = arith.muli %arg1, %mul3A_61 : i32
    "tpu.region"() ({
      %run_scoped3A_63 = tpu.sem_alloc : memref<!tpu.dma_semaphore, #tpu.memory_space<semaphore_mem>>
      %dma_start3A_64 = arith.constant 0 : i32
      %dma_start3A_65 = tpu.memref_slice %arg5[%arg0, %mul3A_62, %dma_start3A_64] : memref<2x10240x128xf32, #tpu.memory_space<hbm>> -> memref<1x640x128xf32, #tpu.memory_space<hbm>>
      %dma_start3A_66 = tpu.memref_squeeze %dma_start3A_65 : memref<1x640x128xf32, #tpu.memory_space<hbm>> -> memref<640x128xf32, #tpu.memory_space<hbm>>
      %dma_start3A_67 = arith.constant 0 : i32
      %dma_start3A_68 = tpu.memref_slice %arg10[%mul3A_60, %dma_start3A_67] : memref<10240x128xf32, #tpu.memory_space<vmem_shared>> -> memref<640x128xf32, #tpu.memory_space<vmem_shared>>
      tpu.enqueue_dma source(%dma_start3A_68 : memref<640x128xf32, #tpu.memory_space<vmem_shared>>) target(%dma_start3A_66 : memref<640x128xf32, #tpu.memory_space<hbm>>) target_semaphore(%run_scoped3A_63 : memref<!tpu.dma_semaphore, #tpu.memory_space<semaphore_mem>>)
      %dma_wait3A_69 = arith.constant 0 : i32
      %dma_wait3A_70 = tpu.memref_slice %arg5[%arg0, %mul3A_62, %dma_wait3A_69] : memref<2x10240x128xf32, #tpu.memory_space<hbm>> -> memref<1x640x128xf32, #tpu.memory_space<hbm>>
      %dma_wait3A_71 = tpu.memref_squeeze %dma_wait3A_70 : memref<1x640x128xf32, #tpu.memory_space<hbm>> -> memref<640x128xf32, #tpu.memory_space<hbm>>
      %dma_wait3A_72 = arith.constant 0 : i32
      %dma_wait3A_73 = tpu.memref_slice %arg10[%mul3A_60, %dma_wait3A_72] : memref<10240x128xf32, #tpu.memory_space<vmem_shared>> -> memref<640x128xf32, #tpu.memory_space<vmem_shared>>
      tpu.wait_dma2 semaphore(%run_scoped3A_63 : memref<!tpu.dma_semaphore, #tpu.memory_space<semaphore_mem>>) src(%dma_wait3A_73 : memref<640x128xf32, #tpu.memory_space<vmem_shared>>) dst(%dma_wait3A_71 : memref<640x128xf32, #tpu.memory_space<hbm>>)
      tpu.yield
    }) : () -> ()
    return
  }
}

#map = affine_map<(d0, d1) -> (0, 0)>
#map1 = affine_map<(d0, d1) -> (0, 0, 0)>
module attributes {stable_mosaic.version = 14 : i64} {
  func.func @_segsum(%arg0: i32, %arg1: i32, %arg2: memref<10240x128xf32, #tpu.memory_space<hbm>>, %arg3: memref<32x10000xi32, #tpu.memory_space<hbm>>, %arg4: memref<32x125x80xi32, #tpu.memory_space<hbm>>, %arg5: memref<2x10240x128xf32, #tpu.memory_space<hbm>>, %arg6: memref<10000xi32, #tpu.memory_space<vmem>>, %arg7: memref<125x80xi32, #tpu.memory_space<vmem>>, %arg8: memref<80x128xf32, #tpu.memory_space<vmem>>, %arg9: memref<80x128xf32, #tpu.memory_space<vmem>>, %arg10: memref<10240x128xf32, #tpu.memory_space<vmem_shared>>, %arg11: memref<!tpu.dma_semaphore, #tpu.memory_space<semaphore_mem>>, %arg12: memref<!tpu.dma_semaphore, #tpu.memory_space<semaphore_mem>>) attributes {dimension_semantics = [#tpu.dimension_semantics<core_parallel>, #tpu.dimension_semantics<subcore_parallel>], iteration_bounds = array<i64: 2, 16>, scalar_prefetch = 0 : i64, scratch_operands = 7 : i64, tpu.core_type = #tpu.core_type<sc_vector_subcore>, window_params = [{transform_indices = #map}, {transform_indices = #map}, {transform_indices = #map1}, {transform_indices = #map1}]} {
    %mul3A = arith.constant 16 : i32
    %mul3A_0 = arith.muli %arg0, %mul3A : i32
    %add3A = arith.addi %mul3A_0, %arg1 : i32
    "tpu.region"() ({
      %run_scoped3A_63 = tpu.sem_alloc : memref<!tpu.dma_semaphore, #tpu.memory_space<semaphore_mem>>
      %dma_start3A_64 = arith.constant 0 : i32
      %dma_start3A_65 = tpu.memref_slice %arg3[%add3A, %dma_start3A_64] : memref<32x10000xi32, #tpu.memory_space<hbm>> -> memref<1x10000xi32, #tpu.memory_space<hbm>>
      %dma_start3A_66 = tpu.memref_squeeze %dma_start3A_65 : memref<1x10000xi32, #tpu.memory_space<hbm>> -> memref<10000xi32, #tpu.memory_space<hbm>>
      %dma_start3A_67 = arith.constant 0 : i32
      %dma_start3A_68 = tpu.memref_slice %arg3[%add3A, %dma_start3A_67] : memref<32x10000xi32, #tpu.memory_space<hbm>> -> memref<1x10000xi32, #tpu.memory_space<hbm>>
      %dma_start3A_69 = tpu.memref_squeeze %dma_start3A_68 : memref<1x10000xi32, #tpu.memory_space<hbm>> -> memref<10000xi32, #tpu.memory_space<hbm>>
      tpu.enqueue_dma source(%dma_start3A_69 : memref<10000xi32, #tpu.memory_space<hbm>>) target(%arg6 : memref<10000xi32, #tpu.memory_space<vmem>>) target_semaphore(%run_scoped3A_63 : memref<!tpu.dma_semaphore, #tpu.memory_space<semaphore_mem>>)
      %dma_wait3A_70 = arith.constant 0 : i32
      %dma_wait3A_71 = tpu.memref_slice %arg3[%add3A, %dma_wait3A_70] : memref<32x10000xi32, #tpu.memory_space<hbm>> -> memref<1x10000xi32, #tpu.memory_space<hbm>>
      %dma_wait3A_72 = tpu.memref_squeeze %dma_wait3A_71 : memref<1x10000xi32, #tpu.memory_space<hbm>> -> memref<10000xi32, #tpu.memory_space<hbm>>
      %dma_wait3A_73 = arith.constant 0 : i32
      %dma_wait3A_74 = tpu.memref_slice %arg3[%add3A, %dma_wait3A_73] : memref<32x10000xi32, #tpu.memory_space<hbm>> -> memref<1x10000xi32, #tpu.memory_space<hbm>>
      %dma_wait3A_75 = tpu.memref_squeeze %dma_wait3A_74 : memref<1x10000xi32, #tpu.memory_space<hbm>> -> memref<10000xi32, #tpu.memory_space<hbm>>
      tpu.wait_dma2 semaphore(%run_scoped3A_63 : memref<!tpu.dma_semaphore, #tpu.memory_space<semaphore_mem>>) src(%dma_wait3A_75 : memref<10000xi32, #tpu.memory_space<hbm>>) dst(%arg6 : memref<10000xi32, #tpu.memory_space<vmem>>)
      tpu.yield
    }) : () -> ()
    "tpu.region"() ({
      %run_scoped3A_63 = tpu.sem_alloc : memref<!tpu.dma_semaphore, #tpu.memory_space<semaphore_mem>>
      %dma_start3A_64 = arith.constant 0 : i32
      %dma_start3A_65 = arith.constant 0 : i32
      %dma_start3A_66 = tpu.memref_slice %arg4[%add3A, %dma_start3A_64, %dma_start3A_65] : memref<32x125x80xi32, #tpu.memory_space<hbm>> -> memref<1x125x80xi32, #tpu.memory_space<hbm>>
      %dma_start3A_67 = tpu.memref_squeeze %dma_start3A_66 : memref<1x125x80xi32, #tpu.memory_space<hbm>> -> memref<125x80xi32, #tpu.memory_space<hbm>>
      %dma_start3A_68 = arith.constant 0 : i32
      %dma_start3A_69 = arith.constant 0 : i32
      %dma_start3A_70 = tpu.memref_slice %arg4[%add3A, %dma_start3A_68, %dma_start3A_69] : memref<32x125x80xi32, #tpu.memory_space<hbm>> -> memref<1x125x80xi32, #tpu.memory_space<hbm>>
      %dma_start3A_71 = tpu.memref_squeeze %dma_start3A_70 : memref<1x125x80xi32, #tpu.memory_space<hbm>> -> memref<125x80xi32, #tpu.memory_space<hbm>>
      tpu.enqueue_dma source(%dma_start3A_71 : memref<125x80xi32, #tpu.memory_space<hbm>>) target(%arg7 : memref<125x80xi32, #tpu.memory_space<vmem>>) target_semaphore(%run_scoped3A_63 : memref<!tpu.dma_semaphore, #tpu.memory_space<semaphore_mem>>)
      %dma_wait3A_72 = arith.constant 0 : i32
      %dma_wait3A_73 = arith.constant 0 : i32
      %dma_wait3A_74 = tpu.memref_slice %arg4[%add3A, %dma_wait3A_72, %dma_wait3A_73] : memref<32x125x80xi32, #tpu.memory_space<hbm>> -> memref<1x125x80xi32, #tpu.memory_space<hbm>>
      %dma_wait3A_75 = tpu.memref_squeeze %dma_wait3A_74 : memref<1x125x80xi32, #tpu.memory_space<hbm>> -> memref<125x80xi32, #tpu.memory_space<hbm>>
      %dma_wait3A_76 = arith.constant 0 : i32
      %dma_wait3A_77 = arith.constant 0 : i32
      %dma_wait3A_78 = tpu.memref_slice %arg4[%add3A, %dma_wait3A_76, %dma_wait3A_77] : memref<32x125x80xi32, #tpu.memory_space<hbm>> -> memref<1x125x80xi32, #tpu.memory_space<hbm>>
      %dma_wait3A_79 = tpu.memref_squeeze %dma_wait3A_78 : memref<1x125x80xi32, #tpu.memory_space<hbm>> -> memref<125x80xi32, #tpu.memory_space<hbm>>
      tpu.wait_dma2 semaphore(%run_scoped3A_63 : memref<!tpu.dma_semaphore, #tpu.memory_space<semaphore_mem>>) src(%dma_wait3A_79 : memref<125x80xi32, #tpu.memory_space<hbm>>) dst(%arg7 : memref<125x80xi32, #tpu.memory_space<vmem>>)
      tpu.yield
    }) : () -> ()
    %broadcast_in_dim3A = arith.constant 0.000000e+00 : f32
    %broadcast_in_dim3A_1 = vector.broadcast %broadcast_in_dim3A : f32 to vector<16xf32>
    %scan3A = arith.constant 0 : i32
    %scan3A_2 = arith.constant 0 : i32
    %scan3A_3 = arith.constant 80 : i32
    %scan3A_4 = arith.addi %scan3A_2, %scan3A_3 : i32
    %scan3A_5 = arith.constant 1 : i32
    scf.for %scan3A_63 = %scan3A_2 to %scan3A_4 step %scan3A_5  : i32 {
      %swap3A = arith.index_cast %scan3A_63 : i32 to index
      %swap3A_64 = arith.constant 0 : index
      %swap3A_65 = tpu.vector_load %arg8[%swap3A, %swap3A_64] {strides = array<i32>} : memref<80x128xf32, #tpu.memory_space<vmem>>, vector<1x16xf32>,
      %swap3A_66 = vector.shape_cast %swap3A_65 : vector<1x16xf32> to vector<16xf32>
      %swap3A_67 = vector.shape_cast %broadcast_in_dim3A_1 : vector<16xf32> to vector<1x16xf32>
      tpu.vector_store %arg8[%swap3A, %swap3A_64], %swap3A_67 {strides = array<i32>} : memref<80x128xf32, #tpu.memory_space<vmem>>, vector<1x16xf32>,
      %swap3A_68 = arith.index_cast %scan3A_63 : i32 to index
      %swap3A_69 = arith.constant 16 : index
      %swap3A_70 = tpu.vector_load %arg8[%swap3A_68, %swap3A_69] {strides = array<i32>} : memref<80x128xf32, #tpu.memory_space<vmem>>, vector<1x16xf32>,
      %swap3A_71 = vector.shape_cast %swap3A_70 : vector<1x16xf32> to vector<16xf32>
      %swap3A_72 = vector.shape_cast %broadcast_in_dim3A_1 : vector<16xf32> to vector<1x16xf32>
      tpu.vector_store %arg8[%swap3A_68, %swap3A_69], %swap3A_72 {strides = array<i32>} : memref<80x128xf32, #tpu.memory_space<vmem>>, vector<1x16xf32>,
      %swap3A_73 = arith.index_cast %scan3A_63 : i32 to index
      %swap3A_74 = arith.constant 32 : index
      %swap3A_75 = tpu.vector_load %arg8[%swap3A_73, %swap3A_74] {strides = array<i32>} : memref<80x128xf32, #tpu.memory_space<vmem>>, vector<1x16xf32>,
      %swap3A_76 = vector.shape_cast %swap3A_75 : vector<1x16xf32> to vector<16xf32>
      %swap3A_77 = vector.shape_cast %broadcast_in_dim3A_1 : vector<16xf32> to vector<1x16xf32>
      tpu.vector_store %arg8[%swap3A_73, %swap3A_74], %swap3A_77 {strides = array<i32>} : memref<80x128xf32, #tpu.memory_space<vmem>>, vector<1x16xf32>,
      %swap3A_78 = arith.index_cast %scan3A_63 : i32 to index
      %swap3A_79 = arith.constant 48 : index
      %swap3A_80 = tpu.vector_load %arg8[%swap3A_78, %swap3A_79] {strides = array<i32>} : memref<80x128xf32, #tpu.memory_space<vmem>>, vector<1x16xf32>,
      %swap3A_81 = vector.shape_cast %swap3A_80 : vector<1x16xf32> to vector<16xf32>
      %swap3A_82 = vector.shape_cast %broadcast_in_dim3A_1 : vector<16xf32> to vector<1x16xf32>
      tpu.vector_store %arg8[%swap3A_78, %swap3A_79], %swap3A_82 {strides = array<i32>} : memref<80x128xf32, #tpu.memory_space<vmem>>, vector<1x16xf32>,
      %swap3A_83 = arith.index_cast %scan3A_63 : i32 to index
      %swap3A_84 = arith.constant 64 : index
      %swap3A_85 = tpu.vector_load %arg8[%swap3A_83, %swap3A_84] {strides = array<i32>} : memref<80x128xf32, #tpu.memory_space<vmem>>, vector<1x16xf32>,
      %swap3A_86 = vector.shape_cast %swap3A_85 : vector<1x16xf32> to vector<16xf32>
      %swap3A_87 = vector.shape_cast %broadcast_in_dim3A_1 : vector<16xf32> to vector<1x16xf32>
      tpu.vector_store %arg8[%swap3A_83, %swap3A_84], %swap3A_87 {strides = array<i32>} : memref<80x128xf32, #tpu.memory_space<vmem>>, vector<1x16xf32>,
      %swap3A_88 = arith.index_cast %scan3A_63 : i32 to index
      %swap3A_89 = arith.constant 80 : index
      %swap3A_90 = tpu.vector_load %arg8[%swap3A_88, %swap3A_89] {strides = array<i32>} : memref<80x128xf32, #tpu.memory_space<vmem>>, vector<1x16xf32>,
      %swap3A_91 = vector.shape_cast %swap3A_90 : vector<1x16xf32> to vector<16xf32>
      %swap3A_92 = vector.shape_cast %broadcast_in_dim3A_1 : vector<16xf32> to vector<1x16xf32>
      tpu.vector_store %arg8[%swap3A_88, %swap3A_89], %swap3A_92 {strides = array<i32>} : memref<80x128xf32, #tpu.memory_space<vmem>>, vector<1x16xf32>,
      %swap3A_93 = arith.index_cast %scan3A_63 : i32 to index
      %swap3A_94 = arith.constant 96 : index
      %swap3A_95 = tpu.vector_load %arg8[%swap3A_93, %swap3A_94] {strides = array<i32>} : memref<80x128xf32, #tpu.memory_space<vmem>>, vector<1x16xf32>,
      %swap3A_96 = vector.shape_cast %swap3A_95 : vector<1x16xf32> to vector<16xf32>
      %swap3A_97 = vector.shape_cast %broadcast_in_dim3A_1 : vector<16xf32> to vector<1x16xf32>
      tpu.vector_store %arg8[%swap3A_93, %swap3A_94], %swap3A_97 {strides = array<i32>} : memref<80x128xf32, #tpu.memory_space<vmem>>, vector<1x16xf32>,
      %swap3A_98 = arith.index_cast %scan3A_63 : i32 to index
      %swap3A_99 = arith.constant 112 : index
      %swap3A_100 = tpu.vector_load %arg8[%swap3A_98, %swap3A_99] {strides = array<i32>} : memref<80x128xf32, #tpu.memory_space<vmem>>, vector<1x16xf32>,
      %swap3A_101 = vector.shape_cast %swap3A_100 : vector<1x16xf32> to vector<16xf32>
      %swap3A_102 = vector.shape_cast %broadcast_in_dim3A_1 : vector<16xf32> to vector<1x16xf32>
      tpu.vector_store %arg8[%swap3A_98, %swap3A_99], %swap3A_102 {strides = array<i32>} : memref<80x128xf32, #tpu.memory_space<vmem>>, vector<1x16xf32>,
    }
    %scan3A_6 = arith.constant 80 : i32
    %mul3A_7 = arith.constant 640 : i32
    %mul3A_8 = arith.muli %arg1, %mul3A_7 : i32
    %add3A_9 = arith.constant 0 : i32
    %add3A_10 = arith.addi %mul3A_8, %add3A_9 : i32
    "tpu.region"() ({
      %run_scoped3A_63 = tpu.sem_alloc : memref<!tpu.dma_semaphore, #tpu.memory_space<semaphore_mem>>
      %dma_start3A_64 = arith.constant 0 : i32
      %dma_start3A_65 = tpu.memref_slice %arg10[%add3A_10, %dma_start3A_64] : memref<10240x128xf32, #tpu.memory_space<vmem_shared>> -> memref<80x128xf32, #tpu.memory_space<vmem_shared>>
      %dma_start3A_66 = arith.constant 0 : i32
      %dma_start3A_67 = tpu.memref_slice %arg10[%add3A_10, %dma_start3A_66] : memref<10240x128xf32, #tpu.memory_space<vmem_shared>> -> memref<80x128xf32, #tpu.memory_space<vmem_shared>>
      tpu.enqueue_dma source(%arg8 : memref<80x128xf32, #tpu.memory_space<vmem>>) target(%dma_start3A_67 : memref<80x128xf32, #tpu.memory_space<vmem_shared>>) target_semaphore(%run_scoped3A_63 : memref<!tpu.dma_semaphore, #tpu.memory_space<semaphore_mem>>)
      %dma_wait3A_68 = arith.constant 0 : i32
      %dma_wait3A_69 = tpu.memref_slice %arg10[%add3A_10, %dma_wait3A_68] : memref<10240x128xf32, #tpu.memory_space<vmem_shared>> -> memref<80x128xf32, #tpu.memory_space<vmem_shared>>
      %dma_wait3A_70 = arith.constant 0 : i32
      %dma_wait3A_71 = tpu.memref_slice %arg10[%add3A_10, %dma_wait3A_70] : memref<10240x128xf32, #tpu.memory_space<vmem_shared>> -> memref<80x128xf32, #tpu.memory_space<vmem_shared>>
      tpu.wait_dma2 semaphore(%run_scoped3A_63 : memref<!tpu.dma_semaphore, #tpu.memory_space<semaphore_mem>>) src(%arg8 : memref<80x128xf32, #tpu.memory_space<vmem>>) dst(%dma_wait3A_71 : memref<80x128xf32, #tpu.memory_space<vmem_shared>>)
      tpu.yield
    }) : () -> ()
    %mul3A_11 = arith.constant 640 : i32
    %mul3A_12 = arith.muli %arg1, %mul3A_11 : i32
    %add3A_13 = arith.constant 80 : i32
    %add3A_14 = arith.addi %mul3A_12, %add3A_13 : i32
    "tpu.region"() ({
      %run_scoped3A_63 = tpu.sem_alloc : memref<!tpu.dma_semaphore, #tpu.memory_space<semaphore_mem>>
      %dma_start3A_64 = arith.constant 0 : i32
      %dma_start3A_65 = tpu.memref_slice %arg10[%add3A_14, %dma_start3A_64] : memref<10240x128xf32, #tpu.memory_space<vmem_shared>> -> memref<80x128xf32, #tpu.memory_space<vmem_shared>>
      %dma_start3A_66 = arith.constant 0 : i32
      %dma_start3A_67 = tpu.memref_slice %arg10[%add3A_14, %dma_start3A_66] : memref<10240x128xf32, #tpu.memory_space<vmem_shared>> -> memref<80x128xf32, #tpu.memory_space<vmem_shared>>
      tpu.enqueue_dma source(%arg8 : memref<80x128xf32, #tpu.memory_space<vmem>>) target(%dma_start3A_67 : memref<80x128xf32, #tpu.memory_space<vmem_shared>>) target_semaphore(%run_scoped3A_63 : memref<!tpu.dma_semaphore, #tpu.memory_space<semaphore_mem>>)
      %dma_wait3A_68 = arith.constant 0 : i32
      %dma_wait3A_69 = tpu.memref_slice %arg10[%add3A_14, %dma_wait3A_68] : memref<10240x128xf32, #tpu.memory_space<vmem_shared>> -> memref<80x128xf32, #tpu.memory_space<vmem_shared>>
      %dma_wait3A_70 = arith.constant 0 : i32
      %dma_wait3A_71 = tpu.memref_slice %arg10[%add3A_14, %dma_wait3A_70] : memref<10240x128xf32, #tpu.memory_space<vmem_shared>> -> memref<80x128xf32, #tpu.memory_space<vmem_shared>>
      tpu.wait_dma2 semaphore(%run_scoped3A_63 : memref<!tpu.dma_semaphore, #tpu.memory_space<semaphore_mem>>) src(%arg8 : memref<80x128xf32, #tpu.memory_space<vmem>>) dst(%dma_wait3A_71 : memref<80x128xf32, #tpu.memory_space<vmem_shared>>)
      tpu.yield
    }) : () -> ()
    %mul3A_15 = arith.constant 640 : i32
    %mul3A_16 = arith.muli %arg1, %mul3A_15 : i32
    %add3A_17 = arith.constant 160 : i32
    %add3A_18 = arith.addi %mul3A_16, %add3A_17 : i32
    "tpu.region"() ({
      %run_scoped3A_63 = tpu.sem_alloc : memref<!tpu.dma_semaphore, #tpu.memory_space<semaphore_mem>>
      %dma_start3A_64 = arith.constant 0 : i32
      %dma_start3A_65 = tpu.memref_slice %arg10[%add3A_18, %dma_start3A_64] : memref<10240x128xf32, #tpu.memory_space<vmem_shared>> -> memref<80x128xf32, #tpu.memory_space<vmem_shared>>
      %dma_start3A_66 = arith.constant 0 : i32
      %dma_start3A_67 = tpu.memref_slice %arg10[%add3A_18, %dma_start3A_66] : memref<10240x128xf32, #tpu.memory_space<vmem_shared>> -> memref<80x128xf32, #tpu.memory_space<vmem_shared>>
      tpu.enqueue_dma source(%arg8 : memref<80x128xf32, #tpu.memory_space<vmem>>) target(%dma_start3A_67 : memref<80x128xf32, #tpu.memory_space<vmem_shared>>) target_semaphore(%run_scoped3A_63 : memref<!tpu.dma_semaphore, #tpu.memory_space<semaphore_mem>>)
      %dma_wait3A_68 = arith.constant 0 : i32
      %dma_wait3A_69 = tpu.memref_slice %arg10[%add3A_18, %dma_wait3A_68] : memref<10240x128xf32, #tpu.memory_space<vmem_shared>> -> memref<80x128xf32, #tpu.memory_space<vmem_shared>>
      %dma_wait3A_70 = arith.constant 0 : i32
      %dma_wait3A_71 = tpu.memref_slice %arg10[%add3A_18, %dma_wait3A_70] : memref<10240x128xf32, #tpu.memory_space<vmem_shared>> -> memref<80x128xf32, #tpu.memory_space<vmem_shared>>
      tpu.wait_dma2 semaphore(%run_scoped3A_63 : memref<!tpu.dma_semaphore, #tpu.memory_space<semaphore_mem>>) src(%arg8 : memref<80x128xf32, #tpu.memory_space<vmem>>) dst(%dma_wait3A_71 : memref<80x128xf32, #tpu.memory_space<vmem_shared>>)
      tpu.yield
    }) : () -> ()
    %mul3A_19 = arith.constant 640 : i32
    %mul3A_20 = arith.muli %arg1, %mul3A_19 : i32
    %add3A_21 = arith.constant 240 : i32
    %add3A_22 = arith.addi %mul3A_20, %add3A_21 : i32
    "tpu.region"() ({
      %run_scoped3A_63 = tpu.sem_alloc : memref<!tpu.dma_semaphore, #tpu.memory_space<semaphore_mem>>
      %dma_start3A_64 = arith.constant 0 : i32
      %dma_start3A_65 = tpu.memref_slice %arg10[%add3A_22, %dma_start3A_64] : memref<10240x128xf32, #tpu.memory_space<vmem_shared>> -> memref<80x128xf32, #tpu.memory_space<vmem_shared>>
      %dma_start3A_66 = arith.constant 0 : i32
      %dma_start3A_67 = tpu.memref_slice %arg10[%add3A_22, %dma_start3A_66] : memref<10240x128xf32, #tpu.memory_space<vmem_shared>> -> memref<80x128xf32, #tpu.memory_space<vmem_shared>>
      tpu.enqueue_dma source(%arg8 : memref<80x128xf32, #tpu.memory_space<vmem>>) target(%dma_start3A_67 : memref<80x128xf32, #tpu.memory_space<vmem_shared>>) target_semaphore(%run_scoped3A_63 : memref<!tpu.dma_semaphore, #tpu.memory_space<semaphore_mem>>)
      %dma_wait3A_68 = arith.constant 0 : i32
      %dma_wait3A_69 = tpu.memref_slice %arg10[%add3A_22, %dma_wait3A_68] : memref<10240x128xf32, #tpu.memory_space<vmem_shared>> -> memref<80x128xf32, #tpu.memory_space<vmem_shared>>
      %dma_wait3A_70 = arith.constant 0 : i32
      %dma_wait3A_71 = tpu.memref_slice %arg10[%add3A_22, %dma_wait3A_70] : memref<10240x128xf32, #tpu.memory_space<vmem_shared>> -> memref<80x128xf32, #tpu.memory_space<vmem_shared>>
      tpu.wait_dma2 semaphore(%run_scoped3A_63 : memref<!tpu.dma_semaphore, #tpu.memory_space<semaphore_mem>>) src(%arg8 : memref<80x128xf32, #tpu.memory_space<vmem>>) dst(%dma_wait3A_71 : memref<80x128xf32, #tpu.memory_space<vmem_shared>>)
      tpu.yield
    }) : () -> ()
    %mul3A_23 = arith.constant 640 : i32
    %mul3A_24 = arith.muli %arg1, %mul3A_23 : i32
    %add3A_25 = arith.constant 320 : i32
    %add3A_26 = arith.addi %mul3A_24, %add3A_25 : i32
    "tpu.region"() ({
      %run_scoped3A_63 = tpu.sem_alloc : memref<!tpu.dma_semaphore, #tpu.memory_space<semaphore_mem>>
      %dma_start3A_64 = arith.constant 0 : i32
      %dma_start3A_65 = tpu.memref_slice %arg10[%add3A_26, %dma_start3A_64] : memref<10240x128xf32, #tpu.memory_space<vmem_shared>> -> memref<80x128xf32, #tpu.memory_space<vmem_shared>>
      %dma_start3A_66 = arith.constant 0 : i32
      %dma_start3A_67 = tpu.memref_slice %arg10[%add3A_26, %dma_start3A_66] : memref<10240x128xf32, #tpu.memory_space<vmem_shared>> -> memref<80x128xf32, #tpu.memory_space<vmem_shared>>
      tpu.enqueue_dma source(%arg8 : memref<80x128xf32, #tpu.memory_space<vmem>>) target(%dma_start3A_67 : memref<80x128xf32, #tpu.memory_space<vmem_shared>>) target_semaphore(%run_scoped3A_63 : memref<!tpu.dma_semaphore, #tpu.memory_space<semaphore_mem>>)
      %dma_wait3A_68 = arith.constant 0 : i32
      %dma_wait3A_69 = tpu.memref_slice %arg10[%add3A_26, %dma_wait3A_68] : memref<10240x128xf32, #tpu.memory_space<vmem_shared>> -> memref<80x128xf32, #tpu.memory_space<vmem_shared>>
      %dma_wait3A_70 = arith.constant 0 : i32
      %dma_wait3A_71 = tpu.memref_slice %arg10[%add3A_26, %dma_wait3A_70] : memref<10240x128xf32, #tpu.memory_space<vmem_shared>> -> memref<80x128xf32, #tpu.memory_space<vmem_shared>>
      tpu.wait_dma2 semaphore(%run_scoped3A_63 : memref<!tpu.dma_semaphore, #tpu.memory_space<semaphore_mem>>) src(%arg8 : memref<80x128xf32, #tpu.memory_space<vmem>>) dst(%dma_wait3A_71 : memref<80x128xf32, #tpu.memory_space<vmem_shared>>)
      tpu.yield
    }) : () -> ()
    %mul3A_27 = arith.constant 640 : i32
    %mul3A_28 = arith.muli %arg1, %mul3A_27 : i32
    %add3A_29 = arith.constant 400 : i32
    %add3A_30 = arith.addi %mul3A_28, %add3A_29 : i32
    "tpu.region"() ({
      %run_scoped3A_63 = tpu.sem_alloc : memref<!tpu.dma_semaphore, #tpu.memory_space<semaphore_mem>>
      %dma_start3A_64 = arith.constant 0 : i32
      %dma_start3A_65 = tpu.memref_slice %arg10[%add3A_30, %dma_start3A_64] : memref<10240x128xf32, #tpu.memory_space<vmem_shared>> -> memref<80x128xf32, #tpu.memory_space<vmem_shared>>
      %dma_start3A_66 = arith.constant 0 : i32
      %dma_start3A_67 = tpu.memref_slice %arg10[%add3A_30, %dma_start3A_66] : memref<10240x128xf32, #tpu.memory_space<vmem_shared>> -> memref<80x128xf32, #tpu.memory_space<vmem_shared>>
      tpu.enqueue_dma source(%arg8 : memref<80x128xf32, #tpu.memory_space<vmem>>) target(%dma_start3A_67 : memref<80x128xf32, #tpu.memory_space<vmem_shared>>) target_semaphore(%run_scoped3A_63 : memref<!tpu.dma_semaphore, #tpu.memory_space<semaphore_mem>>)
      %dma_wait3A_68 = arith.constant 0 : i32
      %dma_wait3A_69 = tpu.memref_slice %arg10[%add3A_30, %dma_wait3A_68] : memref<10240x128xf32, #tpu.memory_space<vmem_shared>> -> memref<80x128xf32, #tpu.memory_space<vmem_shared>>
      %dma_wait3A_70 = arith.constant 0 : i32
      %dma_wait3A_71 = tpu.memref_slice %arg10[%add3A_30, %dma_wait3A_70] : memref<10240x128xf32, #tpu.memory_space<vmem_shared>> -> memref<80x128xf32, #tpu.memory_space<vmem_shared>>
      tpu.wait_dma2 semaphore(%run_scoped3A_63 : memref<!tpu.dma_semaphore, #tpu.memory_space<semaphore_mem>>) src(%arg8 : memref<80x128xf32, #tpu.memory_space<vmem>>) dst(%dma_wait3A_71 : memref<80x128xf32, #tpu.memory_space<vmem_shared>>)
      tpu.yield
    }) : () -> ()
    %mul3A_31 = arith.constant 640 : i32
    %mul3A_32 = arith.muli %arg1, %mul3A_31 : i32
    %add3A_33 = arith.constant 480 : i32
    %add3A_34 = arith.addi %mul3A_32, %add3A_33 : i32
    "tpu.region"() ({
      %run_scoped3A_63 = tpu.sem_alloc : memref<!tpu.dma_semaphore, #tpu.memory_space<semaphore_mem>>
      %dma_start3A_64 = arith.constant 0 : i32
      %dma_start3A_65 = tpu.memref_slice %arg10[%add3A_34, %dma_start3A_64] : memref<10240x128xf32, #tpu.memory_space<vmem_shared>> -> memref<80x128xf32, #tpu.memory_space<vmem_shared>>
      %dma_start3A_66 = arith.constant 0 : i32
      %dma_start3A_67 = tpu.memref_slice %arg10[%add3A_34, %dma_start3A_66] : memref<10240x128xf32, #tpu.memory_space<vmem_shared>> -> memref<80x128xf32, #tpu.memory_space<vmem_shared>>
      tpu.enqueue_dma source(%arg8 : memref<80x128xf32, #tpu.memory_space<vmem>>) target(%dma_start3A_67 : memref<80x128xf32, #tpu.memory_space<vmem_shared>>) target_semaphore(%run_scoped3A_63 : memref<!tpu.dma_semaphore, #tpu.memory_space<semaphore_mem>>)
      %dma_wait3A_68 = arith.constant 0 : i32
      %dma_wait3A_69 = tpu.memref_slice %arg10[%add3A_34, %dma_wait3A_68] : memref<10240x128xf32, #tpu.memory_space<vmem_shared>> -> memref<80x128xf32, #tpu.memory_space<vmem_shared>>
      %dma_wait3A_70 = arith.constant 0 : i32
      %dma_wait3A_71 = tpu.memref_slice %arg10[%add3A_34, %dma_wait3A_70] : memref<10240x128xf32, #tpu.memory_space<vmem_shared>> -> memref<80x128xf32, #tpu.memory_space<vmem_shared>>
      tpu.wait_dma2 semaphore(%run_scoped3A_63 : memref<!tpu.dma_semaphore, #tpu.memory_space<semaphore_mem>>) src(%arg8 : memref<80x128xf32, #tpu.memory_space<vmem>>) dst(%dma_wait3A_71 : memref<80x128xf32, #tpu.memory_space<vmem_shared>>)
      tpu.yield
    }) : () -> ()
    %mul3A_35 = arith.constant 640 : i32
    %mul3A_36 = arith.muli %arg1, %mul3A_35 : i32
    %add3A_37 = arith.constant 560 : i32
    %add3A_38 = arith.addi %mul3A_36, %add3A_37 : i32
    "tpu.region"() ({
      %run_scoped3A_63 = tpu.sem_alloc : memref<!tpu.dma_semaphore, #tpu.memory_space<semaphore_mem>>
      %dma_start3A_64 = arith.constant 0 : i32
      %dma_start3A_65 = tpu.memref_slice %arg10[%add3A_38, %dma_start3A_64] : memref<10240x128xf32, #tpu.memory_space<vmem_shared>> -> memref<80x128xf32, #tpu.memory_space<vmem_shared>>
      %dma_start3A_66 = arith.constant 0 : i32
      %dma_start3A_67 = tpu.memref_slice %arg10[%add3A_38, %dma_start3A_66] : memref<10240x128xf32, #tpu.memory_space<vmem_shared>> -> memref<80x128xf32, #tpu.memory_space<vmem_shared>>
      tpu.enqueue_dma source(%arg8 : memref<80x128xf32, #tpu.memory_space<vmem>>) target(%dma_start3A_67 : memref<80x128xf32, #tpu.memory_space<vmem_shared>>) target_semaphore(%run_scoped3A_63 : memref<!tpu.dma_semaphore, #tpu.memory_space<semaphore_mem>>)
      %dma_wait3A_68 = arith.constant 0 : i32
      %dma_wait3A_69 = tpu.memref_slice %arg10[%add3A_38, %dma_wait3A_68] : memref<10240x128xf32, #tpu.memory_space<vmem_shared>> -> memref<80x128xf32, #tpu.memory_space<vmem_shared>>
      %dma_wait3A_70 = arith.constant 0 : i32
      %dma_wait3A_71 = tpu.memref_slice %arg10[%add3A_38, %dma_wait3A_70] : memref<10240x128xf32, #tpu.memory_space<vmem_shared>> -> memref<80x128xf32, #tpu.memory_space<vmem_shared>>
      tpu.wait_dma2 semaphore(%run_scoped3A_63 : memref<!tpu.dma_semaphore, #tpu.memory_space<semaphore_mem>>) src(%arg8 : memref<80x128xf32, #tpu.memory_space<vmem>>) dst(%dma_wait3A_71 : memref<80x128xf32, #tpu.memory_space<vmem_shared>>)
      tpu.yield
    }) : () -> ()
    %dma_start3A = arith.constant 0 : i32
    %dma_start3A_39 = tpu.memref_slice %arg6[%dma_start3A] : memref<10000xi32, #tpu.memory_space<vmem>> -> memref<80xi32, #tpu.memory_space<vmem>>
    %dma_start3A_40 = arith.constant 0 : i32
    %dma_start3A_41 = arith.constant 0 : i32
    %dma_start3A_42 = tpu.memref_slice %arg2[%dma_start3A_40, %dma_start3A_41] : memref<10240x128xf32, #tpu.memory_space<hbm>> -> memref<10240x128xf32, #tpu.memory_space<hbm>>
    tpu.enqueue_indirect_dma source(%dma_start3A_42 : memref<10240x128xf32, #tpu.memory_space<hbm>>) target(%arg8 : memref<80x128xf32, #tpu.memory_space<vmem>>) offsets(%dma_start3A_39 : memref<80xi32, #tpu.memory_space<vmem>>) semaphore(%arg11 : memref<!tpu.dma_semaphore, #tpu.memory_space<semaphore_mem>>)
    %dma_start3A_43 = arith.constant 80 : i32
    %dma_start3A_44 = tpu.memref_slice %arg6[%dma_start3A_43] : memref<10000xi32, #tpu.memory_space<vmem>> -> memref<80xi32, #tpu.memory_space<vmem>>
    %dma_start3A_45 = arith.constant 0 : i32
    %dma_start3A_46 = arith.constant 0 : i32
    %dma_start3A_47 = tpu.memref_slice %arg2[%dma_start3A_45, %dma_start3A_46] : memref<10240x128xf32, #tpu.memory_space<hbm>> -> memref<10240x128xf32, #tpu.memory_space<hbm>>
    tpu.enqueue_indirect_dma source(%dma_start3A_47 : memref<10240x128xf32, #tpu.memory_space<hbm>>) target(%arg9 : memref<80x128xf32, #tpu.memory_space<vmem>>) offsets(%dma_start3A_44 : memref<80xi32, #tpu.memory_space<vmem>>) semaphore(%arg12 : memref<!tpu.dma_semaphore, #tpu.memory_space<semaphore_mem>>)
    %barrier3A = arith.constant 0 : index
    tpu.barrier barrier_id(%barrier3A)
    %scan3A_48 = arith.constant 0 : i32
    %scan3A_49 = arith.constant 0 : i32
    %scan3A_50 = arith.constant 62 : i32
    %scan3A_51 = arith.addi %scan3A_49, %scan3A_50 : i32
    %scan3A_52 = arith.constant 1 : i32
    scf.for %scan3A_63 = %scan3A_49 to %scan3A_51 step %scan3A_52  : i32 {
      %mul3A_64 = arith.constant 2 : i32
      %mul3A_65 = arith.muli %scan3A_63, %mul3A_64 : i32
      %add3A_66 = arith.constant 0 : i32
      %add3A_67 = arith.addi %mul3A_65, %add3A_66 : i32
      %dma_wait3A_68 = arith.constant 0 : i32
      %dma_wait3A_69 = tpu.memref_slice %arg6[%dma_wait3A_68] : memref<10000xi32, #tpu.memory_space<vmem>> -> memref<80xi32, #tpu.memory_space<vmem>>
      %dma_wait3A_70 = arith.constant 0 : i32
      %dma_wait3A_71 = arith.constant 0 : i32
      %dma_wait3A_72 = tpu.memref_slice %arg2[%dma_wait3A_70, %dma_wait3A_71] : memref<10240x128xf32, #tpu.memory_space<hbm>> -> memref<10240x128xf32, #tpu.memory_space<hbm>>
      tpu.wait_indirect_dma semaphore(%arg11 : memref<!tpu.dma_semaphore, #tpu.memory_space<semaphore_mem>>) src(%dma_wait3A_72 : memref<10240x128xf32, #tpu.memory_space<hbm>>) dst(%arg8 : memref<80x128xf32, #tpu.memory_space<vmem>>)
      "tpu.region"() ({
        %run_scoped3A_93 = tpu.sem_alloc : memref<!tpu.dma_semaphore, #tpu.memory_space<semaphore_mem>>
        %dma_start3A_94 = arith.constant 0 : i32
        %dma_start3A_95 = tpu.memref_slice %arg7[%add3A_67, %dma_start3A_94] : memref<125x80xi32, #tpu.memory_space<vmem>> -> memref<1x80xi32, #tpu.memory_space<vmem>>
        %dma_start3A_96 = tpu.memref_squeeze %dma_start3A_95 : memref<1x80xi32, #tpu.memory_space<vmem>> -> memref<80xi32, #tpu.memory_space<vmem>>
        %dma_start3A_97 = arith.constant 0 : i32
        %dma_start3A_98 = arith.constant 0 : i32
        %dma_start3A_99 = tpu.memref_slice %arg10[%dma_start3A_97, %dma_start3A_98] : memref<10240x128xf32, #tpu.memory_space<vmem_shared>> -> memref<10240x128xf32, #tpu.memory_space<vmem_shared>>
        tpu.enqueue_indirect_dma source(%arg8 : memref<80x128xf32, #tpu.memory_space<vmem>>) target(%dma_start3A_99 : memref<10240x128xf32, #tpu.memory_space<vmem_shared>>) offsets(%dma_start3A_96 : memref<80xi32, #tpu.memory_space<vmem>>) semaphore(%run_scoped3A_93 : memref<!tpu.dma_semaphore, #tpu.memory_space<semaphore_mem>>) {add = true}
        %dma_wait3A_100 = arith.constant 0 : i32
        %dma_wait3A_101 = tpu.memref_slice %arg7[%add3A_67, %dma_wait3A_100] : memref<125x80xi32, #tpu.memory_space<vmem>> -> memref<1x80xi32, #tpu.memory_space<vmem>>
        %dma_wait3A_102 = tpu.memref_squeeze %dma_wait3A_101 : memref<1x80xi32, #tpu.memory_space<vmem>> -> memref<80xi32, #tpu.memory_space<vmem>>
        %dma_wait3A_103 = arith.constant 0 : i32
        %dma_wait3A_104 = arith.constant 0 : i32
        %dma_wait3A_105 = tpu.memref_slice %arg10[%dma_wait3A_103, %dma_wait3A_104] : memref<10240x128xf32, #tpu.memory_space<vmem_shared>> -> memref<10240x128xf32, #tpu.memory_space<vmem_shared>>
        tpu.wait_indirect_dma semaphore(%run_scoped3A_93 : memref<!tpu.dma_semaphore, #tpu.memory_space<semaphore_mem>>) src(%arg8 : memref<80x128xf32, #tpu.memory_space<vmem>>) dst(%dma_wait3A_105 : memref<10240x128xf32, #tpu.memory_space<vmem_shared>>)
        tpu.yield
      }) : () -> ()
      %add3A_73 = arith.constant 2 : i32
      %add3A_74 = arith.addi %add3A_67, %add3A_73 : i32
      %lt3A = arith.constant 125 : i32
      %lt3A_75 = arith.cmpi slt, %add3A_74, %lt3A : i32
      %convert_element_type3A = arith.extui %lt3A_75 : i1 to i32
      %cond3A = arith.constant 0 : i32
      %cond3A_76 = arith.cmpi ne, %convert_element_type3A, %cond3A : i32
      scf.if %cond3A_76 {
        %add3A_93 = arith.constant 2 : i32
        %add3A_94 = arith.addi %add3A_67, %add3A_93 : i32
        %mul3A_95 = arith.constant 80 : i32
        %mul3A_96 = arith.muli %add3A_94, %mul3A_95 : i32
        %dma_start3A_97 = tpu.memref_slice %arg6[%mul3A_96] : memref<10000xi32, #tpu.memory_space<vmem>> -> memref<80xi32, #tpu.memory_space<vmem>>
        %dma_start3A_98 = arith.constant 0 : i32
        %dma_start3A_99 = arith.constant 0 : i32
        %dma_start3A_100 = tpu.memref_slice %arg2[%dma_start3A_98, %dma_start3A_99] : memref<10240x128xf32, #tpu.memory_space<hbm>> -> memref<10240x128xf32, #tpu.memory_space<hbm>>
        tpu.enqueue_indirect_dma source(%dma_start3A_100 : memref<10240x128xf32, #tpu.memory_space<hbm>>) target(%arg8 : memref<80x128xf32, #tpu.memory_space<vmem>>) offsets(%dma_start3A_97 : memref<80xi32, #tpu.memory_space<vmem>>) semaphore(%arg11 : memref<!tpu.dma_semaphore, #tpu.memory_space<semaphore_mem>>)
      } else {
      }
      %mul3A_77 = arith.constant 2 : i32
      %mul3A_78 = arith.muli %scan3A_63, %mul3A_77 : i32
      %add3A_79 = arith.constant 1 : i32
      %add3A_80 = arith.addi %mul3A_78, %add3A_79 : i32
      %dma_wait3A_81 = arith.constant 0 : i32
      %dma_wait3A_82 = tpu.memref_slice %arg6[%dma_wait3A_81] : memref<10000xi32, #tpu.memory_space<vmem>> -> memref<80xi32, #tpu.memory_space<vmem>>
      %dma_wait3A_83 = arith.constant 0 : i32
      %dma_wait3A_84 = arith.constant 0 : i32
      %dma_wait3A_85 = tpu.memref_slice %arg2[%dma_wait3A_83, %dma_wait3A_84] : memref<10240x128xf32, #tpu.memory_space<hbm>> -> memref<10240x128xf32, #tpu.memory_space<hbm>>
      tpu.wait_indirect_dma semaphore(%arg12 : memref<!tpu.dma_semaphore, #tpu.memory_space<semaphore_mem>>) src(%dma_wait3A_85 : memref<10240x128xf32, #tpu.memory_space<hbm>>) dst(%arg9 : memref<80x128xf32, #tpu.memory_space<vmem>>)
      "tpu.region"() ({
        %run_scoped3A_93 = tpu.sem_alloc : memref<!tpu.dma_semaphore, #tpu.memory_space<semaphore_mem>>
        %dma_start3A_94 = arith.constant 0 : i32
        %dma_start3A_95 = tpu.memref_slice %arg7[%add3A_80, %dma_start3A_94] : memref<125x80xi32, #tpu.memory_space<vmem>> -> memref<1x80xi32, #tpu.memory_space<vmem>>
        %dma_start3A_96 = tpu.memref_squeeze %dma_start3A_95 : memref<1x80xi32, #tpu.memory_space<vmem>> -> memref<80xi32, #tpu.memory_space<vmem>>
        %dma_start3A_97 = arith.constant 0 : i32
        %dma_start3A_98 = arith.constant 0 : i32
        %dma_start3A_99 = tpu.memref_slice %arg10[%dma_start3A_97, %dma_start3A_98] : memref<10240x128xf32, #tpu.memory_space<vmem_shared>> -> memref<10240x128xf32, #tpu.memory_space<vmem_shared>>
        tpu.enqueue_indirect_dma source(%arg9 : memref<80x128xf32, #tpu.memory_space<vmem>>) target(%dma_start3A_99 : memref<10240x128xf32, #tpu.memory_space<vmem_shared>>) offsets(%dma_start3A_96 : memref<80xi32, #tpu.memory_space<vmem>>) semaphore(%run_scoped3A_93 : memref<!tpu.dma_semaphore, #tpu.memory_space<semaphore_mem>>) {add = true}
        %dma_wait3A_100 = arith.constant 0 : i32
        %dma_wait3A_101 = tpu.memref_slice %arg7[%add3A_80, %dma_wait3A_100] : memref<125x80xi32, #tpu.memory_space<vmem>> -> memref<1x80xi32, #tpu.memory_space<vmem>>
        %dma_wait3A_102 = tpu.memref_squeeze %dma_wait3A_101 : memref<1x80xi32, #tpu.memory_space<vmem>> -> memref<80xi32, #tpu.memory_space<vmem>>
        %dma_wait3A_103 = arith.constant 0 : i32
        %dma_wait3A_104 = arith.constant 0 : i32
        %dma_wait3A_105 = tpu.memref_slice %arg10[%dma_wait3A_103, %dma_wait3A_104] : memref<10240x128xf32, #tpu.memory_space<vmem_shared>> -> memref<10240x128xf32, #tpu.memory_space<vmem_shared>>
        tpu.wait_indirect_dma semaphore(%run_scoped3A_93 : memref<!tpu.dma_semaphore, #tpu.memory_space<semaphore_mem>>) src(%arg9 : memref<80x128xf32, #tpu.memory_space<vmem>>) dst(%dma_wait3A_105 : memref<10240x128xf32, #tpu.memory_space<vmem_shared>>)
        tpu.yield
      }) : () -> ()
      %add3A_86 = arith.constant 2 : i32
      %add3A_87 = arith.addi %add3A_80, %add3A_86 : i32
      %lt3A_88 = arith.constant 125 : i32
      %lt3A_89 = arith.cmpi slt, %add3A_87, %lt3A_88 : i32
      %convert_element_type3A_90 = arith.extui %lt3A_89 : i1 to i32
      %cond3A_91 = arith.constant 0 : i32
      %cond3A_92 = arith.cmpi ne, %convert_element_type3A_90, %cond3A_91 : i32
      scf.if %cond3A_92 {
        %add3A_93 = arith.constant 2 : i32
        %add3A_94 = arith.addi %add3A_80, %add3A_93 : i32
        %mul3A_95 = arith.constant 80 : i32
        %mul3A_96 = arith.muli %add3A_94, %mul3A_95 : i32
        %dma_start3A_97 = tpu.memref_slice %arg6[%mul3A_96] : memref<10000xi32, #tpu.memory_space<vmem>> -> memref<80xi32, #tpu.memory_space<vmem>>
        %dma_start3A_98 = arith.constant 0 : i32
        %dma_start3A_99 = arith.constant 0 : i32
        %dma_start3A_100 = tpu.memref_slice %arg2[%dma_start3A_98, %dma_start3A_99] : memref<10240x128xf32, #tpu.memory_space<hbm>> -> memref<10240x128xf32, #tpu.memory_space<hbm>>
        tpu.enqueue_indirect_dma source(%dma_start3A_100 : memref<10240x128xf32, #tpu.memory_space<hbm>>) target(%arg9 : memref<80x128xf32, #tpu.memory_space<vmem>>) offsets(%dma_start3A_97 : memref<80xi32, #tpu.memory_space<vmem>>) semaphore(%arg12 : memref<!tpu.dma_semaphore, #tpu.memory_space<semaphore_mem>>)
      } else {
      }
    }
    %scan3A_53 = arith.constant 62 : i32
    %dma_wait3A = arith.constant 0 : i32
    %dma_wait3A_54 = tpu.memref_slice %arg6[%dma_wait3A] : memref<10000xi32, #tpu.memory_space<vmem>> -> memref<80xi32, #tpu.memory_space<vmem>>
    %dma_wait3A_55 = arith.constant 0 : i32
    %dma_wait3A_56 = arith.constant 0 : i32
    %dma_wait3A_57 = tpu.memref_slice %arg2[%dma_wait3A_55, %dma_wait3A_56] : memref<10240x128xf32, #tpu.memory_space<hbm>> -> memref<10240x128xf32, #tpu.memory_space<hbm>>
    tpu.wait_indirect_dma semaphore(%arg11 : memref<!tpu.dma_semaphore, #tpu.memory_space<semaphore_mem>>) src(%dma_wait3A_57 : memref<10240x128xf32, #tpu.memory_space<hbm>>) dst(%arg8 : memref<80x128xf32, #tpu.memory_space<vmem>>)
    %run_scoped3A = arith.constant 124 : i32
    "tpu.region"() ({
      %run_scoped3A_63 = tpu.sem_alloc : memref<!tpu.dma_semaphore, #tpu.memory_space<semaphore_mem>>
      %dma_start3A_64 = arith.constant 0 : i32
      %dma_start3A_65 = tpu.memref_slice %arg7[%run_scoped3A, %dma_start3A_64] : memref<125x80xi32, #tpu.memory_space<vmem>> -> memref<1x80xi32, #tpu.memory_space<vmem>>
      %dma_start3A_66 = tpu.memref_squeeze %dma_start3A_65 : memref<1x80xi32, #tpu.memory_space<vmem>> -> memref<80xi32, #tpu.memory_space<vmem>>
      %dma_start3A_67 = arith.constant 0 : i32
      %dma_start3A_68 = arith.constant 0 : i32
      %dma_start3A_69 = tpu.memref_slice %arg10[%dma_start3A_67, %dma_start3A_68] : memref<10240x128xf32, #tpu.memory_space<vmem_shared>> -> memref<10240x128xf32, #tpu.memory_space<vmem_shared>>
      tpu.enqueue_indirect_dma source(%arg8 : memref<80x128xf32, #tpu.memory_space<vmem>>) target(%dma_start3A_69 : memref<10240x128xf32, #tpu.memory_space<vmem_shared>>) offsets(%dma_start3A_66 : memref<80xi32, #tpu.memory_space<vmem>>) semaphore(%run_scoped3A_63 : memref<!tpu.dma_semaphore, #tpu.memory_space<semaphore_mem>>) {add = true}
      %dma_wait3A_70 = arith.constant 0 : i32
      %dma_wait3A_71 = tpu.memref_slice %arg7[%run_scoped3A, %dma_wait3A_70] : memref<125x80xi32, #tpu.memory_space<vmem>> -> memref<1x80xi32, #tpu.memory_space<vmem>>
      %dma_wait3A_72 = tpu.memref_squeeze %dma_wait3A_71 : memref<1x80xi32, #tpu.memory_space<vmem>> -> memref<80xi32, #tpu.memory_space<vmem>>
      %dma_wait3A_73 = arith.constant 0 : i32
      %dma_wait3A_74 = arith.constant 0 : i32
      %dma_wait3A_75 = tpu.memref_slice %arg10[%dma_wait3A_73, %dma_wait3A_74] : memref<10240x128xf32, #tpu.memory_space<vmem_shared>> -> memref<10240x128xf32, #tpu.memory_space<vmem_shared>>
      tpu.wait_indirect_dma semaphore(%run_scoped3A_63 : memref<!tpu.dma_semaphore, #tpu.memory_space<semaphore_mem>>) src(%arg8 : memref<80x128xf32, #tpu.memory_space<vmem>>) dst(%dma_wait3A_75 : memref<10240x128xf32, #tpu.memory_space<vmem_shared>>)
      tpu.yield
    }) : () -> ()
    %barrier3A_58 = arith.constant 0 : index
    tpu.barrier barrier_id(%barrier3A_58)
    %mul3A_59 = arith.constant 640 : i32
    %mul3A_60 = arith.muli %arg1, %mul3A_59 : i32
    %mul3A_61 = arith.constant 640 : i32
    %mul3A_62 = arith.muli %arg1, %mul3A_61 : i32
    "tpu.region"() ({
      %run_scoped3A_63 = tpu.sem_alloc : memref<!tpu.dma_semaphore, #tpu.memory_space<semaphore_mem>>
      %dma_start3A_64 = arith.constant 0 : i32
      %dma_start3A_65 = tpu.memref_slice %arg5[%arg0, %mul3A_62, %dma_start3A_64] : memref<2x10240x128xf32, #tpu.memory_space<hbm>> -> memref<1x640x128xf32, #tpu.memory_space<hbm>>
      %dma_start3A_66 = tpu.memref_squeeze %dma_start3A_65 : memref<1x640x128xf32, #tpu.memory_space<hbm>> -> memref<640x128xf32, #tpu.memory_space<hbm>>
      %dma_start3A_67 = arith.constant 0 : i32
      %dma_start3A_68 = tpu.memref_slice %arg10[%mul3A_60, %dma_start3A_67] : memref<10240x128xf32, #tpu.memory_space<vmem_shared>> -> memref<640x128xf32, #tpu.memory_space<vmem_shared>>
      tpu.enqueue_dma source(%dma_start3A_68 : memref<640x128xf32, #tpu.memory_space<vmem_shared>>) target(%dma_start3A_66 : memref<640x128xf32, #tpu.memory_space<hbm>>) target_semaphore(%run_scoped3A_63 : memref<!tpu.dma_semaphore, #tpu.memory_space<semaphore_mem>>)
      %dma_wait3A_69 = arith.constant 0 : i32
      %dma_wait3A_70 = tpu.memref_slice %arg5[%arg0, %mul3A_62, %dma_wait3A_69] : memref<2x10240x128xf32, #tpu.memory_space<hbm>> -> memref<1x640x128xf32, #tpu.memory_space<hbm>>
      %dma_wait3A_71 = tpu.memref_squeeze %dma_wait3A_70 : memref<1x640x128xf32, #tpu.memory_space<hbm>> -> memref<640x128xf32, #tpu.memory_space<hbm>>
      %dma_wait3A_72 = arith.constant 0 : i32
      %dma_wait3A_73 = tpu.memref_slice %arg10[%mul3A_60, %dma_wait3A_72] : memref<10240x128xf32, #tpu.memory_space<vmem_shared>> -> memref<640x128xf32, #tpu.memory_space<vmem_shared>>
      tpu.wait_dma2 semaphore(%run_scoped3A_63 : memref<!tpu.dma_semaphore, #tpu.memory_space<semaphore_mem>>) src(%dma_wait3A_73 : memref<640x128xf32, #tpu.memory_space<vmem_shared>>) dst(%dma_wait3A_71 : memref<640x128xf32, #tpu.memory_space<hbm>>)
      tpu.yield
    }) : () -> ()
    return
  }
}

#map = affine_map<(d0, d1) -> (0, 0)>
#map1 = affine_map<(d0, d1) -> (0, 0, 0)>
module attributes {stable_mosaic.version = 14 : i64} {
  func.func @_segsum(%arg0: i32, %arg1: i32, %arg2: memref<10240x128xf32, #tpu.memory_space<hbm>>, %arg3: memref<32x10000xi32, #tpu.memory_space<hbm>>, %arg4: memref<32x125x80xi32, #tpu.memory_space<hbm>>, %arg5: memref<2x10240x128xf32, #tpu.memory_space<hbm>>, %arg6: memref<10000xi32, #tpu.memory_space<vmem>>, %arg7: memref<125x80xi32, #tpu.memory_space<vmem>>, %arg8: memref<80x128xf32, #tpu.memory_space<vmem>>, %arg9: memref<80x128xf32, #tpu.memory_space<vmem>>, %arg10: memref<10240x128xf32, #tpu.memory_space<vmem_shared>>, %arg11: memref<!tpu.dma_semaphore, #tpu.memory_space<semaphore_mem>>, %arg12: memref<!tpu.dma_semaphore, #tpu.memory_space<semaphore_mem>>) attributes {dimension_semantics = [#tpu.dimension_semantics<core_parallel>, #tpu.dimension_semantics<subcore_parallel>], iteration_bounds = array<i64: 2, 16>, scalar_prefetch = 0 : i64, scratch_operands = 7 : i64, tpu.core_type = #tpu.core_type<sc_vector_subcore>, window_params = [{transform_indices = #map}, {transform_indices = #map}, {transform_indices = #map1}, {transform_indices = #map1}]} {
    %mul3A = arith.constant 16 : i32
    %mul3A_0 = arith.muli %arg0, %mul3A : i32
    %add3A = arith.addi %mul3A_0, %arg1 : i32
    "tpu.region"() ({
      %run_scoped3A_63 = tpu.sem_alloc : memref<!tpu.dma_semaphore, #tpu.memory_space<semaphore_mem>>
      %dma_start3A_64 = arith.constant 0 : i32
      %dma_start3A_65 = tpu.memref_slice %arg3[%add3A, %dma_start3A_64] : memref<32x10000xi32, #tpu.memory_space<hbm>> -> memref<1x10000xi32, #tpu.memory_space<hbm>>
      %dma_start3A_66 = tpu.memref_squeeze %dma_start3A_65 : memref<1x10000xi32, #tpu.memory_space<hbm>> -> memref<10000xi32, #tpu.memory_space<hbm>>
      %dma_start3A_67 = arith.constant 0 : i32
      %dma_start3A_68 = tpu.memref_slice %arg3[%add3A, %dma_start3A_67] : memref<32x10000xi32, #tpu.memory_space<hbm>> -> memref<1x10000xi32, #tpu.memory_space<hbm>>
      %dma_start3A_69 = tpu.memref_squeeze %dma_start3A_68 : memref<1x10000xi32, #tpu.memory_space<hbm>> -> memref<10000xi32, #tpu.memory_space<hbm>>
      tpu.enqueue_dma source(%dma_start3A_69 : memref<10000xi32, #tpu.memory_space<hbm>>) target(%arg6 : memref<10000xi32, #tpu.memory_space<vmem>>) target_semaphore(%run_scoped3A_63 : memref<!tpu.dma_semaphore, #tpu.memory_space<semaphore_mem>>)
      %dma_wait3A_70 = arith.constant 0 : i32
      %dma_wait3A_71 = tpu.memref_slice %arg3[%add3A, %dma_wait3A_70] : memref<32x10000xi32, #tpu.memory_space<hbm>> -> memref<1x10000xi32, #tpu.memory_space<hbm>>
      %dma_wait3A_72 = tpu.memref_squeeze %dma_wait3A_71 : memref<1x10000xi32, #tpu.memory_space<hbm>> -> memref<10000xi32, #tpu.memory_space<hbm>>
      %dma_wait3A_73 = arith.constant 0 : i32
      %dma_wait3A_74 = tpu.memref_slice %arg3[%add3A, %dma_wait3A_73] : memref<32x10000xi32, #tpu.memory_space<hbm>> -> memref<1x10000xi32, #tpu.memory_space<hbm>>
      %dma_wait3A_75 = tpu.memref_squeeze %dma_wait3A_74 : memref<1x10000xi32, #tpu.memory_space<hbm>> -> memref<10000xi32, #tpu.memory_space<hbm>>
      tpu.wait_dma2 semaphore(%run_scoped3A_63 : memref<!tpu.dma_semaphore, #tpu.memory_space<semaphore_mem>>) src(%dma_wait3A_75 : memref<10000xi32, #tpu.memory_space<hbm>>) dst(%arg6 : memref<10000xi32, #tpu.memory_space<vmem>>)
      tpu.yield
    }) : () -> ()
    "tpu.region"() ({
      %run_scoped3A_63 = tpu.sem_alloc : memref<!tpu.dma_semaphore, #tpu.memory_space<semaphore_mem>>
      %dma_start3A_64 = arith.constant 0 : i32
      %dma_start3A_65 = arith.constant 0 : i32
      %dma_start3A_66 = tpu.memref_slice %arg4[%add3A, %dma_start3A_64, %dma_start3A_65] : memref<32x125x80xi32, #tpu.memory_space<hbm>> -> memref<1x125x80xi32, #tpu.memory_space<hbm>>
      %dma_start3A_67 = tpu.memref_squeeze %dma_start3A_66 : memref<1x125x80xi32, #tpu.memory_space<hbm>> -> memref<125x80xi32, #tpu.memory_space<hbm>>
      %dma_start3A_68 = arith.constant 0 : i32
      %dma_start3A_69 = arith.constant 0 : i32
      %dma_start3A_70 = tpu.memref_slice %arg4[%add3A, %dma_start3A_68, %dma_start3A_69] : memref<32x125x80xi32, #tpu.memory_space<hbm>> -> memref<1x125x80xi32, #tpu.memory_space<hbm>>
      %dma_start3A_71 = tpu.memref_squeeze %dma_start3A_70 : memref<1x125x80xi32, #tpu.memory_space<hbm>> -> memref<125x80xi32, #tpu.memory_space<hbm>>
      tpu.enqueue_dma source(%dma_start3A_71 : memref<125x80xi32, #tpu.memory_space<hbm>>) target(%arg7 : memref<125x80xi32, #tpu.memory_space<vmem>>) target_semaphore(%run_scoped3A_63 : memref<!tpu.dma_semaphore, #tpu.memory_space<semaphore_mem>>)
      %dma_wait3A_72 = arith.constant 0 : i32
      %dma_wait3A_73 = arith.constant 0 : i32
      %dma_wait3A_74 = tpu.memref_slice %arg4[%add3A, %dma_wait3A_72, %dma_wait3A_73] : memref<32x125x80xi32, #tpu.memory_space<hbm>> -> memref<1x125x80xi32, #tpu.memory_space<hbm>>
      %dma_wait3A_75 = tpu.memref_squeeze %dma_wait3A_74 : memref<1x125x80xi32, #tpu.memory_space<hbm>> -> memref<125x80xi32, #tpu.memory_space<hbm>>
      %dma_wait3A_76 = arith.constant 0 : i32
      %dma_wait3A_77 = arith.constant 0 : i32
      %dma_wait3A_78 = tpu.memref_slice %arg4[%add3A, %dma_wait3A_76, %dma_wait3A_77] : memref<32x125x80xi32, #tpu.memory_space<hbm>> -> memref<1x125x80xi32, #tpu.memory_space<hbm>>
      %dma_wait3A_79 = tpu.memref_squeeze %dma_wait3A_78 : memref<1x125x80xi32, #tpu.memory_space<hbm>> -> memref<125x80xi32, #tpu.memory_space<hbm>>
      tpu.wait_dma2 semaphore(%run_scoped3A_63 : memref<!tpu.dma_semaphore, #tpu.memory_space<semaphore_mem>>) src(%dma_wait3A_79 : memref<125x80xi32, #tpu.memory_space<hbm>>) dst(%arg7 : memref<125x80xi32, #tpu.memory_space<vmem>>)
      tpu.yield
    }) : () -> ()
    %broadcast_in_dim3A = arith.constant 0.000000e+00 : f32
    %broadcast_in_dim3A_1 = vector.broadcast %broadcast_in_dim3A : f32 to vector<16xf32>
    %scan3A = arith.constant 0 : i32
    %scan3A_2 = arith.constant 0 : i32
    %scan3A_3 = arith.constant 80 : i32
    %scan3A_4 = arith.addi %scan3A_2, %scan3A_3 : i32
    %scan3A_5 = arith.constant 1 : i32
    scf.for %scan3A_63 = %scan3A_2 to %scan3A_4 step %scan3A_5  : i32 {
      %swap3A = arith.index_cast %scan3A_63 : i32 to index
      %swap3A_64 = arith.constant 0 : index
      %swap3A_65 = tpu.vector_load %arg8[%swap3A, %swap3A_64] {strides = array<i32>} : memref<80x128xf32, #tpu.memory_space<vmem>>, vector<1x16xf32>,
      %swap3A_66 = vector.shape_cast %swap3A_65 : vector<1x16xf32> to vector<16xf32>
      %swap3A_67 = vector.shape_cast %broadcast_in_dim3A_1 : vector<16xf32> to vector<1x16xf32>
      tpu.vector_store %arg8[%swap3A, %swap3A_64], %swap3A_67 {strides = array<i32>} : memref<80x128xf32, #tpu.memory_space<vmem>>, vector<1x16xf32>,
      %swap3A_68 = arith.index_cast %scan3A_63 : i32 to index
      %swap3A_69 = arith.constant 16 : index
      %swap3A_70 = tpu.vector_load %arg8[%swap3A_68, %swap3A_69] {strides = array<i32>} : memref<80x128xf32, #tpu.memory_space<vmem>>, vector<1x16xf32>,
      %swap3A_71 = vector.shape_cast %swap3A_70 : vector<1x16xf32> to vector<16xf32>
      %swap3A_72 = vector.shape_cast %broadcast_in_dim3A_1 : vector<16xf32> to vector<1x16xf32>
      tpu.vector_store %arg8[%swap3A_68, %swap3A_69], %swap3A_72 {strides = array<i32>} : memref<80x128xf32, #tpu.memory_space<vmem>>, vector<1x16xf32>,
      %swap3A_73 = arith.index_cast %scan3A_63 : i32 to index
      %swap3A_74 = arith.constant 32 : index
      %swap3A_75 = tpu.vector_load %arg8[%swap3A_73, %swap3A_74] {strides = array<i32>} : memref<80x128xf32, #tpu.memory_space<vmem>>, vector<1x16xf32>,
      %swap3A_76 = vector.shape_cast %swap3A_75 : vector<1x16xf32> to vector<16xf32>
      %swap3A_77 = vector.shape_cast %broadcast_in_dim3A_1 : vector<16xf32> to vector<1x16xf32>
      tpu.vector_store %arg8[%swap3A_73, %swap3A_74], %swap3A_77 {strides = array<i32>} : memref<80x128xf32, #tpu.memory_space<vmem>>, vector<1x16xf32>,
      %swap3A_78 = arith.index_cast %scan3A_63 : i32 to index
      %swap3A_79 = arith.constant 48 : index
      %swap3A_80 = tpu.vector_load %arg8[%swap3A_78, %swap3A_79] {strides = array<i32>} : memref<80x128xf32, #tpu.memory_space<vmem>>, vector<1x16xf32>,
      %swap3A_81 = vector.shape_cast %swap3A_80 : vector<1x16xf32> to vector<16xf32>
      %swap3A_82 = vector.shape_cast %broadcast_in_dim3A_1 : vector<16xf32> to vector<1x16xf32>
      tpu.vector_store %arg8[%swap3A_78, %swap3A_79], %swap3A_82 {strides = array<i32>} : memref<80x128xf32, #tpu.memory_space<vmem>>, vector<1x16xf32>,
      %swap3A_83 = arith.index_cast %scan3A_63 : i32 to index
      %swap3A_84 = arith.constant 64 : index
      %swap3A_85 = tpu.vector_load %arg8[%swap3A_83, %swap3A_84] {strides = array<i32>} : memref<80x128xf32, #tpu.memory_space<vmem>>, vector<1x16xf32>,
      %swap3A_86 = vector.shape_cast %swap3A_85 : vector<1x16xf32> to vector<16xf32>
      %swap3A_87 = vector.shape_cast %broadcast_in_dim3A_1 : vector<16xf32> to vector<1x16xf32>
      tpu.vector_store %arg8[%swap3A_83, %swap3A_84], %swap3A_87 {strides = array<i32>} : memref<80x128xf32, #tpu.memory_space<vmem>>, vector<1x16xf32>,
      %swap3A_88 = arith.index_cast %scan3A_63 : i32 to index
      %swap3A_89 = arith.constant 80 : index
      %swap3A_90 = tpu.vector_load %arg8[%swap3A_88, %swap3A_89] {strides = array<i32>} : memref<80x128xf32, #tpu.memory_space<vmem>>, vector<1x16xf32>,
      %swap3A_91 = vector.shape_cast %swap3A_90 : vector<1x16xf32> to vector<16xf32>
      %swap3A_92 = vector.shape_cast %broadcast_in_dim3A_1 : vector<16xf32> to vector<1x16xf32>
      tpu.vector_store %arg8[%swap3A_88, %swap3A_89], %swap3A_92 {strides = array<i32>} : memref<80x128xf32, #tpu.memory_space<vmem>>, vector<1x16xf32>,
      %swap3A_93 = arith.index_cast %scan3A_63 : i32 to index
      %swap3A_94 = arith.constant 96 : index
      %swap3A_95 = tpu.vector_load %arg8[%swap3A_93, %swap3A_94] {strides = array<i32>} : memref<80x128xf32, #tpu.memory_space<vmem>>, vector<1x16xf32>,
      %swap3A_96 = vector.shape_cast %swap3A_95 : vector<1x16xf32> to vector<16xf32>
      %swap3A_97 = vector.shape_cast %broadcast_in_dim3A_1 : vector<16xf32> to vector<1x16xf32>
      tpu.vector_store %arg8[%swap3A_93, %swap3A_94], %swap3A_97 {strides = array<i32>} : memref<80x128xf32, #tpu.memory_space<vmem>>, vector<1x16xf32>,
      %swap3A_98 = arith.index_cast %scan3A_63 : i32 to index
      %swap3A_99 = arith.constant 112 : index
      %swap3A_100 = tpu.vector_load %arg8[%swap3A_98, %swap3A_99] {strides = array<i32>} : memref<80x128xf32, #tpu.memory_space<vmem>>, vector<1x16xf32>,
      %swap3A_101 = vector.shape_cast %swap3A_100 : vector<1x16xf32> to vector<16xf32>
      %swap3A_102 = vector.shape_cast %broadcast_in_dim3A_1 : vector<16xf32> to vector<1x16xf32>
      tpu.vector_store %arg8[%swap3A_98, %swap3A_99], %swap3A_102 {strides = array<i32>} : memref<80x128xf32, #tpu.memory_space<vmem>>, vector<1x16xf32>,
    }
    %scan3A_6 = arith.constant 80 : i32
    %mul3A_7 = arith.constant 640 : i32
    %mul3A_8 = arith.muli %arg1, %mul3A_7 : i32
    %add3A_9 = arith.constant 0 : i32
    %add3A_10 = arith.addi %mul3A_8, %add3A_9 : i32
    "tpu.region"() ({
      %run_scoped3A_63 = tpu.sem_alloc : memref<!tpu.dma_semaphore, #tpu.memory_space<semaphore_mem>>
      %dma_start3A_64 = arith.constant 0 : i32
      %dma_start3A_65 = tpu.memref_slice %arg10[%add3A_10, %dma_start3A_64] : memref<10240x128xf32, #tpu.memory_space<vmem_shared>> -> memref<80x128xf32, #tpu.memory_space<vmem_shared>>
      %dma_start3A_66 = arith.constant 0 : i32
      %dma_start3A_67 = tpu.memref_slice %arg10[%add3A_10, %dma_start3A_66] : memref<10240x128xf32, #tpu.memory_space<vmem_shared>> -> memref<80x128xf32, #tpu.memory_space<vmem_shared>>
      tpu.enqueue_dma source(%arg8 : memref<80x128xf32, #tpu.memory_space<vmem>>) target(%dma_start3A_67 : memref<80x128xf32, #tpu.memory_space<vmem_shared>>) target_semaphore(%run_scoped3A_63 : memref<!tpu.dma_semaphore, #tpu.memory_space<semaphore_mem>>)
      %dma_wait3A_68 = arith.constant 0 : i32
      %dma_wait3A_69 = tpu.memref_slice %arg10[%add3A_10, %dma_wait3A_68] : memref<10240x128xf32, #tpu.memory_space<vmem_shared>> -> memref<80x128xf32, #tpu.memory_space<vmem_shared>>
      %dma_wait3A_70 = arith.constant 0 : i32
      %dma_wait3A_71 = tpu.memref_slice %arg10[%add3A_10, %dma_wait3A_70] : memref<10240x128xf32, #tpu.memory_space<vmem_shared>> -> memref<80x128xf32, #tpu.memory_space<vmem_shared>>
      tpu.wait_dma2 semaphore(%run_scoped3A_63 : memref<!tpu.dma_semaphore, #tpu.memory_space<semaphore_mem>>) src(%arg8 : memref<80x128xf32, #tpu.memory_space<vmem>>) dst(%dma_wait3A_71 : memref<80x128xf32, #tpu.memory_space<vmem_shared>>)
      tpu.yield
    }) : () -> ()
    %mul3A_11 = arith.constant 640 : i32
    %mul3A_12 = arith.muli %arg1, %mul3A_11 : i32
    %add3A_13 = arith.constant 80 : i32
    %add3A_14 = arith.addi %mul3A_12, %add3A_13 : i32
    "tpu.region"() ({
      %run_scoped3A_63 = tpu.sem_alloc : memref<!tpu.dma_semaphore, #tpu.memory_space<semaphore_mem>>
      %dma_start3A_64 = arith.constant 0 : i32
      %dma_start3A_65 = tpu.memref_slice %arg10[%add3A_14, %dma_start3A_64] : memref<10240x128xf32, #tpu.memory_space<vmem_shared>> -> memref<80x128xf32, #tpu.memory_space<vmem_shared>>
      %dma_start3A_66 = arith.constant 0 : i32
      %dma_start3A_67 = tpu.memref_slice %arg10[%add3A_14, %dma_start3A_66] : memref<10240x128xf32, #tpu.memory_space<vmem_shared>> -> memref<80x128xf32, #tpu.memory_space<vmem_shared>>
      tpu.enqueue_dma source(%arg8 : memref<80x128xf32, #tpu.memory_space<vmem>>) target(%dma_start3A_67 : memref<80x128xf32, #tpu.memory_space<vmem_shared>>) target_semaphore(%run_scoped3A_63 : memref<!tpu.dma_semaphore, #tpu.memory_space<semaphore_mem>>)
      %dma_wait3A_68 = arith.constant 0 : i32
      %dma_wait3A_69 = tpu.memref_slice %arg10[%add3A_14, %dma_wait3A_68] : memref<10240x128xf32, #tpu.memory_space<vmem_shared>> -> memref<80x128xf32, #tpu.memory_space<vmem_shared>>
      %dma_wait3A_70 = arith.constant 0 : i32
      %dma_wait3A_71 = tpu.memref_slice %arg10[%add3A_14, %dma_wait3A_70] : memref<10240x128xf32, #tpu.memory_space<vmem_shared>> -> memref<80x128xf32, #tpu.memory_space<vmem_shared>>
      tpu.wait_dma2 semaphore(%run_scoped3A_63 : memref<!tpu.dma_semaphore, #tpu.memory_space<semaphore_mem>>) src(%arg8 : memref<80x128xf32, #tpu.memory_space<vmem>>) dst(%dma_wait3A_71 : memref<80x128xf32, #tpu.memory_space<vmem_shared>>)
      tpu.yield
    }) : () -> ()
    %mul3A_15 = arith.constant 640 : i32
    %mul3A_16 = arith.muli %arg1, %mul3A_15 : i32
    %add3A_17 = arith.constant 160 : i32
    %add3A_18 = arith.addi %mul3A_16, %add3A_17 : i32
    "tpu.region"() ({
      %run_scoped3A_63 = tpu.sem_alloc : memref<!tpu.dma_semaphore, #tpu.memory_space<semaphore_mem>>
      %dma_start3A_64 = arith.constant 0 : i32
      %dma_start3A_65 = tpu.memref_slice %arg10[%add3A_18, %dma_start3A_64] : memref<10240x128xf32, #tpu.memory_space<vmem_shared>> -> memref<80x128xf32, #tpu.memory_space<vmem_shared>>
      %dma_start3A_66 = arith.constant 0 : i32
      %dma_start3A_67 = tpu.memref_slice %arg10[%add3A_18, %dma_start3A_66] : memref<10240x128xf32, #tpu.memory_space<vmem_shared>> -> memref<80x128xf32, #tpu.memory_space<vmem_shared>>
      tpu.enqueue_dma source(%arg8 : memref<80x128xf32, #tpu.memory_space<vmem>>) target(%dma_start3A_67 : memref<80x128xf32, #tpu.memory_space<vmem_shared>>) target_semaphore(%run_scoped3A_63 : memref<!tpu.dma_semaphore, #tpu.memory_space<semaphore_mem>>)
      %dma_wait3A_68 = arith.constant 0 : i32
      %dma_wait3A_69 = tpu.memref_slice %arg10[%add3A_18, %dma_wait3A_68] : memref<10240x128xf32, #tpu.memory_space<vmem_shared>> -> memref<80x128xf32, #tpu.memory_space<vmem_shared>>
      %dma_wait3A_70 = arith.constant 0 : i32
      %dma_wait3A_71 = tpu.memref_slice %arg10[%add3A_18, %dma_wait3A_70] : memref<10240x128xf32, #tpu.memory_space<vmem_shared>> -> memref<80x128xf32, #tpu.memory_space<vmem_shared>>
      tpu.wait_dma2 semaphore(%run_scoped3A_63 : memref<!tpu.dma_semaphore, #tpu.memory_space<semaphore_mem>>) src(%arg8 : memref<80x128xf32, #tpu.memory_space<vmem>>) dst(%dma_wait3A_71 : memref<80x128xf32, #tpu.memory_space<vmem_shared>>)
      tpu.yield
    }) : () -> ()
    %mul3A_19 = arith.constant 640 : i32
    %mul3A_20 = arith.muli %arg1, %mul3A_19 : i32
    %add3A_21 = arith.constant 240 : i32
    %add3A_22 = arith.addi %mul3A_20, %add3A_21 : i32
    "tpu.region"() ({
      %run_scoped3A_63 = tpu.sem_alloc : memref<!tpu.dma_semaphore, #tpu.memory_space<semaphore_mem>>
      %dma_start3A_64 = arith.constant 0 : i32
      %dma_start3A_65 = tpu.memref_slice %arg10[%add3A_22, %dma_start3A_64] : memref<10240x128xf32, #tpu.memory_space<vmem_shared>> -> memref<80x128xf32, #tpu.memory_space<vmem_shared>>
      %dma_start3A_66 = arith.constant 0 : i32
      %dma_start3A_67 = tpu.memref_slice %arg10[%add3A_22, %dma_start3A_66] : memref<10240x128xf32, #tpu.memory_space<vmem_shared>> -> memref<80x128xf32, #tpu.memory_space<vmem_shared>>
      tpu.enqueue_dma source(%arg8 : memref<80x128xf32, #tpu.memory_space<vmem>>) target(%dma_start3A_67 : memref<80x128xf32, #tpu.memory_space<vmem_shared>>) target_semaphore(%run_scoped3A_63 : memref<!tpu.dma_semaphore, #tpu.memory_space<semaphore_mem>>)
      %dma_wait3A_68 = arith.constant 0 : i32
      %dma_wait3A_69 = tpu.memref_slice %arg10[%add3A_22, %dma_wait3A_68] : memref<10240x128xf32, #tpu.memory_space<vmem_shared>> -> memref<80x128xf32, #tpu.memory_space<vmem_shared>>
      %dma_wait3A_70 = arith.constant 0 : i32
      %dma_wait3A_71 = tpu.memref_slice %arg10[%add3A_22, %dma_wait3A_70] : memref<10240x128xf32, #tpu.memory_space<vmem_shared>> -> memref<80x128xf32, #tpu.memory_space<vmem_shared>>
      tpu.wait_dma2 semaphore(%run_scoped3A_63 : memref<!tpu.dma_semaphore, #tpu.memory_space<semaphore_mem>>) src(%arg8 : memref<80x128xf32, #tpu.memory_space<vmem>>) dst(%dma_wait3A_71 : memref<80x128xf32, #tpu.memory_space<vmem_shared>>)
      tpu.yield
    }) : () -> ()
    %mul3A_23 = arith.constant 640 : i32
    %mul3A_24 = arith.muli %arg1, %mul3A_23 : i32
    %add3A_25 = arith.constant 320 : i32
    %add3A_26 = arith.addi %mul3A_24, %add3A_25 : i32
    "tpu.region"() ({
      %run_scoped3A_63 = tpu.sem_alloc : memref<!tpu.dma_semaphore, #tpu.memory_space<semaphore_mem>>
      %dma_start3A_64 = arith.constant 0 : i32
      %dma_start3A_65 = tpu.memref_slice %arg10[%add3A_26, %dma_start3A_64] : memref<10240x128xf32, #tpu.memory_space<vmem_shared>> -> memref<80x128xf32, #tpu.memory_space<vmem_shared>>
      %dma_start3A_66 = arith.constant 0 : i32
      %dma_start3A_67 = tpu.memref_slice %arg10[%add3A_26, %dma_start3A_66] : memref<10240x128xf32, #tpu.memory_space<vmem_shared>> -> memref<80x128xf32, #tpu.memory_space<vmem_shared>>
      tpu.enqueue_dma source(%arg8 : memref<80x128xf32, #tpu.memory_space<vmem>>) target(%dma_start3A_67 : memref<80x128xf32, #tpu.memory_space<vmem_shared>>) target_semaphore(%run_scoped3A_63 : memref<!tpu.dma_semaphore, #tpu.memory_space<semaphore_mem>>)
      %dma_wait3A_68 = arith.constant 0 : i32
      %dma_wait3A_69 = tpu.memref_slice %arg10[%add3A_26, %dma_wait3A_68] : memref<10240x128xf32, #tpu.memory_space<vmem_shared>> -> memref<80x128xf32, #tpu.memory_space<vmem_shared>>
      %dma_wait3A_70 = arith.constant 0 : i32
      %dma_wait3A_71 = tpu.memref_slice %arg10[%add3A_26, %dma_wait3A_70] : memref<10240x128xf32, #tpu.memory_space<vmem_shared>> -> memref<80x128xf32, #tpu.memory_space<vmem_shared>>
      tpu.wait_dma2 semaphore(%run_scoped3A_63 : memref<!tpu.dma_semaphore, #tpu.memory_space<semaphore_mem>>) src(%arg8 : memref<80x128xf32, #tpu.memory_space<vmem>>) dst(%dma_wait3A_71 : memref<80x128xf32, #tpu.memory_space<vmem_shared>>)
      tpu.yield
    }) : () -> ()
    %mul3A_27 = arith.constant 640 : i32
    %mul3A_28 = arith.muli %arg1, %mul3A_27 : i32
    %add3A_29 = arith.constant 400 : i32
    %add3A_30 = arith.addi %mul3A_28, %add3A_29 : i32
    "tpu.region"() ({
      %run_scoped3A_63 = tpu.sem_alloc : memref<!tpu.dma_semaphore, #tpu.memory_space<semaphore_mem>>
      %dma_start3A_64 = arith.constant 0 : i32
      %dma_start3A_65 = tpu.memref_slice %arg10[%add3A_30, %dma_start3A_64] : memref<10240x128xf32, #tpu.memory_space<vmem_shared>> -> memref<80x128xf32, #tpu.memory_space<vmem_shared>>
      %dma_start3A_66 = arith.constant 0 : i32
      %dma_start3A_67 = tpu.memref_slice %arg10[%add3A_30, %dma_start3A_66] : memref<10240x128xf32, #tpu.memory_space<vmem_shared>> -> memref<80x128xf32, #tpu.memory_space<vmem_shared>>
      tpu.enqueue_dma source(%arg8 : memref<80x128xf32, #tpu.memory_space<vmem>>) target(%dma_start3A_67 : memref<80x128xf32, #tpu.memory_space<vmem_shared>>) target_semaphore(%run_scoped3A_63 : memref<!tpu.dma_semaphore, #tpu.memory_space<semaphore_mem>>)
      %dma_wait3A_68 = arith.constant 0 : i32
      %dma_wait3A_69 = tpu.memref_slice %arg10[%add3A_30, %dma_wait3A_68] : memref<10240x128xf32, #tpu.memory_space<vmem_shared>> -> memref<80x128xf32, #tpu.memory_space<vmem_shared>>
      %dma_wait3A_70 = arith.constant 0 : i32
      %dma_wait3A_71 = tpu.memref_slice %arg10[%add3A_30, %dma_wait3A_70] : memref<10240x128xf32, #tpu.memory_space<vmem_shared>> -> memref<80x128xf32, #tpu.memory_space<vmem_shared>>
      tpu.wait_dma2 semaphore(%run_scoped3A_63 : memref<!tpu.dma_semaphore, #tpu.memory_space<semaphore_mem>>) src(%arg8 : memref<80x128xf32, #tpu.memory_space<vmem>>) dst(%dma_wait3A_71 : memref<80x128xf32, #tpu.memory_space<vmem_shared>>)
      tpu.yield
    }) : () -> ()
    %mul3A_31 = arith.constant 640 : i32
    %mul3A_32 = arith.muli %arg1, %mul3A_31 : i32
    %add3A_33 = arith.constant 480 : i32
    %add3A_34 = arith.addi %mul3A_32, %add3A_33 : i32
    "tpu.region"() ({
      %run_scoped3A_63 = tpu.sem_alloc : memref<!tpu.dma_semaphore, #tpu.memory_space<semaphore_mem>>
      %dma_start3A_64 = arith.constant 0 : i32
      %dma_start3A_65 = tpu.memref_slice %arg10[%add3A_34, %dma_start3A_64] : memref<10240x128xf32, #tpu.memory_space<vmem_shared>> -> memref<80x128xf32, #tpu.memory_space<vmem_shared>>
      %dma_start3A_66 = arith.constant 0 : i32
      %dma_start3A_67 = tpu.memref_slice %arg10[%add3A_34, %dma_start3A_66] : memref<10240x128xf32, #tpu.memory_space<vmem_shared>> -> memref<80x128xf32, #tpu.memory_space<vmem_shared>>
      tpu.enqueue_dma source(%arg8 : memref<80x128xf32, #tpu.memory_space<vmem>>) target(%dma_start3A_67 : memref<80x128xf32, #tpu.memory_space<vmem_shared>>) target_semaphore(%run_scoped3A_63 : memref<!tpu.dma_semaphore, #tpu.memory_space<semaphore_mem>>)
      %dma_wait3A_68 = arith.constant 0 : i32
      %dma_wait3A_69 = tpu.memref_slice %arg10[%add3A_34, %dma_wait3A_68] : memref<10240x128xf32, #tpu.memory_space<vmem_shared>> -> memref<80x128xf32, #tpu.memory_space<vmem_shared>>
      %dma_wait3A_70 = arith.constant 0 : i32
      %dma_wait3A_71 = tpu.memref_slice %arg10[%add3A_34, %dma_wait3A_70] : memref<10240x128xf32, #tpu.memory_space<vmem_shared>> -> memref<80x128xf32, #tpu.memory_space<vmem_shared>>
      tpu.wait_dma2 semaphore(%run_scoped3A_63 : memref<!tpu.dma_semaphore, #tpu.memory_space<semaphore_mem>>) src(%arg8 : memref<80x128xf32, #tpu.memory_space<vmem>>) dst(%dma_wait3A_71 : memref<80x128xf32, #tpu.memory_space<vmem_shared>>)
      tpu.yield
    }) : () -> ()
    %mul3A_35 = arith.constant 640 : i32
    %mul3A_36 = arith.muli %arg1, %mul3A_35 : i32
    %add3A_37 = arith.constant 560 : i32
    %add3A_38 = arith.addi %mul3A_36, %add3A_37 : i32
    "tpu.region"() ({
      %run_scoped3A_63 = tpu.sem_alloc : memref<!tpu.dma_semaphore, #tpu.memory_space<semaphore_mem>>
      %dma_start3A_64 = arith.constant 0 : i32
      %dma_start3A_65 = tpu.memref_slice %arg10[%add3A_38, %dma_start3A_64] : memref<10240x128xf32, #tpu.memory_space<vmem_shared>> -> memref<80x128xf32, #tpu.memory_space<vmem_shared>>
      %dma_start3A_66 = arith.constant 0 : i32
      %dma_start3A_67 = tpu.memref_slice %arg10[%add3A_38, %dma_start3A_66] : memref<10240x128xf32, #tpu.memory_space<vmem_shared>> -> memref<80x128xf32, #tpu.memory_space<vmem_shared>>
      tpu.enqueue_dma source(%arg8 : memref<80x128xf32, #tpu.memory_space<vmem>>) target(%dma_start3A_67 : memref<80x128xf32, #tpu.memory_space<vmem_shared>>) target_semaphore(%run_scoped3A_63 : memref<!tpu.dma_semaphore, #tpu.memory_space<semaphore_mem>>)
      %dma_wait3A_68 = arith.constant 0 : i32
      %dma_wait3A_69 = tpu.memref_slice %arg10[%add3A_38, %dma_wait3A_68] : memref<10240x128xf32, #tpu.memory_space<vmem_shared>> -> memref<80x128xf32, #tpu.memory_space<vmem_shared>>
      %dma_wait3A_70 = arith.constant 0 : i32
      %dma_wait3A_71 = tpu.memref_slice %arg10[%add3A_38, %dma_wait3A_70] : memref<10240x128xf32, #tpu.memory_space<vmem_shared>> -> memref<80x128xf32, #tpu.memory_space<vmem_shared>>
      tpu.wait_dma2 semaphore(%run_scoped3A_63 : memref<!tpu.dma_semaphore, #tpu.memory_space<semaphore_mem>>) src(%arg8 : memref<80x128xf32, #tpu.memory_space<vmem>>) dst(%dma_wait3A_71 : memref<80x128xf32, #tpu.memory_space<vmem_shared>>)
      tpu.yield
    }) : () -> ()
    %dma_start3A = arith.constant 0 : i32
    %dma_start3A_39 = tpu.memref_slice %arg6[%dma_start3A] : memref<10000xi32, #tpu.memory_space<vmem>> -> memref<80xi32, #tpu.memory_space<vmem>>
    %dma_start3A_40 = arith.constant 0 : i32
    %dma_start3A_41 = arith.constant 0 : i32
    %dma_start3A_42 = tpu.memref_slice %arg2[%dma_start3A_40, %dma_start3A_41] : memref<10240x128xf32, #tpu.memory_space<hbm>> -> memref<10240x128xf32, #tpu.memory_space<hbm>>
    tpu.enqueue_indirect_dma source(%dma_start3A_42 : memref<10240x128xf32, #tpu.memory_space<hbm>>) target(%arg8 : memref<80x128xf32, #tpu.memory_space<vmem>>) offsets(%dma_start3A_39 : memref<80xi32, #tpu.memory_space<vmem>>) semaphore(%arg11 : memref<!tpu.dma_semaphore, #tpu.memory_space<semaphore_mem>>)
    %dma_start3A_43 = arith.constant 80 : i32
    %dma_start3A_44 = tpu.memref_slice %arg6[%dma_start3A_43] : memref<10000xi32, #tpu.memory_space<vmem>> -> memref<80xi32, #tpu.memory_space<vmem>>
    %dma_start3A_45 = arith.constant 0 : i32
    %dma_start3A_46 = arith.constant 0 : i32
    %dma_start3A_47 = tpu.memref_slice %arg2[%dma_start3A_45, %dma_start3A_46] : memref<10240x128xf32, #tpu.memory_space<hbm>> -> memref<10240x128xf32, #tpu.memory_space<hbm>>
    tpu.enqueue_indirect_dma source(%dma_start3A_47 : memref<10240x128xf32, #tpu.memory_space<hbm>>) target(%arg9 : memref<80x128xf32, #tpu.memory_space<vmem>>) offsets(%dma_start3A_44 : memref<80xi32, #tpu.memory_space<vmem>>) semaphore(%arg12 : memref<!tpu.dma_semaphore, #tpu.memory_space<semaphore_mem>>)
    %barrier3A = arith.constant 0 : index
    tpu.barrier barrier_id(%barrier3A)
    %scan3A_48 = arith.constant 0 : i32
    %scan3A_49 = arith.constant 0 : i32
    %scan3A_50 = arith.constant 62 : i32
    %scan3A_51 = arith.addi %scan3A_49, %scan3A_50 : i32
    %scan3A_52 = arith.constant 1 : i32
    scf.for %scan3A_63 = %scan3A_49 to %scan3A_51 step %scan3A_52  : i32 {
      %mul3A_64 = arith.constant 2 : i32
      %mul3A_65 = arith.muli %scan3A_63, %mul3A_64 : i32
      %add3A_66 = arith.constant 0 : i32
      %add3A_67 = arith.addi %mul3A_65, %add3A_66 : i32
      %dma_wait3A_68 = arith.constant 0 : i32
      %dma_wait3A_69 = tpu.memref_slice %arg6[%dma_wait3A_68] : memref<10000xi32, #tpu.memory_space<vmem>> -> memref<80xi32, #tpu.memory_space<vmem>>
      %dma_wait3A_70 = arith.constant 0 : i32
      %dma_wait3A_71 = arith.constant 0 : i32
      %dma_wait3A_72 = tpu.memref_slice %arg2[%dma_wait3A_70, %dma_wait3A_71] : memref<10240x128xf32, #tpu.memory_space<hbm>> -> memref<10240x128xf32, #tpu.memory_space<hbm>>
      tpu.wait_indirect_dma semaphore(%arg11 : memref<!tpu.dma_semaphore, #tpu.memory_space<semaphore_mem>>) src(%dma_wait3A_72 : memref<10240x128xf32, #tpu.memory_space<hbm>>) dst(%arg8 : memref<80x128xf32, #tpu.memory_space<vmem>>)
      "tpu.region"() ({
        %run_scoped3A_93 = tpu.sem_alloc : memref<!tpu.dma_semaphore, #tpu.memory_space<semaphore_mem>>
        %dma_start3A_94 = arith.constant 0 : i32
        %dma_start3A_95 = tpu.memref_slice %arg7[%add3A_67, %dma_start3A_94] : memref<125x80xi32, #tpu.memory_space<vmem>> -> memref<1x80xi32, #tpu.memory_space<vmem>>
        %dma_start3A_96 = tpu.memref_squeeze %dma_start3A_95 : memref<1x80xi32, #tpu.memory_space<vmem>> -> memref<80xi32, #tpu.memory_space<vmem>>
        %dma_start3A_97 = arith.constant 0 : i32
        %dma_start3A_98 = arith.constant 0 : i32
        %dma_start3A_99 = tpu.memref_slice %arg10[%dma_start3A_97, %dma_start3A_98] : memref<10240x128xf32, #tpu.memory_space<vmem_shared>> -> memref<10240x128xf32, #tpu.memory_space<vmem_shared>>
        tpu.enqueue_indirect_dma source(%arg8 : memref<80x128xf32, #tpu.memory_space<vmem>>) target(%dma_start3A_99 : memref<10240x128xf32, #tpu.memory_space<vmem_shared>>) offsets(%dma_start3A_96 : memref<80xi32, #tpu.memory_space<vmem>>) semaphore(%run_scoped3A_93 : memref<!tpu.dma_semaphore, #tpu.memory_space<semaphore_mem>>) {add = true}
        %dma_wait3A_100 = arith.constant 0 : i32
        %dma_wait3A_101 = tpu.memref_slice %arg7[%add3A_67, %dma_wait3A_100] : memref<125x80xi32, #tpu.memory_space<vmem>> -> memref<1x80xi32, #tpu.memory_space<vmem>>
        %dma_wait3A_102 = tpu.memref_squeeze %dma_wait3A_101 : memref<1x80xi32, #tpu.memory_space<vmem>> -> memref<80xi32, #tpu.memory_space<vmem>>
        %dma_wait3A_103 = arith.constant 0 : i32
        %dma_wait3A_104 = arith.constant 0 : i32
        %dma_wait3A_105 = tpu.memref_slice %arg10[%dma_wait3A_103, %dma_wait3A_104] : memref<10240x128xf32, #tpu.memory_space<vmem_shared>> -> memref<10240x128xf32, #tpu.memory_space<vmem_shared>>
        tpu.wait_indirect_dma semaphore(%run_scoped3A_93 : memref<!tpu.dma_semaphore, #tpu.memory_space<semaphore_mem>>) src(%arg8 : memref<80x128xf32, #tpu.memory_space<vmem>>) dst(%dma_wait3A_105 : memref<10240x128xf32, #tpu.memory_space<vmem_shared>>)
        tpu.yield
      }) : () -> ()
      %add3A_73 = arith.constant 2 : i32
      %add3A_74 = arith.addi %add3A_67, %add3A_73 : i32
      %lt3A = arith.constant 125 : i32
      %lt3A_75 = arith.cmpi slt, %add3A_74, %lt3A : i32
      %convert_element_type3A = arith.extui %lt3A_75 : i1 to i32
      %cond3A = arith.constant 0 : i32
      %cond3A_76 = arith.cmpi ne, %convert_element_type3A, %cond3A : i32
      scf.if %cond3A_76 {
        %add3A_93 = arith.constant 2 : i32
        %add3A_94 = arith.addi %add3A_67, %add3A_93 : i32
        %mul3A_95 = arith.constant 80 : i32
        %mul3A_96 = arith.muli %add3A_94, %mul3A_95 : i32
        %dma_start3A_97 = tpu.memref_slice %arg6[%mul3A_96] : memref<10000xi32, #tpu.memory_space<vmem>> -> memref<80xi32, #tpu.memory_space<vmem>>
        %dma_start3A_98 = arith.constant 0 : i32
        %dma_start3A_99 = arith.constant 0 : i32
        %dma_start3A_100 = tpu.memref_slice %arg2[%dma_start3A_98, %dma_start3A_99] : memref<10240x128xf32, #tpu.memory_space<hbm>> -> memref<10240x128xf32, #tpu.memory_space<hbm>>
        tpu.enqueue_indirect_dma source(%dma_start3A_100 : memref<10240x128xf32, #tpu.memory_space<hbm>>) target(%arg8 : memref<80x128xf32, #tpu.memory_space<vmem>>) offsets(%dma_start3A_97 : memref<80xi32, #tpu.memory_space<vmem>>) semaphore(%arg11 : memref<!tpu.dma_semaphore, #tpu.memory_space<semaphore_mem>>)
      } else {
      }
      %mul3A_77 = arith.constant 2 : i32
      %mul3A_78 = arith.muli %scan3A_63, %mul3A_77 : i32
      %add3A_79 = arith.constant 1 : i32
      %add3A_80 = arith.addi %mul3A_78, %add3A_79 : i32
      %dma_wait3A_81 = arith.constant 0 : i32
      %dma_wait3A_82 = tpu.memref_slice %arg6[%dma_wait3A_81] : memref<10000xi32, #tpu.memory_space<vmem>> -> memref<80xi32, #tpu.memory_space<vmem>>
      %dma_wait3A_83 = arith.constant 0 : i32
      %dma_wait3A_84 = arith.constant 0 : i32
      %dma_wait3A_85 = tpu.memref_slice %arg2[%dma_wait3A_83, %dma_wait3A_84] : memref<10240x128xf32, #tpu.memory_space<hbm>> -> memref<10240x128xf32, #tpu.memory_space<hbm>>
      tpu.wait_indirect_dma semaphore(%arg12 : memref<!tpu.dma_semaphore, #tpu.memory_space<semaphore_mem>>) src(%dma_wait3A_85 : memref<10240x128xf32, #tpu.memory_space<hbm>>) dst(%arg9 : memref<80x128xf32, #tpu.memory_space<vmem>>)
      "tpu.region"() ({
        %run_scoped3A_93 = tpu.sem_alloc : memref<!tpu.dma_semaphore, #tpu.memory_space<semaphore_mem>>
        %dma_start3A_94 = arith.constant 0 : i32
        %dma_start3A_95 = tpu.memref_slice %arg7[%add3A_80, %dma_start3A_94] : memref<125x80xi32, #tpu.memory_space<vmem>> -> memref<1x80xi32, #tpu.memory_space<vmem>>
        %dma_start3A_96 = tpu.memref_squeeze %dma_start3A_95 : memref<1x80xi32, #tpu.memory_space<vmem>> -> memref<80xi32, #tpu.memory_space<vmem>>
        %dma_start3A_97 = arith.constant 0 : i32
        %dma_start3A_98 = arith.constant 0 : i32
        %dma_start3A_99 = tpu.memref_slice %arg10[%dma_start3A_97, %dma_start3A_98] : memref<10240x128xf32, #tpu.memory_space<vmem_shared>> -> memref<10240x128xf32, #tpu.memory_space<vmem_shared>>
        tpu.enqueue_indirect_dma source(%arg9 : memref<80x128xf32, #tpu.memory_space<vmem>>) target(%dma_start3A_99 : memref<10240x128xf32, #tpu.memory_space<vmem_shared>>) offsets(%dma_start3A_96 : memref<80xi32, #tpu.memory_space<vmem>>) semaphore(%run_scoped3A_93 : memref<!tpu.dma_semaphore, #tpu.memory_space<semaphore_mem>>) {add = true}
        %dma_wait3A_100 = arith.constant 0 : i32
        %dma_wait3A_101 = tpu.memref_slice %arg7[%add3A_80, %dma_wait3A_100] : memref<125x80xi32, #tpu.memory_space<vmem>> -> memref<1x80xi32, #tpu.memory_space<vmem>>
        %dma_wait3A_102 = tpu.memref_squeeze %dma_wait3A_101 : memref<1x80xi32, #tpu.memory_space<vmem>> -> memref<80xi32, #tpu.memory_space<vmem>>
        %dma_wait3A_103 = arith.constant 0 : i32
        %dma_wait3A_104 = arith.constant 0 : i32
        %dma_wait3A_105 = tpu.memref_slice %arg10[%dma_wait3A_103, %dma_wait3A_104] : memref<10240x128xf32, #tpu.memory_space<vmem_shared>> -> memref<10240x128xf32, #tpu.memory_space<vmem_shared>>
        tpu.wait_indirect_dma semaphore(%run_scoped3A_93 : memref<!tpu.dma_semaphore, #tpu.memory_space<semaphore_mem>>) src(%arg9 : memref<80x128xf32, #tpu.memory_space<vmem>>) dst(%dma_wait3A_105 : memref<10240x128xf32, #tpu.memory_space<vmem_shared>>)
        tpu.yield
      }) : () -> ()
      %add3A_86 = arith.constant 2 : i32
      %add3A_87 = arith.addi %add3A_80, %add3A_86 : i32
      %lt3A_88 = arith.constant 125 : i32
      %lt3A_89 = arith.cmpi slt, %add3A_87, %lt3A_88 : i32
      %convert_element_type3A_90 = arith.extui %lt3A_89 : i1 to i32
      %cond3A_91 = arith.constant 0 : i32
      %cond3A_92 = arith.cmpi ne, %convert_element_type3A_90, %cond3A_91 : i32
      scf.if %cond3A_92 {
        %add3A_93 = arith.constant 2 : i32
        %add3A_94 = arith.addi %add3A_80, %add3A_93 : i32
        %mul3A_95 = arith.constant 80 : i32
        %mul3A_96 = arith.muli %add3A_94, %mul3A_95 : i32
        %dma_start3A_97 = tpu.memref_slice %arg6[%mul3A_96] : memref<10000xi32, #tpu.memory_space<vmem>> -> memref<80xi32, #tpu.memory_space<vmem>>
        %dma_start3A_98 = arith.constant 0 : i32
        %dma_start3A_99 = arith.constant 0 : i32
        %dma_start3A_100 = tpu.memref_slice %arg2[%dma_start3A_98, %dma_start3A_99] : memref<10240x128xf32, #tpu.memory_space<hbm>> -> memref<10240x128xf32, #tpu.memory_space<hbm>>
        tpu.enqueue_indirect_dma source(%dma_start3A_100 : memref<10240x128xf32, #tpu.memory_space<hbm>>) target(%arg9 : memref<80x128xf32, #tpu.memory_space<vmem>>) offsets(%dma_start3A_97 : memref<80xi32, #tpu.memory_space<vmem>>) semaphore(%arg12 : memref<!tpu.dma_semaphore, #tpu.memory_space<semaphore_mem>>)
      } else {
      }
    }
    %scan3A_53 = arith.constant 62 : i32
    %dma_wait3A = arith.constant 0 : i32
    %dma_wait3A_54 = tpu.memref_slice %arg6[%dma_wait3A] : memref<10000xi32, #tpu.memory_space<vmem>> -> memref<80xi32, #tpu.memory_space<vmem>>
    %dma_wait3A_55 = arith.constant 0 : i32
    %dma_wait3A_56 = arith.constant 0 : i32
    %dma_wait3A_57 = tpu.memref_slice %arg2[%dma_wait3A_55, %dma_wait3A_56] : memref<10240x128xf32, #tpu.memory_space<hbm>> -> memref<10240x128xf32, #tpu.memory_space<hbm>>
    tpu.wait_indirect_dma semaphore(%arg11 : memref<!tpu.dma_semaphore, #tpu.memory_space<semaphore_mem>>) src(%dma_wait3A_57 : memref<10240x128xf32, #tpu.memory_space<hbm>>) dst(%arg8 : memref<80x128xf32, #tpu.memory_space<vmem>>)
    %run_scoped3A = arith.constant 124 : i32
    "tpu.region"() ({
      %run_scoped3A_63 = tpu.sem_alloc : memref<!tpu.dma_semaphore, #tpu.memory_space<semaphore_mem>>
      %dma_start3A_64 = arith.constant 0 : i32
      %dma_start3A_65 = tpu.memref_slice %arg7[%run_scoped3A, %dma_start3A_64] : memref<125x80xi32, #tpu.memory_space<vmem>> -> memref<1x80xi32, #tpu.memory_space<vmem>>
      %dma_start3A_66 = tpu.memref_squeeze %dma_start3A_65 : memref<1x80xi32, #tpu.memory_space<vmem>> -> memref<80xi32, #tpu.memory_space<vmem>>
      %dma_start3A_67 = arith.constant 0 : i32
      %dma_start3A_68 = arith.constant 0 : i32
      %dma_start3A_69 = tpu.memref_slice %arg10[%dma_start3A_67, %dma_start3A_68] : memref<10240x128xf32, #tpu.memory_space<vmem_shared>> -> memref<10240x128xf32, #tpu.memory_space<vmem_shared>>
      tpu.enqueue_indirect_dma source(%arg8 : memref<80x128xf32, #tpu.memory_space<vmem>>) target(%dma_start3A_69 : memref<10240x128xf32, #tpu.memory_space<vmem_shared>>) offsets(%dma_start3A_66 : memref<80xi32, #tpu.memory_space<vmem>>) semaphore(%run_scoped3A_63 : memref<!tpu.dma_semaphore, #tpu.memory_space<semaphore_mem>>) {add = true}
      %dma_wait3A_70 = arith.constant 0 : i32
      %dma_wait3A_71 = tpu.memref_slice %arg7[%run_scoped3A, %dma_wait3A_70] : memref<125x80xi32, #tpu.memory_space<vmem>> -> memref<1x80xi32, #tpu.memory_space<vmem>>
      %dma_wait3A_72 = tpu.memref_squeeze %dma_wait3A_71 : memref<1x80xi32, #tpu.memory_space<vmem>> -> memref<80xi32, #tpu.memory_space<vmem>>
      %dma_wait3A_73 = arith.constant 0 : i32
      %dma_wait3A_74 = arith.constant 0 : i32
      %dma_wait3A_75 = tpu.memref_slice %arg10[%dma_wait3A_73, %dma_wait3A_74] : memref<10240x128xf32, #tpu.memory_space<vmem_shared>> -> memref<10240x128xf32, #tpu.memory_space<vmem_shared>>
      tpu.wait_indirect_dma semaphore(%run_scoped3A_63 : memref<!tpu.dma_semaphore, #tpu.memory_space<semaphore_mem>>) src(%arg8 : memref<80x128xf32, #tpu.memory_space<vmem>>) dst(%dma_wait3A_75 : memref<10240x128xf32, #tpu.memory_space<vmem_shared>>)
      tpu.yield
    }) : () -> ()
    %barrier3A_58 = arith.constant 0 : index
    tpu.barrier barrier_id(%barrier3A_58)
    %mul3A_59 = arith.constant 640 : i32
    %mul3A_60 = arith.muli %arg1, %mul3A_59 : i32
    %mul3A_61 = arith.constant 640 : i32
    %mul3A_62 = arith.muli %arg1, %mul3A_61 : i32
    "tpu.region"() ({
      %run_scoped3A_63 = tpu.sem_alloc : memref<!tpu.dma_semaphore, #tpu.memory_space<semaphore_mem>>
      %dma_start3A_64 = arith.constant 0 : i32
      %dma_start3A_65 = tpu.memref_slice %arg5[%arg0, %mul3A_62, %dma_start3A_64] : memref<2x10240x128xf32, #tpu.memory_space<hbm>> -> memref<1x640x128xf32, #tpu.memory_space<hbm>>
      %dma_start3A_66 = tpu.memref_squeeze %dma_start3A_65 : memref<1x640x128xf32, #tpu.memory_space<hbm>> -> memref<640x128xf32, #tpu.memory_space<hbm>>
      %dma_start3A_67 = arith.constant 0 : i32
      %dma_start3A_68 = tpu.memref_slice %arg10[%mul3A_60, %dma_start3A_67] : memref<10240x128xf32, #tpu.memory_space<vmem_shared>> -> memref<640x128xf32, #tpu.memory_space<vmem_shared>>
      tpu.enqueue_dma source(%dma_start3A_68 : memref<640x128xf32, #tpu.memory_space<vmem_shared>>) target(%dma_start3A_66 : memref<640x128xf32, #tpu.memory_space<hbm>>) target_semaphore(%run_scoped3A_63 : memref<!tpu.dma_semaphore, #tpu.memory_space<semaphore_mem>>)
      %dma_wait3A_69 = arith.constant 0 : i32
      %dma_wait3A_70 = tpu.memref_slice %arg5[%arg0, %mul3A_62, %dma_wait3A_69] : memref<2x10240x128xf32, #tpu.memory_space<hbm>> -> memref<1x640x128xf32, #tpu.memory_space<hbm>>
      %dma_wait3A_71 = tpu.memref_squeeze %dma_wait3A_70 : memref<1x640x128xf32, #tpu.memory_space<hbm>> -> memref<640x128xf32, #tpu.memory_space<hbm>>
      %dma_wait3A_72 = arith.constant 0 : i32
      %dma_wait3A_73 = tpu.memref_slice %arg10[%mul3A_60, %dma_wait3A_72] : memref<10240x128xf32, #tpu.memory_space<vmem_shared>> -> memref<640x128xf32, #tpu.memory_space<vmem_shared>>
      tpu.wait_dma2 semaphore(%run_scoped3A_63 : memref<!tpu.dma_semaphore, #tpu.memory_space<semaphore_mem>>) src(%dma_wait3A_73 : memref<640x128xf32, #tpu.memory_space<vmem_shared>>) dst(%dma_wait3A_71 : memref<640x128xf32, #tpu.memory_space<hbm>>)
      tpu.yield
    }) : () -> ()
    return
  }
}

#map = affine_map<(d0, d1) -> (0, 0)>
#map1 = affine_map<(d0, d1) -> (0, 0, 0)>
module attributes {stable_mosaic.version = 14 : i64} {
  func.func @_segsum(%arg0: i32, %arg1: i32, %arg2: memref<10240x128xf32, #tpu.memory_space<hbm>>, %arg3: memref<32x10000xi32, #tpu.memory_space<hbm>>, %arg4: memref<32x125x80xi32, #tpu.memory_space<hbm>>, %arg5: memref<2x10240x128xf32, #tpu.memory_space<hbm>>, %arg6: memref<10000xi32, #tpu.memory_space<vmem>>, %arg7: memref<125x80xi32, #tpu.memory_space<vmem>>, %arg8: memref<80x128xf32, #tpu.memory_space<vmem>>, %arg9: memref<80x128xf32, #tpu.memory_space<vmem>>, %arg10: memref<10240x128xf32, #tpu.memory_space<vmem_shared>>, %arg11: memref<!tpu.dma_semaphore, #tpu.memory_space<semaphore_mem>>, %arg12: memref<!tpu.dma_semaphore, #tpu.memory_space<semaphore_mem>>) attributes {dimension_semantics = [#tpu.dimension_semantics<core_parallel>, #tpu.dimension_semantics<subcore_parallel>], iteration_bounds = array<i64: 2, 16>, scalar_prefetch = 0 : i64, scratch_operands = 7 : i64, tpu.core_type = #tpu.core_type<sc_vector_subcore>, window_params = [{transform_indices = #map}, {transform_indices = #map}, {transform_indices = #map1}, {transform_indices = #map1}]} {
    %mul3A = arith.constant 16 : i32
    %mul3A_0 = arith.muli %arg0, %mul3A : i32
    %add3A = arith.addi %mul3A_0, %arg1 : i32
    "tpu.region"() ({
      %run_scoped3A_63 = tpu.sem_alloc : memref<!tpu.dma_semaphore, #tpu.memory_space<semaphore_mem>>
      %dma_start3A_64 = arith.constant 0 : i32
      %dma_start3A_65 = tpu.memref_slice %arg3[%add3A, %dma_start3A_64] : memref<32x10000xi32, #tpu.memory_space<hbm>> -> memref<1x10000xi32, #tpu.memory_space<hbm>>
      %dma_start3A_66 = tpu.memref_squeeze %dma_start3A_65 : memref<1x10000xi32, #tpu.memory_space<hbm>> -> memref<10000xi32, #tpu.memory_space<hbm>>
      %dma_start3A_67 = arith.constant 0 : i32
      %dma_start3A_68 = tpu.memref_slice %arg3[%add3A, %dma_start3A_67] : memref<32x10000xi32, #tpu.memory_space<hbm>> -> memref<1x10000xi32, #tpu.memory_space<hbm>>
      %dma_start3A_69 = tpu.memref_squeeze %dma_start3A_68 : memref<1x10000xi32, #tpu.memory_space<hbm>> -> memref<10000xi32, #tpu.memory_space<hbm>>
      tpu.enqueue_dma source(%dma_start3A_69 : memref<10000xi32, #tpu.memory_space<hbm>>) target(%arg6 : memref<10000xi32, #tpu.memory_space<vmem>>) target_semaphore(%run_scoped3A_63 : memref<!tpu.dma_semaphore, #tpu.memory_space<semaphore_mem>>)
      %dma_wait3A_70 = arith.constant 0 : i32
      %dma_wait3A_71 = tpu.memref_slice %arg3[%add3A, %dma_wait3A_70] : memref<32x10000xi32, #tpu.memory_space<hbm>> -> memref<1x10000xi32, #tpu.memory_space<hbm>>
      %dma_wait3A_72 = tpu.memref_squeeze %dma_wait3A_71 : memref<1x10000xi32, #tpu.memory_space<hbm>> -> memref<10000xi32, #tpu.memory_space<hbm>>
      %dma_wait3A_73 = arith.constant 0 : i32
      %dma_wait3A_74 = tpu.memref_slice %arg3[%add3A, %dma_wait3A_73] : memref<32x10000xi32, #tpu.memory_space<hbm>> -> memref<1x10000xi32, #tpu.memory_space<hbm>>
      %dma_wait3A_75 = tpu.memref_squeeze %dma_wait3A_74 : memref<1x10000xi32, #tpu.memory_space<hbm>> -> memref<10000xi32, #tpu.memory_space<hbm>>
      tpu.wait_dma2 semaphore(%run_scoped3A_63 : memref<!tpu.dma_semaphore, #tpu.memory_space<semaphore_mem>>) src(%dma_wait3A_75 : memref<10000xi32, #tpu.memory_space<hbm>>) dst(%arg6 : memref<10000xi32, #tpu.memory_space<vmem>>)
      tpu.yield
    }) : () -> ()
    "tpu.region"() ({
      %run_scoped3A_63 = tpu.sem_alloc : memref<!tpu.dma_semaphore, #tpu.memory_space<semaphore_mem>>
      %dma_start3A_64 = arith.constant 0 : i32
      %dma_start3A_65 = arith.constant 0 : i32
      %dma_start3A_66 = tpu.memref_slice %arg4[%add3A, %dma_start3A_64, %dma_start3A_65] : memref<32x125x80xi32, #tpu.memory_space<hbm>> -> memref<1x125x80xi32, #tpu.memory_space<hbm>>
      %dma_start3A_67 = tpu.memref_squeeze %dma_start3A_66 : memref<1x125x80xi32, #tpu.memory_space<hbm>> -> memref<125x80xi32, #tpu.memory_space<hbm>>
      %dma_start3A_68 = arith.constant 0 : i32
      %dma_start3A_69 = arith.constant 0 : i32
      %dma_start3A_70 = tpu.memref_slice %arg4[%add3A, %dma_start3A_68, %dma_start3A_69] : memref<32x125x80xi32, #tpu.memory_space<hbm>> -> memref<1x125x80xi32, #tpu.memory_space<hbm>>
      %dma_start3A_71 = tpu.memref_squeeze %dma_start3A_70 : memref<1x125x80xi32, #tpu.memory_space<hbm>> -> memref<125x80xi32, #tpu.memory_space<hbm>>
      tpu.enqueue_dma source(%dma_start3A_71 : memref<125x80xi32, #tpu.memory_space<hbm>>) target(%arg7 : memref<125x80xi32, #tpu.memory_space<vmem>>) target_semaphore(%run_scoped3A_63 : memref<!tpu.dma_semaphore, #tpu.memory_space<semaphore_mem>>)
      %dma_wait3A_72 = arith.constant 0 : i32
      %dma_wait3A_73 = arith.constant 0 : i32
      %dma_wait3A_74 = tpu.memref_slice %arg4[%add3A, %dma_wait3A_72, %dma_wait3A_73] : memref<32x125x80xi32, #tpu.memory_space<hbm>> -> memref<1x125x80xi32, #tpu.memory_space<hbm>>
      %dma_wait3A_75 = tpu.memref_squeeze %dma_wait3A_74 : memref<1x125x80xi32, #tpu.memory_space<hbm>> -> memref<125x80xi32, #tpu.memory_space<hbm>>
      %dma_wait3A_76 = arith.constant 0 : i32
      %dma_wait3A_77 = arith.constant 0 : i32
      %dma_wait3A_78 = tpu.memref_slice %arg4[%add3A, %dma_wait3A_76, %dma_wait3A_77] : memref<32x125x80xi32, #tpu.memory_space<hbm>> -> memref<1x125x80xi32, #tpu.memory_space<hbm>>
      %dma_wait3A_79 = tpu.memref_squeeze %dma_wait3A_78 : memref<1x125x80xi32, #tpu.memory_space<hbm>> -> memref<125x80xi32, #tpu.memory_space<hbm>>
      tpu.wait_dma2 semaphore(%run_scoped3A_63 : memref<!tpu.dma_semaphore, #tpu.memory_space<semaphore_mem>>) src(%dma_wait3A_79 : memref<125x80xi32, #tpu.memory_space<hbm>>) dst(%arg7 : memref<125x80xi32, #tpu.memory_space<vmem>>)
      tpu.yield
    }) : () -> ()
    %broadcast_in_dim3A = arith.constant 0.000000e+00 : f32
    %broadcast_in_dim3A_1 = vector.broadcast %broadcast_in_dim3A : f32 to vector<16xf32>
    %scan3A = arith.constant 0 : i32
    %scan3A_2 = arith.constant 0 : i32
    %scan3A_3 = arith.constant 80 : i32
    %scan3A_4 = arith.addi %scan3A_2, %scan3A_3 : i32
    %scan3A_5 = arith.constant 1 : i32
    scf.for %scan3A_63 = %scan3A_2 to %scan3A_4 step %scan3A_5  : i32 {
      %swap3A = arith.index_cast %scan3A_63 : i32 to index
      %swap3A_64 = arith.constant 0 : index
      %swap3A_65 = tpu.vector_load %arg8[%swap3A, %swap3A_64] {strides = array<i32>} : memref<80x128xf32, #tpu.memory_space<vmem>>, vector<1x16xf32>,
      %swap3A_66 = vector.shape_cast %swap3A_65 : vector<1x16xf32> to vector<16xf32>
      %swap3A_67 = vector.shape_cast %broadcast_in_dim3A_1 : vector<16xf32> to vector<1x16xf32>
      tpu.vector_store %arg8[%swap3A, %swap3A_64], %swap3A_67 {strides = array<i32>} : memref<80x128xf32, #tpu.memory_space<vmem>>, vector<1x16xf32>,
      %swap3A_68 = arith.index_cast %scan3A_63 : i32 to index
      %swap3A_69 = arith.constant 16 : index
      %swap3A_70 = tpu.vector_load %arg8[%swap3A_68, %swap3A_69] {strides = array<i32>} : memref<80x128xf32, #tpu.memory_space<vmem>>, vector<1x16xf32>,
      %swap3A_71 = vector.shape_cast %swap3A_70 : vector<1x16xf32> to vector<16xf32>
      %swap3A_72 = vector.shape_cast %broadcast_in_dim3A_1 : vector<16xf32> to vector<1x16xf32>
      tpu.vector_store %arg8[%swap3A_68, %swap3A_69], %swap3A_72 {strides = array<i32>} : memref<80x128xf32, #tpu.memory_space<vmem>>, vector<1x16xf32>,
      %swap3A_73 = arith.index_cast %scan3A_63 : i32 to index
      %swap3A_74 = arith.constant 32 : index
      %swap3A_75 = tpu.vector_load %arg8[%swap3A_73, %swap3A_74] {strides = array<i32>} : memref<80x128xf32, #tpu.memory_space<vmem>>, vector<1x16xf32>,
      %swap3A_76 = vector.shape_cast %swap3A_75 : vector<1x16xf32> to vector<16xf32>
      %swap3A_77 = vector.shape_cast %broadcast_in_dim3A_1 : vector<16xf32> to vector<1x16xf32>
      tpu.vector_store %arg8[%swap3A_73, %swap3A_74], %swap3A_77 {strides = array<i32>} : memref<80x128xf32, #tpu.memory_space<vmem>>, vector<1x16xf32>,
      %swap3A_78 = arith.index_cast %scan3A_63 : i32 to index
      %swap3A_79 = arith.constant 48 : index
      %swap3A_80 = tpu.vector_load %arg8[%swap3A_78, %swap3A_79] {strides = array<i32>} : memref<80x128xf32, #tpu.memory_space<vmem>>, vector<1x16xf32>,
      %swap3A_81 = vector.shape_cast %swap3A_80 : vector<1x16xf32> to vector<16xf32>
      %swap3A_82 = vector.shape_cast %broadcast_in_dim3A_1 : vector<16xf32> to vector<1x16xf32>
      tpu.vector_store %arg8[%swap3A_78, %swap3A_79], %swap3A_82 {strides = array<i32>} : memref<80x128xf32, #tpu.memory_space<vmem>>, vector<1x16xf32>,
      %swap3A_83 = arith.index_cast %scan3A_63 : i32 to index
      %swap3A_84 = arith.constant 64 : index
      %swap3A_85 = tpu.vector_load %arg8[%swap3A_83, %swap3A_84] {strides = array<i32>} : memref<80x128xf32, #tpu.memory_space<vmem>>, vector<1x16xf32>,
      %swap3A_86 = vector.shape_cast %swap3A_85 : vector<1x16xf32> to vector<16xf32>
      %swap3A_87 = vector.shape_cast %broadcast_in_dim3A_1 : vector<16xf32> to vector<1x16xf32>
      tpu.vector_store %arg8[%swap3A_83, %swap3A_84], %swap3A_87 {strides = array<i32>} : memref<80x128xf32, #tpu.memory_space<vmem>>, vector<1x16xf32>,
      %swap3A_88 = arith.index_cast %scan3A_63 : i32 to index
      %swap3A_89 = arith.constant 80 : index
      %swap3A_90 = tpu.vector_load %arg8[%swap3A_88, %swap3A_89] {strides = array<i32>} : memref<80x128xf32, #tpu.memory_space<vmem>>, vector<1x16xf32>,
      %swap3A_91 = vector.shape_cast %swap3A_90 : vector<1x16xf32> to vector<16xf32>
      %swap3A_92 = vector.shape_cast %broadcast_in_dim3A_1 : vector<16xf32> to vector<1x16xf32>
      tpu.vector_store %arg8[%swap3A_88, %swap3A_89], %swap3A_92 {strides = array<i32>} : memref<80x128xf32, #tpu.memory_space<vmem>>, vector<1x16xf32>,
      %swap3A_93 = arith.index_cast %scan3A_63 : i32 to index
      %swap3A_94 = arith.constant 96 : index
      %swap3A_95 = tpu.vector_load %arg8[%swap3A_93, %swap3A_94] {strides = array<i32>} : memref<80x128xf32, #tpu.memory_space<vmem>>, vector<1x16xf32>,
      %swap3A_96 = vector.shape_cast %swap3A_95 : vector<1x16xf32> to vector<16xf32>
      %swap3A_97 = vector.shape_cast %broadcast_in_dim3A_1 : vector<16xf32> to vector<1x16xf32>
      tpu.vector_store %arg8[%swap3A_93, %swap3A_94], %swap3A_97 {strides = array<i32>} : memref<80x128xf32, #tpu.memory_space<vmem>>, vector<1x16xf32>,
      %swap3A_98 = arith.index_cast %scan3A_63 : i32 to index
      %swap3A_99 = arith.constant 112 : index
      %swap3A_100 = tpu.vector_load %arg8[%swap3A_98, %swap3A_99] {strides = array<i32>} : memref<80x128xf32, #tpu.memory_space<vmem>>, vector<1x16xf32>,
      %swap3A_101 = vector.shape_cast %swap3A_100 : vector<1x16xf32> to vector<16xf32>
      %swap3A_102 = vector.shape_cast %broadcast_in_dim3A_1 : vector<16xf32> to vector<1x16xf32>
      tpu.vector_store %arg8[%swap3A_98, %swap3A_99], %swap3A_102 {strides = array<i32>} : memref<80x128xf32, #tpu.memory_space<vmem>>, vector<1x16xf32>,
    }
    %scan3A_6 = arith.constant 80 : i32
    %mul3A_7 = arith.constant 640 : i32
    %mul3A_8 = arith.muli %arg1, %mul3A_7 : i32
    %add3A_9 = arith.constant 0 : i32
    %add3A_10 = arith.addi %mul3A_8, %add3A_9 : i32
    "tpu.region"() ({
      %run_scoped3A_63 = tpu.sem_alloc : memref<!tpu.dma_semaphore, #tpu.memory_space<semaphore_mem>>
      %dma_start3A_64 = arith.constant 0 : i32
      %dma_start3A_65 = tpu.memref_slice %arg10[%add3A_10, %dma_start3A_64] : memref<10240x128xf32, #tpu.memory_space<vmem_shared>> -> memref<80x128xf32, #tpu.memory_space<vmem_shared>>
      %dma_start3A_66 = arith.constant 0 : i32
      %dma_start3A_67 = tpu.memref_slice %arg10[%add3A_10, %dma_start3A_66] : memref<10240x128xf32, #tpu.memory_space<vmem_shared>> -> memref<80x128xf32, #tpu.memory_space<vmem_shared>>
      tpu.enqueue_dma source(%arg8 : memref<80x128xf32, #tpu.memory_space<vmem>>) target(%dma_start3A_67 : memref<80x128xf32, #tpu.memory_space<vmem_shared>>) target_semaphore(%run_scoped3A_63 : memref<!tpu.dma_semaphore, #tpu.memory_space<semaphore_mem>>)
      %dma_wait3A_68 = arith.constant 0 : i32
      %dma_wait3A_69 = tpu.memref_slice %arg10[%add3A_10, %dma_wait3A_68] : memref<10240x128xf32, #tpu.memory_space<vmem_shared>> -> memref<80x128xf32, #tpu.memory_space<vmem_shared>>
      %dma_wait3A_70 = arith.constant 0 : i32
      %dma_wait3A_71 = tpu.memref_slice %arg10[%add3A_10, %dma_wait3A_70] : memref<10240x128xf32, #tpu.memory_space<vmem_shared>> -> memref<80x128xf32, #tpu.memory_space<vmem_shared>>
      tpu.wait_dma2 semaphore(%run_scoped3A_63 : memref<!tpu.dma_semaphore, #tpu.memory_space<semaphore_mem>>) src(%arg8 : memref<80x128xf32, #tpu.memory_space<vmem>>) dst(%dma_wait3A_71 : memref<80x128xf32, #tpu.memory_space<vmem_shared>>)
      tpu.yield
    }) : () -> ()
    %mul3A_11 = arith.constant 640 : i32
    %mul3A_12 = arith.muli %arg1, %mul3A_11 : i32
    %add3A_13 = arith.constant 80 : i32
    %add3A_14 = arith.addi %mul3A_12, %add3A_13 : i32
    "tpu.region"() ({
      %run_scoped3A_63 = tpu.sem_alloc : memref<!tpu.dma_semaphore, #tpu.memory_space<semaphore_mem>>
      %dma_start3A_64 = arith.constant 0 : i32
      %dma_start3A_65 = tpu.memref_slice %arg10[%add3A_14, %dma_start3A_64] : memref<10240x128xf32, #tpu.memory_space<vmem_shared>> -> memref<80x128xf32, #tpu.memory_space<vmem_shared>>
      %dma_start3A_66 = arith.constant 0 : i32
      %dma_start3A_67 = tpu.memref_slice %arg10[%add3A_14, %dma_start3A_66] : memref<10240x128xf32, #tpu.memory_space<vmem_shared>> -> memref<80x128xf32, #tpu.memory_space<vmem_shared>>
      tpu.enqueue_dma source(%arg8 : memref<80x128xf32, #tpu.memory_space<vmem>>) target(%dma_start3A_67 : memref<80x128xf32, #tpu.memory_space<vmem_shared>>) target_semaphore(%run_scoped3A_63 : memref<!tpu.dma_semaphore, #tpu.memory_space<semaphore_mem>>)
      %dma_wait3A_68 = arith.constant 0 : i32
      %dma_wait3A_69 = tpu.memref_slice %arg10[%add3A_14, %dma_wait3A_68] : memref<10240x128xf32, #tpu.memory_space<vmem_shared>> -> memref<80x128xf32, #tpu.memory_space<vmem_shared>>
      %dma_wait3A_70 = arith.constant 0 : i32
      %dma_wait3A_71 = tpu.memref_slice %arg10[%add3A_14, %dma_wait3A_70] : memref<10240x128xf32, #tpu.memory_space<vmem_shared>> -> memref<80x128xf32, #tpu.memory_space<vmem_shared>>
      tpu.wait_dma2 semaphore(%run_scoped3A_63 : memref<!tpu.dma_semaphore, #tpu.memory_space<semaphore_mem>>) src(%arg8 : memref<80x128xf32, #tpu.memory_space<vmem>>) dst(%dma_wait3A_71 : memref<80x128xf32, #tpu.memory_space<vmem_shared>>)
      tpu.yield
    }) : () -> ()
    %mul3A_15 = arith.constant 640 : i32
    %mul3A_16 = arith.muli %arg1, %mul3A_15 : i32
    %add3A_17 = arith.constant 160 : i32
    %add3A_18 = arith.addi %mul3A_16, %add3A_17 : i32
    "tpu.region"() ({
      %run_scoped3A_63 = tpu.sem_alloc : memref<!tpu.dma_semaphore, #tpu.memory_space<semaphore_mem>>
      %dma_start3A_64 = arith.constant 0 : i32
      %dma_start3A_65 = tpu.memref_slice %arg10[%add3A_18, %dma_start3A_64] : memref<10240x128xf32, #tpu.memory_space<vmem_shared>> -> memref<80x128xf32, #tpu.memory_space<vmem_shared>>
      %dma_start3A_66 = arith.constant 0 : i32
      %dma_start3A_67 = tpu.memref_slice %arg10[%add3A_18, %dma_start3A_66] : memref<10240x128xf32, #tpu.memory_space<vmem_shared>> -> memref<80x128xf32, #tpu.memory_space<vmem_shared>>
      tpu.enqueue_dma source(%arg8 : memref<80x128xf32, #tpu.memory_space<vmem>>) target(%dma_start3A_67 : memref<80x128xf32, #tpu.memory_space<vmem_shared>>) target_semaphore(%run_scoped3A_63 : memref<!tpu.dma_semaphore, #tpu.memory_space<semaphore_mem>>)
      %dma_wait3A_68 = arith.constant 0 : i32
      %dma_wait3A_69 = tpu.memref_slice %arg10[%add3A_18, %dma_wait3A_68] : memref<10240x128xf32, #tpu.memory_space<vmem_shared>> -> memref<80x128xf32, #tpu.memory_space<vmem_shared>>
      %dma_wait3A_70 = arith.constant 0 : i32
      %dma_wait3A_71 = tpu.memref_slice %arg10[%add3A_18, %dma_wait3A_70] : memref<10240x128xf32, #tpu.memory_space<vmem_shared>> -> memref<80x128xf32, #tpu.memory_space<vmem_shared>>
      tpu.wait_dma2 semaphore(%run_scoped3A_63 : memref<!tpu.dma_semaphore, #tpu.memory_space<semaphore_mem>>) src(%arg8 : memref<80x128xf32, #tpu.memory_space<vmem>>) dst(%dma_wait3A_71 : memref<80x128xf32, #tpu.memory_space<vmem_shared>>)
      tpu.yield
    }) : () -> ()
    %mul3A_19 = arith.constant 640 : i32
    %mul3A_20 = arith.muli %arg1, %mul3A_19 : i32
    %add3A_21 = arith.constant 240 : i32
    %add3A_22 = arith.addi %mul3A_20, %add3A_21 : i32
    "tpu.region"() ({
      %run_scoped3A_63 = tpu.sem_alloc : memref<!tpu.dma_semaphore, #tpu.memory_space<semaphore_mem>>
      %dma_start3A_64 = arith.constant 0 : i32
      %dma_start3A_65 = tpu.memref_slice %arg10[%add3A_22, %dma_start3A_64] : memref<10240x128xf32, #tpu.memory_space<vmem_shared>> -> memref<80x128xf32, #tpu.memory_space<vmem_shared>>
      %dma_start3A_66 = arith.constant 0 : i32
      %dma_start3A_67 = tpu.memref_slice %arg10[%add3A_22, %dma_start3A_66] : memref<10240x128xf32, #tpu.memory_space<vmem_shared>> -> memref<80x128xf32, #tpu.memory_space<vmem_shared>>
      tpu.enqueue_dma source(%arg8 : memref<80x128xf32, #tpu.memory_space<vmem>>) target(%dma_start3A_67 : memref<80x128xf32, #tpu.memory_space<vmem_shared>>) target_semaphore(%run_scoped3A_63 : memref<!tpu.dma_semaphore, #tpu.memory_space<semaphore_mem>>)
      %dma_wait3A_68 = arith.constant 0 : i32
      %dma_wait3A_69 = tpu.memref_slice %arg10[%add3A_22, %dma_wait3A_68] : memref<10240x128xf32, #tpu.memory_space<vmem_shared>> -> memref<80x128xf32, #tpu.memory_space<vmem_shared>>
      %dma_wait3A_70 = arith.constant 0 : i32
      %dma_wait3A_71 = tpu.memref_slice %arg10[%add3A_22, %dma_wait3A_70] : memref<10240x128xf32, #tpu.memory_space<vmem_shared>> -> memref<80x128xf32, #tpu.memory_space<vmem_shared>>
      tpu.wait_dma2 semaphore(%run_scoped3A_63 : memref<!tpu.dma_semaphore, #tpu.memory_space<semaphore_mem>>) src(%arg8 : memref<80x128xf32, #tpu.memory_space<vmem>>) dst(%dma_wait3A_71 : memref<80x128xf32, #tpu.memory_space<vmem_shared>>)
      tpu.yield
    }) : () -> ()
    %mul3A_23 = arith.constant 640 : i32
    %mul3A_24 = arith.muli %arg1, %mul3A_23 : i32
    %add3A_25 = arith.constant 320 : i32
    %add3A_26 = arith.addi %mul3A_24, %add3A_25 : i32
    "tpu.region"() ({
      %run_scoped3A_63 = tpu.sem_alloc : memref<!tpu.dma_semaphore, #tpu.memory_space<semaphore_mem>>
      %dma_start3A_64 = arith.constant 0 : i32
      %dma_start3A_65 = tpu.memref_slice %arg10[%add3A_26, %dma_start3A_64] : memref<10240x128xf32, #tpu.memory_space<vmem_shared>> -> memref<80x128xf32, #tpu.memory_space<vmem_shared>>
      %dma_start3A_66 = arith.constant 0 : i32
      %dma_start3A_67 = tpu.memref_slice %arg10[%add3A_26, %dma_start3A_66] : memref<10240x128xf32, #tpu.memory_space<vmem_shared>> -> memref<80x128xf32, #tpu.memory_space<vmem_shared>>
      tpu.enqueue_dma source(%arg8 : memref<80x128xf32, #tpu.memory_space<vmem>>) target(%dma_start3A_67 : memref<80x128xf32, #tpu.memory_space<vmem_shared>>) target_semaphore(%run_scoped3A_63 : memref<!tpu.dma_semaphore, #tpu.memory_space<semaphore_mem>>)
      %dma_wait3A_68 = arith.constant 0 : i32
      %dma_wait3A_69 = tpu.memref_slice %arg10[%add3A_26, %dma_wait3A_68] : memref<10240x128xf32, #tpu.memory_space<vmem_shared>> -> memref<80x128xf32, #tpu.memory_space<vmem_shared>>
      %dma_wait3A_70 = arith.constant 0 : i32
      %dma_wait3A_71 = tpu.memref_slice %arg10[%add3A_26, %dma_wait3A_70] : memref<10240x128xf32, #tpu.memory_space<vmem_shared>> -> memref<80x128xf32, #tpu.memory_space<vmem_shared>>
      tpu.wait_dma2 semaphore(%run_scoped3A_63 : memref<!tpu.dma_semaphore, #tpu.memory_space<semaphore_mem>>) src(%arg8 : memref<80x128xf32, #tpu.memory_space<vmem>>) dst(%dma_wait3A_71 : memref<80x128xf32, #tpu.memory_space<vmem_shared>>)
      tpu.yield
    }) : () -> ()
    %mul3A_27 = arith.constant 640 : i32
    %mul3A_28 = arith.muli %arg1, %mul3A_27 : i32
    %add3A_29 = arith.constant 400 : i32
    %add3A_30 = arith.addi %mul3A_28, %add3A_29 : i32
    "tpu.region"() ({
      %run_scoped3A_63 = tpu.sem_alloc : memref<!tpu.dma_semaphore, #tpu.memory_space<semaphore_mem>>
      %dma_start3A_64 = arith.constant 0 : i32
      %dma_start3A_65 = tpu.memref_slice %arg10[%add3A_30, %dma_start3A_64] : memref<10240x128xf32, #tpu.memory_space<vmem_shared>> -> memref<80x128xf32, #tpu.memory_space<vmem_shared>>
      %dma_start3A_66 = arith.constant 0 : i32
      %dma_start3A_67 = tpu.memref_slice %arg10[%add3A_30, %dma_start3A_66] : memref<10240x128xf32, #tpu.memory_space<vmem_shared>> -> memref<80x128xf32, #tpu.memory_space<vmem_shared>>
      tpu.enqueue_dma source(%arg8 : memref<80x128xf32, #tpu.memory_space<vmem>>) target(%dma_start3A_67 : memref<80x128xf32, #tpu.memory_space<vmem_shared>>) target_semaphore(%run_scoped3A_63 : memref<!tpu.dma_semaphore, #tpu.memory_space<semaphore_mem>>)
      %dma_wait3A_68 = arith.constant 0 : i32
      %dma_wait3A_69 = tpu.memref_slice %arg10[%add3A_30, %dma_wait3A_68] : memref<10240x128xf32, #tpu.memory_space<vmem_shared>> -> memref<80x128xf32, #tpu.memory_space<vmem_shared>>
      %dma_wait3A_70 = arith.constant 0 : i32
      %dma_wait3A_71 = tpu.memref_slice %arg10[%add3A_30, %dma_wait3A_70] : memref<10240x128xf32, #tpu.memory_space<vmem_shared>> -> memref<80x128xf32, #tpu.memory_space<vmem_shared>>
      tpu.wait_dma2 semaphore(%run_scoped3A_63 : memref<!tpu.dma_semaphore, #tpu.memory_space<semaphore_mem>>) src(%arg8 : memref<80x128xf32, #tpu.memory_space<vmem>>) dst(%dma_wait3A_71 : memref<80x128xf32, #tpu.memory_space<vmem_shared>>)
      tpu.yield
    }) : () -> ()
    %mul3A_31 = arith.constant 640 : i32
    %mul3A_32 = arith.muli %arg1, %mul3A_31 : i32
    %add3A_33 = arith.constant 480 : i32
    %add3A_34 = arith.addi %mul3A_32, %add3A_33 : i32
    "tpu.region"() ({
      %run_scoped3A_63 = tpu.sem_alloc : memref<!tpu.dma_semaphore, #tpu.memory_space<semaphore_mem>>
      %dma_start3A_64 = arith.constant 0 : i32
      %dma_start3A_65 = tpu.memref_slice %arg10[%add3A_34, %dma_start3A_64] : memref<10240x128xf32, #tpu.memory_space<vmem_shared>> -> memref<80x128xf32, #tpu.memory_space<vmem_shared>>
      %dma_start3A_66 = arith.constant 0 : i32
      %dma_start3A_67 = tpu.memref_slice %arg10[%add3A_34, %dma_start3A_66] : memref<10240x128xf32, #tpu.memory_space<vmem_shared>> -> memref<80x128xf32, #tpu.memory_space<vmem_shared>>
      tpu.enqueue_dma source(%arg8 : memref<80x128xf32, #tpu.memory_space<vmem>>) target(%dma_start3A_67 : memref<80x128xf32, #tpu.memory_space<vmem_shared>>) target_semaphore(%run_scoped3A_63 : memref<!tpu.dma_semaphore, #tpu.memory_space<semaphore_mem>>)
      %dma_wait3A_68 = arith.constant 0 : i32
      %dma_wait3A_69 = tpu.memref_slice %arg10[%add3A_34, %dma_wait3A_68] : memref<10240x128xf32, #tpu.memory_space<vmem_shared>> -> memref<80x128xf32, #tpu.memory_space<vmem_shared>>
      %dma_wait3A_70 = arith.constant 0 : i32
      %dma_wait3A_71 = tpu.memref_slice %arg10[%add3A_34, %dma_wait3A_70] : memref<10240x128xf32, #tpu.memory_space<vmem_shared>> -> memref<80x128xf32, #tpu.memory_space<vmem_shared>>
      tpu.wait_dma2 semaphore(%run_scoped3A_63 : memref<!tpu.dma_semaphore, #tpu.memory_space<semaphore_mem>>) src(%arg8 : memref<80x128xf32, #tpu.memory_space<vmem>>) dst(%dma_wait3A_71 : memref<80x128xf32, #tpu.memory_space<vmem_shared>>)
      tpu.yield
    }) : () -> ()
    %mul3A_35 = arith.constant 640 : i32
    %mul3A_36 = arith.muli %arg1, %mul3A_35 : i32
    %add3A_37 = arith.constant 560 : i32
    %add3A_38 = arith.addi %mul3A_36, %add3A_37 : i32
    "tpu.region"() ({
      %run_scoped3A_63 = tpu.sem_alloc : memref<!tpu.dma_semaphore, #tpu.memory_space<semaphore_mem>>
      %dma_start3A_64 = arith.constant 0 : i32
      %dma_start3A_65 = tpu.memref_slice %arg10[%add3A_38, %dma_start3A_64] : memref<10240x128xf32, #tpu.memory_space<vmem_shared>> -> memref<80x128xf32, #tpu.memory_space<vmem_shared>>
      %dma_start3A_66 = arith.constant 0 : i32
      %dma_start3A_67 = tpu.memref_slice %arg10[%add3A_38, %dma_start3A_66] : memref<10240x128xf32, #tpu.memory_space<vmem_shared>> -> memref<80x128xf32, #tpu.memory_space<vmem_shared>>
      tpu.enqueue_dma source(%arg8 : memref<80x128xf32, #tpu.memory_space<vmem>>) target(%dma_start3A_67 : memref<80x128xf32, #tpu.memory_space<vmem_shared>>) target_semaphore(%run_scoped3A_63 : memref<!tpu.dma_semaphore, #tpu.memory_space<semaphore_mem>>)
      %dma_wait3A_68 = arith.constant 0 : i32
      %dma_wait3A_69 = tpu.memref_slice %arg10[%add3A_38, %dma_wait3A_68] : memref<10240x128xf32, #tpu.memory_space<vmem_shared>> -> memref<80x128xf32, #tpu.memory_space<vmem_shared>>
      %dma_wait3A_70 = arith.constant 0 : i32
      %dma_wait3A_71 = tpu.memref_slice %arg10[%add3A_38, %dma_wait3A_70] : memref<10240x128xf32, #tpu.memory_space<vmem_shared>> -> memref<80x128xf32, #tpu.memory_space<vmem_shared>>
      tpu.wait_dma2 semaphore(%run_scoped3A_63 : memref<!tpu.dma_semaphore, #tpu.memory_space<semaphore_mem>>) src(%arg8 : memref<80x128xf32, #tpu.memory_space<vmem>>) dst(%dma_wait3A_71 : memref<80x128xf32, #tpu.memory_space<vmem_shared>>)
      tpu.yield
    }) : () -> ()
    %dma_start3A = arith.constant 0 : i32
    %dma_start3A_39 = tpu.memref_slice %arg6[%dma_start3A] : memref<10000xi32, #tpu.memory_space<vmem>> -> memref<80xi32, #tpu.memory_space<vmem>>
    %dma_start3A_40 = arith.constant 0 : i32
    %dma_start3A_41 = arith.constant 0 : i32
    %dma_start3A_42 = tpu.memref_slice %arg2[%dma_start3A_40, %dma_start3A_41] : memref<10240x128xf32, #tpu.memory_space<hbm>> -> memref<10240x128xf32, #tpu.memory_space<hbm>>
    tpu.enqueue_indirect_dma source(%dma_start3A_42 : memref<10240x128xf32, #tpu.memory_space<hbm>>) target(%arg8 : memref<80x128xf32, #tpu.memory_space<vmem>>) offsets(%dma_start3A_39 : memref<80xi32, #tpu.memory_space<vmem>>) semaphore(%arg11 : memref<!tpu.dma_semaphore, #tpu.memory_space<semaphore_mem>>)
    %dma_start3A_43 = arith.constant 80 : i32
    %dma_start3A_44 = tpu.memref_slice %arg6[%dma_start3A_43] : memref<10000xi32, #tpu.memory_space<vmem>> -> memref<80xi32, #tpu.memory_space<vmem>>
    %dma_start3A_45 = arith.constant 0 : i32
    %dma_start3A_46 = arith.constant 0 : i32
    %dma_start3A_47 = tpu.memref_slice %arg2[%dma_start3A_45, %dma_start3A_46] : memref<10240x128xf32, #tpu.memory_space<hbm>> -> memref<10240x128xf32, #tpu.memory_space<hbm>>
    tpu.enqueue_indirect_dma source(%dma_start3A_47 : memref<10240x128xf32, #tpu.memory_space<hbm>>) target(%arg9 : memref<80x128xf32, #tpu.memory_space<vmem>>) offsets(%dma_start3A_44 : memref<80xi32, #tpu.memory_space<vmem>>) semaphore(%arg12 : memref<!tpu.dma_semaphore, #tpu.memory_space<semaphore_mem>>)
    %barrier3A = arith.constant 0 : index
    tpu.barrier barrier_id(%barrier3A)
    %scan3A_48 = arith.constant 0 : i32
    %scan3A_49 = arith.constant 0 : i32
    %scan3A_50 = arith.constant 62 : i32
    %scan3A_51 = arith.addi %scan3A_49, %scan3A_50 : i32
    %scan3A_52 = arith.constant 1 : i32
    scf.for %scan3A_63 = %scan3A_49 to %scan3A_51 step %scan3A_52  : i32 {
      %mul3A_64 = arith.constant 2 : i32
      %mul3A_65 = arith.muli %scan3A_63, %mul3A_64 : i32
      %add3A_66 = arith.constant 0 : i32
      %add3A_67 = arith.addi %mul3A_65, %add3A_66 : i32
      %dma_wait3A_68 = arith.constant 0 : i32
      %dma_wait3A_69 = tpu.memref_slice %arg6[%dma_wait3A_68] : memref<10000xi32, #tpu.memory_space<vmem>> -> memref<80xi32, #tpu.memory_space<vmem>>
      %dma_wait3A_70 = arith.constant 0 : i32
      %dma_wait3A_71 = arith.constant 0 : i32
      %dma_wait3A_72 = tpu.memref_slice %arg2[%dma_wait3A_70, %dma_wait3A_71] : memref<10240x128xf32, #tpu.memory_space<hbm>> -> memref<10240x128xf32, #tpu.memory_space<hbm>>
      tpu.wait_indirect_dma semaphore(%arg11 : memref<!tpu.dma_semaphore, #tpu.memory_space<semaphore_mem>>) src(%dma_wait3A_72 : memref<10240x128xf32, #tpu.memory_space<hbm>>) dst(%arg8 : memref<80x128xf32, #tpu.memory_space<vmem>>)
      "tpu.region"() ({
        %run_scoped3A_93 = tpu.sem_alloc : memref<!tpu.dma_semaphore, #tpu.memory_space<semaphore_mem>>
        %dma_start3A_94 = arith.constant 0 : i32
        %dma_start3A_95 = tpu.memref_slice %arg7[%add3A_67, %dma_start3A_94] : memref<125x80xi32, #tpu.memory_space<vmem>> -> memref<1x80xi32, #tpu.memory_space<vmem>>
        %dma_start3A_96 = tpu.memref_squeeze %dma_start3A_95 : memref<1x80xi32, #tpu.memory_space<vmem>> -> memref<80xi32, #tpu.memory_space<vmem>>
        %dma_start3A_97 = arith.constant 0 : i32
        %dma_start3A_98 = arith.constant 0 : i32
        %dma_start3A_99 = tpu.memref_slice %arg10[%dma_start3A_97, %dma_start3A_98] : memref<10240x128xf32, #tpu.memory_space<vmem_shared>> -> memref<10240x128xf32, #tpu.memory_space<vmem_shared>>
        tpu.enqueue_indirect_dma source(%arg8 : memref<80x128xf32, #tpu.memory_space<vmem>>) target(%dma_start3A_99 : memref<10240x128xf32, #tpu.memory_space<vmem_shared>>) offsets(%dma_start3A_96 : memref<80xi32, #tpu.memory_space<vmem>>) semaphore(%run_scoped3A_93 : memref<!tpu.dma_semaphore, #tpu.memory_space<semaphore_mem>>) {add = true}
        %dma_wait3A_100 = arith.constant 0 : i32
        %dma_wait3A_101 = tpu.memref_slice %arg7[%add3A_67, %dma_wait3A_100] : memref<125x80xi32, #tpu.memory_space<vmem>> -> memref<1x80xi32, #tpu.memory_space<vmem>>
        %dma_wait3A_102 = tpu.memref_squeeze %dma_wait3A_101 : memref<1x80xi32, #tpu.memory_space<vmem>> -> memref<80xi32, #tpu.memory_space<vmem>>
        %dma_wait3A_103 = arith.constant 0 : i32
        %dma_wait3A_104 = arith.constant 0 : i32
        %dma_wait3A_105 = tpu.memref_slice %arg10[%dma_wait3A_103, %dma_wait3A_104] : memref<10240x128xf32, #tpu.memory_space<vmem_shared>> -> memref<10240x128xf32, #tpu.memory_space<vmem_shared>>
        tpu.wait_indirect_dma semaphore(%run_scoped3A_93 : memref<!tpu.dma_semaphore, #tpu.memory_space<semaphore_mem>>) src(%arg8 : memref<80x128xf32, #tpu.memory_space<vmem>>) dst(%dma_wait3A_105 : memref<10240x128xf32, #tpu.memory_space<vmem_shared>>)
        tpu.yield
      }) : () -> ()
      %add3A_73 = arith.constant 2 : i32
      %add3A_74 = arith.addi %add3A_67, %add3A_73 : i32
      %lt3A = arith.constant 125 : i32
      %lt3A_75 = arith.cmpi slt, %add3A_74, %lt3A : i32
      %convert_element_type3A = arith.extui %lt3A_75 : i1 to i32
      %cond3A = arith.constant 0 : i32
      %cond3A_76 = arith.cmpi ne, %convert_element_type3A, %cond3A : i32
      scf.if %cond3A_76 {
        %add3A_93 = arith.constant 2 : i32
        %add3A_94 = arith.addi %add3A_67, %add3A_93 : i32
        %mul3A_95 = arith.constant 80 : i32
        %mul3A_96 = arith.muli %add3A_94, %mul3A_95 : i32
        %dma_start3A_97 = tpu.memref_slice %arg6[%mul3A_96] : memref<10000xi32, #tpu.memory_space<vmem>> -> memref<80xi32, #tpu.memory_space<vmem>>
        %dma_start3A_98 = arith.constant 0 : i32
        %dma_start3A_99 = arith.constant 0 : i32
        %dma_start3A_100 = tpu.memref_slice %arg2[%dma_start3A_98, %dma_start3A_99] : memref<10240x128xf32, #tpu.memory_space<hbm>> -> memref<10240x128xf32, #tpu.memory_space<hbm>>
        tpu.enqueue_indirect_dma source(%dma_start3A_100 : memref<10240x128xf32, #tpu.memory_space<hbm>>) target(%arg8 : memref<80x128xf32, #tpu.memory_space<vmem>>) offsets(%dma_start3A_97 : memref<80xi32, #tpu.memory_space<vmem>>) semaphore(%arg11 : memref<!tpu.dma_semaphore, #tpu.memory_space<semaphore_mem>>)
      } else {
      }
      %mul3A_77 = arith.constant 2 : i32
      %mul3A_78 = arith.muli %scan3A_63, %mul3A_77 : i32
      %add3A_79 = arith.constant 1 : i32
      %add3A_80 = arith.addi %mul3A_78, %add3A_79 : i32
      %dma_wait3A_81 = arith.constant 0 : i32
      %dma_wait3A_82 = tpu.memref_slice %arg6[%dma_wait3A_81] : memref<10000xi32, #tpu.memory_space<vmem>> -> memref<80xi32, #tpu.memory_space<vmem>>
      %dma_wait3A_83 = arith.constant 0 : i32
      %dma_wait3A_84 = arith.constant 0 : i32
      %dma_wait3A_85 = tpu.memref_slice %arg2[%dma_wait3A_83, %dma_wait3A_84] : memref<10240x128xf32, #tpu.memory_space<hbm>> -> memref<10240x128xf32, #tpu.memory_space<hbm>>
      tpu.wait_indirect_dma semaphore(%arg12 : memref<!tpu.dma_semaphore, #tpu.memory_space<semaphore_mem>>) src(%dma_wait3A_85 : memref<10240x128xf32, #tpu.memory_space<hbm>>) dst(%arg9 : memref<80x128xf32, #tpu.memory_space<vmem>>)
      "tpu.region"() ({
        %run_scoped3A_93 = tpu.sem_alloc : memref<!tpu.dma_semaphore, #tpu.memory_space<semaphore_mem>>
        %dma_start3A_94 = arith.constant 0 : i32
        %dma_start3A_95 = tpu.memref_slice %arg7[%add3A_80, %dma_start3A_94] : memref<125x80xi32, #tpu.memory_space<vmem>> -> memref<1x80xi32, #tpu.memory_space<vmem>>
        %dma_start3A_96 = tpu.memref_squeeze %dma_start3A_95 : memref<1x80xi32, #tpu.memory_space<vmem>> -> memref<80xi32, #tpu.memory_space<vmem>>
        %dma_start3A_97 = arith.constant 0 : i32
        %dma_start3A_98 = arith.constant 0 : i32
        %dma_start3A_99 = tpu.memref_slice %arg10[%dma_start3A_97, %dma_start3A_98] : memref<10240x128xf32, #tpu.memory_space<vmem_shared>> -> memref<10240x128xf32, #tpu.memory_space<vmem_shared>>
        tpu.enqueue_indirect_dma source(%arg9 : memref<80x128xf32, #tpu.memory_space<vmem>>) target(%dma_start3A_99 : memref<10240x128xf32, #tpu.memory_space<vmem_shared>>) offsets(%dma_start3A_96 : memref<80xi32, #tpu.memory_space<vmem>>) semaphore(%run_scoped3A_93 : memref<!tpu.dma_semaphore, #tpu.memory_space<semaphore_mem>>) {add = true}
        %dma_wait3A_100 = arith.constant 0 : i32
        %dma_wait3A_101 = tpu.memref_slice %arg7[%add3A_80, %dma_wait3A_100] : memref<125x80xi32, #tpu.memory_space<vmem>> -> memref<1x80xi32, #tpu.memory_space<vmem>>
        %dma_wait3A_102 = tpu.memref_squeeze %dma_wait3A_101 : memref<1x80xi32, #tpu.memory_space<vmem>> -> memref<80xi32, #tpu.memory_space<vmem>>
        %dma_wait3A_103 = arith.constant 0 : i32
        %dma_wait3A_104 = arith.constant 0 : i32
        %dma_wait3A_105 = tpu.memref_slice %arg10[%dma_wait3A_103, %dma_wait3A_104] : memref<10240x128xf32, #tpu.memory_space<vmem_shared>> -> memref<10240x128xf32, #tpu.memory_space<vmem_shared>>
        tpu.wait_indirect_dma semaphore(%run_scoped3A_93 : memref<!tpu.dma_semaphore, #tpu.memory_space<semaphore_mem>>) src(%arg9 : memref<80x128xf32, #tpu.memory_space<vmem>>) dst(%dma_wait3A_105 : memref<10240x128xf32, #tpu.memory_space<vmem_shared>>)
        tpu.yield
      }) : () -> ()
      %add3A_86 = arith.constant 2 : i32
      %add3A_87 = arith.addi %add3A_80, %add3A_86 : i32
      %lt3A_88 = arith.constant 125 : i32
      %lt3A_89 = arith.cmpi slt, %add3A_87, %lt3A_88 : i32
      %convert_element_type3A_90 = arith.extui %lt3A_89 : i1 to i32
      %cond3A_91 = arith.constant 0 : i32
      %cond3A_92 = arith.cmpi ne, %convert_element_type3A_90, %cond3A_91 : i32
      scf.if %cond3A_92 {
        %add3A_93 = arith.constant 2 : i32
        %add3A_94 = arith.addi %add3A_80, %add3A_93 : i32
        %mul3A_95 = arith.constant 80 : i32
        %mul3A_96 = arith.muli %add3A_94, %mul3A_95 : i32
        %dma_start3A_97 = tpu.memref_slice %arg6[%mul3A_96] : memref<10000xi32, #tpu.memory_space<vmem>> -> memref<80xi32, #tpu.memory_space<vmem>>
        %dma_start3A_98 = arith.constant 0 : i32
        %dma_start3A_99 = arith.constant 0 : i32
        %dma_start3A_100 = tpu.memref_slice %arg2[%dma_start3A_98, %dma_start3A_99] : memref<10240x128xf32, #tpu.memory_space<hbm>> -> memref<10240x128xf32, #tpu.memory_space<hbm>>
        tpu.enqueue_indirect_dma source(%dma_start3A_100 : memref<10240x128xf32, #tpu.memory_space<hbm>>) target(%arg9 : memref<80x128xf32, #tpu.memory_space<vmem>>) offsets(%dma_start3A_97 : memref<80xi32, #tpu.memory_space<vmem>>) semaphore(%arg12 : memref<!tpu.dma_semaphore, #tpu.memory_space<semaphore_mem>>)
      } else {
      }
    }
    %scan3A_53 = arith.constant 62 : i32
    %dma_wait3A = arith.constant 0 : i32
    %dma_wait3A_54 = tpu.memref_slice %arg6[%dma_wait3A] : memref<10000xi32, #tpu.memory_space<vmem>> -> memref<80xi32, #tpu.memory_space<vmem>>
    %dma_wait3A_55 = arith.constant 0 : i32
    %dma_wait3A_56 = arith.constant 0 : i32
    %dma_wait3A_57 = tpu.memref_slice %arg2[%dma_wait3A_55, %dma_wait3A_56] : memref<10240x128xf32, #tpu.memory_space<hbm>> -> memref<10240x128xf32, #tpu.memory_space<hbm>>
    tpu.wait_indirect_dma semaphore(%arg11 : memref<!tpu.dma_semaphore, #tpu.memory_space<semaphore_mem>>) src(%dma_wait3A_57 : memref<10240x128xf32, #tpu.memory_space<hbm>>) dst(%arg8 : memref<80x128xf32, #tpu.memory_space<vmem>>)
    %run_scoped3A = arith.constant 124 : i32
    "tpu.region"() ({
      %run_scoped3A_63 = tpu.sem_alloc : memref<!tpu.dma_semaphore, #tpu.memory_space<semaphore_mem>>
      %dma_start3A_64 = arith.constant 0 : i32
      %dma_start3A_65 = tpu.memref_slice %arg7[%run_scoped3A, %dma_start3A_64] : memref<125x80xi32, #tpu.memory_space<vmem>> -> memref<1x80xi32, #tpu.memory_space<vmem>>
      %dma_start3A_66 = tpu.memref_squeeze %dma_start3A_65 : memref<1x80xi32, #tpu.memory_space<vmem>> -> memref<80xi32, #tpu.memory_space<vmem>>
      %dma_start3A_67 = arith.constant 0 : i32
      %dma_start3A_68 = arith.constant 0 : i32
      %dma_start3A_69 = tpu.memref_slice %arg10[%dma_start3A_67, %dma_start3A_68] : memref<10240x128xf32, #tpu.memory_space<vmem_shared>> -> memref<10240x128xf32, #tpu.memory_space<vmem_shared>>
      tpu.enqueue_indirect_dma source(%arg8 : memref<80x128xf32, #tpu.memory_space<vmem>>) target(%dma_start3A_69 : memref<10240x128xf32, #tpu.memory_space<vmem_shared>>) offsets(%dma_start3A_66 : memref<80xi32, #tpu.memory_space<vmem>>) semaphore(%run_scoped3A_63 : memref<!tpu.dma_semaphore, #tpu.memory_space<semaphore_mem>>) {add = true}
      %dma_wait3A_70 = arith.constant 0 : i32
      %dma_wait3A_71 = tpu.memref_slice %arg7[%run_scoped3A, %dma_wait3A_70] : memref<125x80xi32, #tpu.memory_space<vmem>> -> memref<1x80xi32, #tpu.memory_space<vmem>>
      %dma_wait3A_72 = tpu.memref_squeeze %dma_wait3A_71 : memref<1x80xi32, #tpu.memory_space<vmem>> -> memref<80xi32, #tpu.memory_space<vmem>>
      %dma_wait3A_73 = arith.constant 0 : i32
      %dma_wait3A_74 = arith.constant 0 : i32
      %dma_wait3A_75 = tpu.memref_slice %arg10[%dma_wait3A_73, %dma_wait3A_74] : memref<10240x128xf32, #tpu.memory_space<vmem_shared>> -> memref<10240x128xf32, #tpu.memory_space<vmem_shared>>
      tpu.wait_indirect_dma semaphore(%run_scoped3A_63 : memref<!tpu.dma_semaphore, #tpu.memory_space<semaphore_mem>>) src(%arg8 : memref<80x128xf32, #tpu.memory_space<vmem>>) dst(%dma_wait3A_75 : memref<10240x128xf32, #tpu.memory_space<vmem_shared>>)
      tpu.yield
    }) : () -> ()
    %barrier3A_58 = arith.constant 0 : index
    tpu.barrier barrier_id(%barrier3A_58)
    %mul3A_59 = arith.constant 640 : i32
    %mul3A_60 = arith.muli %arg1, %mul3A_59 : i32
    %mul3A_61 = arith.constant 640 : i32
    %mul3A_62 = arith.muli %arg1, %mul3A_61 : i32
    "tpu.region"() ({
      %run_scoped3A_63 = tpu.sem_alloc : memref<!tpu.dma_semaphore, #tpu.memory_space<semaphore_mem>>
      %dma_start3A_64 = arith.constant 0 : i32
      %dma_start3A_65 = tpu.memref_slice %arg5[%arg0, %mul3A_62, %dma_start3A_64] : memref<2x10240x128xf32, #tpu.memory_space<hbm>> -> memref<1x640x128xf32, #tpu.memory_space<hbm>>
      %dma_start3A_66 = tpu.memref_squeeze %dma_start3A_65 : memref<1x640x128xf32, #tpu.memory_space<hbm>> -> memref<640x128xf32, #tpu.memory_space<hbm>>
      %dma_start3A_67 = arith.constant 0 : i32
      %dma_start3A_68 = tpu.memref_slice %arg10[%mul3A_60, %dma_start3A_67] : memref<10240x128xf32, #tpu.memory_space<vmem_shared>> -> memref<640x128xf32, #tpu.memory_space<vmem_shared>>
      tpu.enqueue_dma source(%dma_start3A_68 : memref<640x128xf32, #tpu.memory_space<vmem_shared>>) target(%dma_start3A_66 : memref<640x128xf32, #tpu.memory_space<hbm>>) target_semaphore(%run_scoped3A_63 : memref<!tpu.dma_semaphore, #tpu.memory_space<semaphore_mem>>)
      %dma_wait3A_69 = arith.constant 0 : i32
      %dma_wait3A_70 = tpu.memref_slice %arg5[%arg0, %mul3A_62, %dma_wait3A_69] : memref<2x10240x128xf32, #tpu.memory_space<hbm>> -> memref<1x640x128xf32, #tpu.memory_space<hbm>>
      %dma_wait3A_71 = tpu.memref_squeeze %dma_wait3A_70 : memref<1x640x128xf32, #tpu.memory_space<hbm>> -> memref<640x128xf32, #tpu.memory_space<hbm>>
      %dma_wait3A_72 = arith.constant 0 : i32
      %dma_wait3A_73 = tpu.memref_slice %arg10[%mul3A_60, %dma_wait3A_72] : memref<10240x128xf32, #tpu.memory_space<vmem_shared>> -> memref<640x128xf32, #tpu.memory_space<vmem_shared>>
      tpu.wait_dma2 semaphore(%run_scoped3A_63 : memref<!tpu.dma_semaphore, #tpu.memory_space<semaphore_mem>>) src(%dma_wait3A_73 : memref<640x128xf32, #tpu.memory_space<vmem_shared>>) dst(%dma_wait3A_71 : memref<640x128xf32, #tpu.memory_space<hbm>>)
      tpu.yield
    }) : () -> ()
    return
  }
}

#map = affine_map<(d0, d1) -> (0, 0)>
#map1 = affine_map<(d0, d1) -> (0, 0, 0)>
module attributes {stable_mosaic.version = 14 : i64} {
  func.func @_segsum(%arg0: i32, %arg1: i32, %arg2: memref<10240x128xf32, #tpu.memory_space<hbm>>, %arg3: memref<32x10000xi32, #tpu.memory_space<hbm>>, %arg4: memref<32x125x80xi32, #tpu.memory_space<hbm>>, %arg5: memref<2x10240x128xf32, #tpu.memory_space<hbm>>, %arg6: memref<10000xi32, #tpu.memory_space<vmem>>, %arg7: memref<125x80xi32, #tpu.memory_space<vmem>>, %arg8: memref<80x128xf32, #tpu.memory_space<vmem>>, %arg9: memref<80x128xf32, #tpu.memory_space<vmem>>, %arg10: memref<10240x128xf32, #tpu.memory_space<vmem_shared>>, %arg11: memref<!tpu.dma_semaphore, #tpu.memory_space<semaphore_mem>>, %arg12: memref<!tpu.dma_semaphore, #tpu.memory_space<semaphore_mem>>) attributes {dimension_semantics = [#tpu.dimension_semantics<core_parallel>, #tpu.dimension_semantics<subcore_parallel>], iteration_bounds = array<i64: 2, 16>, scalar_prefetch = 0 : i64, scratch_operands = 7 : i64, tpu.core_type = #tpu.core_type<sc_vector_subcore>, window_params = [{transform_indices = #map}, {transform_indices = #map}, {transform_indices = #map1}, {transform_indices = #map1}]} {
    %mul3A = arith.constant 16 : i32
    %mul3A_0 = arith.muli %arg0, %mul3A : i32
    %add3A = arith.addi %mul3A_0, %arg1 : i32
    "tpu.region"() ({
      %run_scoped3A_63 = tpu.sem_alloc : memref<!tpu.dma_semaphore, #tpu.memory_space<semaphore_mem>>
      %dma_start3A_64 = arith.constant 0 : i32
      %dma_start3A_65 = tpu.memref_slice %arg3[%add3A, %dma_start3A_64] : memref<32x10000xi32, #tpu.memory_space<hbm>> -> memref<1x10000xi32, #tpu.memory_space<hbm>>
      %dma_start3A_66 = tpu.memref_squeeze %dma_start3A_65 : memref<1x10000xi32, #tpu.memory_space<hbm>> -> memref<10000xi32, #tpu.memory_space<hbm>>
      %dma_start3A_67 = arith.constant 0 : i32
      %dma_start3A_68 = tpu.memref_slice %arg3[%add3A, %dma_start3A_67] : memref<32x10000xi32, #tpu.memory_space<hbm>> -> memref<1x10000xi32, #tpu.memory_space<hbm>>
      %dma_start3A_69 = tpu.memref_squeeze %dma_start3A_68 : memref<1x10000xi32, #tpu.memory_space<hbm>> -> memref<10000xi32, #tpu.memory_space<hbm>>
      tpu.enqueue_dma source(%dma_start3A_69 : memref<10000xi32, #tpu.memory_space<hbm>>) target(%arg6 : memref<10000xi32, #tpu.memory_space<vmem>>) target_semaphore(%run_scoped3A_63 : memref<!tpu.dma_semaphore, #tpu.memory_space<semaphore_mem>>)
      %dma_wait3A_70 = arith.constant 0 : i32
      %dma_wait3A_71 = tpu.memref_slice %arg3[%add3A, %dma_wait3A_70] : memref<32x10000xi32, #tpu.memory_space<hbm>> -> memref<1x10000xi32, #tpu.memory_space<hbm>>
      %dma_wait3A_72 = tpu.memref_squeeze %dma_wait3A_71 : memref<1x10000xi32, #tpu.memory_space<hbm>> -> memref<10000xi32, #tpu.memory_space<hbm>>
      %dma_wait3A_73 = arith.constant 0 : i32
      %dma_wait3A_74 = tpu.memref_slice %arg3[%add3A, %dma_wait3A_73] : memref<32x10000xi32, #tpu.memory_space<hbm>> -> memref<1x10000xi32, #tpu.memory_space<hbm>>
      %dma_wait3A_75 = tpu.memref_squeeze %dma_wait3A_74 : memref<1x10000xi32, #tpu.memory_space<hbm>> -> memref<10000xi32, #tpu.memory_space<hbm>>
      tpu.wait_dma2 semaphore(%run_scoped3A_63 : memref<!tpu.dma_semaphore, #tpu.memory_space<semaphore_mem>>) src(%dma_wait3A_75 : memref<10000xi32, #tpu.memory_space<hbm>>) dst(%arg6 : memref<10000xi32, #tpu.memory_space<vmem>>)
      tpu.yield
    }) : () -> ()
    "tpu.region"() ({
      %run_scoped3A_63 = tpu.sem_alloc : memref<!tpu.dma_semaphore, #tpu.memory_space<semaphore_mem>>
      %dma_start3A_64 = arith.constant 0 : i32
      %dma_start3A_65 = arith.constant 0 : i32
      %dma_start3A_66 = tpu.memref_slice %arg4[%add3A, %dma_start3A_64, %dma_start3A_65] : memref<32x125x80xi32, #tpu.memory_space<hbm>> -> memref<1x125x80xi32, #tpu.memory_space<hbm>>
      %dma_start3A_67 = tpu.memref_squeeze %dma_start3A_66 : memref<1x125x80xi32, #tpu.memory_space<hbm>> -> memref<125x80xi32, #tpu.memory_space<hbm>>
      %dma_start3A_68 = arith.constant 0 : i32
      %dma_start3A_69 = arith.constant 0 : i32
      %dma_start3A_70 = tpu.memref_slice %arg4[%add3A, %dma_start3A_68, %dma_start3A_69] : memref<32x125x80xi32, #tpu.memory_space<hbm>> -> memref<1x125x80xi32, #tpu.memory_space<hbm>>
      %dma_start3A_71 = tpu.memref_squeeze %dma_start3A_70 : memref<1x125x80xi32, #tpu.memory_space<hbm>> -> memref<125x80xi32, #tpu.memory_space<hbm>>
      tpu.enqueue_dma source(%dma_start3A_71 : memref<125x80xi32, #tpu.memory_space<hbm>>) target(%arg7 : memref<125x80xi32, #tpu.memory_space<vmem>>) target_semaphore(%run_scoped3A_63 : memref<!tpu.dma_semaphore, #tpu.memory_space<semaphore_mem>>)
      %dma_wait3A_72 = arith.constant 0 : i32
      %dma_wait3A_73 = arith.constant 0 : i32
      %dma_wait3A_74 = tpu.memref_slice %arg4[%add3A, %dma_wait3A_72, %dma_wait3A_73] : memref<32x125x80xi32, #tpu.memory_space<hbm>> -> memref<1x125x80xi32, #tpu.memory_space<hbm>>
      %dma_wait3A_75 = tpu.memref_squeeze %dma_wait3A_74 : memref<1x125x80xi32, #tpu.memory_space<hbm>> -> memref<125x80xi32, #tpu.memory_space<hbm>>
      %dma_wait3A_76 = arith.constant 0 : i32
      %dma_wait3A_77 = arith.constant 0 : i32
      %dma_wait3A_78 = tpu.memref_slice %arg4[%add3A, %dma_wait3A_76, %dma_wait3A_77] : memref<32x125x80xi32, #tpu.memory_space<hbm>> -> memref<1x125x80xi32, #tpu.memory_space<hbm>>
      %dma_wait3A_79 = tpu.memref_squeeze %dma_wait3A_78 : memref<1x125x80xi32, #tpu.memory_space<hbm>> -> memref<125x80xi32, #tpu.memory_space<hbm>>
      tpu.wait_dma2 semaphore(%run_scoped3A_63 : memref<!tpu.dma_semaphore, #tpu.memory_space<semaphore_mem>>) src(%dma_wait3A_79 : memref<125x80xi32, #tpu.memory_space<hbm>>) dst(%arg7 : memref<125x80xi32, #tpu.memory_space<vmem>>)
      tpu.yield
    }) : () -> ()
    %broadcast_in_dim3A = arith.constant 0.000000e+00 : f32
    %broadcast_in_dim3A_1 = vector.broadcast %broadcast_in_dim3A : f32 to vector<16xf32>
    %scan3A = arith.constant 0 : i32
    %scan3A_2 = arith.constant 0 : i32
    %scan3A_3 = arith.constant 80 : i32
    %scan3A_4 = arith.addi %scan3A_2, %scan3A_3 : i32
    %scan3A_5 = arith.constant 1 : i32
    scf.for %scan3A_63 = %scan3A_2 to %scan3A_4 step %scan3A_5  : i32 {
      %swap3A = arith.index_cast %scan3A_63 : i32 to index
      %swap3A_64 = arith.constant 0 : index
      %swap3A_65 = tpu.vector_load %arg8[%swap3A, %swap3A_64] {strides = array<i32>} : memref<80x128xf32, #tpu.memory_space<vmem>>, vector<1x16xf32>,
      %swap3A_66 = vector.shape_cast %swap3A_65 : vector<1x16xf32> to vector<16xf32>
      %swap3A_67 = vector.shape_cast %broadcast_in_dim3A_1 : vector<16xf32> to vector<1x16xf32>
      tpu.vector_store %arg8[%swap3A, %swap3A_64], %swap3A_67 {strides = array<i32>} : memref<80x128xf32, #tpu.memory_space<vmem>>, vector<1x16xf32>,
      %swap3A_68 = arith.index_cast %scan3A_63 : i32 to index
      %swap3A_69 = arith.constant 16 : index
      %swap3A_70 = tpu.vector_load %arg8[%swap3A_68, %swap3A_69] {strides = array<i32>} : memref<80x128xf32, #tpu.memory_space<vmem>>, vector<1x16xf32>,
      %swap3A_71 = vector.shape_cast %swap3A_70 : vector<1x16xf32> to vector<16xf32>
      %swap3A_72 = vector.shape_cast %broadcast_in_dim3A_1 : vector<16xf32> to vector<1x16xf32>
      tpu.vector_store %arg8[%swap3A_68, %swap3A_69], %swap3A_72 {strides = array<i32>} : memref<80x128xf32, #tpu.memory_space<vmem>>, vector<1x16xf32>,
      %swap3A_73 = arith.index_cast %scan3A_63 : i32 to index
      %swap3A_74 = arith.constant 32 : index
      %swap3A_75 = tpu.vector_load %arg8[%swap3A_73, %swap3A_74] {strides = array<i32>} : memref<80x128xf32, #tpu.memory_space<vmem>>, vector<1x16xf32>,
      %swap3A_76 = vector.shape_cast %swap3A_75 : vector<1x16xf32> to vector<16xf32>
      %swap3A_77 = vector.shape_cast %broadcast_in_dim3A_1 : vector<16xf32> to vector<1x16xf32>
      tpu.vector_store %arg8[%swap3A_73, %swap3A_74], %swap3A_77 {strides = array<i32>} : memref<80x128xf32, #tpu.memory_space<vmem>>, vector<1x16xf32>,
      %swap3A_78 = arith.index_cast %scan3A_63 : i32 to index
      %swap3A_79 = arith.constant 48 : index
      %swap3A_80 = tpu.vector_load %arg8[%swap3A_78, %swap3A_79] {strides = array<i32>} : memref<80x128xf32, #tpu.memory_space<vmem>>, vector<1x16xf32>,
      %swap3A_81 = vector.shape_cast %swap3A_80 : vector<1x16xf32> to vector<16xf32>
      %swap3A_82 = vector.shape_cast %broadcast_in_dim3A_1 : vector<16xf32> to vector<1x16xf32>
      tpu.vector_store %arg8[%swap3A_78, %swap3A_79], %swap3A_82 {strides = array<i32>} : memref<80x128xf32, #tpu.memory_space<vmem>>, vector<1x16xf32>,
      %swap3A_83 = arith.index_cast %scan3A_63 : i32 to index
      %swap3A_84 = arith.constant 64 : index
      %swap3A_85 = tpu.vector_load %arg8[%swap3A_83, %swap3A_84] {strides = array<i32>} : memref<80x128xf32, #tpu.memory_space<vmem>>, vector<1x16xf32>,
      %swap3A_86 = vector.shape_cast %swap3A_85 : vector<1x16xf32> to vector<16xf32>
      %swap3A_87 = vector.shape_cast %broadcast_in_dim3A_1 : vector<16xf32> to vector<1x16xf32>
      tpu.vector_store %arg8[%swap3A_83, %swap3A_84], %swap3A_87 {strides = array<i32>} : memref<80x128xf32, #tpu.memory_space<vmem>>, vector<1x16xf32>,
      %swap3A_88 = arith.index_cast %scan3A_63 : i32 to index
      %swap3A_89 = arith.constant 80 : index
      %swap3A_90 = tpu.vector_load %arg8[%swap3A_88, %swap3A_89] {strides = array<i32>} : memref<80x128xf32, #tpu.memory_space<vmem>>, vector<1x16xf32>,
      %swap3A_91 = vector.shape_cast %swap3A_90 : vector<1x16xf32> to vector<16xf32>
      %swap3A_92 = vector.shape_cast %broadcast_in_dim3A_1 : vector<16xf32> to vector<1x16xf32>
      tpu.vector_store %arg8[%swap3A_88, %swap3A_89], %swap3A_92 {strides = array<i32>} : memref<80x128xf32, #tpu.memory_space<vmem>>, vector<1x16xf32>,
      %swap3A_93 = arith.index_cast %scan3A_63 : i32 to index
      %swap3A_94 = arith.constant 96 : index
      %swap3A_95 = tpu.vector_load %arg8[%swap3A_93, %swap3A_94] {strides = array<i32>} : memref<80x128xf32, #tpu.memory_space<vmem>>, vector<1x16xf32>,
      %swap3A_96 = vector.shape_cast %swap3A_95 : vector<1x16xf32> to vector<16xf32>
      %swap3A_97 = vector.shape_cast %broadcast_in_dim3A_1 : vector<16xf32> to vector<1x16xf32>
      tpu.vector_store %arg8[%swap3A_93, %swap3A_94], %swap3A_97 {strides = array<i32>} : memref<80x128xf32, #tpu.memory_space<vmem>>, vector<1x16xf32>,
      %swap3A_98 = arith.index_cast %scan3A_63 : i32 to index
      %swap3A_99 = arith.constant 112 : index
      %swap3A_100 = tpu.vector_load %arg8[%swap3A_98, %swap3A_99] {strides = array<i32>} : memref<80x128xf32, #tpu.memory_space<vmem>>, vector<1x16xf32>,
      %swap3A_101 = vector.shape_cast %swap3A_100 : vector<1x16xf32> to vector<16xf32>
      %swap3A_102 = vector.shape_cast %broadcast_in_dim3A_1 : vector<16xf32> to vector<1x16xf32>
      tpu.vector_store %arg8[%swap3A_98, %swap3A_99], %swap3A_102 {strides = array<i32>} : memref<80x128xf32, #tpu.memory_space<vmem>>, vector<1x16xf32>,
    }
    %scan3A_6 = arith.constant 80 : i32
    %mul3A_7 = arith.constant 640 : i32
    %mul3A_8 = arith.muli %arg1, %mul3A_7 : i32
    %add3A_9 = arith.constant 0 : i32
    %add3A_10 = arith.addi %mul3A_8, %add3A_9 : i32
    "tpu.region"() ({
      %run_scoped3A_63 = tpu.sem_alloc : memref<!tpu.dma_semaphore, #tpu.memory_space<semaphore_mem>>
      %dma_start3A_64 = arith.constant 0 : i32
      %dma_start3A_65 = tpu.memref_slice %arg10[%add3A_10, %dma_start3A_64] : memref<10240x128xf32, #tpu.memory_space<vmem_shared>> -> memref<80x128xf32, #tpu.memory_space<vmem_shared>>
      %dma_start3A_66 = arith.constant 0 : i32
      %dma_start3A_67 = tpu.memref_slice %arg10[%add3A_10, %dma_start3A_66] : memref<10240x128xf32, #tpu.memory_space<vmem_shared>> -> memref<80x128xf32, #tpu.memory_space<vmem_shared>>
      tpu.enqueue_dma source(%arg8 : memref<80x128xf32, #tpu.memory_space<vmem>>) target(%dma_start3A_67 : memref<80x128xf32, #tpu.memory_space<vmem_shared>>) target_semaphore(%run_scoped3A_63 : memref<!tpu.dma_semaphore, #tpu.memory_space<semaphore_mem>>)
      %dma_wait3A_68 = arith.constant 0 : i32
      %dma_wait3A_69 = tpu.memref_slice %arg10[%add3A_10, %dma_wait3A_68] : memref<10240x128xf32, #tpu.memory_space<vmem_shared>> -> memref<80x128xf32, #tpu.memory_space<vmem_shared>>
      %dma_wait3A_70 = arith.constant 0 : i32
      %dma_wait3A_71 = tpu.memref_slice %arg10[%add3A_10, %dma_wait3A_70] : memref<10240x128xf32, #tpu.memory_space<vmem_shared>> -> memref<80x128xf32, #tpu.memory_space<vmem_shared>>
      tpu.wait_dma2 semaphore(%run_scoped3A_63 : memref<!tpu.dma_semaphore, #tpu.memory_space<semaphore_mem>>) src(%arg8 : memref<80x128xf32, #tpu.memory_space<vmem>>) dst(%dma_wait3A_71 : memref<80x128xf32, #tpu.memory_space<vmem_shared>>)
      tpu.yield
    }) : () -> ()
    %mul3A_11 = arith.constant 640 : i32
    %mul3A_12 = arith.muli %arg1, %mul3A_11 : i32
    %add3A_13 = arith.constant 80 : i32
    %add3A_14 = arith.addi %mul3A_12, %add3A_13 : i32
    "tpu.region"() ({
      %run_scoped3A_63 = tpu.sem_alloc : memref<!tpu.dma_semaphore, #tpu.memory_space<semaphore_mem>>
      %dma_start3A_64 = arith.constant 0 : i32
      %dma_start3A_65 = tpu.memref_slice %arg10[%add3A_14, %dma_start3A_64] : memref<10240x128xf32, #tpu.memory_space<vmem_shared>> -> memref<80x128xf32, #tpu.memory_space<vmem_shared>>
      %dma_start3A_66 = arith.constant 0 : i32
      %dma_start3A_67 = tpu.memref_slice %arg10[%add3A_14, %dma_start3A_66] : memref<10240x128xf32, #tpu.memory_space<vmem_shared>> -> memref<80x128xf32, #tpu.memory_space<vmem_shared>>
      tpu.enqueue_dma source(%arg8 : memref<80x128xf32, #tpu.memory_space<vmem>>) target(%dma_start3A_67 : memref<80x128xf32, #tpu.memory_space<vmem_shared>>) target_semaphore(%run_scoped3A_63 : memref<!tpu.dma_semaphore, #tpu.memory_space<semaphore_mem>>)
      %dma_wait3A_68 = arith.constant 0 : i32
      %dma_wait3A_69 = tpu.memref_slice %arg10[%add3A_14, %dma_wait3A_68] : memref<10240x128xf32, #tpu.memory_space<vmem_shared>> -> memref<80x128xf32, #tpu.memory_space<vmem_shared>>
      %dma_wait3A_70 = arith.constant 0 : i32
      %dma_wait3A_71 = tpu.memref_slice %arg10[%add3A_14, %dma_wait3A_70] : memref<10240x128xf32, #tpu.memory_space<vmem_shared>> -> memref<80x128xf32, #tpu.memory_space<vmem_shared>>
      tpu.wait_dma2 semaphore(%run_scoped3A_63 : memref<!tpu.dma_semaphore, #tpu.memory_space<semaphore_mem>>) src(%arg8 : memref<80x128xf32, #tpu.memory_space<vmem>>) dst(%dma_wait3A_71 : memref<80x128xf32, #tpu.memory_space<vmem_shared>>)
      tpu.yield
    }) : () -> ()
    %mul3A_15 = arith.constant 640 : i32
    %mul3A_16 = arith.muli %arg1, %mul3A_15 : i32
    %add3A_17 = arith.constant 160 : i32
    %add3A_18 = arith.addi %mul3A_16, %add3A_17 : i32
    "tpu.region"() ({
      %run_scoped3A_63 = tpu.sem_alloc : memref<!tpu.dma_semaphore, #tpu.memory_space<semaphore_mem>>
      %dma_start3A_64 = arith.constant 0 : i32
      %dma_start3A_65 = tpu.memref_slice %arg10[%add3A_18, %dma_start3A_64] : memref<10240x128xf32, #tpu.memory_space<vmem_shared>> -> memref<80x128xf32, #tpu.memory_space<vmem_shared>>
      %dma_start3A_66 = arith.constant 0 : i32
      %dma_start3A_67 = tpu.memref_slice %arg10[%add3A_18, %dma_start3A_66] : memref<10240x128xf32, #tpu.memory_space<vmem_shared>> -> memref<80x128xf32, #tpu.memory_space<vmem_shared>>
      tpu.enqueue_dma source(%arg8 : memref<80x128xf32, #tpu.memory_space<vmem>>) target(%dma_start3A_67 : memref<80x128xf32, #tpu.memory_space<vmem_shared>>) target_semaphore(%run_scoped3A_63 : memref<!tpu.dma_semaphore, #tpu.memory_space<semaphore_mem>>)
      %dma_wait3A_68 = arith.constant 0 : i32
      %dma_wait3A_69 = tpu.memref_slice %arg10[%add3A_18, %dma_wait3A_68] : memref<10240x128xf32, #tpu.memory_space<vmem_shared>> -> memref<80x128xf32, #tpu.memory_space<vmem_shared>>
      %dma_wait3A_70 = arith.constant 0 : i32
      %dma_wait3A_71 = tpu.memref_slice %arg10[%add3A_18, %dma_wait3A_70] : memref<10240x128xf32, #tpu.memory_space<vmem_shared>> -> memref<80x128xf32, #tpu.memory_space<vmem_shared>>
      tpu.wait_dma2 semaphore(%run_scoped3A_63 : memref<!tpu.dma_semaphore, #tpu.memory_space<semaphore_mem>>) src(%arg8 : memref<80x128xf32, #tpu.memory_space<vmem>>) dst(%dma_wait3A_71 : memref<80x128xf32, #tpu.memory_space<vmem_shared>>)
      tpu.yield
    }) : () -> ()
    %mul3A_19 = arith.constant 640 : i32
    %mul3A_20 = arith.muli %arg1, %mul3A_19 : i32
    %add3A_21 = arith.constant 240 : i32
    %add3A_22 = arith.addi %mul3A_20, %add3A_21 : i32
    "tpu.region"() ({
      %run_scoped3A_63 = tpu.sem_alloc : memref<!tpu.dma_semaphore, #tpu.memory_space<semaphore_mem>>
      %dma_start3A_64 = arith.constant 0 : i32
      %dma_start3A_65 = tpu.memref_slice %arg10[%add3A_22, %dma_start3A_64] : memref<10240x128xf32, #tpu.memory_space<vmem_shared>> -> memref<80x128xf32, #tpu.memory_space<vmem_shared>>
      %dma_start3A_66 = arith.constant 0 : i32
      %dma_start3A_67 = tpu.memref_slice %arg10[%add3A_22, %dma_start3A_66] : memref<10240x128xf32, #tpu.memory_space<vmem_shared>> -> memref<80x128xf32, #tpu.memory_space<vmem_shared>>
      tpu.enqueue_dma source(%arg8 : memref<80x128xf32, #tpu.memory_space<vmem>>) target(%dma_start3A_67 : memref<80x128xf32, #tpu.memory_space<vmem_shared>>) target_semaphore(%run_scoped3A_63 : memref<!tpu.dma_semaphore, #tpu.memory_space<semaphore_mem>>)
      %dma_wait3A_68 = arith.constant 0 : i32
      %dma_wait3A_69 = tpu.memref_slice %arg10[%add3A_22, %dma_wait3A_68] : memref<10240x128xf32, #tpu.memory_space<vmem_shared>> -> memref<80x128xf32, #tpu.memory_space<vmem_shared>>
      %dma_wait3A_70 = arith.constant 0 : i32
      %dma_wait3A_71 = tpu.memref_slice %arg10[%add3A_22, %dma_wait3A_70] : memref<10240x128xf32, #tpu.memory_space<vmem_shared>> -> memref<80x128xf32, #tpu.memory_space<vmem_shared>>
      tpu.wait_dma2 semaphore(%run_scoped3A_63 : memref<!tpu.dma_semaphore, #tpu.memory_space<semaphore_mem>>) src(%arg8 : memref<80x128xf32, #tpu.memory_space<vmem>>) dst(%dma_wait3A_71 : memref<80x128xf32, #tpu.memory_space<vmem_shared>>)
      tpu.yield
    }) : () -> ()
    %mul3A_23 = arith.constant 640 : i32
    %mul3A_24 = arith.muli %arg1, %mul3A_23 : i32
    %add3A_25 = arith.constant 320 : i32
    %add3A_26 = arith.addi %mul3A_24, %add3A_25 : i32
    "tpu.region"() ({
      %run_scoped3A_63 = tpu.sem_alloc : memref<!tpu.dma_semaphore, #tpu.memory_space<semaphore_mem>>
      %dma_start3A_64 = arith.constant 0 : i32
      %dma_start3A_65 = tpu.memref_slice %arg10[%add3A_26, %dma_start3A_64] : memref<10240x128xf32, #tpu.memory_space<vmem_shared>> -> memref<80x128xf32, #tpu.memory_space<vmem_shared>>
      %dma_start3A_66 = arith.constant 0 : i32
      %dma_start3A_67 = tpu.memref_slice %arg10[%add3A_26, %dma_start3A_66] : memref<10240x128xf32, #tpu.memory_space<vmem_shared>> -> memref<80x128xf32, #tpu.memory_space<vmem_shared>>
      tpu.enqueue_dma source(%arg8 : memref<80x128xf32, #tpu.memory_space<vmem>>) target(%dma_start3A_67 : memref<80x128xf32, #tpu.memory_space<vmem_shared>>) target_semaphore(%run_scoped3A_63 : memref<!tpu.dma_semaphore, #tpu.memory_space<semaphore_mem>>)
      %dma_wait3A_68 = arith.constant 0 : i32
      %dma_wait3A_69 = tpu.memref_slice %arg10[%add3A_26, %dma_wait3A_68] : memref<10240x128xf32, #tpu.memory_space<vmem_shared>> -> memref<80x128xf32, #tpu.memory_space<vmem_shared>>
      %dma_wait3A_70 = arith.constant 0 : i32
      %dma_wait3A_71 = tpu.memref_slice %arg10[%add3A_26, %dma_wait3A_70] : memref<10240x128xf32, #tpu.memory_space<vmem_shared>> -> memref<80x128xf32, #tpu.memory_space<vmem_shared>>
      tpu.wait_dma2 semaphore(%run_scoped3A_63 : memref<!tpu.dma_semaphore, #tpu.memory_space<semaphore_mem>>) src(%arg8 : memref<80x128xf32, #tpu.memory_space<vmem>>) dst(%dma_wait3A_71 : memref<80x128xf32, #tpu.memory_space<vmem_shared>>)
      tpu.yield
    }) : () -> ()
    %mul3A_27 = arith.constant 640 : i32
    %mul3A_28 = arith.muli %arg1, %mul3A_27 : i32
    %add3A_29 = arith.constant 400 : i32
    %add3A_30 = arith.addi %mul3A_28, %add3A_29 : i32
    "tpu.region"() ({
      %run_scoped3A_63 = tpu.sem_alloc : memref<!tpu.dma_semaphore, #tpu.memory_space<semaphore_mem>>
      %dma_start3A_64 = arith.constant 0 : i32
      %dma_start3A_65 = tpu.memref_slice %arg10[%add3A_30, %dma_start3A_64] : memref<10240x128xf32, #tpu.memory_space<vmem_shared>> -> memref<80x128xf32, #tpu.memory_space<vmem_shared>>
      %dma_start3A_66 = arith.constant 0 : i32
      %dma_start3A_67 = tpu.memref_slice %arg10[%add3A_30, %dma_start3A_66] : memref<10240x128xf32, #tpu.memory_space<vmem_shared>> -> memref<80x128xf32, #tpu.memory_space<vmem_shared>>
      tpu.enqueue_dma source(%arg8 : memref<80x128xf32, #tpu.memory_space<vmem>>) target(%dma_start3A_67 : memref<80x128xf32, #tpu.memory_space<vmem_shared>>) target_semaphore(%run_scoped3A_63 : memref<!tpu.dma_semaphore, #tpu.memory_space<semaphore_mem>>)
      %dma_wait3A_68 = arith.constant 0 : i32
      %dma_wait3A_69 = tpu.memref_slice %arg10[%add3A_30, %dma_wait3A_68] : memref<10240x128xf32, #tpu.memory_space<vmem_shared>> -> memref<80x128xf32, #tpu.memory_space<vmem_shared>>
      %dma_wait3A_70 = arith.constant 0 : i32
      %dma_wait3A_71 = tpu.memref_slice %arg10[%add3A_30, %dma_wait3A_70] : memref<10240x128xf32, #tpu.memory_space<vmem_shared>> -> memref<80x128xf32, #tpu.memory_space<vmem_shared>>
      tpu.wait_dma2 semaphore(%run_scoped3A_63 : memref<!tpu.dma_semaphore, #tpu.memory_space<semaphore_mem>>) src(%arg8 : memref<80x128xf32, #tpu.memory_space<vmem>>) dst(%dma_wait3A_71 : memref<80x128xf32, #tpu.memory_space<vmem_shared>>)
      tpu.yield
    }) : () -> ()
    %mul3A_31 = arith.constant 640 : i32
    %mul3A_32 = arith.muli %arg1, %mul3A_31 : i32
    %add3A_33 = arith.constant 480 : i32
    %add3A_34 = arith.addi %mul3A_32, %add3A_33 : i32
    "tpu.region"() ({
      %run_scoped3A_63 = tpu.sem_alloc : memref<!tpu.dma_semaphore, #tpu.memory_space<semaphore_mem>>
      %dma_start3A_64 = arith.constant 0 : i32
      %dma_start3A_65 = tpu.memref_slice %arg10[%add3A_34, %dma_start3A_64] : memref<10240x128xf32, #tpu.memory_space<vmem_shared>> -> memref<80x128xf32, #tpu.memory_space<vmem_shared>>
      %dma_start3A_66 = arith.constant 0 : i32
      %dma_start3A_67 = tpu.memref_slice %arg10[%add3A_34, %dma_start3A_66] : memref<10240x128xf32, #tpu.memory_space<vmem_shared>> -> memref<80x128xf32, #tpu.memory_space<vmem_shared>>
      tpu.enqueue_dma source(%arg8 : memref<80x128xf32, #tpu.memory_space<vmem>>) target(%dma_start3A_67 : memref<80x128xf32, #tpu.memory_space<vmem_shared>>) target_semaphore(%run_scoped3A_63 : memref<!tpu.dma_semaphore, #tpu.memory_space<semaphore_mem>>)
      %dma_wait3A_68 = arith.constant 0 : i32
      %dma_wait3A_69 = tpu.memref_slice %arg10[%add3A_34, %dma_wait3A_68] : memref<10240x128xf32, #tpu.memory_space<vmem_shared>> -> memref<80x128xf32, #tpu.memory_space<vmem_shared>>
      %dma_wait3A_70 = arith.constant 0 : i32
      %dma_wait3A_71 = tpu.memref_slice %arg10[%add3A_34, %dma_wait3A_70] : memref<10240x128xf32, #tpu.memory_space<vmem_shared>> -> memref<80x128xf32, #tpu.memory_space<vmem_shared>>
      tpu.wait_dma2 semaphore(%run_scoped3A_63 : memref<!tpu.dma_semaphore, #tpu.memory_space<semaphore_mem>>) src(%arg8 : memref<80x128xf32, #tpu.memory_space<vmem>>) dst(%dma_wait3A_71 : memref<80x128xf32, #tpu.memory_space<vmem_shared>>)
      tpu.yield
    }) : () -> ()
    %mul3A_35 = arith.constant 640 : i32
    %mul3A_36 = arith.muli %arg1, %mul3A_35 : i32
    %add3A_37 = arith.constant 560 : i32
    %add3A_38 = arith.addi %mul3A_36, %add3A_37 : i32
    "tpu.region"() ({
      %run_scoped3A_63 = tpu.sem_alloc : memref<!tpu.dma_semaphore, #tpu.memory_space<semaphore_mem>>
      %dma_start3A_64 = arith.constant 0 : i32
      %dma_start3A_65 = tpu.memref_slice %arg10[%add3A_38, %dma_start3A_64] : memref<10240x128xf32, #tpu.memory_space<vmem_shared>> -> memref<80x128xf32, #tpu.memory_space<vmem_shared>>
      %dma_start3A_66 = arith.constant 0 : i32
      %dma_start3A_67 = tpu.memref_slice %arg10[%add3A_38, %dma_start3A_66] : memref<10240x128xf32, #tpu.memory_space<vmem_shared>> -> memref<80x128xf32, #tpu.memory_space<vmem_shared>>
      tpu.enqueue_dma source(%arg8 : memref<80x128xf32, #tpu.memory_space<vmem>>) target(%dma_start3A_67 : memref<80x128xf32, #tpu.memory_space<vmem_shared>>) target_semaphore(%run_scoped3A_63 : memref<!tpu.dma_semaphore, #tpu.memory_space<semaphore_mem>>)
      %dma_wait3A_68 = arith.constant 0 : i32
      %dma_wait3A_69 = tpu.memref_slice %arg10[%add3A_38, %dma_wait3A_68] : memref<10240x128xf32, #tpu.memory_space<vmem_shared>> -> memref<80x128xf32, #tpu.memory_space<vmem_shared>>
      %dma_wait3A_70 = arith.constant 0 : i32
      %dma_wait3A_71 = tpu.memref_slice %arg10[%add3A_38, %dma_wait3A_70] : memref<10240x128xf32, #tpu.memory_space<vmem_shared>> -> memref<80x128xf32, #tpu.memory_space<vmem_shared>>
      tpu.wait_dma2 semaphore(%run_scoped3A_63 : memref<!tpu.dma_semaphore, #tpu.memory_space<semaphore_mem>>) src(%arg8 : memref<80x128xf32, #tpu.memory_space<vmem>>) dst(%dma_wait3A_71 : memref<80x128xf32, #tpu.memory_space<vmem_shared>>)
      tpu.yield
    }) : () -> ()
    %dma_start3A = arith.constant 0 : i32
    %dma_start3A_39 = tpu.memref_slice %arg6[%dma_start3A] : memref<10000xi32, #tpu.memory_space<vmem>> -> memref<80xi32, #tpu.memory_space<vmem>>
    %dma_start3A_40 = arith.constant 0 : i32
    %dma_start3A_41 = arith.constant 0 : i32
    %dma_start3A_42 = tpu.memref_slice %arg2[%dma_start3A_40, %dma_start3A_41] : memref<10240x128xf32, #tpu.memory_space<hbm>> -> memref<10240x128xf32, #tpu.memory_space<hbm>>
    tpu.enqueue_indirect_dma source(%dma_start3A_42 : memref<10240x128xf32, #tpu.memory_space<hbm>>) target(%arg8 : memref<80x128xf32, #tpu.memory_space<vmem>>) offsets(%dma_start3A_39 : memref<80xi32, #tpu.memory_space<vmem>>) semaphore(%arg11 : memref<!tpu.dma_semaphore, #tpu.memory_space<semaphore_mem>>)
    %dma_start3A_43 = arith.constant 80 : i32
    %dma_start3A_44 = tpu.memref_slice %arg6[%dma_start3A_43] : memref<10000xi32, #tpu.memory_space<vmem>> -> memref<80xi32, #tpu.memory_space<vmem>>
    %dma_start3A_45 = arith.constant 0 : i32
    %dma_start3A_46 = arith.constant 0 : i32
    %dma_start3A_47 = tpu.memref_slice %arg2[%dma_start3A_45, %dma_start3A_46] : memref<10240x128xf32, #tpu.memory_space<hbm>> -> memref<10240x128xf32, #tpu.memory_space<hbm>>
    tpu.enqueue_indirect_dma source(%dma_start3A_47 : memref<10240x128xf32, #tpu.memory_space<hbm>>) target(%arg9 : memref<80x128xf32, #tpu.memory_space<vmem>>) offsets(%dma_start3A_44 : memref<80xi32, #tpu.memory_space<vmem>>) semaphore(%arg12 : memref<!tpu.dma_semaphore, #tpu.memory_space<semaphore_mem>>)
    %barrier3A = arith.constant 0 : index
    tpu.barrier barrier_id(%barrier3A)
    %scan3A_48 = arith.constant 0 : i32
    %scan3A_49 = arith.constant 0 : i32
    %scan3A_50 = arith.constant 62 : i32
    %scan3A_51 = arith.addi %scan3A_49, %scan3A_50 : i32
    %scan3A_52 = arith.constant 1 : i32
    scf.for %scan3A_63 = %scan3A_49 to %scan3A_51 step %scan3A_52  : i32 {
      %mul3A_64 = arith.constant 2 : i32
      %mul3A_65 = arith.muli %scan3A_63, %mul3A_64 : i32
      %add3A_66 = arith.constant 0 : i32
      %add3A_67 = arith.addi %mul3A_65, %add3A_66 : i32
      %dma_wait3A_68 = arith.constant 0 : i32
      %dma_wait3A_69 = tpu.memref_slice %arg6[%dma_wait3A_68] : memref<10000xi32, #tpu.memory_space<vmem>> -> memref<80xi32, #tpu.memory_space<vmem>>
      %dma_wait3A_70 = arith.constant 0 : i32
      %dma_wait3A_71 = arith.constant 0 : i32
      %dma_wait3A_72 = tpu.memref_slice %arg2[%dma_wait3A_70, %dma_wait3A_71] : memref<10240x128xf32, #tpu.memory_space<hbm>> -> memref<10240x128xf32, #tpu.memory_space<hbm>>
      tpu.wait_indirect_dma semaphore(%arg11 : memref<!tpu.dma_semaphore, #tpu.memory_space<semaphore_mem>>) src(%dma_wait3A_72 : memref<10240x128xf32, #tpu.memory_space<hbm>>) dst(%arg8 : memref<80x128xf32, #tpu.memory_space<vmem>>)
      "tpu.region"() ({
        %run_scoped3A_93 = tpu.sem_alloc : memref<!tpu.dma_semaphore, #tpu.memory_space<semaphore_mem>>
        %dma_start3A_94 = arith.constant 0 : i32
        %dma_start3A_95 = tpu.memref_slice %arg7[%add3A_67, %dma_start3A_94] : memref<125x80xi32, #tpu.memory_space<vmem>> -> memref<1x80xi32, #tpu.memory_space<vmem>>
        %dma_start3A_96 = tpu.memref_squeeze %dma_start3A_95 : memref<1x80xi32, #tpu.memory_space<vmem>> -> memref<80xi32, #tpu.memory_space<vmem>>
        %dma_start3A_97 = arith.constant 0 : i32
        %dma_start3A_98 = arith.constant 0 : i32
        %dma_start3A_99 = tpu.memref_slice %arg10[%dma_start3A_97, %dma_start3A_98] : memref<10240x128xf32, #tpu.memory_space<vmem_shared>> -> memref<10240x128xf32, #tpu.memory_space<vmem_shared>>
        tpu.enqueue_indirect_dma source(%arg8 : memref<80x128xf32, #tpu.memory_space<vmem>>) target(%dma_start3A_99 : memref<10240x128xf32, #tpu.memory_space<vmem_shared>>) offsets(%dma_start3A_96 : memref<80xi32, #tpu.memory_space<vmem>>) semaphore(%run_scoped3A_93 : memref<!tpu.dma_semaphore, #tpu.memory_space<semaphore_mem>>) {add = true}
        %dma_wait3A_100 = arith.constant 0 : i32
        %dma_wait3A_101 = tpu.memref_slice %arg7[%add3A_67, %dma_wait3A_100] : memref<125x80xi32, #tpu.memory_space<vmem>> -> memref<1x80xi32, #tpu.memory_space<vmem>>
        %dma_wait3A_102 = tpu.memref_squeeze %dma_wait3A_101 : memref<1x80xi32, #tpu.memory_space<vmem>> -> memref<80xi32, #tpu.memory_space<vmem>>
        %dma_wait3A_103 = arith.constant 0 : i32
        %dma_wait3A_104 = arith.constant 0 : i32
        %dma_wait3A_105 = tpu.memref_slice %arg10[%dma_wait3A_103, %dma_wait3A_104] : memref<10240x128xf32, #tpu.memory_space<vmem_shared>> -> memref<10240x128xf32, #tpu.memory_space<vmem_shared>>
        tpu.wait_indirect_dma semaphore(%run_scoped3A_93 : memref<!tpu.dma_semaphore, #tpu.memory_space<semaphore_mem>>) src(%arg8 : memref<80x128xf32, #tpu.memory_space<vmem>>) dst(%dma_wait3A_105 : memref<10240x128xf32, #tpu.memory_space<vmem_shared>>)
        tpu.yield
      }) : () -> ()
      %add3A_73 = arith.constant 2 : i32
      %add3A_74 = arith.addi %add3A_67, %add3A_73 : i32
      %lt3A = arith.constant 125 : i32
      %lt3A_75 = arith.cmpi slt, %add3A_74, %lt3A : i32
      %convert_element_type3A = arith.extui %lt3A_75 : i1 to i32
      %cond3A = arith.constant 0 : i32
      %cond3A_76 = arith.cmpi ne, %convert_element_type3A, %cond3A : i32
      scf.if %cond3A_76 {
        %add3A_93 = arith.constant 2 : i32
        %add3A_94 = arith.addi %add3A_67, %add3A_93 : i32
        %mul3A_95 = arith.constant 80 : i32
        %mul3A_96 = arith.muli %add3A_94, %mul3A_95 : i32
        %dma_start3A_97 = tpu.memref_slice %arg6[%mul3A_96] : memref<10000xi32, #tpu.memory_space<vmem>> -> memref<80xi32, #tpu.memory_space<vmem>>
        %dma_start3A_98 = arith.constant 0 : i32
        %dma_start3A_99 = arith.constant 0 : i32
        %dma_start3A_100 = tpu.memref_slice %arg2[%dma_start3A_98, %dma_start3A_99] : memref<10240x128xf32, #tpu.memory_space<hbm>> -> memref<10240x128xf32, #tpu.memory_space<hbm>>
        tpu.enqueue_indirect_dma source(%dma_start3A_100 : memref<10240x128xf32, #tpu.memory_space<hbm>>) target(%arg8 : memref<80x128xf32, #tpu.memory_space<vmem>>) offsets(%dma_start3A_97 : memref<80xi32, #tpu.memory_space<vmem>>) semaphore(%arg11 : memref<!tpu.dma_semaphore, #tpu.memory_space<semaphore_mem>>)
      } else {
      }
      %mul3A_77 = arith.constant 2 : i32
      %mul3A_78 = arith.muli %scan3A_63, %mul3A_77 : i32
      %add3A_79 = arith.constant 1 : i32
      %add3A_80 = arith.addi %mul3A_78, %add3A_79 : i32
      %dma_wait3A_81 = arith.constant 0 : i32
      %dma_wait3A_82 = tpu.memref_slice %arg6[%dma_wait3A_81] : memref<10000xi32, #tpu.memory_space<vmem>> -> memref<80xi32, #tpu.memory_space<vmem>>
      %dma_wait3A_83 = arith.constant 0 : i32
      %dma_wait3A_84 = arith.constant 0 : i32
      %dma_wait3A_85 = tpu.memref_slice %arg2[%dma_wait3A_83, %dma_wait3A_84] : memref<10240x128xf32, #tpu.memory_space<hbm>> -> memref<10240x128xf32, #tpu.memory_space<hbm>>
      tpu.wait_indirect_dma semaphore(%arg12 : memref<!tpu.dma_semaphore, #tpu.memory_space<semaphore_mem>>) src(%dma_wait3A_85 : memref<10240x128xf32, #tpu.memory_space<hbm>>) dst(%arg9 : memref<80x128xf32, #tpu.memory_space<vmem>>)
      "tpu.region"() ({
        %run_scoped3A_93 = tpu.sem_alloc : memref<!tpu.dma_semaphore, #tpu.memory_space<semaphore_mem>>
        %dma_start3A_94 = arith.constant 0 : i32
        %dma_start3A_95 = tpu.memref_slice %arg7[%add3A_80, %dma_start3A_94] : memref<125x80xi32, #tpu.memory_space<vmem>> -> memref<1x80xi32, #tpu.memory_space<vmem>>
        %dma_start3A_96 = tpu.memref_squeeze %dma_start3A_95 : memref<1x80xi32, #tpu.memory_space<vmem>> -> memref<80xi32, #tpu.memory_space<vmem>>
        %dma_start3A_97 = arith.constant 0 : i32
        %dma_start3A_98 = arith.constant 0 : i32
        %dma_start3A_99 = tpu.memref_slice %arg10[%dma_start3A_97, %dma_start3A_98] : memref<10240x128xf32, #tpu.memory_space<vmem_shared>> -> memref<10240x128xf32, #tpu.memory_space<vmem_shared>>
        tpu.enqueue_indirect_dma source(%arg9 : memref<80x128xf32, #tpu.memory_space<vmem>>) target(%dma_start3A_99 : memref<10240x128xf32, #tpu.memory_space<vmem_shared>>) offsets(%dma_start3A_96 : memref<80xi32, #tpu.memory_space<vmem>>) semaphore(%run_scoped3A_93 : memref<!tpu.dma_semaphore, #tpu.memory_space<semaphore_mem>>) {add = true}
        %dma_wait3A_100 = arith.constant 0 : i32
        %dma_wait3A_101 = tpu.memref_slice %arg7[%add3A_80, %dma_wait3A_100] : memref<125x80xi32, #tpu.memory_space<vmem>> -> memref<1x80xi32, #tpu.memory_space<vmem>>
        %dma_wait3A_102 = tpu.memref_squeeze %dma_wait3A_101 : memref<1x80xi32, #tpu.memory_space<vmem>> -> memref<80xi32, #tpu.memory_space<vmem>>
        %dma_wait3A_103 = arith.constant 0 : i32
        %dma_wait3A_104 = arith.constant 0 : i32
        %dma_wait3A_105 = tpu.memref_slice %arg10[%dma_wait3A_103, %dma_wait3A_104] : memref<10240x128xf32, #tpu.memory_space<vmem_shared>> -> memref<10240x128xf32, #tpu.memory_space<vmem_shared>>
        tpu.wait_indirect_dma semaphore(%run_scoped3A_93 : memref<!tpu.dma_semaphore, #tpu.memory_space<semaphore_mem>>) src(%arg9 : memref<80x128xf32, #tpu.memory_space<vmem>>) dst(%dma_wait3A_105 : memref<10240x128xf32, #tpu.memory_space<vmem_shared>>)
        tpu.yield
      }) : () -> ()
      %add3A_86 = arith.constant 2 : i32
      %add3A_87 = arith.addi %add3A_80, %add3A_86 : i32
      %lt3A_88 = arith.constant 125 : i32
      %lt3A_89 = arith.cmpi slt, %add3A_87, %lt3A_88 : i32
      %convert_element_type3A_90 = arith.extui %lt3A_89 : i1 to i32
      %cond3A_91 = arith.constant 0 : i32
      %cond3A_92 = arith.cmpi ne, %convert_element_type3A_90, %cond3A_91 : i32
      scf.if %cond3A_92 {
        %add3A_93 = arith.constant 2 : i32
        %add3A_94 = arith.addi %add3A_80, %add3A_93 : i32
        %mul3A_95 = arith.constant 80 : i32
        %mul3A_96 = arith.muli %add3A_94, %mul3A_95 : i32
        %dma_start3A_97 = tpu.memref_slice %arg6[%mul3A_96] : memref<10000xi32, #tpu.memory_space<vmem>> -> memref<80xi32, #tpu.memory_space<vmem>>
        %dma_start3A_98 = arith.constant 0 : i32
        %dma_start3A_99 = arith.constant 0 : i32
        %dma_start3A_100 = tpu.memref_slice %arg2[%dma_start3A_98, %dma_start3A_99] : memref<10240x128xf32, #tpu.memory_space<hbm>> -> memref<10240x128xf32, #tpu.memory_space<hbm>>
        tpu.enqueue_indirect_dma source(%dma_start3A_100 : memref<10240x128xf32, #tpu.memory_space<hbm>>) target(%arg9 : memref<80x128xf32, #tpu.memory_space<vmem>>) offsets(%dma_start3A_97 : memref<80xi32, #tpu.memory_space<vmem>>) semaphore(%arg12 : memref<!tpu.dma_semaphore, #tpu.memory_space<semaphore_mem>>)
      } else {
      }
    }
    %scan3A_53 = arith.constant 62 : i32
    %dma_wait3A = arith.constant 0 : i32
    %dma_wait3A_54 = tpu.memref_slice %arg6[%dma_wait3A] : memref<10000xi32, #tpu.memory_space<vmem>> -> memref<80xi32, #tpu.memory_space<vmem>>
    %dma_wait3A_55 = arith.constant 0 : i32
    %dma_wait3A_56 = arith.constant 0 : i32
    %dma_wait3A_57 = tpu.memref_slice %arg2[%dma_wait3A_55, %dma_wait3A_56] : memref<10240x128xf32, #tpu.memory_space<hbm>> -> memref<10240x128xf32, #tpu.memory_space<hbm>>
    tpu.wait_indirect_dma semaphore(%arg11 : memref<!tpu.dma_semaphore, #tpu.memory_space<semaphore_mem>>) src(%dma_wait3A_57 : memref<10240x128xf32, #tpu.memory_space<hbm>>) dst(%arg8 : memref<80x128xf32, #tpu.memory_space<vmem>>)
    %run_scoped3A = arith.constant 124 : i32
    "tpu.region"() ({
      %run_scoped3A_63 = tpu.sem_alloc : memref<!tpu.dma_semaphore, #tpu.memory_space<semaphore_mem>>
      %dma_start3A_64 = arith.constant 0 : i32
      %dma_start3A_65 = tpu.memref_slice %arg7[%run_scoped3A, %dma_start3A_64] : memref<125x80xi32, #tpu.memory_space<vmem>> -> memref<1x80xi32, #tpu.memory_space<vmem>>
      %dma_start3A_66 = tpu.memref_squeeze %dma_start3A_65 : memref<1x80xi32, #tpu.memory_space<vmem>> -> memref<80xi32, #tpu.memory_space<vmem>>
      %dma_start3A_67 = arith.constant 0 : i32
      %dma_start3A_68 = arith.constant 0 : i32
      %dma_start3A_69 = tpu.memref_slice %arg10[%dma_start3A_67, %dma_start3A_68] : memref<10240x128xf32, #tpu.memory_space<vmem_shared>> -> memref<10240x128xf32, #tpu.memory_space<vmem_shared>>
      tpu.enqueue_indirect_dma source(%arg8 : memref<80x128xf32, #tpu.memory_space<vmem>>) target(%dma_start3A_69 : memref<10240x128xf32, #tpu.memory_space<vmem_shared>>) offsets(%dma_start3A_66 : memref<80xi32, #tpu.memory_space<vmem>>) semaphore(%run_scoped3A_63 : memref<!tpu.dma_semaphore, #tpu.memory_space<semaphore_mem>>) {add = true}
      %dma_wait3A_70 = arith.constant 0 : i32
      %dma_wait3A_71 = tpu.memref_slice %arg7[%run_scoped3A, %dma_wait3A_70] : memref<125x80xi32, #tpu.memory_space<vmem>> -> memref<1x80xi32, #tpu.memory_space<vmem>>
      %dma_wait3A_72 = tpu.memref_squeeze %dma_wait3A_71 : memref<1x80xi32, #tpu.memory_space<vmem>> -> memref<80xi32, #tpu.memory_space<vmem>>
      %dma_wait3A_73 = arith.constant 0 : i32
      %dma_wait3A_74 = arith.constant 0 : i32
      %dma_wait3A_75 = tpu.memref_slice %arg10[%dma_wait3A_73, %dma_wait3A_74] : memref<10240x128xf32, #tpu.memory_space<vmem_shared>> -> memref<10240x128xf32, #tpu.memory_space<vmem_shared>>
      tpu.wait_indirect_dma semaphore(%run_scoped3A_63 : memref<!tpu.dma_semaphore, #tpu.memory_space<semaphore_mem>>) src(%arg8 : memref<80x128xf32, #tpu.memory_space<vmem>>) dst(%dma_wait3A_75 : memref<10240x128xf32, #tpu.memory_space<vmem_shared>>)
      tpu.yield
    }) : () -> ()
    %barrier3A_58 = arith.constant 0 : index
    tpu.barrier barrier_id(%barrier3A_58)
    %mul3A_59 = arith.constant 640 : i32
    %mul3A_60 = arith.muli %arg1, %mul3A_59 : i32
    %mul3A_61 = arith.constant 640 : i32
    %mul3A_62 = arith.muli %arg1, %mul3A_61 : i32
    "tpu.region"() ({
      %run_scoped3A_63 = tpu.sem_alloc : memref<!tpu.dma_semaphore, #tpu.memory_space<semaphore_mem>>
      %dma_start3A_64 = arith.constant 0 : i32
      %dma_start3A_65 = tpu.memref_slice %arg5[%arg0, %mul3A_62, %dma_start3A_64] : memref<2x10240x128xf32, #tpu.memory_space<hbm>> -> memref<1x640x128xf32, #tpu.memory_space<hbm>>
      %dma_start3A_66 = tpu.memref_squeeze %dma_start3A_65 : memref<1x640x128xf32, #tpu.memory_space<hbm>> -> memref<640x128xf32, #tpu.memory_space<hbm>>
      %dma_start3A_67 = arith.constant 0 : i32
      %dma_start3A_68 = tpu.memref_slice %arg10[%mul3A_60, %dma_start3A_67] : memref<10240x128xf32, #tpu.memory_space<vmem_shared>> -> memref<640x128xf32, #tpu.memory_space<vmem_shared>>
      tpu.enqueue_dma source(%dma_start3A_68 : memref<640x128xf32, #tpu.memory_space<vmem_shared>>) target(%dma_start3A_66 : memref<640x128xf32, #tpu.memory_space<hbm>>) target_semaphore(%run_scoped3A_63 : memref<!tpu.dma_semaphore, #tpu.memory_space<semaphore_mem>>)
      %dma_wait3A_69 = arith.constant 0 : i32
      %dma_wait3A_70 = tpu.memref_slice %arg5[%arg0, %mul3A_62, %dma_wait3A_69] : memref<2x10240x128xf32, #tpu.memory_space<hbm>> -> memref<1x640x128xf32, #tpu.memory_space<hbm>>
      %dma_wait3A_71 = tpu.memref_squeeze %dma_wait3A_70 : memref<1x640x128xf32, #tpu.memory_space<hbm>> -> memref<640x128xf32, #tpu.memory_space<hbm>>
      %dma_wait3A_72 = arith.constant 0 : i32
      %dma_wait3A_73 = tpu.memref_slice %arg10[%mul3A_60, %dma_wait3A_72] : memref<10240x128xf32, #tpu.memory_space<vmem_shared>> -> memref<640x128xf32, #tpu.memory_space<vmem_shared>>
      tpu.wait_dma2 semaphore(%run_scoped3A_63 : memref<!tpu.dma_semaphore, #tpu.memory_space<semaphore_mem>>) src(%dma_wait3A_73 : memref<640x128xf32, #tpu.memory_space<vmem_shared>>) dst(%dma_wait3A_71 : memref<640x128xf32, #tpu.memory_space<hbm>>)
      tpu.yield
    }) : () -> ()
    return
  }
}

module attributes {stable_mosaic.version = 14 : i64} {
  func.func @_mlp_body(%arg0: i32, %arg1: memref<2048x128xf32, #tpu.memory_space<vmem>>, %arg2: memref<2x2048x128xf32, #tpu.memory_space<vmem>>, %arg3: memref<2x2048x16xf32, #tpu.memory_space<vmem>>, %arg4: memref<16x128xf32, #tpu.memory_space<vmem>>, %arg5: memref<128x256xf32, #tpu.memory_space<vmem>>, %arg6: memref<1x256xf32, #tpu.memory_space<vmem>>, %arg7: memref<256x128xf32, #tpu.memory_space<vmem>>, %arg8: memref<1x128xf32, #tpu.memory_space<vmem>>, %arg9: memref<2048x128xf32, #tpu.memory_space<vmem>>) attributes {dimension_semantics = [#tpu.dimension_semantics<arbitrary>], iteration_bounds = array<i64: 5>, scalar_prefetch = 0 : i64, scratch_operands = 0 : i64, tpu.core_type = #tpu.core_type<tc>, window_params = [{transform_indices = @transform_0, window_bounds = array<i64: 2048, 128>}, {transform_indices = @transform_1, window_bounds = array<i64: 2, 2048, 128>}, {transform_indices = @transform_2, window_bounds = array<i64: 2, 2048, 16>}, {pipeline_mode = #tpu.pipeline_mode<synchronous>, transform_indices = @transform_3, window_bounds = array<i64: 16, 128>}, {pipeline_mode = #tpu.pipeline_mode<synchronous>, transform_indices = @transform_4, window_bounds = array<i64: 128, 256>}, {pipeline_mode = #tpu.pipeline_mode<synchronous>, transform_indices = @transform_5, window_bounds = array<i64: 1, 256>}, {pipeline_mode = #tpu.pipeline_mode<synchronous>, transform_indices = @transform_6, window_bounds = array<i64: 256, 128>}, {pipeline_mode = #tpu.pipeline_mode<synchronous>, transform_indices = @transform_7, window_bounds = array<i64: 1, 128>}, {transform_indices = @transform_8, window_bounds = array<i64: 2048, 128>}]} {
    %get3A = arith.constant 0 : index
    %get3A_0 = arith.constant 0 : index
    %get3A_1 = arith.constant 0 : index
    %get3A_2 = vector.load %arg3[%get3A, %get3A_0, %get3A_1] : memref<2x2048x16xf32, #tpu.memory_space<vmem>>, vector<1x2048x16xf32>
    %get3A_3 = vector.shape_cast %get3A_2 : vector<1x2048x16xf32> to vector<2048x16xf32>
    %get3A_4 = arith.constant 1 : index
    %get3A_5 = arith.constant 0 : index
    %get3A_6 = arith.constant 0 : index
    %get3A_7 = vector.load %arg3[%get3A_4, %get3A_5, %get3A_6] : memref<2x2048x16xf32, #tpu.memory_space<vmem>>, vector<1x2048x16xf32>
    %get3A_8 = vector.shape_cast %get3A_7 : vector<1x2048x16xf32> to vector<2048x16xf32>
    %add3A = arith.addf %get3A_3, %get3A_8 : vector<2048x16xf32>
    %get3A_9 = arith.constant 0 : index
    %get3A_10 = arith.constant 0 : index
    %get3A_11 = vector.load %arg4[%get3A_9, %get3A_10] : memref<16x128xf32, #tpu.memory_space<vmem>>, vector<16x128xf32>
    %dot_general3A = arith.constant dense<0.000000e+00> : vector<2048x128xf32>
    %dot_general3A_12 = tpu.matmul %add3A, %get3A_11, %dot_general3A {dimension_numbers = #tpu.dot_dimension_numbers<[1], [0], [0], [1], [0, 0, 1, 1], [], []>, transpose_lhs_hint = false} : vector<2048x16xf32>, vector<16x128xf32>, vector<2048x128xf32> -> vector<2048x128xf32>
    %get3A_13 = arith.constant 0 : index
    %get3A_14 = arith.constant 0 : index
    %get3A_15 = vector.load %arg1[%get3A_13, %get3A_14] : memref<2048x128xf32, #tpu.memory_space<vmem>>, vector<2048x128xf32>
    %get3A_16 = arith.constant 0 : index
    %get3A_17 = arith.constant 0 : index
    %get3A_18 = arith.constant 0 : index
    %get3A_19 = vector.load %arg2[%get3A_16, %get3A_17, %get3A_18] : memref<2x2048x128xf32, #tpu.memory_space<vmem>>, vector<1x2048x128xf32>
    %get3A_20 = vector.shape_cast %get3A_19 : vector<1x2048x128xf32> to vector<2048x128xf32>
    %add3A_21 = arith.addf %get3A_15, %get3A_20 : vector<2048x128xf32>
    %get3A_22 = arith.constant 1 : index
    %get3A_23 = arith.constant 0 : index
    %get3A_24 = arith.constant 0 : index
    %get3A_25 = vector.load %arg2[%get3A_22, %get3A_23, %get3A_24] : memref<2x2048x128xf32, #tpu.memory_space<vmem>>, vector<1x2048x128xf32>
    %get3A_26 = vector.shape_cast %get3A_25 : vector<1x2048x128xf32> to vector<2048x128xf32>
    %add3A_27 = arith.addf %add3A_21, %get3A_26 : vector<2048x128xf32>
    %add3A_28 = arith.addf %add3A_27, %dot_general3A_12 : vector<2048x128xf32>
    %get3A_29 = arith.constant 0 : index
    %get3A_30 = arith.constant 0 : index
    %get3A_31 = vector.load %arg5[%get3A_29, %get3A_30] : memref<128x256xf32, #tpu.memory_space<vmem>>, vector<128x256xf32>
    %dot_general3A_32 = arith.constant dense<0.000000e+00> : vector<2048x256xf32>
    %dot_general3A_33 = tpu.matmul %add3A_28, %get3A_31, %dot_general3A_32 {dimension_numbers = #tpu.dot_dimension_numbers<[1], [0], [0], [1], [0, 0, 1, 1], [], []>, transpose_lhs_hint = false} : vector<2048x128xf32>, vector<128x256xf32>, vector<2048x256xf32> -> vector<2048x256xf32>
    %get3A_34 = arith.constant 0 : index
    %get3A_35 = arith.constant 0 : index
    %get3A_36 = vector.load %arg6[%get3A_34, %get3A_35] : memref<1x256xf32, #tpu.memory_space<vmem>>, vector<1x256xf32>
    %add3A_37 = vector.broadcast %get3A_36 : vector<1x256xf32> to vector<2048x256xf32>
    %add3A_38 = arith.addf %dot_general3A_33, %add3A_37 : vector<2048x256xf32>
    %max3A = arith.constant 0.000000e+00 : f32
    %max3A_39 = vector.broadcast %max3A : f32 to vector<2048x256xf32>
    %max3A_40 = arith.maximumf %add3A_38, %max3A_39 : vector<2048x256xf32>
    %get3A_41 = arith.constant 0 : index
    %get3A_42 = arith.constant 0 : index
    %get3A_43 = vector.load %arg7[%get3A_41, %get3A_42] : memref<256x128xf32, #tpu.memory_space<vmem>>, vector<256x128xf32>
    %dot_general3A_44 = arith.constant dense<0.000000e+00> : vector<2048x128xf32>
    %dot_general3A_45 = tpu.matmul %max3A_40, %get3A_43, %dot_general3A_44 {dimension_numbers = #tpu.dot_dimension_numbers<[1], [0], [0], [1], [0, 0, 1, 1], [], []>, transpose_lhs_hint = false} : vector<2048x256xf32>, vector<256x128xf32>, vector<2048x128xf32> -> vector<2048x128xf32>
    %get3A_46 = arith.constant 0 : index
    %get3A_47 = arith.constant 0 : index
    %get3A_48 = vector.load %arg8[%get3A_46, %get3A_47] : memref<1x128xf32, #tpu.memory_space<vmem>>, vector<1x128xf32>
    %add3A_49 = vector.broadcast %get3A_48 : vector<1x128xf32> to vector<2048x128xf32>
    %add3A_50 = arith.addf %dot_general3A_45, %add3A_49 : vector<2048x128xf32>
    %max3A_51 = arith.constant 0.000000e+00 : f32
    %max3A_52 = vector.broadcast %max3A_51 : f32 to vector<2048x128xf32>
    %max3A_53 = arith.maximumf %add3A_50, %max3A_52 : vector<2048x128xf32>
    %swap3A = arith.constant 0 : index
    %swap3A_54 = arith.constant 0 : index
    %swap3A_55 = vector.load %arg9[%swap3A, %swap3A_54] : memref<2048x128xf32, #tpu.memory_space<vmem>>, vector<2048x128xf32>
    tpu.vector_store %arg9[%swap3A, %swap3A_54], %max3A_53 {strides = array<i32>} : memref<2048x128xf32, #tpu.memory_space<vmem>>, vector<2048x128xf32>,
    return
  }
  func.func @transform_0(%arg0: i32) -> (i32, i32) {
    %c0_i32 = arith.constant 0 : i32
    %c0_i32_0 = arith.constant 0 : i32
    return %arg0, %c0_i32 : i32, i32
  }
  func.func @transform_1(%arg0: i32) -> (i32, i32, i32) {
    %c0_i32 = arith.constant 0 : i32
    %c0_i32_0 = arith.constant 0 : i32
    %c0_i32_1 = arith.constant 0 : i32
    return %c0_i32, %arg0, %c0_i32_0 : i32, i32, i32
  }
  func.func @transform_2(%arg0: i32) -> (i32, i32, i32) {
    %c0_i32 = arith.constant 0 : i32
    %c0_i32_0 = arith.constant 0 : i32
    %c0_i32_1 = arith.constant 0 : i32
    return %c0_i32, %arg0, %c0_i32_0 : i32, i32, i32
  }
  func.func @transform_3(%arg0: i32) -> (i32, i32) {
    %c0_i32 = arith.constant 0 : i32
    %c0_i32_0 = arith.constant 0 : i32
    %c0_i32_1 = arith.constant 0 : i32
    return %c0_i32, %c0_i32_0 : i32, i32
  }
  func.func @transform_4(%arg0: i32) -> (i32, i32) {
    %c0_i32 = arith.constant 0 : i32
    %c0_i32_0 = arith.constant 0 : i32
    %c0_i32_1 = arith.constant 0 : i32
    return %c0_i32, %c0_i32_0 : i32, i32
  }
  func.func @transform_5(%arg0: i32) -> (i32, i32) {
    %c0_i32 = arith.constant 0 : i32
    %c0_i32_0 = arith.constant 0 : i32
    %c0_i32_1 = arith.constant 0 : i32
    return %c0_i32, %c0_i32_0 : i32, i32
  }
  func.func @transform_6(%arg0: i32) -> (i32, i32) {
    %c0_i32 = arith.constant 0 : i32
    %c0_i32_0 = arith.constant 0 : i32
    %c0_i32_1 = arith.constant 0 : i32
    return %c0_i32, %c0_i32_0 : i32, i32
  }
  func.func @transform_7(%arg0: i32) -> (i32, i32) {
    %c0_i32 = arith.constant 0 : i32
    %c0_i32_0 = arith.constant 0 : i32
    %c0_i32_1 = arith.constant 0 : i32
    return %c0_i32, %c0_i32_0 : i32, i32
  }
  func.func @transform_8(%arg0: i32) -> (i32, i32) {
    %c0_i32 = arith.constant 0 : i32
    %c0_i32_0 = arith.constant 0 : i32
    return %arg0, %c0_i32 : i32, i32
  }
}

module attributes {stable_mosaic.version = 14 : i64} {
  func.func @_mlp_pool_body(%arg0: i32, %arg1: memref<2048x128xf32, #tpu.memory_space<vmem>>, %arg2: memref<2x2048x128xf32, #tpu.memory_space<vmem>>, %arg3: memref<2x2048x16xf32, #tpu.memory_space<vmem>>, %arg4: memref<16x128xf32, #tpu.memory_space<vmem>>, %arg5: memref<128x256xf32, #tpu.memory_space<vmem>>, %arg6: memref<1x256xf32, #tpu.memory_space<vmem>>, %arg7: memref<256x128xf32, #tpu.memory_space<vmem>>, %arg8: memref<1x128xf32, #tpu.memory_space<vmem>>, %arg9: memref<1x2048xi32, #tpu.memory_space<vmem>>, %arg10: memref<128x256xf32, #tpu.memory_space<vmem>>, %arg11: memref<1x256xf32, #tpu.memory_space<vmem>>, %arg12: memref<128x256xf32, #tpu.memory_space<vmem>>, %arg13: memref<128x128xf32, #tpu.memory_space<vmem>>, %arg14: memref<128x128xf32, #tpu.memory_space<vmem>>) attributes {dimension_semantics = [#tpu.dimension_semantics<arbitrary>], iteration_bounds = array<i64: 5>, scalar_prefetch = 0 : i64, scratch_operands = 2 : i64, tpu.core_type = #tpu.core_type<tc>, window_params = [{transform_indices = @transform_0, window_bounds = array<i64: 2048, 128>}, {transform_indices = @transform_1, window_bounds = array<i64: 2, 2048, 128>}, {transform_indices = @transform_2, window_bounds = array<i64: 2, 2048, 16>}, {pipeline_mode = #tpu.pipeline_mode<synchronous>, transform_indices = @transform_3, window_bounds = array<i64: 16, 128>}, {pipeline_mode = #tpu.pipeline_mode<synchronous>, transform_indices = @transform_4, window_bounds = array<i64: 128, 256>}, {pipeline_mode = #tpu.pipeline_mode<synchronous>, transform_indices = @transform_5, window_bounds = array<i64: 1, 256>}, {pipeline_mode = #tpu.pipeline_mode<synchronous>, transform_indices = @transform_6, window_bounds = array<i64: 256, 128>}, {pipeline_mode = #tpu.pipeline_mode<synchronous>, transform_indices = @transform_7, window_bounds = array<i64: 1, 128>}, {transform_indices = @transform_8, window_bounds = array<i64: 1, 2048>}, {pipeline_mode = #tpu.pipeline_mode<synchronous>, transform_indices = @transform_9, window_bounds = array<i64: 128, 256>}, {pipeline_mode = #tpu.pipeline_mode<synchronous>, transform_indices = @transform_10, window_bounds = array<i64: 1, 256>}, {pipeline_mode = #tpu.pipeline_mode<synchronous>, transform_indices = @transform_11, window_bounds = array<i64: 128, 256>}]} {
    %get3A = arith.constant 0 : index
    %get3A_0 = arith.constant 0 : index
    %get3A_1 = arith.constant 0 : index
    %get3A_2 = vector.load %arg3[%get3A, %get3A_0, %get3A_1] : memref<2x2048x16xf32, #tpu.memory_space<vmem>>, vector<1x2048x16xf32>
    %get3A_3 = vector.shape_cast %get3A_2 : vector<1x2048x16xf32> to vector<2048x16xf32>
    %get3A_4 = arith.constant 1 : index
    %get3A_5 = arith.constant 0 : index
    %get3A_6 = arith.constant 0 : index
    %get3A_7 = vector.load %arg3[%get3A_4, %get3A_5, %get3A_6] : memref<2x2048x16xf32, #tpu.memory_space<vmem>>, vector<1x2048x16xf32>
    %get3A_8 = vector.shape_cast %get3A_7 : vector<1x2048x16xf32> to vector<2048x16xf32>
    %add3A = arith.addf %get3A_3, %get3A_8 : vector<2048x16xf32>
    %get3A_9 = arith.constant 0 : index
    %get3A_10 = arith.constant 0 : index
    %get3A_11 = vector.load %arg4[%get3A_9, %get3A_10] : memref<16x128xf32, #tpu.memory_space<vmem>>, vector<16x128xf32>
    %dot_general3A = arith.constant dense<0.000000e+00> : vector<2048x128xf32>
    %dot_general3A_12 = tpu.matmul %add3A, %get3A_11, %dot_general3A {dimension_numbers = #tpu.dot_dimension_numbers<[1], [0], [0], [1], [0, 0, 1, 1], [], []>, transpose_lhs_hint = false} : vector<2048x16xf32>, vector<16x128xf32>, vector<2048x128xf32> -> vector<2048x128xf32>
    %get3A_13 = arith.constant 0 : index
    %get3A_14 = arith.constant 0 : index
    %get3A_15 = vector.load %arg1[%get3A_13, %get3A_14] : memref<2048x128xf32, #tpu.memory_space<vmem>>, vector<2048x128xf32>
    %get3A_16 = arith.constant 0 : index
    %get3A_17 = arith.constant 0 : index
    %get3A_18 = arith.constant 0 : index
    %get3A_19 = vector.load %arg2[%get3A_16, %get3A_17, %get3A_18] : memref<2x2048x128xf32, #tpu.memory_space<vmem>>, vector<1x2048x128xf32>
    %get3A_20 = vector.shape_cast %get3A_19 : vector<1x2048x128xf32> to vector<2048x128xf32>
    %add3A_21 = arith.addf %get3A_15, %get3A_20 : vector<2048x128xf32>
    %get3A_22 = arith.constant 1 : index
    %get3A_23 = arith.constant 0 : index
    %get3A_24 = arith.constant 0 : index
    %get3A_25 = vector.load %arg2[%get3A_22, %get3A_23, %get3A_24] : memref<2x2048x128xf32, #tpu.memory_space<vmem>>, vector<1x2048x128xf32>
    %get3A_26 = vector.shape_cast %get3A_25 : vector<1x2048x128xf32> to vector<2048x128xf32>
    %add3A_27 = arith.addf %add3A_21, %get3A_26 : vector<2048x128xf32>
    %add3A_28 = arith.addf %add3A_27, %dot_general3A_12 : vector<2048x128xf32>
    %get3A_29 = arith.constant 0 : index
    %get3A_30 = arith.constant 0 : index
    %get3A_31 = vector.load %arg5[%get3A_29, %get3A_30] : memref<128x256xf32, #tpu.memory_space<vmem>>, vector<128x256xf32>
    %dot_general3A_32 = arith.constant dense<0.000000e+00> : vector<2048x256xf32>
    %dot_general3A_33 = tpu.matmul %add3A_28, %get3A_31, %dot_general3A_32 {dimension_numbers = #tpu.dot_dimension_numbers<[1], [0], [0], [1], [0, 0, 1, 1], [], []>, transpose_lhs_hint = false} : vector<2048x128xf32>, vector<128x256xf32>, vector<2048x256xf32> -> vector<2048x256xf32>
    %get3A_34 = arith.constant 0 : index
    %get3A_35 = arith.constant 0 : index
    %get3A_36 = vector.load %arg6[%get3A_34, %get3A_35] : memref<1x256xf32, #tpu.memory_space<vmem>>, vector<1x256xf32>
    %add3A_37 = vector.broadcast %get3A_36 : vector<1x256xf32> to vector<2048x256xf32>
    %add3A_38 = arith.addf %dot_general3A_33, %add3A_37 : vector<2048x256xf32>
    %max3A = arith.constant 0.000000e+00 : f32
    %max3A_39 = vector.broadcast %max3A : f32 to vector<2048x256xf32>
    %max3A_40 = arith.maximumf %add3A_38, %max3A_39 : vector<2048x256xf32>
    %get3A_41 = arith.constant 0 : index
    %get3A_42 = arith.constant 0 : index
    %get3A_43 = vector.load %arg7[%get3A_41, %get3A_42] : memref<256x128xf32, #tpu.memory_space<vmem>>, vector<256x128xf32>
    %dot_general3A_44 = arith.constant dense<0.000000e+00> : vector<2048x128xf32>
    %dot_general3A_45 = tpu.matmul %max3A_40, %get3A_43, %dot_general3A_44 {dimension_numbers = #tpu.dot_dimension_numbers<[1], [0], [0], [1], [0, 0, 1, 1], [], []>, precision = #tpu.contract_precision<fp32>, transpose_lhs_hint = false} : vector<2048x256xf32>, vector<256x128xf32>, vector<2048x128xf32> -> vector<2048x128xf32>
    %get3A_46 = arith.constant 0 : index
    %get3A_47 = arith.constant 0 : index
    %get3A_48 = vector.load %arg8[%get3A_46, %get3A_47] : memref<1x128xf32, #tpu.memory_space<vmem>>, vector<1x128xf32>
    %add3A_49 = vector.broadcast %get3A_48 : vector<1x128xf32> to vector<2048x128xf32>
    %add3A_50 = arith.addf %dot_general3A_45, %add3A_49 : vector<2048x128xf32>
    %iota3A = tpu.iota {dimensions = array<i32: 0>} : vector<128x2048xi32>
    %get3A_51 = arith.constant 0 : index
    %get3A_52 = arith.constant 0 : index
    %get3A_53 = vector.load %arg9[%get3A_51, %get3A_52] : memref<1x2048xi32, #tpu.memory_space<vmem>>, vector<1x2048xi32>
    %eq3A = vector.broadcast %get3A_53 : vector<1x2048xi32> to vector<128x2048xi32>
    %eq3A_54 = arith.cmpi eq, %iota3A, %eq3A : vector<128x2048xi32>
    %convert_element_type3A = arith.extui %eq3A_54 : vector<128x2048xi1> to vector<128x2048xi32>
    %convert_element_type3A_55 = arith.sitofp %convert_element_type3A : vector<128x2048xi32> to vector<128x2048xf32>
    %dot_general3A_56 = arith.constant dense<0.000000e+00> : vector<128x128xf32>
    %dot_general3A_57 = tpu.matmul %convert_element_type3A_55, %add3A_50, %dot_general3A_56 {dimension_numbers = #tpu.dot_dimension_numbers<[1], [0], [0], [1], [0, 0, 1, 1], [], []>, transpose_lhs_hint = false} : vector<128x2048xf32>, vector<2048x128xf32>, vector<128x128xf32> -> vector<128x128xf32>
    %reduce_sum3A = arith.constant dense<0.000000e+00> : vector<128xf32>
    %reduce_sum3A_58 = vector.multi_reduction <add>, %convert_element_type3A_55, %reduce_sum3A [1] : vector<128x2048xf32> to vector<128xf32>
    %broadcast_in_dim3A = vector.shape_cast %reduce_sum3A_58 : vector<128xf32> to vector<128x1xf32>
    %eq3A_59 = arith.constant 0 : i32
    %eq3A_60 = arith.cmpi eq, %arg0, %eq3A_59 : i32
    %convert_element_type3A_61 = arith.extui %eq3A_60 : i1 to i32
    %cond3A = arith.constant 0 : i32
    %cond3A_62 = arith.cmpi ne, %convert_element_type3A_61, %cond3A : i32
    scf.if %cond3A_62 {
      %broadcast_in_dim3A_83 = arith.constant 0.000000e+00 : f32
      %broadcast_in_dim3A_84 = vector.broadcast %broadcast_in_dim3A_83 : f32 to vector<128x128xf32>
      %swap3A_85 = arith.constant 0 : index
      %swap3A_86 = arith.constant 0 : index
      %swap3A_87 = vector.load %arg13[%swap3A_85, %swap3A_86] : memref<128x128xf32, #tpu.memory_space<vmem>>, vector<128x128xf32>
      tpu.vector_store %arg13[%swap3A_85, %swap3A_86], %broadcast_in_dim3A_84 {strides = array<i32>} : memref<128x128xf32, #tpu.memory_space<vmem>>, vector<128x128xf32>,
      %broadcast_in_dim3A_88 = arith.constant 0.000000e+00 : f32
      %broadcast_in_dim3A_89 = vector.broadcast %broadcast_in_dim3A_88 : f32 to vector<128x128xf32>
      %swap3A_90 = arith.constant 0 : index
      %swap3A_91 = arith.constant 0 : index
      %swap3A_92 = vector.load %arg14[%swap3A_90, %swap3A_91] : memref<128x128xf32, #tpu.memory_space<vmem>>, vector<128x128xf32>
      tpu.vector_store %arg14[%swap3A_90, %swap3A_91], %broadcast_in_dim3A_89 {strides = array<i32>} : memref<128x128xf32, #tpu.memory_space<vmem>>, vector<128x128xf32>,
    } else {
    }
    %get3A_63 = arith.constant 0 : index
    %get3A_64 = arith.constant 0 : index
    %get3A_65 = vector.load %arg13[%get3A_63, %get3A_64] : memref<128x128xf32, #tpu.memory_space<vmem>>, vector<128x128xf32>
    %add3A_66 = arith.addf %get3A_65, %dot_general3A_57 : vector<128x128xf32>
    %swap3A = arith.constant 0 : index
    %swap3A_67 = arith.constant 0 : index
    %swap3A_68 = vector.load %arg13[%swap3A, %swap3A_67] : memref<128x128xf32, #tpu.memory_space<vmem>>, vector<128x128xf32>
    tpu.vector_store %arg13[%swap3A, %swap3A_67], %add3A_66 {strides = array<i32>} : memref<128x128xf32, #tpu.memory_space<vmem>>, vector<128x128xf32>,
    %get3A_69 = arith.constant 0 : index
    %get3A_70 = arith.constant 0 : index
    %get3A_71 = vector.load %arg14[%get3A_69, %get3A_70] : memref<128x128xf32, #tpu.memory_space<vmem>>, vector<128x128xf32>
    %broadcast_in_dim3A_72 = vector.shape_cast %broadcast_in_dim3A : vector<128x1xf32> to vector<128x1xf32>
    %broadcast_in_dim3A_73 = vector.broadcast %broadcast_in_dim3A_72 : vector<128x1xf32> to vector<128x128xf32>
    %add3A_74 = arith.addf %get3A_71, %broadcast_in_dim3A_73 : vector<128x128xf32>
    %swap3A_75 = arith.constant 0 : index
    %swap3A_76 = arith.constant 0 : index
    %swap3A_77 = vector.load %arg14[%swap3A_75, %swap3A_76] : memref<128x128xf32, #tpu.memory_space<vmem>>, vector<128x128xf32>
    tpu.vector_store %arg14[%swap3A_75, %swap3A_76], %add3A_74 {strides = array<i32>} : memref<128x128xf32, #tpu.memory_space<vmem>>, vector<128x128xf32>,
    %eq3A_78 = arith.constant 4 : i32
    %eq3A_79 = arith.cmpi eq, %arg0, %eq3A_78 : i32
    %convert_element_type3A_80 = arith.extui %eq3A_79 : i1 to i32
    %cond3A_81 = arith.constant 0 : i32
    %cond3A_82 = arith.cmpi ne, %convert_element_type3A_80, %cond3A_81 : i32
    scf.if %cond3A_82 {
      %get3A_83 = arith.constant 0 : index
      %get3A_84 = arith.constant 0 : index
      %get3A_85 = vector.load %arg13[%get3A_83, %get3A_84] : memref<128x128xf32, #tpu.memory_space<vmem>>, vector<128x128xf32>
      %get3A_86 = arith.constant 0 : index
      %get3A_87 = arith.constant 0 : index
      %get3A_88 = vector.load %arg14[%get3A_86, %get3A_87] : memref<128x128xf32, #tpu.memory_space<vmem>>, vector<128x128xf32>
      %slice3A = vector.extract_strided_slice %get3A_88 {offsets = [0, 0], sizes = [128, 1], strides = [1, 1]} : vector<128x128xf32> to vector<128x1xf32>
      %max3A_89 = arith.constant 1.000000e+00 : f32
      %max3A_90 = vector.broadcast %max3A_89 : f32 to vector<128x1xf32>
      %max3A_91 = arith.maximumf %slice3A, %max3A_90 : vector<128x1xf32>
      %div3A = vector.broadcast %max3A_91 : vector<128x1xf32> to vector<128x128xf32>
      %div3A_92 = arith.divf %get3A_85, %div3A : vector<128x128xf32>
      %get3A_93 = arith.constant 0 : index
      %get3A_94 = arith.constant 0 : index
      %get3A_95 = vector.load %arg10[%get3A_93, %get3A_94] : memref<128x256xf32, #tpu.memory_space<vmem>>, vector<128x256xf32>
      %dot_general3A_96 = arith.constant dense<0.000000e+00> : vector<128x256xf32>
      %dot_general3A_97 = tpu.matmul %div3A_92, %get3A_95, %dot_general3A_96 {dimension_numbers = #tpu.dot_dimension_numbers<[1], [0], [0], [1], [0, 0, 1, 1], [], []>, transpose_lhs_hint = false} : vector<128x128xf32>, vector<128x256xf32>, vector<128x256xf32> -> vector<128x256xf32>
      %get3A_98 = arith.constant 0 : index
      %get3A_99 = arith.constant 0 : index
      %get3A_100 = vector.load %arg11[%get3A_98, %get3A_99] : memref<1x256xf32, #tpu.memory_space<vmem>>, vector<1x256xf32>
      %add3A_101 = vector.broadcast %get3A_100 : vector<1x256xf32> to vector<128x256xf32>
      %add3A_102 = arith.addf %dot_general3A_97, %add3A_101 : vector<128x256xf32>
      %max3A_103 = arith.constant 0.000000e+00 : f32
      %max3A_104 = vector.broadcast %max3A_103 : f32 to vector<128x256xf32>
      %max3A_105 = arith.maximumf %add3A_102, %max3A_104 : vector<128x256xf32>
      %swap3A_106 = arith.constant 0 : index
      %swap3A_107 = arith.constant 0 : index
      %swap3A_108 = vector.load %arg12[%swap3A_106, %swap3A_107] : memref<128x256xf32, #tpu.memory_space<vmem>>, vector<128x256xf32>
      tpu.vector_store %arg12[%swap3A_106, %swap3A_107], %max3A_105 {strides = array<i32>} : memref<128x256xf32, #tpu.memory_space<vmem>>, vector<128x256xf32>,
    } else {
    }
    return
  }
  func.func @transform_0(%arg0: i32) -> (i32, i32) {
    %c0_i32 = arith.constant 0 : i32
    %c0_i32_0 = arith.constant 0 : i32
    return %arg0, %c0_i32 : i32, i32
  }
  func.func @transform_1(%arg0: i32) -> (i32, i32, i32) {
    %c0_i32 = arith.constant 0 : i32
    %c0_i32_0 = arith.constant 0 : i32
    %c0_i32_1 = arith.constant 0 : i32
    return %c0_i32, %arg0, %c0_i32_0 : i32, i32, i32
  }
  func.func @transform_2(%arg0: i32) -> (i32, i32, i32) {
    %c0_i32 = arith.constant 0 : i32
    %c0_i32_0 = arith.constant 0 : i32
    %c0_i32_1 = arith.constant 0 : i32
    return %c0_i32, %arg0, %c0_i32_0 : i32, i32, i32
  }
  func.func @transform_3(%arg0: i32) -> (i32, i32) {
    %c0_i32 = arith.constant 0 : i32
    %c0_i32_0 = arith.constant 0 : i32
    %c0_i32_1 = arith.constant 0 : i32
    return %c0_i32, %c0_i32_0 : i32, i32
  }
  func.func @transform_4(%arg0: i32) -> (i32, i32) {
    %c0_i32 = arith.constant 0 : i32
    %c0_i32_0 = arith.constant 0 : i32
    %c0_i32_1 = arith.constant 0 : i32
    return %c0_i32, %c0_i32_0 : i32, i32
  }
  func.func @transform_5(%arg0: i32) -> (i32, i32) {
    %c0_i32 = arith.constant 0 : i32
    %c0_i32_0 = arith.constant 0 : i32
    %c0_i32_1 = arith.constant 0 : i32
    return %c0_i32, %c0_i32_0 : i32, i32
  }
  func.func @transform_6(%arg0: i32) -> (i32, i32) {
    %c0_i32 = arith.constant 0 : i32
    %c0_i32_0 = arith.constant 0 : i32
    %c0_i32_1 = arith.constant 0 : i32
    return %c0_i32, %c0_i32_0 : i32, i32
  }
  func.func @transform_7(%arg0: i32) -> (i32, i32) {
    %c0_i32 = arith.constant 0 : i32
    %c0_i32_0 = arith.constant 0 : i32
    %c0_i32_1 = arith.constant 0 : i32
    return %c0_i32, %c0_i32_0 : i32, i32
  }
  func.func @transform_8(%arg0: i32) -> (i32, i32) {
    %c0_i32 = arith.constant 0 : i32
    %c0_i32_0 = arith.constant 0 : i32
    return %c0_i32, %arg0 : i32, i32
  }
  func.func @transform_9(%arg0: i32) -> (i32, i32) {
    %c0_i32 = arith.constant 0 : i32
    %c0_i32_0 = arith.constant 0 : i32
    %c0_i32_1 = arith.constant 0 : i32
    return %c0_i32, %c0_i32_0 : i32, i32
  }
  func.func @transform_10(%arg0: i32) -> (i32, i32) {
    %c0_i32 = arith.constant 0 : i32
    %c0_i32_0 = arith.constant 0 : i32
    %c0_i32_1 = arith.constant 0 : i32
    return %c0_i32, %c0_i32_0 : i32, i32
  }
  func.func @transform_11(%arg0: i32) -> (i32, i32) {
    %c0_i32 = arith.constant 0 : i32
    %c0_i32_0 = arith.constant 0 : i32
    %c0_i32_1 = arith.constant 0 : i32
    return %c0_i32, %c0_i32_0 : i32, i32
  }
}

</mosaic_0001>

<sc_bundles>
// kernel: kernel.13.cloned.1.call-start
scs
__scs_entry_jumppad:
0x0: {  	(pc) =	sbr.rel $0x88, $3  }
0x1: {  	(tag) =	ssettag $0x0;
	lr =	simm.s32 $0x1  }
0x2: {  	[smem:$0x3F95] =	sst lr;
	_ =	strace $0xD0000000  }
0x3: {  	_ = 	snop  }
0x4: {  	_ = 	snop  }
0x5: {  	_ = 	snop  }
0x6: {  	_ = 	snop  }
0x7: {  	_ = 	snop  }
__scs_overlays_trampoline_lowered:
0x8: {  	[smem:$0x3FA4] =	sst s0  }
0x9: {  	[smem:$0x3FA5] =	sst s1  }
0xa: {  	[smem:$0x3FA6] =	sst s2  }
0xb: {  	[smem:$0x3FA7] =	sst s3  }
0xc: {  	[smem:$0x3FA8] =	sst s4  }
0xd: {  	[smem:$0x3FA9] =	sst s5  }
0xe: {  	[smem:$0x3FAA] =	sst s6  }
0xf: {  	[smem:$0x3FAB] =	sst s7  }
0x10: {  	[smem:$0x3FAC] =	sst s8  }
0x11: {  	[smem:$0x3FAD] =	sst s9;
	s0 =	simm.s32 @!p0 $0x0  }
0x12: {  	s1 =	sld [smem:$0x3F93];
	s0 =	simm.s32 @p0 $0x1  }
0x13: {  	[smem:$0x3FAE] =	sst s0;
	s0 =	simm.s32 @!p1 $0x0  }
0x14: {  	s2 =	sld [smem:$0x3F92];
	s0 =	simm.s32 @p1 $0x1  }
0x15: {  	[smem:$0x3FAF] =	sst s0;
	s0 =	simm.s32 @!p2 $0x0  }
0x16: {  	s3 =	sld [smem:$0x3FDB];
	s0 =	simm.s32 @p2 $0x1  }
0x17: {  	s4 =	simm.s32 $0x1BF5;
	[smem:$0x3FB1] =	sst s0  }
0x18: {  	s0 =	sld [smem:$0x3F94];
	_ =	swait.ge [sflag:s4], $0x0  }
0x19: {  	s7 =	sld [smem:$0x3F95]  }
0x1a: {  	s8 =	sadd.s32 $0xFFFFE003, lr  }
0x1b: {  	s9 =	sadd.s32 $0xFFFFFEF7, lr;
	s5 =	simm.s32 $0xFFFFFFFF;
	p2 =	slt.u32 s8, $0xFFFFF086  }
0x1c: {  	p1 =	slt.u32 s9, $0xF7A;
	s5 =	simm.s32 @!p2 $0x0  }
0x1d: {  	s5 =	simm.s32 @p1 $0x1;
	p0 =	seq.s32 s7, s2  }
0x1e: {  	s7 =	smul.u32 @!p0 $0xF7A, s2;
	p2 =	seq.s32 @!p0 s5, $0x0  }
0x1f: {  	s9 =	smul.u32 $0xF7A, s1;
	s8 =	simm.s32 @!p0 $0x1BF5;
	p2 =	por !p2, p0  }
0x20: {  	[sflag:s8] =	ssyncset.s32 @!p0 $0xFFFFF086;
	s6 =	sadd.s32 @!p0 s3, s7;
	s7 =	simm.s32 @!p0 $0x108  }
0x21: {  	s3 =	sadd.s32 s3, s9;
	s6 =	sadd.s32 @!p0 $0x88, s6;
	s7 =	simm.s32 @p2 $0x1082  }
0x22: {  	[simem:s7], [sflag:s8] =	dma.local @!p0 [hbm:s6], $0xF7A  }
0x23: {  	s9 =	sor.u32 $0xD0000000, s2;
	s6 =	simm.s32 $0x108;
	_ =	swait.ge @!p0 [sflag:s8], $0x0  }
0x24: {  	s3 =	sadd.s32 $0x88, s3;
	s6 =	simm.s32 @!p1 $0x1082;
	[sflag:s4] =	ssyncset.s32 $0xFFFFF086  }
0x25: {  	[simem:s6], [sflag:s4] =	dma.local [hbm:s3], $0xF7A  }
0x26: {  	[smem:$0x3F95] =	sst s1;
	(tag) =	ssettag s2;
	_ =	strace s9  }
0x27: {  	s1 =	sld [smem:$0x3FA5]  }
0x28: {  	s2 =	sld [smem:$0x3FA6]  }
0x29: {  	s4 =	sld [smem:$0x3FA8]  }
0x2a: {  	p0 =	seq.s32 s5, $0x0;
	s5 =	sld [smem:$0x3FA9]  }
0x2b: {  	s6 =	sld [smem:$0x3FAA]  }
0x2c: {  	s7 =	sld [smem:$0x3FAB]  }
0x2d: {  	s3 =	simm.s32 $0x108;
	s8 =	sld [smem:$0x3FAC]  }
0x2e: {  	s3 =	simm.s32 @!p0 $0x1082;
	s9 =	sld [smem:$0x3FAD]  }
0x2f: {  	lr =	sadd.s32 s0, s3;
	s0 =	sld [smem:$0x3FA4]  }
0x30: {  	s3 =	sld [smem:$0x3FA7]  }
0x31: {  	[smem:$0x3FB0] =	sst s10  }
0x32: {  	s10 =	sld [smem:$0x3FAE];
	_ =	sdelay $0x3  }
0x33: {  	p0 =	seq.s32 s10, $0x1;
	s10 =	sld [smem:$0x3FB0];
	_ =	sdelay $0x3  }
0x34: {  	[smem:$0x3FB0] =	sst s10  }
0x35: {  	s10 =	sld [smem:$0x3FAF];
	_ =	sdelay $0x3  }
0x36: {  	p1 =	seq.s32 s10, $0x1;
	s10 =	sld [smem:$0x3FB0];
	_ =	sdelay $0x3  }
0x37: {  	[smem:$0x3FB0] =	sst s10  }
0x38: {  	s10 =	sld [smem:$0x3FB1]  }
0x39: {  	_ = 	snop;
	(pc) =	sbr.ind lr, $3  }
0x3a: {  	_ = 	snop  }
0x3b: {  	_ = 	snop  }
0x3c: {  	p2 =	seq.s32 s10, $0x1;
	s10 =	sld [smem:$0x3FB0]  }
0x3d: {  	_ =	shalt  }
0x3e: {  	_ =	shalt  }
0x3f: {  	_ =	shalt  }
0x40: {  	_ =	shalt  }
0x41: {  	_ =	shalt  }
0x42: {  	_ =	shalt  }
0x43: {  	_ =	shalt  }
0x44: {  	_ =	shalt  }
0x45: {  	_ =	shalt  }
0x46: {  	_ =	shalt  }
0x47: {  	_ =	shalt  }
0x48: {  	_ =	shalt  }
0x49: {  	_ =	shalt  }
0x4a: {  	_ =	shalt  }
0x4b: {  	_ =	shalt  }
0x4c: {  	_ =	shalt  }
0x4d: {  	_ =	shalt  }
0x4e: {  	_ =	shalt  }
0x4f: {  	_ =	shalt  }
0x50: {  	_ =	shalt  }
0x51: {  	_ =	shalt  }
0x52: {  	_ =	shalt  }
0x53: {  	_ =	shalt  }
0x54: {  	_ =	shalt  }
0x55: {  	_ =	shalt  }
0x56: {  	_ =	shalt  }
0x57: {  	_ =	shalt  }
0x58: {  	_ =	shalt  }
0x59: {  	_ =	shalt  }
0x5a: {  	_ =	shalt  }
0x5b: {  	_ =	shalt  }
0x5c: {  	_ =	shalt  }
0x5d: {  	_ =	shalt  }
0x5e: {  	_ =	shalt  }
0x5f: {  	_ =	shalt  }
0x60: {  	_ =	shalt  }
0x61: {  	_ =	shalt  }
0x62: {  	_ =	shalt  }
0x63: {  	_ =	shalt  }
0x64: {  	_ =	shalt  }
0x65: {  	_ =	shalt  }
0x66: {  	_ =	shalt  }
0x67: {  	_ =	shalt  }
0x68: {  	_ =	shalt  }
0x69: {  	_ =	shalt  }
0x6a: {  	_ =	shalt  }
0x6b: {  	_ =	shalt  }
0x6c: {  	_ =	shalt  }
0x6d: {  	_ =	shalt  }
0x6e: {  	_ =	shalt  }
0x6f: {  	_ =	shalt  }
0x70: {  	_ =	shalt  }
0x71: {  	_ =	shalt  }
0x72: {  	_ =	shalt  }
0x73: {  	_ =	shalt  }
0x74: {  	_ =	shalt  }
0x75: {  	_ =	shalt  }
0x76: {  	_ =	shalt  }
0x77: {  	_ =	shalt  }
0x78: {  	_ =	shalt  }
0x79: {  	_ =	shalt  }
0x7a: {  	_ =	shalt  }
0x7b: {  	_ =	shalt  }
0x7c: {  	_ =	shalt  }
0x7d: {  	_ =	shalt  }
0x7e: {  	_ =	shalt  }
0x7f: {  	_ =	shalt  }
0x80: {  	_ =	shalt  }
0x81: {  	_ =	shalt  }
0x82: {  	_ =	shalt  }
0x83: {  	_ =	shalt  }
0x84: {  	_ =	shalt  }
0x85: {  	_ =	shalt  }
0x86: {  	_ =	shalt  }
0x87: {  	_ =	shalt  }
.Lfunc_end0:
.L_simem_size_0:
called_computation_lowered:
.L_overlay_start_0:
0x88: {  	s2 =	sld [smem:$0x3FD9]  }
0x89: {  	s3 =	sld [smem:$0x3FFE];
	_ =	sdelay $0x1  }
0x8a: {  	s1 =	srdreg.scid  }
0x8b: {  	s0 =	sand.u32 $0x1, s1  }
0x8c: {  	s17 =	sshll.u32 s0, $0xA;
	s2 =	sadd.s32 s3, s2  }
0x8d: {  	s2 =	sadd.s32 s2, s17  }
0x8e: {  	[smem:$0x3FBC] =	sst s2  }
0x8f: {  	_ = 	snop  }
0x90: {  	(tm) =	ssettm $0x1  }
0x91: {  	s18 =	sld [smem:$0x3FFB];
	_ =	sdelay $0x3  }
0x92: {  	_ =	strace s18  }
0x93: {  	s2 =	sld [smem:$0x3FFC];
	_ =	sdelay $0x3  }
0x94: {  	_ =	strace s2  }
0x95: {  	s2 =	sld [smem:$0x3FFD];
	_ =	sdelay $0x3  }
0x96: {  	_ =	strace s2  }
0x97: {  	_ =	strace $0x8FFFFFFF  }
0x98: {  	s19 =	sld [smem:$0x3FDB];
	_ =	sdelay $0x1  }
0x99: {  	s20 =	simm.s32 $_scs_section_size  }
0x9a: {  	s4 =	simm.s32 $_size__tile_overlayer_lowered;
	s5 =	simm.s32 $_tile_overlayer_lowered  }
0x9b: {  	s6 =	simm.s32 $0x1BFF;
	s21 =	sshll.u32 s5, $0x1;
	s3 =	sadd.s32 s20, s19  }
0x9c: {  	s22 =	simm.s32 $0x0;
	s4 =	sshll.u32 s4, $0x1;
	s5 =	sadd.s32 s21, s3  }
0x9d: {  	[timem:s22], [sflag:s6] =	dma.local [hbm:s5], s4  }
0x9e: {  	_ =	swait.ge [sflag:s6], s4  }
0x9f: {  	s4 =	ssub.s32 $0x0, s4;
	[sflag:s6] =	ssyncset.done $0x0  }
0xa0: {  	[sflag:s6] =	ssyncadd.s32 s4;
	_ =	sdelay $0x1  }
0xa1: {  	s23 =	simm.s32 $0x1B8B  }
0xa2: {  	_ =	swait.ge [sflag:s23], $0x1  }
0xa3: {  	[sflag:s23] =	ssyncset.done $0x0  }
0xa4: {  	[sflag:s23] =	ssyncadd.s32 $0xFFFFFFFF  }
0xa5: {  	s4 =	sld [smem:$0x0]  }
0xa6: {  	s5 =	sand.u32 $0xFFFFFFFE, s1  }
0xa7: {  	p0 =	sne.s32 s1, s5  }
0xa8: {  	s5 =	sshll.u32 @p0 s5, $0xE  }
0xa9: {  	s5 =	sadd.s32 @p0 $0x11B8D, s5;
	s6 =	sshll.u32 @p0 s4, $0x11  }
0xaa: {  	s5 =	sor.u32 @p0 s6, s5  }
0xab: {  	[sflag:s5] =	ssyncadd.remote.s32 @p0 $0x1;
	_ =	sdelay $0x1  }
0xac: {  	s5 =	simm.s32 @p0 $0x1B8D  }
0xad: {  	_ =	swait.eq @p0 [sflag:s5], $0x1  }
0xae: {  	[sflag:s5] =	ssyncadd.s32 @p0 $0xFFFFFFFF  }
0xaf: {  	s6 =	sshll.u32 @!p0 s1, $0xE  }
0xb0: {  	s6 =	sor.u32 @!p0 $0x4000, s6;
	s5 =	simm.s32 @!p0 $0x1B8D  }
0xb1: {  	s4 =	sshll.u32 @!p0 s4, $0x11;
	s6 =	sadd.s32 @!p0 $0x11B8D, s6;
	_ =	swait.eq @!p0 [sflag:s5], $0x1  }
0xb2: {  	s4 =	sor.u32 @!p0 s4, s6;
	[sflag:s5] =	ssyncadd.s32 @!p0 $0xFFFFFFFF  }
0xb3: {  	s25 =	simm.s32 $0x1B8E;
	s24 =	sld [smem:$0x3FFE];
	[sflag:s4] =	ssyncadd.remote.s32 @!p0 $0x1  }
0xb4: {  	s26 =	simm.s32 $execute0_lowered;
	[smem:$0x3FD2] =	sst s25  }
0xb5: {  	s5 =	sshll.u32 s26, $0x1;
	_ =	strace $0x80000049;
	[dreg:$0x1] =	wrdreg $0xFFFFFFFF  }
0xb6: {  	s28 =	simm.s32 $_size_execute0_lowered;
	s3 =	sadd.s32 s3, s5;
	[dreg:$0x0] =	wrdreg $0x0  }
0xb7: {  	s5 =	sshll.u32 s28, $0x1;
	[dreg:$0x2] =	wrdreg s3  }
0xb8: {  	[dreg:$0x3] =	wrdreg s5  }
0xb9: {  	[dreg:$0x4] =	wrdreg $0xC0  }
0xba: {  	_ =	task [dreg:s22], $0x5FFFF  }
0xbb: {  	[dreg:$0x1] =	wrdreg $0xFFFFFFFF  }
0xbc: {  	[dreg:$0x0] =	wrdreg $0x60  }
0xbd: {  	[dreg:$0x2] =	wrdreg s24  }
0xbe: {  	[dreg:$0x3] =	wrdreg $0x90000  }
0xbf: {  	[dreg:$0x4] =	wrdreg $0x9  }
0xc0: {  	_ =	task.clear_ibuf [dreg:s22], $0x5FFFF;
	_ =	strace $0x90000049  }
0xc1: {  	s29 =	simm.s32 $0x9;
	_ =	strace $0x8000004B  }
0xc2: {  	_ =	swait.ge [sflag:s29], $0x1  }
0xc3: {  	[sflag:s29] =	ssyncadd.s32 $0xFFFFFFFF  }
0xc4: {  	_ =	strace $0x9000004B  }
0xc5: {  	_ =	sfence  }
0xc6: {  	s30 =	sld [smem:$0x0];
	_ =	sdelay $0x2  }
0xc7: {  	s31 =	sshll.u32 s1, $0xD;
	s1 =	sshrl.u32 s1, $0x2  }
0xc8: {  	s4 =	sand.u32 $0x4000, s31;
	s1 =	sadd.s32 s1, s30  }
0xc9: {  	s0 =	sor.u32 s4, s0;
	s1 =	sshll.u32 s1, $0x11  }
0xca: {  	s0 =	sor.u32 s1, s0  }
0xcb: {  	s0 =	sadd.s32 $0x8F2B, s0  }
0xcc: {  	[sflag:s0] =	ssyncadd.remote.s32 $0x1  }
0xcd: {  	_ =	sfence.sel $0xFFFF  }
0xce: {  	[dreg:$0x0] =	wrdreg $0xFFFFFFFF;
	(pc) =	sbr.abs _section_cstart, $3  }
0xcf: {  	[dreg:$0x1] =	wrdreg $0xFFFFFFFF  }
0xd0: {  	_ =	task.clear_ibuf [dreg:s22], $0x2FFFF;
	_ =	strace $0x9FFFFFFF  }
0xd1: {  	(tm) =	ssettm $0x7FFFFFFF  }
tec
execute0_lowered:
.L_overlay_start_1:
0x0: {  	(tag) =	ssettag $0x1  }
0x1: {  	s0 =	rddreg [dreg:$0x0]  }
0x2: {  	s1 =	rddreg [dreg:$0x1];
	s2 =	srdreg.scid;
	s3 =	simm.s32 $0x0  }
0x3: {  	s25 =	stileid.u32;
	s20 =	simm.s32 $0x4000;
	s21 =	simm.s32 $0x6800  }
0x4: {  	s22 =	simm.s32 $0x1;
	s23 =	simm.s32 $0x50;
	s24 =	simm.s32 $0x2  }
0x5: {  	s28 =	simm.s32 $0x3E00;
	s29 =	simm.s32 $0x0;
	s26 =	smul.u32 $0x14000, s25  }
0x6: {  	s12 =	sand.u32 $0x1, s2;
	[smem:$0x7FF] =	sst s3;
	s7 =	smul.u32 $0x50000, s25  }
0x7: {  	s15 =	sadd.s32 $0x97400, s0;
	s19 =	smul.u32 $0x27100, s25;
	s4 =	sshll.u32 s12, $0x4  }
0x8: {  	s5 =	smul.u32 $0x140000, s12;
	_ =	strace $0x8000004A;
	s30 =	ssub.s32 $0x2, s12  }
0x9: {  	s17 =	smul.u32 $0x271000, s12;
	s11 =	sor.u32 s25, s4;
	s7 =	sshrl.u32 s7, $0x2  }
0xa: {  	s8 =	sshrl.u32 s30, $0x1;
	s6 =	sshll.u32 s11, $0xB;
	s13 =	smul.u32 $0x138800, s11  }
0xb: {  	s4 =	sadd.s32 s26, s5;
	s16 =	ssub.s32 s30, s8;
	s14 =	smul.u32 $0x27100, s11  }
0xc: {  	s17 =	sadd.s32 s17, s15;
	s26 =	simm.s32 $0x3D80;
	s6 =	sadd.s32 s6, s0  }
0xd: {  	s4 =	sshrl.u32 s4, $0x3;
	s16 =	smax.u32 s16, $0x1;
	s31 =	sadd.s32 s19, s17  }
0xe: {  	s19 =	simm.s32 $0x3;
	s0 =	sadd.s32 s4, s0;
	s4 =	sadd.s32 s7, s1  }
0xf: {  	s5 =	sadd.s32 $0x5600, s6;
	s13 =	sshrl.u32 s13, $0x3;
	s6 =	sadd.s32 $0x2800, s4  }
0x10: {  	s7 =	sadd.s32 $0x5000, s4;
	s8 =	sadd.s32 $0x7800, s4;
	s9 =	sadd.s32 $0xA000, s4  }
0x11: {  	s10 =	sadd.s32 $0xC800, s4;
	s11 =	sadd.s32 $0xF000, s4;
	s12 =	sadd.s32 $0x11800, s4  }
0x12: {  	s18 =	sadd.s32 s15, s13;
	s13 =	sadd.s32 s15, s14;
	s15 =	sadd.s32 $0x579400, s0  }
0x13: {  	v0 =	vimm.f32 $0.0e+00;
	s0 =	sadd.s32 $0xF00, s31;
	s14 =	sadd.s32 $0x500, s18;
	s17 =	sadd.s32 $0x26C00, s13  }
.LBB2_1:
0x14: {  	[tilespmem:s3], [sflag:$0x3] =	stream.linear.gather [hbm4b:s5+s3], $0x3E80, $0x38;
	[tilespmem:$0xB800] =	vst v63  }
0x15: {  	_ =	swait.ge [sflag:s19], $0x3E80  }
0x16: {  	[sflag:s19] =	ssyncset.done $0x0  }
0x17: {  	s18 =	simm.s32 $0x200;
	s30 =	simm.s32 $0x0;
	[sflag:s19] =	ssyncadd.s32 $0xFFFFC180  }
.LBB2_2:
0x18: {  	p0 =	sne.s32 s18, $0x9E00;
	[tilespmem:s30+$0x4000] =	vst v0;
	s30 =	smov.u32 s18;
	s18 =	sadd.s32 $0x200, s18  }
.Ltmp0:
0x19: {  	(pc) =	sbr.rel @p0 .LBB2_2-.Ltmp0, $2  }
0x1a: {  	_ =	sdelay $0x2  }
0x1b: {  	s30 =	sshra.s32 s30, $0x2  }
0x1c: {  	[tilespmem:s30+$0x4000] =	vst v0  }
0x1d: {  	[spmem:s4] =	stream.linear.scatter [tilespmem:s20], [sflag:$0x3], $0x2800, $0x38;
	[tilespmem:$0xB800] =	vst v63  }
0x1e: {  	_ =	swait.ge [sflag:s19], $0x2800  }
0x1f: {  	[sflag:s19] =	ssyncset.done $0x0  }
0x20: {  	[sflag:s19] =	ssyncadd.s32 $0xFFFFD800  }
0x21: {  	[spmem:s6] =	stream.linear.scatter [tilespmem:s20], [sflag:$0x3], $0x2800, $0x38;
	[tilespmem:$0xB800] =	vst v63  }
0x22: {  	_ =	swait.ge [sflag:s19], $0x2800  }
0x23: {  	[sflag:s19] =	ssyncset.done $0x0  }
0x24: {  	[sflag:s19] =	ssyncadd.s32 $0xFFFFD800  }
0x25: {  	[spmem:s7] =	stream.linear.scatter [tilespmem:s20], [sflag:$0x3], $0x2800, $0x38;
	[tilespmem:$0xB800] =	vst v63  }
0x26: {  	_ =	swait.ge [sflag:s19], $0x2800  }
0x27: {  	[sflag:s19] =	ssyncset.done $0x0  }
0x28: {  	[sflag:s19] =	ssyncadd.s32 $0xFFFFD800  }
0x29: {  	[spmem:s8] =	stream.linear.scatter [tilespmem:s20], [sflag:$0x3], $0x2800, $0x38;
	[tilespmem:$0xB800] =	vst v63  }
0x2a: {  	_ =	swait.ge [sflag:s19], $0x2800  }
0x2b: {  	[sflag:s19] =	ssyncset.done $0x0  }
0x2c: {  	[sflag:s19] =	ssyncadd.s32 $0xFFFFD800  }
0x2d: {  	[spmem:s9] =	stream.linear.scatter [tilespmem:s20], [sflag:$0x3], $0x2800, $0x38;
	[tilespmem:$0xB800] =	vst v63  }
0x2e: {  	_ =	swait.ge [sflag:s19], $0x2800  }
0x2f: {  	[sflag:s19] =	ssyncset.done $0x0  }
0x30: {  	[sflag:s19] =	ssyncadd.s32 $0xFFFFD800  }
0x31: {  	[spmem:s10] =	stream.linear.scatter [tilespmem:s20], [sflag:$0x3], $0x2800, $0x38;
	[tilespmem:$0xB800] =	vst v63  }
0x32: {  	_ =	swait.ge [sflag:s19], $0x2800  }
0x33: {  	[sflag:s19] =	ssyncset.done $0x0  }
0x34: {  	[sflag:s19] =	ssyncadd.s32 $0xFFFFD800  }
0x35: {  	[spmem:s11] =	stream.linear.scatter [tilespmem:s20], [sflag:$0x3], $0x2800, $0x38;
	[tilespmem:$0xB800] =	vst v63  }
0x36: {  	_ =	swait.ge [sflag:s19], $0x2800  }
0x37: {  	[sflag:s19] =	ssyncset.done $0x0  }
0x38: {  	[sflag:s19] =	ssyncadd.s32 $0xFFFFD800  }
0x39: {  	[spmem:s12] =	stream.linear.scatter [tilespmem:s20], [sflag:$0x3], $0x2800, $0x38;
	[tilespmem:$0xB800] =	vst v63  }
0x3a: {  	_ =	swait.ge [sflag:s19], $0x2800  }
0x3b: {  	[sflag:s19] =	ssyncset.done $0x0  }
0x3c: {  	s18 =	simm.s32 $0x0;
	[sflag:s19] =	ssyncadd.s32 $0xFFFFD800  }
0x3d: {  	[tilespmem:s20], [sflag:$0x1] =	stream.linear.gather [hbm4b:s13+s18], $0x2800, $0x38;
	[tilespmem:$0xB800] =	vst v63  }
0x3e: {  	_ = 	snop  }
0x3f: {  	[tilespmem:s21], [sflag:$0x2] =	stream.linear.gather [hbm4b:s14+s18], $0x2800, $0x38;
	[tilespmem:$0xB800] =	vst v63  }
0x40: {  	[bflag:$0x0] =	sbarrier.arrive $0xFFFF  }
0x41: {  	_ =	swait.ge [sflag:s22], $0x2800  }
0x42: {  	[sflag:s22] =	ssyncset.done $0x0  }
0x43: {  	s25 =	simm.s32 $0x0;
	[sflag:s22] =	ssyncadd.s32 $0xFFFFD800  }
0x44: {  	[spmem:s1] =	stream.indirect.scatter.add.f32 [tilespmem:s20], [sflag:$0x3], $0x10, s25, s23, $0xb8;
	[tilespmem:$0xB800] =	vst v63  }
0x45: {  	_ =	swait.ge [sflag:s19], $0x500  }
0x46: {  	[sflag:s19] =	ssyncset.done $0x0  }
0x47: {  	s2 =	sadd.s32 $0xFFFFFB00, s0;
	[sflag:s19] =	ssyncadd.s32 $0xFFFFFB00  }
0x48: {  	[tilespmem:s20], [sflag:$0x1] =	stream.linear.gather [hbm4b:s2+s3], $0x2800, $0x38;
	[tilespmem:$0xB800] =	vst v63  }
0x49: {  	_ =	swait.ge [sflag:s24], $0x2800  }
0x4a: {  	[sflag:s24] =	ssyncset.done $0x0  }
0x4b: {  	s25 =	simm.s32 $0x80;
	[sflag:s24] =	ssyncadd.s32 $0xFFFFD800  }
0x4c: {  	[spmem:s1] =	stream.indirect.scatter.add.f32 [tilespmem:s21], [sflag:$0x3], $0x10, s25, s23, $0xb8;
	[tilespmem:$0xB800] =	vst v63  }
0x4d: {  	_ =	swait.ge [sflag:s19], $0x500  }
0x4e: {  	s30 =	simm.s32 $0x400;
	[sflag:s19] =	ssyncset.done $0x0  }
0x4f: {  	s31 =	sadd.s32 $0xA00, s0;
	s18 =	smov.u32 s0;
	[sflag:s19] =	ssyncadd.s32 $0xFFFFFB00  }
.LBB2_4:
0x50: {  	[tilespmem:s21], [sflag:$0x2] =	stream.linear.gather [hbm4b:s18+s3], $0x2800, $0x38;
	[tilespmem:$0xB800] =	vst v63  }
0x51: {  	s2 =	smov.u32 s30;
	s18 =	smov.u32 s31  }
0x52: {  	p0 =	sne.s32 s30, $0xF000;
	s30 =	sadd.s32 $0x400, s30;
	_ =	swait.ge [sflag:s22], $0x2800  }
0x53: {  	[sflag:s22] =	ssyncset.done $0x0  }
0x54: {  	s2 =	sshra.s32 s2, $0x2;
	[sflag:s22] =	ssyncadd.s32 $0xFFFFD800  }
0x55: {  	[spmem:s1] =	stream.indirect.scatter.add.f32 [tilespmem:s20], [sflag:$0x3], $0x10, s2, s23, $0xb8;
	[tilespmem:$0xB800] =	vst v63  }
0x56: {  	_ =	swait.ge [sflag:s19], $0x500  }
0x57: {  	[sflag:s19] =	ssyncset.done $0x0  }
0x58: {  	s25 =	sadd.s32 $0xFFFFFB00, s31;
	[sflag:s19] =	ssyncadd.s32 $0xFFFFFB00  }
0x59: {  	[tilespmem:s20], [sflag:$0x1] =	stream.linear.gather [hbm4b:s25+s3], $0x2800, $0x38;
	[tilespmem:$0xB800] =	vst v63  }
0x5a: {  	_ =	swait.ge [sflag:s24], $0x2800  }
0x5b: {  	[sflag:s24] =	ssyncset.done $0x0  }
.Ltmp1:
0x5c: {  	s2 =	sadd.s32 $0x80, s2;
	[sflag:s24] =	ssyncadd.s32 $0xFFFFD800;
	(pc) =	sbr.rel @p0 .LBB2_4-.Ltmp1, $4  }
0x5d: {  	[spmem:s1] =	stream.indirect.scatter.add.f32 [tilespmem:s21], [sflag:$0x3], $0x10, s2, s23, $0xb8;
	[tilespmem:$0xB800] =	vst v63  }
0x5e: {  	_ =	swait.ge [sflag:s19], $0x500  }
0x5f: {  	[sflag:s19] =	ssyncset.done $0x0  }
0x60: {  	s31 =	sadd.s32 $0xA00, s31;
	[sflag:s19] =	ssyncadd.s32 $0xFFFFFB00  }
0x61: {  	[tilespmem:s21], [sflag:$0x2] =	stream.linear.gather [hbm4b:s18+s3], $0x2800, $0x38;
	[tilespmem:$0xB800] =	vst v63  }
0x62: {  	_ =	swait.ge [sflag:s22], $0x2800  }
0x63: {  	[sflag:s22] =	ssyncset.done $0x0  }
0x64: {  	s2 =	simm.s32 $0x3D00;
	[sflag:s22] =	ssyncadd.s32 $0xFFFFD800  }
0x65: {  	[spmem:s1] =	stream.indirect.scatter.add.f32 [tilespmem:s20], [sflag:$0x3], $0x10, s2, s23, $0xb8;
	[tilespmem:$0xB800] =	vst v63  }
0x66: {  	_ =	swait.ge [sflag:s19], $0x500  }
0x67: {  	[sflag:s19] =	ssyncset.done $0x0  }
0x68: {  	[sflag:s19] =	ssyncadd.s32 $0xFFFFFB00  }
0x69: {  	[tilespmem:s20], [sflag:$0x1] =	stream.linear.gather [hbm4b:s17+s3], $0x2800, $0x38;
	[tilespmem:$0xB800] =	vst v63  }
0x6a: {  	_ =	swait.ge [sflag:s24], $0x2800  }
0x6b: {  	[sflag:s24] =	ssyncset.done $0x0  }
0x6c: {  	[sflag:s24] =	ssyncadd.s32 $0xFFFFD800  }
0x6d: {  	[spmem:s1] =	stream.indirect.scatter.add.f32 [tilespmem:s21], [sflag:$0x3], $0x10, s26, s23, $0xb8;
	[tilespmem:$0xB800] =	vst v63  }
0x6e: {  	_ =	swait.ge [sflag:s19], $0x500  }
0x6f: {  	[sflag:s19] =	ssyncset.done $0x0  }
0x70: {  	[sflag:s19] =	ssyncadd.s32 $0xFFFFFB00  }
0x71: {  	_ =	swait.ge [sflag:s22], $0x2800  }
0x72: {  	[sflag:s22] =	ssyncset.done $0x0  }
0x73: {  	[sflag:s22] =	ssyncadd.s32 $0xFFFFD800  }
0x74: {  	[spmem:s1] =	stream.indirect.scatter.add.f32 [tilespmem:s20], [sflag:$0x3], $0x10, s28, s23, $0xb8;
	[tilespmem:$0xB800] =	vst v63  }
0x75: {  	s30 =	stileid.u32;
	_ =	swait.ge [sflag:s19], $0x500  }
0x76: {  	s31 =	sshrl.u32 s4, $0x3;
	s29 =	sadd.s32 $0x1, s29;
	[sflag:s19] =	ssyncset.done $0x0  }
0x77: {  	p0 =	sne.s32 s29, s16;
	s2 =	sshll.u32 s30, $0x6;
	[sflag:s19] =	ssyncadd.s32 $0xFFFFFB00  }
.Ltmp2:
0x78: {  	s2 =	sor.u32 $0x1C03, s2;
	[bflag:$0x0] =	sbarrier.arrive $0xFFFF;
	(pc) =	sbr.rel @p0 .LBB2_1-.Ltmp2, $4  }
0x79: {  	[hbm:s15], [sflag:s2] =	dma.local [spmem:s31], $0x2800  }
0x7a: {  	_ =	swait.ge [sflag:s19], $0x2800  }
0x7b: {  	[sflag:s19] =	ssyncset.done $0x0  }
0x7c: {  	[sflag:s19] =	ssyncadd.s32 $0xFFFFD800  }
0x7d: {  	_ =	sfence.sel $0x180000  }
0x7e: {  	[bflag:$0x0] =	sbarrier.arrive $0xFFFF  }
0x7f: {  	_ =	strace $0x9000004A  }
0x80: {  	s0 =	stileid.u32;
	[bflag:$0x2] =	sbarrier.arrive $0xFFFF  }
0x81: {  	p0 =	sne.s32 s0, $0x0;
	s0 =	rddreg [dreg:$0x2]  }
0x82: {  	s0 =	sadd.s32 @!p0 $0x100000, s0  }
0x83: {  	[sflag:s0] =	ssyncadd.tile.s32 @!p0 $0x1;
	_ =	shalt  }
.Lfunc_end2:
_tile_overlayer_lowered:
.L_overlay_start_2:
0x84: {  	(tag) =	ssettag $0x2  }
0x85: {  	s0 =	rddreg [dreg:$0x0];
	s2 =	stileid.u32  }
0x86: {  	s1 =	rddreg [dreg:$0x1];
	p0 =	sne.s32 s2, $0x0  }
0x87: {  	s3 =	rddreg [dreg:$0x2];
	[bflag:$0x3] =	sbarrier.arrive $0xFFFF;
	s2 =	simm.s32 @!p0 $0x1C03  }
0x88: {  	[timem:s3], [sflag:s2] =	dma.local @!p0 [hbm:s0], s1  }
0x89: {  	s0 =	simm.s32 @!p0 $0x3  }
0x8a: {  	_ =	swait.ge @!p0 [sflag:s0], s1  }
0x8b: {  	s1 =	ssub.s32 @!p0 $0x0, s1;
	[sflag:s0] =	ssyncset.done @!p0 $0x0  }
0x8c: {  	[sflag:s0] =	ssyncadd.s32 @!p0 s1  }
0x8d: {  	[bflag:$0x3] =	sbarrier.arrive $0xFFFF  }
0x8e: {  	_ =	shalt  }

// kernel: kernel.16.cloned.1.call-start
scs
__scs_entry_jumppad:
0x0: {  	(pc) =	sbr.rel $0x88, $3  }
0x1: {  	(tag) =	ssettag $0x0;
	lr =	simm.s32 $0x1  }
0x2: {  	[smem:$0x3F95] =	sst lr;
	_ =	strace $0xD0000000  }
0x3: {  	_ = 	snop  }
0x4: {  	_ = 	snop  }
0x5: {  	_ = 	snop  }
0x6: {  	_ = 	snop  }
0x7: {  	_ = 	snop  }
__scs_overlays_trampoline_lowered:
0x8: {  	[smem:$0x3FA4] =	sst s0  }
0x9: {  	[smem:$0x3FA5] =	sst s1  }
0xa: {  	[smem:$0x3FA6] =	sst s2  }
0xb: {  	[smem:$0x3FA7] =	sst s3  }
0xc: {  	[smem:$0x3FA8] =	sst s4  }
0xd: {  	[smem:$0x3FA9] =	sst s5  }
0xe: {  	[smem:$0x3FAA] =	sst s6  }
0xf: {  	[smem:$0x3FAB] =	sst s7  }
0x10: {  	[smem:$0x3FAC] =	sst s8  }
0x11: {  	[smem:$0x3FAD] =	sst s9;
	s0 =	simm.s32 @!p0 $0x0  }
0x12: {  	s1 =	sld [smem:$0x3F93];
	s0 =	simm.s32 @p0 $0x1  }
0x13: {  	[smem:$0x3FAE] =	sst s0;
	s0 =	simm.s32 @!p1 $0x0  }
0x14: {  	s2 =	sld [smem:$0x3F92];
	s0 =	simm.s32 @p1 $0x1  }
0x15: {  	[smem:$0x3FAF] =	sst s0;
	s0 =	simm.s32 @!p2 $0x0  }
0x16: {  	s3 =	sld [smem:$0x3FDB];
	s0 =	simm.s32 @p2 $0x1  }
0x17: {  	s4 =	simm.s32 $0x1BF5;
	[smem:$0x3FB1] =	sst s0  }
0x18: {  	s0 =	sld [smem:$0x3F94];
	_ =	swait.ge [sflag:s4], $0x0  }
0x19: {  	s7 =	sld [smem:$0x3F95]  }
0x1a: {  	s8 =	sadd.s32 $0xFFFFE003, lr  }
0x1b: {  	s9 =	sadd.s32 $0xFFFFFEF7, lr;
	s5 =	simm.s32 $0xFFFFFFFF;
	p2 =	slt.u32 s8, $0xFFFFF086  }
0x1c: {  	p1 =	slt.u32 s9, $0xF7A;
	s5 =	simm.s32 @!p2 $0x0  }
0x1d: {  	s5 =	simm.s32 @p1 $0x1;
	p0 =	seq.s32 s7, s2  }
0x1e: {  	s7 =	smul.u32 @!p0 $0xF7A, s2;
	p2 =	seq.s32 @!p0 s5, $0x0  }
0x1f: {  	s9 =	smul.u32 $0xF7A, s1;
	s8 =	simm.s32 @!p0 $0x1BF5;
	p2 =	por !p2, p0  }
0x20: {  	[sflag:s8] =	ssyncset.s32 @!p0 $0xFFFFF086;
	s6 =	sadd.s32 @!p0 s3, s7;
	s7 =	simm.s32 @!p0 $0x108  }
0x21: {  	s3 =	sadd.s32 s3, s9;
	s6 =	sadd.s32 @!p0 $0x88, s6;
	s7 =	simm.s32 @p2 $0x1082  }
0x22: {  	[simem:s7], [sflag:s8] =	dma.local @!p0 [hbm:s6], $0xF7A  }
0x23: {  	s9 =	sor.u32 $0xD0000000, s2;
	s6 =	simm.s32 $0x108;
	_ =	swait.ge @!p0 [sflag:s8], $0x0  }
0x24: {  	s3 =	sadd.s32 $0x88, s3;
	s6 =	simm.s32 @!p1 $0x1082;
	[sflag:s4] =	ssyncset.s32 $0xFFFFF086  }
0x25: {  	[simem:s6], [sflag:s4] =	dma.local [hbm:s3], $0xF7A  }
0x26: {  	[smem:$0x3F95] =	sst s1;
	(tag) =	ssettag s2;
	_ =	strace s9  }
0x27: {  	s1 =	sld [smem:$0x3FA5]  }
0x28: {  	s2 =	sld [smem:$0x3FA6]  }
0x29: {  	s4 =	sld [smem:$0x3FA8]  }
0x2a: {  	p0 =	seq.s32 s5, $0x0;
	s5 =	sld [smem:$0x3FA9]  }
0x2b: {  	s6 =	sld [smem:$0x3FAA]  }
0x2c: {  	s7 =	sld [smem:$0x3FAB]  }
0x2d: {  	s3 =	simm.s32 $0x108;
	s8 =	sld [smem:$0x3FAC]  }
0x2e: {  	s3 =	simm.s32 @!p0 $0x1082;
	s9 =	sld [smem:$0x3FAD]  }
0x2f: {  	lr =	sadd.s32 s0, s3;
	s0 =	sld [smem:$0x3FA4]  }
0x30: {  	s3 =	sld [smem:$0x3FA7]  }
0x31: {  	[smem:$0x3FB0] =	sst s10  }
0x32: {  	s10 =	sld [smem:$0x3FAE];
	_ =	sdelay $0x3  }
0x33: {  	p0 =	seq.s32 s10, $0x1;
	s10 =	sld [smem:$0x3FB0];
	_ =	sdelay $0x3  }
0x34: {  	[smem:$0x3FB0] =	sst s10  }
0x35: {  	s10 =	sld [smem:$0x3FAF];
	_ =	sdelay $0x3  }
0x36: {  	p1 =	seq.s32 s10, $0x1;
	s10 =	sld [smem:$0x3FB0];
	_ =	sdelay $0x3  }
0x37: {  	[smem:$0x3FB0] =	sst s10  }
0x38: {  	s10 =	sld [smem:$0x3FB1]  }
0x39: {  	_ = 	snop;
	(pc) =	sbr.ind lr, $3  }
0x3a: {  	_ = 	snop  }
0x3b: {  	_ = 	snop  }
0x3c: {  	p2 =	seq.s32 s10, $0x1;
	s10 =	sld [smem:$0x3FB0]  }
0x3d: {  	_ =	shalt  }
0x3e: {  	_ =	shalt  }
0x3f: {  	_ =	shalt  }
0x40: {  	_ =	shalt  }
0x41: {  	_ =	shalt  }
0x42: {  	_ =	shalt  }
0x43: {  	_ =	shalt  }
0x44: {  	_ =	shalt  }
0x45: {  	_ =	shalt  }
0x46: {  	_ =	shalt  }
0x47: {  	_ =	shalt  }
0x48: {  	_ =	shalt  }
0x49: {  	_ =	shalt  }
0x4a: {  	_ =	shalt  }
0x4b: {  	_ =	shalt  }
0x4c: {  	_ =	shalt  }
0x4d: {  	_ =	shalt  }
0x4e: {  	_ =	shalt  }
0x4f: {  	_ =	shalt  }
0x50: {  	_ =	shalt  }
0x51: {  	_ =	shalt  }
0x52: {  	_ =	shalt  }
0x53: {  	_ =	shalt  }
0x54: {  	_ =	shalt  }
0x55: {  	_ =	shalt  }
0x56: {  	_ =	shalt  }
0x57: {  	_ =	shalt  }
0x58: {  	_ =	shalt  }
0x59: {  	_ =	shalt  }
0x5a: {  	_ =	shalt  }
0x5b: {  	_ =	shalt  }
0x5c: {  	_ =	shalt  }
0x5d: {  	_ =	shalt  }
0x5e: {  	_ =	shalt  }
0x5f: {  	_ =	shalt  }
0x60: {  	_ =	shalt  }
0x61: {  	_ =	shalt  }
0x62: {  	_ =	shalt  }
0x63: {  	_ =	shalt  }
0x64: {  	_ =	shalt  }
0x65: {  	_ =	shalt  }
0x66: {  	_ =	shalt  }
0x67: {  	_ =	shalt  }
0x68: {  	_ =	shalt  }
0x69: {  	_ =	shalt  }
0x6a: {  	_ =	shalt  }
0x6b: {  	_ =	shalt  }
0x6c: {  	_ =	shalt  }
0x6d: {  	_ =	shalt  }
0x6e: {  	_ =	shalt  }
0x6f: {  	_ =	shalt  }
0x70: {  	_ =	shalt  }
0x71: {  	_ =	shalt  }
0x72: {  	_ =	shalt  }
0x73: {  	_ =	shalt  }
0x74: {  	_ =	shalt  }
0x75: {  	_ =	shalt  }
0x76: {  	_ =	shalt  }
0x77: {  	_ =	shalt  }
0x78: {  	_ =	shalt  }
0x79: {  	_ =	shalt  }
0x7a: {  	_ =	shalt  }
0x7b: {  	_ =	shalt  }
0x7c: {  	_ =	shalt  }
0x7d: {  	_ =	shalt  }
0x7e: {  	_ =	shalt  }
0x7f: {  	_ =	shalt  }
0x80: {  	_ =	shalt  }
0x81: {  	_ =	shalt  }
0x82: {  	_ =	shalt  }
0x83: {  	_ =	shalt  }
0x84: {  	_ =	shalt  }
0x85: {  	_ =	shalt  }
0x86: {  	_ =	shalt  }
0x87: {  	_ =	shalt  }
.Lfunc_end0:
.L_simem_size_0:
called_computation.1_lowered:
.L_overlay_start_0:
0x88: {  	s2 =	sld [smem:$0x3FD9]  }
0x89: {  	s3 =	sld [smem:$0x3FFE];
	_ =	sdelay $0x1  }
0x8a: {  	s1 =	srdreg.scid  }
0x8b: {  	s0 =	sand.u32 $0x1, s1  }
0x8c: {  	s16 =	sshll.u32 s0, $0xA;
	s2 =	sadd.s32 s3, s2  }
0x8d: {  	s2 =	sadd.s32 s2, s16  }
0x8e: {  	[smem:$0x3FBC] =	sst s2  }
0x8f: {  	_ = 	snop  }
0x90: {  	(tm) =	ssettm $0x1  }
0x91: {  	s17 =	sld [smem:$0x3FFB];
	_ =	sdelay $0x3  }
0x92: {  	_ =	strace s17  }
0x93: {  	s2 =	sld [smem:$0x3FFC];
	_ =	sdelay $0x3  }
0x94: {  	_ =	strace s2  }
0x95: {  	s2 =	sld [smem:$0x3FFD];
	_ =	sdelay $0x3  }
0x96: {  	_ =	strace s2  }
0x97: {  	_ =	strace $0x8FFFFFFF  }
0x98: {  	s18 =	sld [smem:$0x3FDB];
	_ =	sdelay $0x1  }
0x99: {  	s19 =	simm.s32 $_scs_section_size  }
0x9a: {  	s4 =	simm.s32 $_size__tile_overlayer_lowered;
	s5 =	simm.s32 $_tile_overlayer_lowered  }
0x9b: {  	s22 =	simm.s32 $0x1BFF;
	s21 =	sshll.u32 s5, $0x1;
	s2 =	sadd.s32 s19, s18  }
0x9c: {  	s6 =	simm.s32 $0x0;
	s20 =	sshll.u32 s4, $0x1;
	s4 =	sadd.s32 s21, s2  }
0x9d: {  	[timem:s6], [sflag:s22] =	dma.local [hbm:s4], s20  }
0x9e: {  	_ =	swait.ge [sflag:s22], s20  }
0x9f: {  	s3 =	ssub.s32 $0x0, s20;
	[sflag:s22] =	ssyncset.done $0x0  }
0xa0: {  	[sflag:s22] =	ssyncadd.s32 s3;
	_ =	sdelay $0x1  }
0xa1: {  	s23 =	simm.s32 $0x1B8B  }
0xa2: {  	_ =	swait.ge [sflag:s23], $0x1  }
0xa3: {  	[sflag:s23] =	ssyncset.done $0x0  }
0xa4: {  	s25 =	simm.s32 $0x1B8E;
	s24 =	sld [smem:$0x3FFE];
	[sflag:s23] =	ssyncadd.s32 $0xFFFFFFFF  }
0xa5: {  	s26 =	simm.s32 $execute0_lowered;
	[smem:$0x3FD2] =	sst s25  }
0xa6: {  	s4 =	sshll.u32 s26, $0x1;
	_ =	strace $0x80000046;
	[dreg:$0x1] =	wrdreg $0xFFFFFFFF  }
0xa7: {  	s28 =	simm.s32 $_size_execute0_lowered;
	s2 =	sadd.s32 s2, s4;
	[dreg:$0x0] =	wrdreg $0x0  }
0xa8: {  	s4 =	sshll.u32 s28, $0x1;
	[dreg:$0x2] =	wrdreg s2  }
0xa9: {  	[dreg:$0x3] =	wrdreg s4  }
0xaa: {  	[dreg:$0x4] =	wrdreg $0xC0  }
0xab: {  	_ =	task [dreg:s6], $0x5FFFF  }
0xac: {  	[dreg:$0x1] =	wrdreg $0xFFFFFFFF  }
0xad: {  	[dreg:$0x0] =	wrdreg $0x60  }
0xae: {  	[dreg:$0x2] =	wrdreg s24  }
0xaf: {  	[dreg:$0x3] =	wrdreg $0xB7800  }
0xb0: {  	[dreg:$0x4] =	wrdreg $0xA  }
0xb1: {  	_ =	task.clear_ibuf [dreg:s6], $0x5FFFF;
	_ =	strace $0x90000046  }
0xb2: {  	s29 =	simm.s32 $0xA;
	_ =	strace $0x80000048  }
0xb3: {  	_ =	swait.ge [sflag:s29], $0x1  }
0xb4: {  	[sflag:s29] =	ssyncadd.s32 $0xFFFFFFFF  }
0xb5: {  	_ =	strace $0x90000048  }
0xb6: {  	_ =	sfence  }
0xb7: {  	s30 =	sld [smem:$0x0];
	_ =	sdelay $0x2  }
0xb8: {  	s31 =	sshll.u32 s1, $0xD;
	s1 =	sshrl.u32 s1, $0x2  }
0xb9: {  	s3 =	sand.u32 $0x4000, s31;
	s1 =	sadd.s32 s1, s30  }
0xba: {  	s0 =	sor.u32 s3, s0;
	s1 =	sshll.u32 s1, $0x11  }
0xbb: {  	s0 =	sor.u32 s1, s0  }
0xbc: {  	s0 =	sadd.s32 $0x8F2B, s0  }
0xbd: {  	[sflag:s0] =	ssyncadd.remote.s32 $0x1  }
0xbe: {  	_ =	sfence.sel $0xFFFF  }
0xbf: {  	[dreg:$0x0] =	wrdreg $0xFFFFFFFF;
	(pc) =	sbr.abs _section_cstart, $3  }
0xc0: {  	[dreg:$0x1] =	wrdreg $0xFFFFFFFF  }
0xc1: {  	_ =	task.clear_ibuf [dreg:s6], $0x2FFFF;
	_ =	strace $0x9FFFFFFF  }
0xc2: {  	(tm) =	ssettm $0x7FFFFFFF  }
0xc3: {  	_ =	shalt  }
tec
execute0_lowered:
.L_overlay_start_1:
0x0: {  	(tag) =	ssettag $0x1  }
0x1: {  	s0 =	srdreg.scid;
	s5 =	rddreg [dreg:$0x0]  }
0x2: {  	s9 =	stileid.u32;
	s2 =	rddreg [dreg:$0x1];
	s19 =	simm.s32 $0x3  }
0x3: {  	s21 =	simm.s32 $0x6780;
	s28 =	simm.s32 $0x26C0;
	s29 =	simm.s32 $0x6500  }
0x4: {  	s30 =	simm.s32 $0x6580;
	s31 =	simm.s32 $0x0;
	s8 =	smul.u32 $0x14000, s9  }
0x5: {  	s0 =	sand.u32 $0x1, s0;
	s22 =	sshll.u32 s9, $0x7;
	s24 =	smul.u32 $0x50000, s9  }
0x6: {  	s1 =	sshll.u32 s0, $0x4;
	s6 =	sand.u32 $0x380, s22;
	s23 =	smul.u32 $0x140000, s0  }
0x7: {  	s0 =	ssub.s32 $0x2, s0;
	s22 =	simm.s32 $0x50;
	s1 =	sor.u32 s9, s1  }
0x8: {  	s25 =	sshrl.u32 s0, $0x1;
	s26 =	sshrl.u32 s24, $0x2;
	s24 =	simm.s32 $0x1  }
0x9: {  	s3 =	sshrl.u32 s1, $0x3;
	s1 =	sshll.u32 s1, $0xB;
	s0 =	ssub.s32 s0, s25  }
0xa: {  	s25 =	simm.s32 $0x2;
	s4 =	smul.u32 $0x13C00, s3;
	s3 =	simm.s32 $0x0  }
0xb: {  	s1 =	sadd.s32 s1, s5;
	s16 =	smax.u32 s0, $0x1;
	[smem:$0x7FF] =	sst s3  }
0xc: {  	s4 =	sor.u32 s6, s4;
	_ =	strace $0x80000047;
	s6 =	sadd.s32 s8, s23  }
0xd: {  	s23 =	simm.s32 $0x8F80;
	s7 =	sshrl.u32 s4, $0x3;
	s6 =	sshrl.u32 s6, $0x3  }
0xe: {  	s4 =	sadd.s32 $0x1F400, s5;
	s7 =	sadd.s32 s7, s5;
	s15 =	sadd.s32 s6, s5  }
0xf: {  	s6 =	sadd.s32 s26, s2;
	s26 =	simm.s32 $0x6480;
	s5 =	sadd.s32 $0x15600, s7  }
0x10: {  	s7 =	sadd.s32 $0x5600, s1;
	s8 =	sadd.s32 $0x2800, s6;
	s9 =	sadd.s32 $0x5000, s6  }
0x11: {  	s10 =	sadd.s32 $0x7800, s6;
	s11 =	sadd.s32 $0xA000, s6;
	s12 =	sadd.s32 $0xC800, s6  }
0x12: {  	v0 =	vimm.f32 $0.0e+00;
	s13 =	sadd.s32 $0xF000, s6;
	s14 =	sadd.s32 $0x11800, s6;
	s15 =	sadd.s32 $0x47400, s15  }
.LBB2_1:
0x13: {  	s0 =	simm.s32 $0x80;
	s1 =	simm.s32 $0x400  }
0x14: {  	[tilespmem:s3], [sflag:$0x3] =	stream.strided.gather [hbm4b:s5+s0], $0x2780, s1, s0, $0x38;
	[tilespmem:$0x1F780] =	vst v63  }
0x15: {  	_ =	swait.ge [sflag:s19], $0x2780  }
0x16: {  	[sflag:s19] =	ssyncset.done $0x0  }
0x17: {  	s20 =	simm.s32 $0x2780;
	[sflag:s19] =	ssyncadd.s32 $0xFFFFD880  }
0x18: {  	[tilespmem:s20], [sflag:$0x3] =	stream.linear.gather [hbm4b:s7+s3], $0x3E80, $0x38;
	[tilespmem:$0x1F780] =	vst v63  }
0x19: {  	_ =	swait.ge [sflag:s19], $0x3E80  }
0x1a: {  	[sflag:s19] =	ssyncset.done $0x0  }
0x1b: {  	s0 =	simm.s32 $0x0;
	s1 =	simm.s32 $0x200;
	[sflag:s19] =	ssyncadd.s32 $0xFFFFC180  }
.LBB2_2:
0x1c: {  	p0 =	sne.s32 s1, $0x9E00;
	[tilespmem:s0+$0x67F0] =	vst v0  }
0x1d: {  	[tilespmem:s0+$0x6780] =	vst v0  }
0x1e: {  	[tilespmem:s0+$0x6790] =	vst v0  }
.Ltmp0:
0x1f: {  	[tilespmem:s0+$0x67A0] =	vst v0;
	(pc) =	sbr.rel @p0 .LBB2_2-.Ltmp0, $4  }
0x20: {  	[tilespmem:s0+$0x67B0] =	vst v0  }
0x21: {  	[tilespmem:s0+$0x67C0] =	vst v0  }
0x22: {  	[tilespmem:s0+$0x67D0] =	vst v0  }
0x23: {  	[tilespmem:s0+$0x67E0] =	vst v0;
	s0 =	sshra.s32 s1, $0x2;
	s1 =	sadd.s32 $0x200, s1  }
0x24: {  	[tilespmem:s0+$0x67F0] =	vst v0  }
0x25: {  	[tilespmem:s0+$0x6780] =	vst v0  }
0x26: {  	[tilespmem:s0+$0x6790] =	vst v0  }
0x27: {  	[tilespmem:s0+$0x67A0] =	vst v0  }
0x28: {  	[tilespmem:s0+$0x67B0] =	vst v0  }
0x29: {  	[tilespmem:s0+$0x67C0] =	vst v0  }
0x2a: {  	[tilespmem:s0+$0x67D0] =	vst v0  }
0x2b: {  	[tilespmem:s0+$0x67E0] =	vst v0  }
0x2c: {  	[spmem:s6] =	stream.linear.scatter [tilespmem:s21], [sflag:$0x3], $0x2800, $0x38;
	[tilespmem:$0x1F780] =	vst v63  }
0x2d: {  	_ =	swait.ge [sflag:s19], $0x2800  }
0x2e: {  	[sflag:s19] =	ssyncset.done $0x0  }
0x2f: {  	[sflag:s19] =	ssyncadd.s32 $0xFFFFD800  }
0x30: {  	[spmem:s8] =	stream.linear.scatter [tilespmem:s21], [sflag:$0x3], $0x2800, $0x38;
	[tilespmem:$0x1F780] =	vst v63  }
0x31: {  	_ =	swait.ge [sflag:s19], $0x2800  }
0x32: {  	[sflag:s19] =	ssyncset.done $0x0  }
0x33: {  	[sflag:s19] =	ssyncadd.s32 $0xFFFFD800  }
0x34: {  	[spmem:s9] =	stream.linear.scatter [tilespmem:s21], [sflag:$0x3], $0x2800, $0x38;
	[tilespmem:$0x1F780] =	vst v63  }
0x35: {  	_ =	swait.ge [sflag:s19], $0x2800  }
0x36: {  	[sflag:s19] =	ssyncset.done $0x0  }
0x37: {  	[sflag:s19] =	ssyncadd.s32 $0xFFFFD800  }
0x38: {  	[spmem:s10] =	stream.linear.scatter [tilespmem:s21], [sflag:$0x3], $0x2800, $0x38;
	[tilespmem:$0x1F780] =	vst v63  }
0x39: {  	_ =	swait.ge [sflag:s19], $0x2800  }
0x3a: {  	[sflag:s19] =	ssyncset.done $0x0  }
0x3b: {  	[sflag:s19] =	ssyncadd.s32 $0xFFFFD800  }
0x3c: {  	[spmem:s11] =	stream.linear.scatter [tilespmem:s21], [sflag:$0x3], $0x2800, $0x38;
	[tilespmem:$0x1F780] =	vst v63  }
0x3d: {  	_ =	swait.ge [sflag:s19], $0x2800  }
0x3e: {  	[sflag:s19] =	ssyncset.done $0x0  }
0x3f: {  	[sflag:s19] =	ssyncadd.s32 $0xFFFFD800  }
0x40: {  	[spmem:s12] =	stream.linear.scatter [tilespmem:s21], [sflag:$0x3], $0x2800, $0x38;
	[tilespmem:$0x1F780] =	vst v63  }
0x41: {  	_ =	swait.ge [sflag:s19], $0x2800  }
0x42: {  	[sflag:s19] =	ssyncset.done $0x0  }
0x43: {  	[sflag:s19] =	ssyncadd.s32 $0xFFFFD800  }
0x44: {  	[spmem:s13] =	stream.linear.scatter [tilespmem:s21], [sflag:$0x3], $0x2800, $0x38;
	[tilespmem:$0x1F780] =	vst v63  }
0x45: {  	_ =	swait.ge [sflag:s19], $0x2800  }
0x46: {  	[sflag:s19] =	ssyncset.done $0x0  }
0x47: {  	[sflag:s19] =	ssyncadd.s32 $0xFFFFD800  }
0x48: {  	[spmem:s14] =	stream.linear.scatter [tilespmem:s21], [sflag:$0x3], $0x2800, $0x38;
	[tilespmem:$0x1F780] =	vst v63  }
0x49: {  	_ =	swait.ge [sflag:s19], $0x2800  }
0x4a: {  	[sflag:s19] =	ssyncset.done $0x0  }
0x4b: {  	s1 =	simm.s32 $0x0;
	[sflag:s19] =	ssyncadd.s32 $0xFFFFD800  }
0x4c: {  	[tilespmem:s21], [sflag:$0x1] =	stream.indirect.gather [hbm4b:s4+s22], $0x80, s1, s22, $0xb8;
	[tilespmem:$0x1F780] =	vst v63  }
0x4d: {  	_ = 	snop  }
0x4e: {  	[tilespmem:s23], [sflag:$0x2] =	stream.indirect.gather [hbm4b:s4+s22], $0x80, s22, s22, $0xb8;
	[tilespmem:$0x1F780] =	vst v63  }
0x4f: {  	[bflag:$0x0] =	sbarrier.arrive $0xFFFF  }
0x50: {  	_ =	swait.ge [sflag:s24], $0x2800  }
0x51: {  	[sflag:s24] =	ssyncset.done $0x0  }
0x52: {  	s17 =	simm.s32 $0x2780;
	[sflag:s24] =	ssyncadd.s32 $0xFFFFD800  }
0x53: {  	[spmem:s2] =	stream.indirect.scatter.add.f32 [tilespmem:s21], [sflag:$0x3], $0x80, s17, s22, $0xb8;
	[tilespmem:$0x1F780] =	vst v63  }
0x54: {  	_ =	swait.ge [sflag:s19], $0x2800  }
0x55: {  	[sflag:s19] =	ssyncset.done $0x0  }
0x56: {  	s18 =	simm.s32 $0xA0;
	[sflag:s19] =	ssyncadd.s32 $0xFFFFD800  }
0x57: {  	[tilespmem:s21], [sflag:$0x1] =	stream.indirect.gather [hbm4b:s4+s22], $0x80, s18, s22, $0xb8;
	[tilespmem:$0x1F780] =	vst v63  }
0x58: {  	_ =	swait.ge [sflag:s25], $0x2800  }
0x59: {  	[sflag:s25] =	ssyncset.done $0x0  }
0x5a: {  	s20 =	simm.s32 $0x2800;
	[sflag:s25] =	ssyncadd.s32 $0xFFFFD800  }
0x5b: {  	[spmem:s2] =	stream.indirect.scatter.add.f32 [tilespmem:s23], [sflag:$0x3], $0x80, s20, s22, $0xb8;
	[tilespmem:$0x1F780] =	vst v63  }
0x5c: {  	_ =	swait.ge [sflag:s19], $0x2800  }
0x5d: {  	s0 =	simm.s32 $0x400;
	[sflag:s19] =	ssyncset.done $0x0  }
0x5e: {  	s1 =	simm.s32 $0xF0;
	s17 =	simm.s32 $0x190;
	[sflag:s19] =	ssyncadd.s32 $0xFFFFD800  }
.LBB2_4:
0x5f: {  	[tilespmem:s23], [sflag:$0x2] =	stream.indirect.gather [hbm4b:s4+s22], $0x80, s1, s22, $0xb8;
	[tilespmem:$0x1F780] =	vst v63  }
0x60: {  	s18 =	smov.u32 s0;
	s1 =	smov.u32 s17  }
0x61: {  	p0 =	sne.s32 s0, $0xF000;
	s0 =	sadd.s32 $0x400, s0;
	_ =	swait.ge [sflag:s24], $0x2800  }
0x62: {  	s18 =	sshra.s32 s18, $0x2;
	[sflag:s24] =	ssyncset.done $0x0  }
0x63: {  	s20 =	sadd.s32 $0x2780, s18;
	[sflag:s24] =	ssyncadd.s32 $0xFFFFD800  }
0x64: {  	[spmem:s2] =	stream.indirect.scatter.add.f32 [tilespmem:s21], [sflag:$0x3], $0x80, s20, s22, $0xb8;
	[tilespmem:$0x1F780] =	vst v63  }
0x65: {  	_ =	swait.ge [sflag:s19], $0x2800  }
0x66: {  	[sflag:s19] =	ssyncset.done $0x0  }
0x67: {  	s20 =	sadd.s32 $0xFFFFFFB0, s17;
	[sflag:s19] =	ssyncadd.s32 $0xFFFFD800  }
0x68: {  	[tilespmem:s21], [sflag:$0x1] =	stream.indirect.gather [hbm4b:s4+s22], $0x80, s20, s22, $0xb8;
	[tilespmem:$0x1F780] =	vst v63  }
0x69: {  	_ =	swait.ge [sflag:s25], $0x2800  }
0x6a: {  	[sflag:s25] =	ssyncset.done $0x0  }
.Ltmp1:
0x6b: {  	s18 =	sadd.s32 $0x2800, s18;
	[sflag:s25] =	ssyncadd.s32 $0xFFFFD800;
	(pc) =	sbr.rel @p0 .LBB2_4-.Ltmp1, $4  }
0x6c: {  	[spmem:s2] =	stream.indirect.scatter.add.f32 [tilespmem:s23], [sflag:$0x3], $0x80, s18, s22, $0xb8;
	[tilespmem:$0x1F780] =	vst v63  }
0x6d: {  	_ =	swait.ge [sflag:s19], $0x2800  }
0x6e: {  	[sflag:s19] =	ssyncset.done $0x0  }
0x6f: {  	s17 =	sadd.s32 $0xA0, s17;
	[sflag:s19] =	ssyncadd.s32 $0xFFFFD800  }
0x70: {  	[tilespmem:s23], [sflag:$0x2] =	stream.indirect.gather [hbm4b:s4+s22], $0x80, s1, s22, $0xb8;
	[tilespmem:$0x1F780] =	vst v63  }
0x71: {  	_ =	swait.ge [sflag:s24], $0x2800  }
0x72: {  	[sflag:s24] =	ssyncset.done $0x0  }
0x73: {  	[sflag:s24] =	ssyncadd.s32 $0xFFFFD800  }
0x74: {  	[spmem:s2] =	stream.indirect.scatter.add.f32 [tilespmem:s21], [sflag:$0x3], $0x80, s26, s22, $0xb8;
	[tilespmem:$0x1F780] =	vst v63  }
0x75: {  	_ =	swait.ge [sflag:s19], $0x2800  }
0x76: {  	[sflag:s19] =	ssyncset.done $0x0  }
0x77: {  	[sflag:s19] =	ssyncadd.s32 $0xFFFFD800  }
0x78: {  	[tilespmem:s21], [sflag:$0x1] =	stream.indirect.gather [hbm4b:s4+s22], $0x80, s28, s22, $0xb8;
	[tilespmem:$0x1F780] =	vst v63  }
0x79: {  	_ =	swait.ge [sflag:s25], $0x2800  }
0x7a: {  	[sflag:s25] =	ssyncset.done $0x0  }
0x7b: {  	[sflag:s25] =	ssyncadd.s32 $0xFFFFD800  }
0x7c: {  	[spmem:s2] =	stream.indirect.scatter.add.f32 [tilespmem:s23], [sflag:$0x3], $0x80, s29, s22, $0xb8;
	[tilespmem:$0x1F780] =	vst v63  }
0x7d: {  	_ =	swait.ge [sflag:s19], $0x2800  }
0x7e: {  	[sflag:s19] =	ssyncset.done $0x0  }
0x7f: {  	[sflag:s19] =	ssyncadd.s32 $0xFFFFD800  }
0x80: {  	_ =	swait.ge [sflag:s24], $0x2800  }
0x81: {  	[sflag:s24] =	ssyncset.done $0x0  }
0x82: {  	[sflag:s24] =	ssyncadd.s32 $0xFFFFD800  }
0x83: {  	[spmem:s2] =	stream.indirect.scatter.add.f32 [tilespmem:s21], [sflag:$0x3], $0x80, s30, s22, $0xb8;
	[tilespmem:$0x1F780] =	vst v63  }
0x84: {  	s0 =	stileid.u32;
	_ =	swait.ge [sflag:s19], $0x2800  }
0x85: {  	s20 =	sshrl.u32 s6, $0x3;
	s31 =	sadd.s32 $0x1, s31;
	[sflag:s19] =	ssyncset.done $0x0  }
0x86: {  	s0 =	sshll.u32 s0, $0x6;
	p0 =	sne.s32 s31, s16;
	[sflag:s19] =	ssyncadd.s32 $0xFFFFD800  }
.Ltmp2:
0x87: {  	s0 =	sor.u32 $0x1C03, s0;
	[bflag:$0x0] =	sbarrier.arrive $0xFFFF;
	(pc) =	sbr.rel @p0 .LBB2_1-.Ltmp2, $4  }
0x88: {  	[hbm:s15], [sflag:s0] =	dma.local [spmem:s20], $0x2800  }
0x89: {  	_ =	swait.ge [sflag:s19], $0x2800  }
0x8a: {  	[sflag:s19] =	ssyncset.done $0x0  }
0x8b: {  	[sflag:s19] =	ssyncadd.s32 $0xFFFFD800  }
0x8c: {  	_ =	sfence.sel $0x180000  }
0x8d: {  	[bflag:$0x0] =	sbarrier.arrive $0xFFFF  }
0x8e: {  	_ =	strace $0x90000047  }
0x8f: {  	s0 =	stileid.u32;
	[bflag:$0x2] =	sbarrier.arrive $0xFFFF  }
0x90: {  	p0 =	sne.s32 s0, $0x0;
	s0 =	rddreg [dreg:$0x2]  }
0x91: {  	s0 =	sadd.s32 @!p0 $0x100000, s0  }
0x92: {  	[sflag:s0] =	ssyncadd.tile.s32 @!p0 $0x1;
	_ =	shalt  }
.Lfunc_end2:
_tile_overlayer_lowered:
.L_overlay_start_2:
0x93: {  	(tag) =	ssettag $0x2  }
0x94: {  	s0 =	rddreg [dreg:$0x0];
	s2 =	stileid.u32  }
0x95: {  	s1 =	rddreg [dreg:$0x1];
	p0 =	sne.s32 s2, $0x0  }
0x96: {  	s3 =	rddreg [dreg:$0x2];
	[bflag:$0x3] =	sbarrier.arrive $0xFFFF;
	s2 =	simm.s32 @!p0 $0x1C03  }
0x97: {  	[timem:s3], [sflag:s2] =	dma.local @!p0 [hbm:s0], s1  }
0x98: {  	s0 =	simm.s32 @!p0 $0x3  }
0x99: {  	_ =	swait.ge @!p0 [sflag:s0], s1  }
0x9a: {  	s1 =	ssub.s32 @!p0 $0x0, s1;
	[sflag:s0] =	ssyncset.done @!p0 $0x0  }
0x9b: {  	[sflag:s0] =	ssyncadd.s32 @!p0 s1  }
0x9c: {  	[bflag:$0x3] =	sbarrier.arrive $0xFFFF  }
0x9d: {  	_ =	shalt  }

// kernel: kernel.19.cloned.1.call-start
scs
__scs_entry_jumppad:
0x0: {  	(pc) =	sbr.rel $0x88, $3  }
0x1: {  	(tag) =	ssettag $0x0;
	lr =	simm.s32 $0x1  }
0x2: {  	[smem:$0x3F95] =	sst lr;
	_ =	strace $0xD0000000  }
0x3: {  	_ = 	snop  }
0x4: {  	_ = 	snop  }
0x5: {  	_ = 	snop  }
0x6: {  	_ = 	snop  }
0x7: {  	_ = 	snop  }
__scs_overlays_trampoline_lowered:
0x8: {  	[smem:$0x3FA4] =	sst s0  }
0x9: {  	[smem:$0x3FA5] =	sst s1  }
0xa: {  	[smem:$0x3FA6] =	sst s2  }
0xb: {  	[smem:$0x3FA7] =	sst s3  }
0xc: {  	[smem:$0x3FA8] =	sst s4  }
0xd: {  	[smem:$0x3FA9] =	sst s5  }
0xe: {  	[smem:$0x3FAA] =	sst s6  }
0xf: {  	[smem:$0x3FAB] =	sst s7  }
0x10: {  	[smem:$0x3FAC] =	sst s8  }
0x11: {  	[smem:$0x3FAD] =	sst s9;
	s0 =	simm.s32 @!p0 $0x0  }
0x12: {  	s1 =	sld [smem:$0x3F93];
	s0 =	simm.s32 @p0 $0x1  }
0x13: {  	[smem:$0x3FAE] =	sst s0;
	s0 =	simm.s32 @!p1 $0x0  }
0x14: {  	s2 =	sld [smem:$0x3F92];
	s0 =	simm.s32 @p1 $0x1  }
0x15: {  	[smem:$0x3FAF] =	sst s0;
	s0 =	simm.s32 @!p2 $0x0  }
0x16: {  	s3 =	sld [smem:$0x3FDB];
	s0 =	simm.s32 @p2 $0x1  }
0x17: {  	s4 =	simm.s32 $0x1BF5;
	[smem:$0x3FB1] =	sst s0  }
0x18: {  	s0 =	sld [smem:$0x3F94];
	_ =	swait.ge [sflag:s4], $0x0  }
0x19: {  	s7 =	sld [smem:$0x3F95]  }
0x1a: {  	s8 =	sadd.s32 $0xFFFFE003, lr  }
0x1b: {  	s9 =	sadd.s32 $0xFFFFFEF7, lr;
	s5 =	simm.s32 $0xFFFFFFFF;
	p2 =	slt.u32 s8, $0xFFFFF086  }
0x1c: {  	p1 =	slt.u32 s9, $0xF7A;
	s5 =	simm.s32 @!p2 $0x0  }
0x1d: {  	s5 =	simm.s32 @p1 $0x1;
	p0 =	seq.s32 s7, s2  }
0x1e: {  	s7 =	smul.u32 @!p0 $0xF7A, s2;
	p2 =	seq.s32 @!p0 s5, $0x0  }
0x1f: {  	s9 =	smul.u32 $0xF7A, s1;
	s8 =	simm.s32 @!p0 $0x1BF5;
	p2 =	por !p2, p0  }
0x20: {  	[sflag:s8] =	ssyncset.s32 @!p0 $0xFFFFF086;
	s6 =	sadd.s32 @!p0 s3, s7;
	s7 =	simm.s32 @!p0 $0x108  }
0x21: {  	s3 =	sadd.s32 s3, s9;
	s6 =	sadd.s32 @!p0 $0x88, s6;
	s7 =	simm.s32 @p2 $0x1082  }
0x22: {  	[simem:s7], [sflag:s8] =	dma.local @!p0 [hbm:s6], $0xF7A  }
0x23: {  	s9 =	sor.u32 $0xD0000000, s2;
	s6 =	simm.s32 $0x108;
	_ =	swait.ge @!p0 [sflag:s8], $0x0  }
0x24: {  	s3 =	sadd.s32 $0x88, s3;
	s6 =	simm.s32 @!p1 $0x1082;
	[sflag:s4] =	ssyncset.s32 $0xFFFFF086  }
0x25: {  	[simem:s6], [sflag:s4] =	dma.local [hbm:s3], $0xF7A  }
0x26: {  	[smem:$0x3F95] =	sst s1;
	(tag) =	ssettag s2;
	_ =	strace s9  }
0x27: {  	s1 =	sld [smem:$0x3FA5]  }
0x28: {  	s2 =	sld [smem:$0x3FA6]  }
0x29: {  	s4 =	sld [smem:$0x3FA8]  }
0x2a: {  	p0 =	seq.s32 s5, $0x0;
	s5 =	sld [smem:$0x3FA9]  }
0x2b: {  	s6 =	sld [smem:$0x3FAA]  }
0x2c: {  	s7 =	sld [smem:$0x3FAB]  }
0x2d: {  	s3 =	simm.s32 $0x108;
	s8 =	sld [smem:$0x3FAC]  }
0x2e: {  	s3 =	simm.s32 @!p0 $0x1082;
	s9 =	sld [smem:$0x3FAD]  }
0x2f: {  	lr =	sadd.s32 s0, s3;
	s0 =	sld [smem:$0x3FA4]  }
0x30: {  	s3 =	sld [smem:$0x3FA7]  }
0x31: {  	[smem:$0x3FB0] =	sst s10  }
0x32: {  	s10 =	sld [smem:$0x3FAE];
	_ =	sdelay $0x3  }
0x33: {  	p0 =	seq.s32 s10, $0x1;
	s10 =	sld [smem:$0x3FB0];
	_ =	sdelay $0x3  }
0x34: {  	[smem:$0x3FB0] =	sst s10  }
0x35: {  	s10 =	sld [smem:$0x3FAF];
	_ =	sdelay $0x3  }
0x36: {  	p1 =	seq.s32 s10, $0x1;
	s10 =	sld [smem:$0x3FB0];
	_ =	sdelay $0x3  }
0x37: {  	[smem:$0x3FB0] =	sst s10  }
0x38: {  	s10 =	sld [smem:$0x3FB1]  }
0x39: {  	_ = 	snop;
	(pc) =	sbr.ind lr, $3  }
0x3a: {  	_ = 	snop  }
0x3b: {  	_ = 	snop  }
0x3c: {  	p2 =	seq.s32 s10, $0x1;
	s10 =	sld [smem:$0x3FB0]  }
0x3d: {  	_ =	shalt  }
0x3e: {  	_ =	shalt  }
0x3f: {  	_ =	shalt  }
0x40: {  	_ =	shalt  }
0x41: {  	_ =	shalt  }
0x42: {  	_ =	shalt  }
0x43: {  	_ =	shalt  }
0x44: {  	_ =	shalt  }
0x45: {  	_ =	shalt  }
0x46: {  	_ =	shalt  }
0x47: {  	_ =	shalt  }
0x48: {  	_ =	shalt  }
0x49: {  	_ =	shalt  }
0x4a: {  	_ =	shalt  }
0x4b: {  	_ =	shalt  }
0x4c: {  	_ =	shalt  }
0x4d: {  	_ =	shalt  }
0x4e: {  	_ =	shalt  }
0x4f: {  	_ =	shalt  }
0x50: {  	_ =	shalt  }
0x51: {  	_ =	shalt  }
0x52: {  	_ =	shalt  }
0x53: {  	_ =	shalt  }
0x54: {  	_ =	shalt  }
0x55: {  	_ =	shalt  }
0x56: {  	_ =	shalt  }
0x57: {  	_ =	shalt  }
0x58: {  	_ =	shalt  }
0x59: {  	_ =	shalt  }
0x5a: {  	_ =	shalt  }
0x5b: {  	_ =	shalt  }
0x5c: {  	_ =	shalt  }
0x5d: {  	_ =	shalt  }
0x5e: {  	_ =	shalt  }
0x5f: {  	_ =	shalt  }
0x60: {  	_ =	shalt  }
0x61: {  	_ =	shalt  }
0x62: {  	_ =	shalt  }
0x63: {  	_ =	shalt  }
0x64: {  	_ =	shalt  }
0x65: {  	_ =	shalt  }
0x66: {  	_ =	shalt  }
0x67: {  	_ =	shalt  }
0x68: {  	_ =	shalt  }
0x69: {  	_ =	shalt  }
0x6a: {  	_ =	shalt  }
0x6b: {  	_ =	shalt  }
0x6c: {  	_ =	shalt  }
0x6d: {  	_ =	shalt  }
0x6e: {  	_ =	shalt  }
0x6f: {  	_ =	shalt  }
0x70: {  	_ =	shalt  }
0x71: {  	_ =	shalt  }
0x72: {  	_ =	shalt  }
0x73: {  	_ =	shalt  }
0x74: {  	_ =	shalt  }
0x75: {  	_ =	shalt  }
0x76: {  	_ =	shalt  }
0x77: {  	_ =	shalt  }
0x78: {  	_ =	shalt  }
0x79: {  	_ =	shalt  }
0x7a: {  	_ =	shalt  }
0x7b: {  	_ =	shalt  }
0x7c: {  	_ =	shalt  }
0x7d: {  	_ =	shalt  }
0x7e: {  	_ =	shalt  }
0x7f: {  	_ =	shalt  }
0x80: {  	_ =	shalt  }
0x81: {  	_ =	shalt  }
0x82: {  	_ =	shalt  }
0x83: {  	_ =	shalt  }
0x84: {  	_ =	shalt  }
0x85: {  	_ =	shalt  }
0x86: {  	_ =	shalt  }
0x87: {  	_ =	shalt  }
.Lfunc_end0:
.L_simem_size_0:
called_computation.2_lowered:
.L_overlay_start_0:
0x88: {  	s2 =	sld [smem:$0x3FD9]  }
0x89: {  	s3 =	sld [smem:$0x3FFE];
	_ =	sdelay $0x1  }
0x8a: {  	s1 =	srdreg.scid  }
0x8b: {  	s0 =	sand.u32 $0x1, s1  }
0x8c: {  	s16 =	sshll.u32 s0, $0xA;
	s2 =	sadd.s32 s3, s2  }
0x8d: {  	s2 =	sadd.s32 s2, s16  }
0x8e: {  	[smem:$0x3FBC] =	sst s2  }
0x8f: {  	_ = 	snop  }
0x90: {  	(tm) =	ssettm $0x1  }
0x91: {  	s17 =	sld [smem:$0x3FFB];
	_ =	sdelay $0x3  }
0x92: {  	_ =	strace s17  }
0x93: {  	s2 =	sld [smem:$0x3FFC];
	_ =	sdelay $0x3  }
0x94: {  	_ =	strace s2  }
0x95: {  	s2 =	sld [smem:$0x3FFD];
	_ =	sdelay $0x3  }
0x96: {  	_ =	strace s2  }
0x97: {  	_ =	strace $0x8FFFFFFF  }
0x98: {  	s18 =	sld [smem:$0x3FDB];
	_ =	sdelay $0x1  }
0x99: {  	s19 =	simm.s32 $_scs_section_size  }
0x9a: {  	s4 =	simm.s32 $_size__tile_overlayer_lowered;
	s5 =	simm.s32 $_tile_overlayer_lowered  }
0x9b: {  	s22 =	simm.s32 $0x1BFF;
	s21 =	sshll.u32 s5, $0x1;
	s2 =	sadd.s32 s19, s18  }
0x9c: {  	s6 =	simm.s32 $0x0;
	s20 =	sshll.u32 s4, $0x1;
	s4 =	sadd.s32 s21, s2  }
0x9d: {  	[timem:s6], [sflag:s22] =	dma.local [hbm:s4], s20  }
0x9e: {  	_ =	swait.ge [sflag:s22], s20  }
0x9f: {  	s3 =	ssub.s32 $0x0, s20;
	[sflag:s22] =	ssyncset.done $0x0  }
0xa0: {  	[sflag:s22] =	ssyncadd.s32 s3;
	_ =	sdelay $0x1  }
0xa1: {  	s23 =	simm.s32 $0x1B8B  }
0xa2: {  	_ =	swait.ge [sflag:s23], $0x1  }
0xa3: {  	[sflag:s23] =	ssyncset.done $0x0  }
0xa4: {  	s25 =	simm.s32 $0x1B8E;
	s24 =	sld [smem:$0x3FFE];
	[sflag:s23] =	ssyncadd.s32 $0xFFFFFFFF  }
0xa5: {  	s26 =	simm.s32 $execute0_lowered;
	[smem:$0x3FD2] =	sst s25  }
0xa6: {  	s4 =	sshll.u32 s26, $0x1;
	_ =	strace $0x8000004C;
	[dreg:$0x1] =	wrdreg $0xFFFFFFFF  }
0xa7: {  	s28 =	simm.s32 $_size_execute0_lowered;
	s2 =	sadd.s32 s2, s4;
	[dreg:$0x0] =	wrdreg $0x0  }
0xa8: {  	s4 =	sshll.u32 s28, $0x1;
	[dreg:$0x2] =	wrdreg s2  }
0xa9: {  	[dreg:$0x3] =	wrdreg s4  }
0xaa: {  	[dreg:$0x4] =	wrdreg $0xC0  }
0xab: {  	_ =	task [dreg:s6], $0x5FFFF  }
0xac: {  	[dreg:$0x1] =	wrdreg $0xFFFFFFFF  }
0xad: {  	[dreg:$0x0] =	wrdreg $0x60  }
0xae: {  	[dreg:$0x2] =	wrdreg s24  }
0xaf: {  	[dreg:$0x3] =	wrdreg $0xB7800  }
0xb0: {  	[dreg:$0x4] =	wrdreg $0x9  }
0xb1: {  	_ =	task.clear_ibuf [dreg:s6], $0x5FFFF;
	_ =	strace $0x9000004C  }
0xb2: {  	s29 =	simm.s32 $0x9;
	_ =	strace $0x8000004E  }
0xb3: {  	_ =	swait.ge [sflag:s29], $0x1  }
0xb4: {  	[sflag:s29] =	ssyncadd.s32 $0xFFFFFFFF  }
0xb5: {  	_ =	strace $0x9000004E  }
0xb6: {  	_ =	sfence  }
0xb7: {  	s30 =	sld [smem:$0x0];
	_ =	sdelay $0x2  }
0xb8: {  	s31 =	sshll.u32 s1, $0xD;
	s1 =	sshrl.u32 s1, $0x2  }
0xb9: {  	s3 =	sand.u32 $0x4000, s31;
	s1 =	sadd.s32 s1, s30  }
0xba: {  	s0 =	sor.u32 s3, s0;
	s1 =	sshll.u32 s1, $0x11  }
0xbb: {  	s0 =	sor.u32 s1, s0  }
0xbc: {  	s0 =	sadd.s32 $0x8F2B, s0  }
0xbd: {  	[sflag:s0] =	ssyncadd.remote.s32 $0x1  }
0xbe: {  	_ =	sfence.sel $0xFFFF  }
0xbf: {  	[dreg:$0x0] =	wrdreg $0xFFFFFFFF;
	(pc) =	sbr.abs _section_cstart, $3  }
0xc0: {  	[dreg:$0x1] =	wrdreg $0xFFFFFFFF  }
0xc1: {  	_ =	task.clear_ibuf [dreg:s6], $0x2FFFF;
	_ =	strace $0x9FFFFFFF  }
0xc2: {  	(tm) =	ssettm $0x7FFFFFFF  }
0xc3: {  	_ =	shalt  }
tec
execute0_lowered:
.L_overlay_start_1:
0x0: {  	(tag) =	ssettag $0x1  }
0x1: {  	s0 =	srdreg.scid;
	s5 =	rddreg [dreg:$0x0]  }
0x2: {  	s9 =	stileid.u32;
	s2 =	rddreg [dreg:$0x1];
	s19 =	simm.s32 $0x3  }
0x3: {  	s21 =	simm.s32 $0x6780;
	s28 =	simm.s32 $0x26C0;
	s29 =	simm.s32 $0x6500  }
0x4: {  	s30 =	simm.s32 $0x6580;
	s31 =	simm.s32 $0x0;
	s8 =	smul.u32 $0x14000, s9  }
0x5: {  	s0 =	sand.u32 $0x1, s0;
	s22 =	sshll.u32 s9, $0x7;
	s24 =	smul.u32 $0x50000, s9  }
0x6: {  	s1 =	sshll.u32 s0, $0x4;
	s6 =	sand.u32 $0x380, s22;
	s23 =	smul.u32 $0x140000, s0  }
0x7: {  	s0 =	ssub.s32 $0x2, s0;
	s22 =	simm.s32 $0x50;
	s1 =	sor.u32 s9, s1  }
0x8: {  	s25 =	sshrl.u32 s0, $0x1;
	s26 =	sshrl.u32 s24, $0x2;
	s24 =	simm.s32 $0x1  }
0x9: {  	s3 =	sshrl.u32 s1, $0x3;
	s1 =	sshll.u32 s1, $0xB;
	s0 =	ssub.s32 s0, s25  }
0xa: {  	s25 =	simm.s32 $0x2;
	s4 =	smul.u32 $0x13C00, s3;
	s3 =	simm.s32 $0x0  }
0xb: {  	s1 =	sadd.s32 s1, s5;
	s16 =	smax.u32 s0, $0x1;
	[smem:$0x7FF] =	sst s3  }
0xc: {  	s4 =	sor.u32 s6, s4;
	_ =	strace $0x8000004D;
	s6 =	sadd.s32 s8, s23  }
0xd: {  	s23 =	simm.s32 $0x8F80;
	s7 =	sshrl.u32 s4, $0x3;
	s6 =	sshrl.u32 s6, $0x3  }
0xe: {  	s4 =	sadd.s32 $0x1F400, s5;
	s7 =	sadd.s32 s7, s5;
	s15 =	sadd.s32 s6, s5  }
0xf: {  	s6 =	sadd.s32 s26, s2;
	s26 =	simm.s32 $0x6480;
	s5 =	sadd.s32 $0x15600, s7  }
0x10: {  	s7 =	sadd.s32 $0x5600, s1;
	s8 =	sadd.s32 $0x2800, s6;
	s9 =	sadd.s32 $0x5000, s6  }
0x11: {  	s10 =	sadd.s32 $0x7800, s6;
	s11 =	sadd.s32 $0xA000, s6;
	s12 =	sadd.s32 $0xC800, s6  }
0x12: {  	v0 =	vimm.f32 $0.0e+00;
	s13 =	sadd.s32 $0xF000, s6;
	s14 =	sadd.s32 $0x11800, s6;
	s15 =	sadd.s32 $0x47400, s15  }
.LBB2_1:
0x13: {  	s0 =	simm.s32 $0x80;
	s1 =	simm.s32 $0x400  }
0x14: {  	[tilespmem:s3], [sflag:$0x3] =	stream.strided.gather [hbm4b:s5+s0], $0x2780, s1, s0, $0x38;
	[tilespmem:$0x1F780] =	vst v63  }
0x15: {  	_ =	swait.ge [sflag:s19], $0x2780  }
0x16: {  	[sflag:s19] =	ssyncset.done $0x0  }
0x17: {  	s20 =	simm.s32 $0x2780;
	[sflag:s19] =	ssyncadd.s32 $0xFFFFD880  }
0x18: {  	[tilespmem:s20], [sflag:$0x3] =	stream.linear.gather [hbm4b:s7+s3], $0x3E80, $0x38;
	[tilespmem:$0x1F780] =	vst v63  }
0x19: {  	_ =	swait.ge [sflag:s19], $0x3E80  }
0x1a: {  	[sflag:s19] =	ssyncset.done $0x0  }
0x1b: {  	s0 =	simm.s32 $0x0;
	s1 =	simm.s32 $0x200;
	[sflag:s19] =	ssyncadd.s32 $0xFFFFC180  }
.LBB2_2:
0x1c: {  	p0 =	sne.s32 s1, $0x9E00;
	[tilespmem:s0+$0x67F0] =	vst v0  }
0x1d: {  	[tilespmem:s0+$0x6780] =	vst v0  }
0x1e: {  	[tilespmem:s0+$0x6790] =	vst v0  }
.Ltmp0:
0x1f: {  	[tilespmem:s0+$0x67A0] =	vst v0;
	(pc) =	sbr.rel @p0 .LBB2_2-.Ltmp0, $4  }
0x20: {  	[tilespmem:s0+$0x67B0] =	vst v0  }
0x21: {  	[tilespmem:s0+$0x67C0] =	vst v0  }
0x22: {  	[tilespmem:s0+$0x67D0] =	vst v0  }
0x23: {  	[tilespmem:s0+$0x67E0] =	vst v0;
	s0 =	sshra.s32 s1, $0x2;
	s1 =	sadd.s32 $0x200, s1  }
0x24: {  	[tilespmem:s0+$0x67F0] =	vst v0  }
0x25: {  	[tilespmem:s0+$0x6780] =	vst v0  }
0x26: {  	[tilespmem:s0+$0x6790] =	vst v0  }
0x27: {  	[tilespmem:s0+$0x67A0] =	vst v0  }
0x28: {  	[tilespmem:s0+$0x67B0] =	vst v0  }
0x29: {  	[tilespmem:s0+$0x67C0] =	vst v0  }
0x2a: {  	[tilespmem:s0+$0x67D0] =	vst v0  }
0x2b: {  	[tilespmem:s0+$0x67E0] =	vst v0  }
0x2c: {  	[spmem:s6] =	stream.linear.scatter [tilespmem:s21], [sflag:$0x3], $0x2800, $0x38;
	[tilespmem:$0x1F780] =	vst v63  }
0x2d: {  	_ =	swait.ge [sflag:s19], $0x2800  }
0x2e: {  	[sflag:s19] =	ssyncset.done $0x0  }
0x2f: {  	[sflag:s19] =	ssyncadd.s32 $0xFFFFD800  }
0x30: {  	[spmem:s8] =	stream.linear.scatter [tilespmem:s21], [sflag:$0x3], $0x2800, $0x38;
	[tilespmem:$0x1F780] =	vst v63  }
0x31: {  	_ =	swait.ge [sflag:s19], $0x2800  }
0x32: {  	[sflag:s19] =	ssyncset.done $0x0  }
0x33: {  	[sflag:s19] =	ssyncadd.s32 $0xFFFFD800  }
0x34: {  	[spmem:s9] =	stream.linear.scatter [tilespmem:s21], [sflag:$0x3], $0x2800, $0x38;
	[tilespmem:$0x1F780] =	vst v63  }
0x35: {  	_ =	swait.ge [sflag:s19], $0x2800  }
0x36: {  	[sflag:s19] =	ssyncset.done $0x0  }
0x37: {  	[sflag:s19] =	ssyncadd.s32 $0xFFFFD800  }
0x38: {  	[spmem:s10] =	stream.linear.scatter [tilespmem:s21], [sflag:$0x3], $0x2800, $0x38;
	[tilespmem:$0x1F780] =	vst v63  }
0x39: {  	_ =	swait.ge [sflag:s19], $0x2800  }
0x3a: {  	[sflag:s19] =	ssyncset.done $0x0  }
0x3b: {  	[sflag:s19] =	ssyncadd.s32 $0xFFFFD800  }
0x3c: {  	[spmem:s11] =	stream.linear.scatter [tilespmem:s21], [sflag:$0x3], $0x2800, $0x38;
	[tilespmem:$0x1F780] =	vst v63  }
0x3d: {  	_ =	swait.ge [sflag:s19], $0x2800  }
0x3e: {  	[sflag:s19] =	ssyncset.done $0x0  }
0x3f: {  	[sflag:s19] =	ssyncadd.s32 $0xFFFFD800  }
0x40: {  	[spmem:s12] =	stream.linear.scatter [tilespmem:s21], [sflag:$0x3], $0x2800, $0x38;
	[tilespmem:$0x1F780] =	vst v63  }
0x41: {  	_ =	swait.ge [sflag:s19], $0x2800  }
0x42: {  	[sflag:s19] =	ssyncset.done $0x0  }
0x43: {  	[sflag:s19] =	ssyncadd.s32 $0xFFFFD800  }
0x44: {  	[spmem:s13] =	stream.linear.scatter [tilespmem:s21], [sflag:$0x3], $0x2800, $0x38;
	[tilespmem:$0x1F780] =	vst v63  }
0x45: {  	_ =	swait.ge [sflag:s19], $0x2800  }
0x46: {  	[sflag:s19] =	ssyncset.done $0x0  }
0x47: {  	[sflag:s19] =	ssyncadd.s32 $0xFFFFD800  }
0x48: {  	[spmem:s14] =	stream.linear.scatter [tilespmem:s21], [sflag:$0x3], $0x2800, $0x38;
	[tilespmem:$0x1F780] =	vst v63  }
0x49: {  	_ =	swait.ge [sflag:s19], $0x2800  }
0x4a: {  	[sflag:s19] =	ssyncset.done $0x0  }
0x4b: {  	s1 =	simm.s32 $0x0;
	[sflag:s19] =	ssyncadd.s32 $0xFFFFD800  }
0x4c: {  	[tilespmem:s21], [sflag:$0x1] =	stream.indirect.gather [hbm4b:s4+s22], $0x80, s1, s22, $0xb8;
	[tilespmem:$0x1F780] =	vst v63  }
0x4d: {  	_ = 	snop  }
0x4e: {  	[tilespmem:s23], [sflag:$0x2] =	stream.indirect.gather [hbm4b:s4+s22], $0x80, s22, s22, $0xb8;
	[tilespmem:$0x1F780] =	vst v63  }
0x4f: {  	[bflag:$0x0] =	sbarrier.arrive $0xFFFF  }
0x50: {  	_ =	swait.ge [sflag:s24], $0x2800  }
0x51: {  	[sflag:s24] =	ssyncset.done $0x0  }
0x52: {  	s17 =	simm.s32 $0x2780;
	[sflag:s24] =	ssyncadd.s32 $0xFFFFD800  }
0x53: {  	[spmem:s2] =	stream.indirect.scatter.add.f32 [tilespmem:s21], [sflag:$0x3], $0x80, s17, s22, $0xb8;
	[tilespmem:$0x1F780] =	vst v63  }
0x54: {  	_ =	swait.ge [sflag:s19], $0x2800  }
0x55: {  	[sflag:s19] =	ssyncset.done $0x0  }
0x56: {  	s18 =	simm.s32 $0xA0;
	[sflag:s19] =	ssyncadd.s32 $0xFFFFD800  }
0x57: {  	[tilespmem:s21], [sflag:$0x1] =	stream.indirect.gather [hbm4b:s4+s22], $0x80, s18, s22, $0xb8;
	[tilespmem:$0x1F780] =	vst v63  }
0x58: {  	_ =	swait.ge [sflag:s25], $0x2800  }
0x59: {  	[sflag:s25] =	ssyncset.done $0x0  }
0x5a: {  	s20 =	simm.s32 $0x2800;
	[sflag:s25] =	ssyncadd.s32 $0xFFFFD800  }
0x5b: {  	[spmem:s2] =	stream.indirect.scatter.add.f32 [tilespmem:s23], [sflag:$0x3], $0x80, s20, s22, $0xb8;
	[tilespmem:$0x1F780] =	vst v63  }
0x5c: {  	_ =	swait.ge [sflag:s19], $0x2800  }
0x5d: {  	s0 =	simm.s32 $0x400;
	[sflag:s19] =	ssyncset.done $0x0  }
0x5e: {  	s1 =	simm.s32 $0xF0;
	s17 =	simm.s32 $0x190;
	[sflag:s19] =	ssyncadd.s32 $0xFFFFD800  }
.LBB2_4:
0x5f: {  	[tilespmem:s23], [sflag:$0x2] =	stream.indirect.gather [hbm4b:s4+s22], $0x80, s1, s22, $0xb8;
	[tilespmem:$0x1F780] =	vst v63  }
0x60: {  	s18 =	smov.u32 s0;
	s1 =	smov.u32 s17  }
0x61: {  	p0 =	sne.s32 s0, $0xF000;
	s0 =	sadd.s32 $0x400, s0;
	_ =	swait.ge [sflag:s24], $0x2800  }
0x62: {  	s18 =	sshra.s32 s18, $0x2;
	[sflag:s24] =	ssyncset.done $0x0  }
0x63: {  	s20 =	sadd.s32 $0x2780, s18;
	[sflag:s24] =	ssyncadd.s32 $0xFFFFD800  }
0x64: {  	[spmem:s2] =	stream.indirect.scatter.add.f32 [tilespmem:s21], [sflag:$0x3], $0x80, s20, s22, $0xb8;
	[tilespmem:$0x1F780] =	vst v63  }
0x65: {  	_ =	swait.ge [sflag:s19], $0x2800  }
0x66: {  	[sflag:s19] =	ssyncset.done $0x0  }
0x67: {  	s20 =	sadd.s32 $0xFFFFFFB0, s17;
	[sflag:s19] =	ssyncadd.s32 $0xFFFFD800  }
0x68: {  	[tilespmem:s21], [sflag:$0x1] =	stream.indirect.gather [hbm4b:s4+s22], $0x80, s20, s22, $0xb8;
	[tilespmem:$0x1F780] =	vst v63  }
0x69: {  	_ =	swait.ge [sflag:s25], $0x2800  }
0x6a: {  	[sflag:s25] =	ssyncset.done $0x0  }
.Ltmp1:
0x6b: {  	s18 =	sadd.s32 $0x2800, s18;
	[sflag:s25] =	ssyncadd.s32 $0xFFFFD800;
	(pc) =	sbr.rel @p0 .LBB2_4-.Ltmp1, $4  }
0x6c: {  	[spmem:s2] =	stream.indirect.scatter.add.f32 [tilespmem:s23], [sflag:$0x3], $0x80, s18, s22, $0xb8;
	[tilespmem:$0x1F780] =	vst v63  }
0x6d: {  	_ =	swait.ge [sflag:s19], $0x2800  }
0x6e: {  	[sflag:s19] =	ssyncset.done $0x0  }
0x6f: {  	s17 =	sadd.s32 $0xA0, s17;
	[sflag:s19] =	ssyncadd.s32 $0xFFFFD800  }
0x70: {  	[tilespmem:s23], [sflag:$0x2] =	stream.indirect.gather [hbm4b:s4+s22], $0x80, s1, s22, $0xb8;
	[tilespmem:$0x1F780] =	vst v63  }
0x71: {  	_ =	swait.ge [sflag:s24], $0x2800  }
0x72: {  	[sflag:s24] =	ssyncset.done $0x0  }
0x73: {  	[sflag:s24] =	ssyncadd.s32 $0xFFFFD800  }
0x74: {  	[spmem:s2] =	stream.indirect.scatter.add.f32 [tilespmem:s21], [sflag:$0x3], $0x80, s26, s22, $0xb8;
	[tilespmem:$0x1F780] =	vst v63  }
0x75: {  	_ =	swait.ge [sflag:s19], $0x2800  }
0x76: {  	[sflag:s19] =	ssyncset.done $0x0  }
0x77: {  	[sflag:s19] =	ssyncadd.s32 $0xFFFFD800  }
0x78: {  	[tilespmem:s21], [sflag:$0x1] =	stream.indirect.gather [hbm4b:s4+s22], $0x80, s28, s22, $0xb8;
	[tilespmem:$0x1F780] =	vst v63  }
0x79: {  	_ =	swait.ge [sflag:s25], $0x2800  }
0x7a: {  	[sflag:s25] =	ssyncset.done $0x0  }
0x7b: {  	[sflag:s25] =	ssyncadd.s32 $0xFFFFD800  }
0x7c: {  	[spmem:s2] =	stream.indirect.scatter.add.f32 [tilespmem:s23], [sflag:$0x3], $0x80, s29, s22, $0xb8;
	[tilespmem:$0x1F780] =	vst v63  }
0x7d: {  	_ =	swait.ge [sflag:s19], $0x2800  }
0x7e: {  	[sflag:s19] =	ssyncset.done $0x0  }
0x7f: {  	[sflag:s19] =	ssyncadd.s32 $0xFFFFD800  }
0x80: {  	_ =	swait.ge [sflag:s24], $0x2800  }
0x81: {  	[sflag:s24] =	ssyncset.done $0x0  }
0x82: {  	[sflag:s24] =	ssyncadd.s32 $0xFFFFD800  }
0x83: {  	[spmem:s2] =	stream.indirect.scatter.add.f32 [tilespmem:s21], [sflag:$0x3], $0x80, s30, s22, $0xb8;
	[tilespmem:$0x1F780] =	vst v63  }
0x84: {  	s0 =	stileid.u32;
	_ =	swait.ge [sflag:s19], $0x2800  }
0x85: {  	s20 =	sshrl.u32 s6, $0x3;
	s31 =	sadd.s32 $0x1, s31;
	[sflag:s19] =	ssyncset.done $0x0  }
0x86: {  	s0 =	sshll.u32 s0, $0x6;
	p0 =	sne.s32 s31, s16;
	[sflag:s19] =	ssyncadd.s32 $0xFFFFD800  }
.Ltmp2:
0x87: {  	s0 =	sor.u32 $0x1C03, s0;
	[bflag:$0x0] =	sbarrier.arrive $0xFFFF;
	(pc) =	sbr.rel @p0 .LBB2_1-.Ltmp2, $4  }
0x88: {  	[hbm:s15], [sflag:s0] =	dma.local [spmem:s20], $0x2800  }
0x89: {  	_ =	swait.ge [sflag:s19], $0x2800  }
0x8a: {  	[sflag:s19] =	ssyncset.done $0x0  }
0x8b: {  	[sflag:s19] =	ssyncadd.s32 $0xFFFFD800  }
0x8c: {  	_ =	sfence.sel $0x180000  }
0x8d: {  	[bflag:$0x0] =	sbarrier.arrive $0xFFFF  }
0x8e: {  	_ =	strace $0x9000004D  }
0x8f: {  	s0 =	stileid.u32;
	[bflag:$0x2] =	sbarrier.arrive $0xFFFF  }
0x90: {  	p0 =	sne.s32 s0, $0x0;
	s0 =	rddreg [dreg:$0x2]  }
0x91: {  	s0 =	sadd.s32 @!p0 $0x100000, s0  }
0x92: {  	[sflag:s0] =	ssyncadd.tile.s32 @!p0 $0x1;
	_ =	shalt  }
.Lfunc_end2:
_tile_overlayer_lowered:
.L_overlay_start_2:
0x93: {  	(tag) =	ssettag $0x2  }
0x94: {  	s0 =	rddreg [dreg:$0x0];
	s2 =	stileid.u32  }
0x95: {  	s1 =	rddreg [dreg:$0x1];
	p0 =	sne.s32 s2, $0x0  }
0x96: {  	s3 =	rddreg [dreg:$0x2];
	[bflag:$0x3] =	sbarrier.arrive $0xFFFF;
	s2 =	simm.s32 @!p0 $0x1C03  }
0x97: {  	[timem:s3], [sflag:s2] =	dma.local @!p0 [hbm:s0], s1  }
0x98: {  	s0 =	simm.s32 @!p0 $0x3  }
0x99: {  	_ =	swait.ge @!p0 [sflag:s0], s1  }
0x9a: {  	s1 =	ssub.s32 @!p0 $0x0, s1;
	[sflag:s0] =	ssyncset.done @!p0 $0x0  }
0x9b: {  	[sflag:s0] =	ssyncadd.s32 @!p0 s1  }
0x9c: {  	[bflag:$0x3] =	sbarrier.arrive $0xFFFF  }
0x9d: {  	_ =	shalt  }

// kernel: kernel.22.cloned.1.call-start
scs
__scs_entry_jumppad:
0x0: {  	(pc) =	sbr.rel $0x88, $3  }
0x1: {  	(tag) =	ssettag $0x0;
	lr =	simm.s32 $0x1  }
0x2: {  	[smem:$0x3F95] =	sst lr;
	_ =	strace $0xD0000000  }
0x3: {  	_ = 	snop  }
0x4: {  	_ = 	snop  }
0x5: {  	_ = 	snop  }
0x6: {  	_ = 	snop  }
0x7: {  	_ = 	snop  }
__scs_overlays_trampoline_lowered:
0x8: {  	[smem:$0x3FA4] =	sst s0  }
0x9: {  	[smem:$0x3FA5] =	sst s1  }
0xa: {  	[smem:$0x3FA6] =	sst s2  }
0xb: {  	[smem:$0x3FA7] =	sst s3  }
0xc: {  	[smem:$0x3FA8] =	sst s4  }
0xd: {  	[smem:$0x3FA9] =	sst s5  }
0xe: {  	[smem:$0x3FAA] =	sst s6  }
0xf: {  	[smem:$0x3FAB] =	sst s7  }
0x10: {  	[smem:$0x3FAC] =	sst s8  }
0x11: {  	[smem:$0x3FAD] =	sst s9;
	s0 =	simm.s32 @!p0 $0x0  }
0x12: {  	s1 =	sld [smem:$0x3F93];
	s0 =	simm.s32 @p0 $0x1  }
0x13: {  	[smem:$0x3FAE] =	sst s0;
	s0 =	simm.s32 @!p1 $0x0  }
0x14: {  	s2 =	sld [smem:$0x3F92];
	s0 =	simm.s32 @p1 $0x1  }
0x15: {  	[smem:$0x3FAF] =	sst s0;
	s0 =	simm.s32 @!p2 $0x0  }
0x16: {  	s3 =	sld [smem:$0x3FDB];
	s0 =	simm.s32 @p2 $0x1  }
0x17: {  	s4 =	simm.s32 $0x1BF5;
	[smem:$0x3FB1] =	sst s0  }
0x18: {  	s0 =	sld [smem:$0x3F94];
	_ =	swait.ge [sflag:s4], $0x0  }
0x19: {  	s7 =	sld [smem:$0x3F95]  }
0x1a: {  	s8 =	sadd.s32 $0xFFFFE003, lr  }
0x1b: {  	s9 =	sadd.s32 $0xFFFFFEF7, lr;
	s5 =	simm.s32 $0xFFFFFFFF;
	p2 =	slt.u32 s8, $0xFFFFF086  }
0x1c: {  	p1 =	slt.u32 s9, $0xF7A;
	s5 =	simm.s32 @!p2 $0x0  }
0x1d: {  	s5 =	simm.s32 @p1 $0x1;
	p0 =	seq.s32 s7, s2  }
0x1e: {  	s7 =	smul.u32 @!p0 $0xF7A, s2;
	p2 =	seq.s32 @!p0 s5, $0x0  }
0x1f: {  	s9 =	smul.u32 $0xF7A, s1;
	s8 =	simm.s32 @!p0 $0x1BF5;
	p2 =	por !p2, p0  }
0x20: {  	[sflag:s8] =	ssyncset.s32 @!p0 $0xFFFFF086;
	s6 =	sadd.s32 @!p0 s3, s7;
	s7 =	simm.s32 @!p0 $0x108  }
0x21: {  	s3 =	sadd.s32 s3, s9;
	s6 =	sadd.s32 @!p0 $0x88, s6;
	s7 =	simm.s32 @p2 $0x1082  }
0x22: {  	[simem:s7], [sflag:s8] =	dma.local @!p0 [hbm:s6], $0xF7A  }
0x23: {  	s9 =	sor.u32 $0xD0000000, s2;
	s6 =	simm.s32 $0x108;
	_ =	swait.ge @!p0 [sflag:s8], $0x0  }
0x24: {  	s3 =	sadd.s32 $0x88, s3;
	s6 =	simm.s32 @!p1 $0x1082;
	[sflag:s4] =	ssyncset.s32 $0xFFFFF086  }
0x25: {  	[simem:s6], [sflag:s4] =	dma.local [hbm:s3], $0xF7A  }
0x26: {  	[smem:$0x3F95] =	sst s1;
	(tag) =	ssettag s2;
	_ =	strace s9  }
0x27: {  	s1 =	sld [smem:$0x3FA5]  }
0x28: {  	s2 =	sld [smem:$0x3FA6]  }
0x29: {  	s4 =	sld [smem:$0x3FA8]  }
0x2a: {  	p0 =	seq.s32 s5, $0x0;
	s5 =	sld [smem:$0x3FA9]  }
0x2b: {  	s6 =	sld [smem:$0x3FAA]  }
0x2c: {  	s7 =	sld [smem:$0x3FAB]  }
0x2d: {  	s3 =	simm.s32 $0x108;
	s8 =	sld [smem:$0x3FAC]  }
0x2e: {  	s3 =	simm.s32 @!p0 $0x1082;
	s9 =	sld [smem:$0x3FAD]  }
0x2f: {  	lr =	sadd.s32 s0, s3;
	s0 =	sld [smem:$0x3FA4]  }
0x30: {  	s3 =	sld [smem:$0x3FA7]  }
0x31: {  	[smem:$0x3FB0] =	sst s10  }
0x32: {  	s10 =	sld [smem:$0x3FAE];
	_ =	sdelay $0x3  }
0x33: {  	p0 =	seq.s32 s10, $0x1;
	s10 =	sld [smem:$0x3FB0];
	_ =	sdelay $0x3  }
0x34: {  	[smem:$0x3FB0] =	sst s10  }
0x35: {  	s10 =	sld [smem:$0x3FAF];
	_ =	sdelay $0x3  }
0x36: {  	p1 =	seq.s32 s10, $0x1;
	s10 =	sld [smem:$0x3FB0];
	_ =	sdelay $0x3  }
0x37: {  	[smem:$0x3FB0] =	sst s10  }
0x38: {  	s10 =	sld [smem:$0x3FB1]  }
0x39: {  	_ = 	snop;
	(pc) =	sbr.ind lr, $3  }
0x3a: {  	_ = 	snop  }
0x3b: {  	_ = 	snop  }
0x3c: {  	p2 =	seq.s32 s10, $0x1;
	s10 =	sld [smem:$0x3FB0]  }
0x3d: {  	_ =	shalt  }
0x3e: {  	_ =	shalt  }
0x3f: {  	_ =	shalt  }
0x40: {  	_ =	shalt  }
0x41: {  	_ =	shalt  }
0x42: {  	_ =	shalt  }
0x43: {  	_ =	shalt  }
0x44: {  	_ =	shalt  }
0x45: {  	_ =	shalt  }
0x46: {  	_ =	shalt  }
0x47: {  	_ =	shalt  }
0x48: {  	_ =	shalt  }
0x49: {  	_ =	shalt  }
0x4a: {  	_ =	shalt  }
0x4b: {  	_ =	shalt  }
0x4c: {  	_ =	shalt  }
0x4d: {  	_ =	shalt  }
0x4e: {  	_ =	shalt  }
0x4f: {  	_ =	shalt  }
0x50: {  	_ =	shalt  }
0x51: {  	_ =	shalt  }
0x52: {  	_ =	shalt  }
0x53: {  	_ =	shalt  }
0x54: {  	_ =	shalt  }
0x55: {  	_ =	shalt  }
0x56: {  	_ =	shalt  }
0x57: {  	_ =	shalt  }
0x58: {  	_ =	shalt  }
0x59: {  	_ =	shalt  }
0x5a: {  	_ =	shalt  }
0x5b: {  	_ =	shalt  }
0x5c: {  	_ =	shalt  }
0x5d: {  	_ =	shalt  }
0x5e: {  	_ =	shalt  }
0x5f: {  	_ =	shalt  }
0x60: {  	_ =	shalt  }
0x61: {  	_ =	shalt  }
0x62: {  	_ =	shalt  }
0x63: {  	_ =	shalt  }
0x64: {  	_ =	shalt  }
0x65: {  	_ =	shalt  }
0x66: {  	_ =	shalt  }
0x67: {  	_ =	shalt  }
0x68: {  	_ =	shalt  }
0x69: {  	_ =	shalt  }
0x6a: {  	_ =	shalt  }
0x6b: {  	_ =	shalt  }
0x6c: {  	_ =	shalt  }
0x6d: {  	_ =	shalt  }
0x6e: {  	_ =	shalt  }
0x6f: {  	_ =	shalt  }
0x70: {  	_ =	shalt  }
0x71: {  	_ =	shalt  }
0x72: {  	_ =	shalt  }
0x73: {  	_ =	shalt  }
0x74: {  	_ =	shalt  }
0x75: {  	_ =	shalt  }
0x76: {  	_ =	shalt  }
0x77: {  	_ =	shalt  }
0x78: {  	_ =	shalt  }
0x79: {  	_ =	shalt  }
0x7a: {  	_ =	shalt  }
0x7b: {  	_ =	shalt  }
0x7c: {  	_ =	shalt  }
0x7d: {  	_ =	shalt  }
0x7e: {  	_ =	shalt  }
0x7f: {  	_ =	shalt  }
0x80: {  	_ =	shalt  }
0x81: {  	_ =	shalt  }
0x82: {  	_ =	shalt  }
0x83: {  	_ =	shalt  }
0x84: {  	_ =	shalt  }
0x85: {  	_ =	shalt  }
0x86: {  	_ =	shalt  }
0x87: {  	_ =	shalt  }
.Lfunc_end0:
.L_simem_size_0:
called_computation.3_lowered:
.L_overlay_start_0:
0x88: {  	s2 =	sld [smem:$0x3FD9]  }
0x89: {  	s3 =	sld [smem:$0x3FFE];
	_ =	sdelay $0x1  }
0x8a: {  	s1 =	srdreg.scid  }
0x8b: {  	s0 =	sand.u32 $0x1, s1  }
0x8c: {  	s16 =	sshll.u32 s0, $0xA;
	s2 =	sadd.s32 s3, s2  }
0x8d: {  	s2 =	sadd.s32 s2, s16  }
0x8e: {  	[smem:$0x3FBC] =	sst s2  }
0x8f: {  	_ = 	snop  }
0x90: {  	(tm) =	ssettm $0x1  }
0x91: {  	s17 =	sld [smem:$0x3FFB];
	_ =	sdelay $0x3  }
0x92: {  	_ =	strace s17  }
0x93: {  	s2 =	sld [smem:$0x3FFC];
	_ =	sdelay $0x3  }
0x94: {  	_ =	strace s2  }
0x95: {  	s2 =	sld [smem:$0x3FFD];
	_ =	sdelay $0x3  }
0x96: {  	_ =	strace s2  }
0x97: {  	_ =	strace $0x8FFFFFFF  }
0x98: {  	s18 =	sld [smem:$0x3FDB];
	_ =	sdelay $0x1  }
0x99: {  	s19 =	simm.s32 $_scs_section_size  }
0x9a: {  	s4 =	simm.s32 $_size__tile_overlayer_lowered;
	s5 =	simm.s32 $_tile_overlayer_lowered  }
0x9b: {  	s22 =	simm.s32 $0x1BFF;
	s21 =	sshll.u32 s5, $0x1;
	s2 =	sadd.s32 s19, s18  }
0x9c: {  	s6 =	simm.s32 $0x0;
	s20 =	sshll.u32 s4, $0x1;
	s4 =	sadd.s32 s21, s2  }
0x9d: {  	[timem:s6], [sflag:s22] =	dma.local [hbm:s4], s20  }
0x9e: {  	_ =	swait.ge [sflag:s22], s20  }
0x9f: {  	s3 =	ssub.s32 $0x0, s20;
	[sflag:s22] =	ssyncset.done $0x0  }
0xa0: {  	[sflag:s22] =	ssyncadd.s32 s3;
	_ =	sdelay $0x1  }
0xa1: {  	s23 =	simm.s32 $0x1B8B  }
0xa2: {  	_ =	swait.ge [sflag:s23], $0x1  }
0xa3: {  	[sflag:s23] =	ssyncset.done $0x0  }
0xa4: {  	s25 =	simm.s32 $0x1B8E;
	s24 =	sld [smem:$0x3FFE];
	[sflag:s23] =	ssyncadd.s32 $0xFFFFFFFF  }
0xa5: {  	s26 =	simm.s32 $execute0_lowered;
	[smem:$0x3FD2] =	sst s25  }
0xa6: {  	s4 =	sshll.u32 s26, $0x1;
	_ =	strace $0x8000004F;
	[dreg:$0x1] =	wrdreg $0xFFFFFFFF  }
0xa7: {  	s28 =	simm.s32 $_size_execute0_lowered;
	s2 =	sadd.s32 s2, s4;
	[dreg:$0x0] =	wrdreg $0x0  }
0xa8: {  	s4 =	sshll.u32 s28, $0x1;
	[dreg:$0x2] =	wrdreg s2  }
0xa9: {  	[dreg:$0x3] =	wrdreg s4  }
0xaa: {  	[dreg:$0x4] =	wrdreg $0xC0  }
0xab: {  	_ =	task [dreg:s6], $0x5FFFF  }
0xac: {  	[dreg:$0x1] =	wrdreg $0xFFFFFFFF  }
0xad: {  	[dreg:$0x0] =	wrdreg $0x60  }
0xae: {  	[dreg:$0x2] =	wrdreg s24  }
0xaf: {  	[dreg:$0x3] =	wrdreg $0xB7800  }
0xb0: {  	[dreg:$0x4] =	wrdreg $0x9  }
0xb1: {  	_ =	task.clear_ibuf [dreg:s6], $0x5FFFF;
	_ =	strace $0x9000004F  }
0xb2: {  	s29 =	simm.s32 $0x9;
	_ =	strace $0x80000051  }
0xb3: {  	_ =	swait.ge [sflag:s29], $0x1  }
0xb4: {  	[sflag:s29] =	ssyncadd.s32 $0xFFFFFFFF  }
0xb5: {  	_ =	strace $0x90000051  }
0xb6: {  	_ =	sfence  }
0xb7: {  	s30 =	sld [smem:$0x0];
	_ =	sdelay $0x2  }
0xb8: {  	s31 =	sshll.u32 s1, $0xD;
	s1 =	sshrl.u32 s1, $0x2  }
0xb9: {  	s3 =	sand.u32 $0x4000, s31;
	s1 =	sadd.s32 s1, s30  }
0xba: {  	s0 =	sor.u32 s3, s0;
	s1 =	sshll.u32 s1, $0x11  }
0xbb: {  	s0 =	sor.u32 s1, s0  }
0xbc: {  	s0 =	sadd.s32 $0x8F2B, s0  }
0xbd: {  	[sflag:s0] =	ssyncadd.remote.s32 $0x1  }
0xbe: {  	_ =	sfence.sel $0xFFFF  }
0xbf: {  	[dreg:$0x0] =	wrdreg $0xFFFFFFFF;
	(pc) =	sbr.abs _section_cstart, $3  }
0xc0: {  	[dreg:$0x1] =	wrdreg $0xFFFFFFFF  }
0xc1: {  	_ =	task.clear_ibuf [dreg:s6], $0x2FFFF;
	_ =	strace $0x9FFFFFFF  }
0xc2: {  	(tm) =	ssettm $0x7FFFFFFF  }
0xc3: {  	_ =	shalt  }
tec
execute0_lowered:
.L_overlay_start_1:
0x0: {  	(tag) =	ssettag $0x1  }
0x1: {  	s0 =	srdreg.scid;
	s5 =	rddreg [dreg:$0x0]  }
0x2: {  	s9 =	stileid.u32;
	s2 =	rddreg [dreg:$0x1];
	s19 =	simm.s32 $0x3  }
0x3: {  	s21 =	simm.s32 $0x6780;
	s28 =	simm.s32 $0x26C0;
	s29 =	simm.s32 $0x6500  }
0x4: {  	s30 =	simm.s32 $0x6580;
	s31 =	simm.s32 $0x0;
	s8 =	smul.u32 $0x14000, s9  }
0x5: {  	s0 =	sand.u32 $0x1, s0;
	s22 =	sshll.u32 s9, $0x7;
	s24 =	smul.u32 $0x50000, s9  }
0x6: {  	s1 =	sshll.u32 s0, $0x4;
	s6 =	sand.u32 $0x380, s22;
	s23 =	smul.u32 $0x140000, s0  }
0x7: {  	s0 =	ssub.s32 $0x2, s0;
	s22 =	simm.s32 $0x50;
	s1 =	sor.u32 s9, s1  }
0x8: {  	s25 =	sshrl.u32 s0, $0x1;
	s26 =	sshrl.u32 s24, $0x2;
	s24 =	simm.s32 $0x1  }
0x9: {  	s3 =	sshrl.u32 s1, $0x3;
	s1 =	sshll.u32 s1, $0xB;
	s0 =	ssub.s32 s0, s25  }
0xa: {  	s25 =	simm.s32 $0x2;
	s4 =	smul.u32 $0x13C00, s3;
	s3 =	simm.s32 $0x0  }
0xb: {  	s1 =	sadd.s32 s1, s5;
	s16 =	smax.u32 s0, $0x1;
	[smem:$0x7FF] =	sst s3  }
0xc: {  	s4 =	sor.u32 s6, s4;
	_ =	strace $0x80000050;
	s6 =	sadd.s32 s8, s23  }
0xd: {  	s23 =	simm.s32 $0x8F80;
	s7 =	sshrl.u32 s4, $0x3;
	s6 =	sshrl.u32 s6, $0x3  }
0xe: {  	s4 =	sadd.s32 $0x1F400, s5;
	s7 =	sadd.s32 s7, s5;
	s15 =	sadd.s32 s6, s5  }
0xf: {  	s6 =	sadd.s32 s26, s2;
	s26 =	simm.s32 $0x6480;
	s5 =	sadd.s32 $0x15600, s7  }
0x10: {  	s7 =	sadd.s32 $0x5600, s1;
	s8 =	sadd.s32 $0x2800, s6;
	s9 =	sadd.s32 $0x5000, s6  }
0x11: {  	s10 =	sadd.s32 $0x7800, s6;
	s11 =	sadd.s32 $0xA000, s6;
	s12 =	sadd.s32 $0xC800, s6  }
0x12: {  	v0 =	vimm.f32 $0.0e+00;
	s13 =	sadd.s32 $0xF000, s6;
	s14 =	sadd.s32 $0x11800, s6;
	s15 =	sadd.s32 $0x47400, s15  }
.LBB2_1:
0x13: {  	s0 =	simm.s32 $0x80;
	s1 =	simm.s32 $0x400  }
0x14: {  	[tilespmem:s3], [sflag:$0x3] =	stream.strided.gather [hbm4b:s5+s0], $0x2780, s1, s0, $0x38;
	[tilespmem:$0x1F780] =	vst v63  }
0x15: {  	_ =	swait.ge [sflag:s19], $0x2780  }
0x16: {  	[sflag:s19] =	ssyncset.done $0x0  }
0x17: {  	s20 =	simm.s32 $0x2780;
	[sflag:s19] =	ssyncadd.s32 $0xFFFFD880  }
0x18: {  	[tilespmem:s20], [sflag:$0x3] =	stream.linear.gather [hbm4b:s7+s3], $0x3E80, $0x38;
	[tilespmem:$0x1F780] =	vst v63  }
0x19: {  	_ =	swait.ge [sflag:s19], $0x3E80  }
0x1a: {  	[sflag:s19] =	ssyncset.done $0x0  }
0x1b: {  	s0 =	simm.s32 $0x0;
	s1 =	simm.s32 $0x200;
	[sflag:s19] =	ssyncadd.s32 $0xFFFFC180  }
.LBB2_2:
0x1c: {  	p0 =	sne.s32 s1, $0x9E00;
	[tilespmem:s0+$0x67F0] =	vst v0  }
0x1d: {  	[tilespmem:s0+$0x6780] =	vst v0  }
0x1e: {  	[tilespmem:s0+$0x6790] =	vst v0  }
.Ltmp0:
0x1f: {  	[tilespmem:s0+$0x67A0] =	vst v0;
	(pc) =	sbr.rel @p0 .LBB2_2-.Ltmp0, $4  }
0x20: {  	[tilespmem:s0+$0x67B0] =	vst v0  }
0x21: {  	[tilespmem:s0+$0x67C0] =	vst v0  }
0x22: {  	[tilespmem:s0+$0x67D0] =	vst v0  }
0x23: {  	[tilespmem:s0+$0x67E0] =	vst v0;
	s0 =	sshra.s32 s1, $0x2;
	s1 =	sadd.s32 $0x200, s1  }
0x24: {  	[tilespmem:s0+$0x67F0] =	vst v0  }
0x25: {  	[tilespmem:s0+$0x6780] =	vst v0  }
0x26: {  	[tilespmem:s0+$0x6790] =	vst v0  }
0x27: {  	[tilespmem:s0+$0x67A0] =	vst v0  }
0x28: {  	[tilespmem:s0+$0x67B0] =	vst v0  }
0x29: {  	[tilespmem:s0+$0x67C0] =	vst v0  }
0x2a: {  	[tilespmem:s0+$0x67D0] =	vst v0  }
0x2b: {  	[tilespmem:s0+$0x67E0] =	vst v0  }
0x2c: {  	[spmem:s6] =	stream.linear.scatter [tilespmem:s21], [sflag:$0x3], $0x2800, $0x38;
	[tilespmem:$0x1F780] =	vst v63  }
0x2d: {  	_ =	swait.ge [sflag:s19], $0x2800  }
0x2e: {  	[sflag:s19] =	ssyncset.done $0x0  }
0x2f: {  	[sflag:s19] =	ssyncadd.s32 $0xFFFFD800  }
0x30: {  	[spmem:s8] =	stream.linear.scatter [tilespmem:s21], [sflag:$0x3], $0x2800, $0x38;
	[tilespmem:$0x1F780] =	vst v63  }
0x31: {  	_ =	swait.ge [sflag:s19], $0x2800  }
0x32: {  	[sflag:s19] =	ssyncset.done $0x0  }
0x33: {  	[sflag:s19] =	ssyncadd.s32 $0xFFFFD800  }
0x34: {  	[spmem:s9] =	stream.linear.scatter [tilespmem:s21], [sflag:$0x3], $0x2800, $0x38;
	[tilespmem:$0x1F780] =	vst v63  }
0x35: {  	_ =	swait.ge [sflag:s19], $0x2800  }
0x36: {  	[sflag:s19] =	ssyncset.done $0x0  }
0x37: {  	[sflag:s19] =	ssyncadd.s32 $0xFFFFD800  }
0x38: {  	[spmem:s10] =	stream.linear.scatter [tilespmem:s21], [sflag:$0x3], $0x2800, $0x38;
	[tilespmem:$0x1F780] =	vst v63  }
0x39: {  	_ =	swait.ge [sflag:s19], $0x2800  }
0x3a: {  	[sflag:s19] =	ssyncset.done $0x0  }
0x3b: {  	[sflag:s19] =	ssyncadd.s32 $0xFFFFD800  }
0x3c: {  	[spmem:s11] =	stream.linear.scatter [tilespmem:s21], [sflag:$0x3], $0x2800, $0x38;
	[tilespmem:$0x1F780] =	vst v63  }
0x3d: {  	_ =	swait.ge [sflag:s19], $0x2800  }
0x3e: {  	[sflag:s19] =	ssyncset.done $0x0  }
0x3f: {  	[sflag:s19] =	ssyncadd.s32 $0xFFFFD800  }
0x40: {  	[spmem:s12] =	stream.linear.scatter [tilespmem:s21], [sflag:$0x3], $0x2800, $0x38;
	[tilespmem:$0x1F780] =	vst v63  }
0x41: {  	_ =	swait.ge [sflag:s19], $0x2800  }
0x42: {  	[sflag:s19] =	ssyncset.done $0x0  }
0x43: {  	[sflag:s19] =	ssyncadd.s32 $0xFFFFD800  }
0x44: {  	[spmem:s13] =	stream.linear.scatter [tilespmem:s21], [sflag:$0x3], $0x2800, $0x38;
	[tilespmem:$0x1F780] =	vst v63  }
0x45: {  	_ =	swait.ge [sflag:s19], $0x2800  }
0x46: {  	[sflag:s19] =	ssyncset.done $0x0  }
0x47: {  	[sflag:s19] =	ssyncadd.s32 $0xFFFFD800  }
0x48: {  	[spmem:s14] =	stream.linear.scatter [tilespmem:s21], [sflag:$0x3], $0x2800, $0x38;
	[tilespmem:$0x1F780] =	vst v63  }
0x49: {  	_ =	swait.ge [sflag:s19], $0x2800  }
0x4a: {  	[sflag:s19] =	ssyncset.done $0x0  }
0x4b: {  	s1 =	simm.s32 $0x0;
	[sflag:s19] =	ssyncadd.s32 $0xFFFFD800  }
0x4c: {  	[tilespmem:s21], [sflag:$0x1] =	stream.indirect.gather [hbm4b:s4+s22], $0x80, s1, s22, $0xb8;
	[tilespmem:$0x1F780] =	vst v63  }
0x4d: {  	_ = 	snop  }
0x4e: {  	[tilespmem:s23], [sflag:$0x2] =	stream.indirect.gather [hbm4b:s4+s22], $0x80, s22, s22, $0xb8;
	[tilespmem:$0x1F780] =	vst v63  }
0x4f: {  	[bflag:$0x0] =	sbarrier.arrive $0xFFFF  }
0x50: {  	_ =	swait.ge [sflag:s24], $0x2800  }
0x51: {  	[sflag:s24] =	ssyncset.done $0x0  }
0x52: {  	s17 =	simm.s32 $0x2780;
	[sflag:s24] =	ssyncadd.s32 $0xFFFFD800  }
0x53: {  	[spmem:s2] =	stream.indirect.scatter.add.f32 [tilespmem:s21], [sflag:$0x3], $0x80, s17, s22, $0xb8;
	[tilespmem:$0x1F780] =	vst v63  }
0x54: {  	_ =	swait.ge [sflag:s19], $0x2800  }
0x55: {  	[sflag:s19] =	ssyncset.done $0x0  }
0x56: {  	s18 =	simm.s32 $0xA0;
	[sflag:s19] =	ssyncadd.s32 $0xFFFFD800  }
0x57: {  	[tilespmem:s21], [sflag:$0x1] =	stream.indirect.gather [hbm4b:s4+s22], $0x80, s18, s22, $0xb8;
	[tilespmem:$0x1F780] =	vst v63  }
0x58: {  	_ =	swait.ge [sflag:s25], $0x2800  }
0x59: {  	[sflag:s25] =	ssyncset.done $0x0  }
0x5a: {  	s20 =	simm.s32 $0x2800;
	[sflag:s25] =	ssyncadd.s32 $0xFFFFD800  }
0x5b: {  	[spmem:s2] =	stream.indirect.scatter.add.f32 [tilespmem:s23], [sflag:$0x3], $0x80, s20, s22, $0xb8;
	[tilespmem:$0x1F780] =	vst v63  }
0x5c: {  	_ =	swait.ge [sflag:s19], $0x2800  }
0x5d: {  	s0 =	simm.s32 $0x400;
	[sflag:s19] =	ssyncset.done $0x0  }
0x5e: {  	s1 =	simm.s32 $0xF0;
	s17 =	simm.s32 $0x190;
	[sflag:s19] =	ssyncadd.s32 $0xFFFFD800  }
.LBB2_4:
0x5f: {  	[tilespmem:s23], [sflag:$0x2] =	stream.indirect.gather [hbm4b:s4+s22], $0x80, s1, s22, $0xb8;
	[tilespmem:$0x1F780] =	vst v63  }
0x60: {  	s18 =	smov.u32 s0;
	s1 =	smov.u32 s17  }
0x61: {  	p0 =	sne.s32 s0, $0xF000;
	s0 =	sadd.s32 $0x400, s0;
	_ =	swait.ge [sflag:s24], $0x2800  }
0x62: {  	s18 =	sshra.s32 s18, $0x2;
	[sflag:s24] =	ssyncset.done $0x0  }
0x63: {  	s20 =	sadd.s32 $0x2780, s18;
	[sflag:s24] =	ssyncadd.s32 $0xFFFFD800  }
0x64: {  	[spmem:s2] =	stream.indirect.scatter.add.f32 [tilespmem:s21], [sflag:$0x3], $0x80, s20, s22, $0xb8;
	[tilespmem:$0x1F780] =	vst v63  }
0x65: {  	_ =	swait.ge [sflag:s19], $0x2800  }
0x66: {  	[sflag:s19] =	ssyncset.done $0x0  }
0x67: {  	s20 =	sadd.s32 $0xFFFFFFB0, s17;
	[sflag:s19] =	ssyncadd.s32 $0xFFFFD800  }
0x68: {  	[tilespmem:s21], [sflag:$0x1] =	stream.indirect.gather [hbm4b:s4+s22], $0x80, s20, s22, $0xb8;
	[tilespmem:$0x1F780] =	vst v63  }
0x69: {  	_ =	swait.ge [sflag:s25], $0x2800  }
0x6a: {  	[sflag:s25] =	ssyncset.done $0x0  }
.Ltmp1:
0x6b: {  	s18 =	sadd.s32 $0x2800, s18;
	[sflag:s25] =	ssyncadd.s32 $0xFFFFD800;
	(pc) =	sbr.rel @p0 .LBB2_4-.Ltmp1, $4  }
0x6c: {  	[spmem:s2] =	stream.indirect.scatter.add.f32 [tilespmem:s23], [sflag:$0x3], $0x80, s18, s22, $0xb8;
	[tilespmem:$0x1F780] =	vst v63  }
0x6d: {  	_ =	swait.ge [sflag:s19], $0x2800  }
0x6e: {  	[sflag:s19] =	ssyncset.done $0x0  }
0x6f: {  	s17 =	sadd.s32 $0xA0, s17;
	[sflag:s19] =	ssyncadd.s32 $0xFFFFD800  }
0x70: {  	[tilespmem:s23], [sflag:$0x2] =	stream.indirect.gather [hbm4b:s4+s22], $0x80, s1, s22, $0xb8;
	[tilespmem:$0x1F780] =	vst v63  }
0x71: {  	_ =	swait.ge [sflag:s24], $0x2800  }
0x72: {  	[sflag:s24] =	ssyncset.done $0x0  }
0x73: {  	[sflag:s24] =	ssyncadd.s32 $0xFFFFD800  }
0x74: {  	[spmem:s2] =	stream.indirect.scatter.add.f32 [tilespmem:s21], [sflag:$0x3], $0x80, s26, s22, $0xb8;
	[tilespmem:$0x1F780] =	vst v63  }
0x75: {  	_ =	swait.ge [sflag:s19], $0x2800  }
0x76: {  	[sflag:s19] =	ssyncset.done $0x0  }
0x77: {  	[sflag:s19] =	ssyncadd.s32 $0xFFFFD800  }
0x78: {  	[tilespmem:s21], [sflag:$0x1] =	stream.indirect.gather [hbm4b:s4+s22], $0x80, s28, s22, $0xb8;
	[tilespmem:$0x1F780] =	vst v63  }
0x79: {  	_ =	swait.ge [sflag:s25], $0x2800  }
0x7a: {  	[sflag:s25] =	ssyncset.done $0x0  }
0x7b: {  	[sflag:s25] =	ssyncadd.s32 $0xFFFFD800  }
0x7c: {  	[spmem:s2] =	stream.indirect.scatter.add.f32 [tilespmem:s23], [sflag:$0x3], $0x80, s29, s22, $0xb8;
	[tilespmem:$0x1F780] =	vst v63  }
0x7d: {  	_ =	swait.ge [sflag:s19], $0x2800  }
0x7e: {  	[sflag:s19] =	ssyncset.done $0x0  }
0x7f: {  	[sflag:s19] =	ssyncadd.s32 $0xFFFFD800  }
0x80: {  	_ =	swait.ge [sflag:s24], $0x2800  }
0x81: {  	[sflag:s24] =	ssyncset.done $0x0  }
0x82: {  	[sflag:s24] =	ssyncadd.s32 $0xFFFFD800  }
0x83: {  	[spmem:s2] =	stream.indirect.scatter.add.f32 [tilespmem:s21], [sflag:$0x3], $0x80, s30, s22, $0xb8;
	[tilespmem:$0x1F780] =	vst v63  }
0x84: {  	s0 =	stileid.u32;
	_ =	swait.ge [sflag:s19], $0x2800  }
0x85: {  	s20 =	sshrl.u32 s6, $0x3;
	s31 =	sadd.s32 $0x1, s31;
	[sflag:s19] =	ssyncset.done $0x0  }
0x86: {  	s0 =	sshll.u32 s0, $0x6;
	p0 =	sne.s32 s31, s16;
	[sflag:s19] =	ssyncadd.s32 $0xFFFFD800  }
.Ltmp2:
0x87: {  	s0 =	sor.u32 $0x1C03, s0;
	[bflag:$0x0] =	sbarrier.arrive $0xFFFF;
	(pc) =	sbr.rel @p0 .LBB2_1-.Ltmp2, $4  }
0x88: {  	[hbm:s15], [sflag:s0] =	dma.local [spmem:s20], $0x2800  }
0x89: {  	_ =	swait.ge [sflag:s19], $0x2800  }
0x8a: {  	[sflag:s19] =	ssyncset.done $0x0  }
0x8b: {  	[sflag:s19] =	ssyncadd.s32 $0xFFFFD800  }
0x8c: {  	_ =	sfence.sel $0x180000  }
0x8d: {  	[bflag:$0x0] =	sbarrier.arrive $0xFFFF  }
0x8e: {  	_ =	strace $0x90000050  }
0x8f: {  	s0 =	stileid.u32;
	[bflag:$0x2] =	sbarrier.arrive $0xFFFF  }
0x90: {  	p0 =	sne.s32 s0, $0x0;
	s0 =	rddreg [dreg:$0x2]  }
0x91: {  	s0 =	sadd.s32 @!p0 $0x100000, s0  }
0x92: {  	[sflag:s0] =	ssyncadd.tile.s32 @!p0 $0x1;
	_ =	shalt  }
.Lfunc_end2:
_tile_overlayer_lowered:
.L_overlay_start_2:
0x93: {  	(tag) =	ssettag $0x2  }
0x94: {  	s0 =	rddreg [dreg:$0x0];
	s2 =	stileid.u32  }
0x95: {  	s1 =	rddreg [dreg:$0x1];
	p0 =	sne.s32 s2, $0x0  }
0x96: {  	s3 =	rddreg [dreg:$0x2];
	[bflag:$0x3] =	sbarrier.arrive $0xFFFF;
	s2 =	simm.s32 @!p0 $0x1C03  }
0x97: {  	[timem:s3], [sflag:s2] =	dma.local @!p0 [hbm:s0], s1  }
0x98: {  	s0 =	simm.s32 @!p0 $0x3  }
0x99: {  	_ =	swait.ge @!p0 [sflag:s0], s1  }
0x9a: {  	s1 =	ssub.s32 @!p0 $0x0, s1;
	[sflag:s0] =	ssyncset.done @!p0 $0x0  }
0x9b: {  	[sflag:s0] =	ssyncadd.s32 @!p0 s1  }
0x9c: {  	[bflag:$0x3] =	sbarrier.arrive $0xFFFF  }
0x9d: {  	_ =	shalt  }

// kernel: kernel.25.cloned.1.call-start
scs
__scs_entry_jumppad:
0x0: {  	(pc) =	sbr.rel $0x88, $3  }
0x1: {  	(tag) =	ssettag $0x0;
	lr =	simm.s32 $0x1  }
0x2: {  	[smem:$0x3F95] =	sst lr;
	_ =	strace $0xD0000000  }
0x3: {  	_ = 	snop  }
0x4: {  	_ = 	snop  }
0x5: {  	_ = 	snop  }
0x6: {  	_ = 	snop  }
0x7: {  	_ = 	snop  }
__scs_overlays_trampoline_lowered:
0x8: {  	[smem:$0x3FA4] =	sst s0  }
0x9: {  	[smem:$0x3FA5] =	sst s1  }
0xa: {  	[smem:$0x3FA6] =	sst s2  }
0xb: {  	[smem:$0x3FA7] =	sst s3  }
0xc: {  	[smem:$0x3FA8] =	sst s4  }
0xd: {  	[smem:$0x3FA9] =	sst s5  }
0xe: {  	[smem:$0x3FAA] =	sst s6  }
0xf: {  	[smem:$0x3FAB] =	sst s7  }
0x10: {  	[smem:$0x3FAC] =	sst s8  }
0x11: {  	[smem:$0x3FAD] =	sst s9;
	s0 =	simm.s32 @!p0 $0x0  }
0x12: {  	s1 =	sld [smem:$0x3F93];
	s0 =	simm.s32 @p0 $0x1  }
0x13: {  	[smem:$0x3FAE] =	sst s0;
	s0 =	simm.s32 @!p1 $0x0  }
0x14: {  	s2 =	sld [smem:$0x3F92];
	s0 =	simm.s32 @p1 $0x1  }
0x15: {  	[smem:$0x3FAF] =	sst s0;
	s0 =	simm.s32 @!p2 $0x0  }
0x16: {  	s3 =	sld [smem:$0x3FDB];
	s0 =	simm.s32 @p2 $0x1  }
0x17: {  	s4 =	simm.s32 $0x1BF5;
	[smem:$0x3FB1] =	sst s0  }
0x18: {  	s0 =	sld [smem:$0x3F94];
	_ =	swait.ge [sflag:s4], $0x0  }
0x19: {  	s7 =	sld [smem:$0x3F95]  }
0x1a: {  	s8 =	sadd.s32 $0xFFFFE003, lr  }
0x1b: {  	s9 =	sadd.s32 $0xFFFFFEF7, lr;
	s5 =	simm.s32 $0xFFFFFFFF;
	p2 =	slt.u32 s8, $0xFFFFF086  }
0x1c: {  	p1 =	slt.u32 s9, $0xF7A;
	s5 =	simm.s32 @!p2 $0x0  }
0x1d: {  	s5 =	simm.s32 @p1 $0x1;
	p0 =	seq.s32 s7, s2  }
0x1e: {  	s7 =	smul.u32 @!p0 $0xF7A, s2;
	p2 =	seq.s32 @!p0 s5, $0x0  }
0x1f: {  	s9 =	smul.u32 $0xF7A, s1;
	s8 =	simm.s32 @!p0 $0x1BF5;
	p2 =	por !p2, p0  }
0x20: {  	[sflag:s8] =	ssyncset.s32 @!p0 $0xFFFFF086;
	s6 =	sadd.s32 @!p0 s3, s7;
	s7 =	simm.s32 @!p0 $0x108  }
0x21: {  	s3 =	sadd.s32 s3, s9;
	s6 =	sadd.s32 @!p0 $0x88, s6;
	s7 =	simm.s32 @p2 $0x1082  }
0x22: {  	[simem:s7], [sflag:s8] =	dma.local @!p0 [hbm:s6], $0xF7A  }
0x23: {  	s9 =	sor.u32 $0xD0000000, s2;
	s6 =	simm.s32 $0x108;
	_ =	swait.ge @!p0 [sflag:s8], $0x0  }
0x24: {  	s3 =	sadd.s32 $0x88, s3;
	s6 =	simm.s32 @!p1 $0x1082;
	[sflag:s4] =	ssyncset.s32 $0xFFFFF086  }
0x25: {  	[simem:s6], [sflag:s4] =	dma.local [hbm:s3], $0xF7A  }
0x26: {  	[smem:$0x3F95] =	sst s1;
	(tag) =	ssettag s2;
	_ =	strace s9  }
0x27: {  	s1 =	sld [smem:$0x3FA5]  }
0x28: {  	s2 =	sld [smem:$0x3FA6]  }
0x29: {  	s4 =	sld [smem:$0x3FA8]  }
0x2a: {  	p0 =	seq.s32 s5, $0x0;
	s5 =	sld [smem:$0x3FA9]  }
0x2b: {  	s6 =	sld [smem:$0x3FAA]  }
0x2c: {  	s7 =	sld [smem:$0x3FAB]  }
0x2d: {  	s3 =	simm.s32 $0x108;
	s8 =	sld [smem:$0x3FAC]  }
0x2e: {  	s3 =	simm.s32 @!p0 $0x1082;
	s9 =	sld [smem:$0x3FAD]  }
0x2f: {  	lr =	sadd.s32 s0, s3;
	s0 =	sld [smem:$0x3FA4]  }
0x30: {  	s3 =	sld [smem:$0x3FA7]  }
0x31: {  	[smem:$0x3FB0] =	sst s10  }
0x32: {  	s10 =	sld [smem:$0x3FAE];
	_ =	sdelay $0x3  }
0x33: {  	p0 =	seq.s32 s10, $0x1;
	s10 =	sld [smem:$0x3FB0];
	_ =	sdelay $0x3  }
0x34: {  	[smem:$0x3FB0] =	sst s10  }
0x35: {  	s10 =	sld [smem:$0x3FAF];
	_ =	sdelay $0x3  }
0x36: {  	p1 =	seq.s32 s10, $0x1;
	s10 =	sld [smem:$0x3FB0];
	_ =	sdelay $0x3  }
0x37: {  	[smem:$0x3FB0] =	sst s10  }
0x38: {  	s10 =	sld [smem:$0x3FB1]  }
0x39: {  	_ = 	snop;
	(pc) =	sbr.ind lr, $3  }
0x3a: {  	_ = 	snop  }
0x3b: {  	_ = 	snop  }
0x3c: {  	p2 =	seq.s32 s10, $0x1;
	s10 =	sld [smem:$0x3FB0]  }
0x3d: {  	_ =	shalt  }
0x3e: {  	_ =	shalt  }
0x3f: {  	_ =	shalt  }
0x40: {  	_ =	shalt  }
0x41: {  	_ =	shalt  }
0x42: {  	_ =	shalt  }
0x43: {  	_ =	shalt  }
0x44: {  	_ =	shalt  }
0x45: {  	_ =	shalt  }
0x46: {  	_ =	shalt  }
0x47: {  	_ =	shalt  }
0x48: {  	_ =	shalt  }
0x49: {  	_ =	shalt  }
0x4a: {  	_ =	shalt  }
0x4b: {  	_ =	shalt  }
0x4c: {  	_ =	shalt  }
0x4d: {  	_ =	shalt  }
0x4e: {  	_ =	shalt  }
0x4f: {  	_ =	shalt  }
0x50: {  	_ =	shalt  }
0x51: {  	_ =	shalt  }
0x52: {  	_ =	shalt  }
0x53: {  	_ =	shalt  }
0x54: {  	_ =	shalt  }
0x55: {  	_ =	shalt  }
0x56: {  	_ =	shalt  }
0x57: {  	_ =	shalt  }
0x58: {  	_ =	shalt  }
0x59: {  	_ =	shalt  }
0x5a: {  	_ =	shalt  }
0x5b: {  	_ =	shalt  }
0x5c: {  	_ =	shalt  }
0x5d: {  	_ =	shalt  }
0x5e: {  	_ =	shalt  }
0x5f: {  	_ =	shalt  }
0x60: {  	_ =	shalt  }
0x61: {  	_ =	shalt  }
0x62: {  	_ =	shalt  }
0x63: {  	_ =	shalt  }
0x64: {  	_ =	shalt  }
0x65: {  	_ =	shalt  }
0x66: {  	_ =	shalt  }
0x67: {  	_ =	shalt  }
0x68: {  	_ =	shalt  }
0x69: {  	_ =	shalt  }
0x6a: {  	_ =	shalt  }
0x6b: {  	_ =	shalt  }
0x6c: {  	_ =	shalt  }
0x6d: {  	_ =	shalt  }
0x6e: {  	_ =	shalt  }
0x6f: {  	_ =	shalt  }
0x70: {  	_ =	shalt  }
0x71: {  	_ =	shalt  }
0x72: {  	_ =	shalt  }
0x73: {  	_ =	shalt  }
0x74: {  	_ =	shalt  }
0x75: {  	_ =	shalt  }
0x76: {  	_ =	shalt  }
0x77: {  	_ =	shalt  }
0x78: {  	_ =	shalt  }
0x79: {  	_ =	shalt  }
0x7a: {  	_ =	shalt  }
0x7b: {  	_ =	shalt  }
0x7c: {  	_ =	shalt  }
0x7d: {  	_ =	shalt  }
0x7e: {  	_ =	shalt  }
0x7f: {  	_ =	shalt  }
0x80: {  	_ =	shalt  }
0x81: {  	_ =	shalt  }
0x82: {  	_ =	shalt  }
0x83: {  	_ =	shalt  }
0x84: {  	_ =	shalt  }
0x85: {  	_ =	shalt  }
0x86: {  	_ =	shalt  }
0x87: {  	_ =	shalt  }
.Lfunc_end0:
.L_simem_size_0:
called_computation.4_lowered:
.L_overlay_start_0:
0x88: {  	s2 =	sld [smem:$0x3FD9]  }
0x89: {  	s3 =	sld [smem:$0x3FFE];
	_ =	sdelay $0x1  }
0x8a: {  	s1 =	srdreg.scid  }
0x8b: {  	s0 =	sand.u32 $0x1, s1  }
0x8c: {  	s16 =	sshll.u32 s0, $0xA;
	s2 =	sadd.s32 s3, s2  }
0x8d: {  	s2 =	sadd.s32 s2, s16  }
0x8e: {  	[smem:$0x3FBC] =	sst s2  }
0x8f: {  	_ = 	snop  }
0x90: {  	(tm) =	ssettm $0x1  }
0x91: {  	s17 =	sld [smem:$0x3FFB];
	_ =	sdelay $0x3  }
0x92: {  	_ =	strace s17  }
0x93: {  	s2 =	sld [smem:$0x3FFC];
	_ =	sdelay $0x3  }
0x94: {  	_ =	strace s2  }
0x95: {  	s2 =	sld [smem:$0x3FFD];
	_ =	sdelay $0x3  }
0x96: {  	_ =	strace s2  }
0x97: {  	_ =	strace $0x8FFFFFFF  }
0x98: {  	s18 =	sld [smem:$0x3FDB];
	_ =	sdelay $0x1  }
0x99: {  	s19 =	simm.s32 $_scs_section_size  }
0x9a: {  	s4 =	simm.s32 $_size__tile_overlayer_lowered;
	s5 =	simm.s32 $_tile_overlayer_lowered  }
0x9b: {  	s22 =	simm.s32 $0x1BFF;
	s21 =	sshll.u32 s5, $0x1;
	s2 =	sadd.s32 s19, s18  }
0x9c: {  	s6 =	simm.s32 $0x0;
	s20 =	sshll.u32 s4, $0x1;
	s4 =	sadd.s32 s21, s2  }
0x9d: {  	[timem:s6], [sflag:s22] =	dma.local [hbm:s4], s20  }
0x9e: {  	_ =	swait.ge [sflag:s22], s20  }
0x9f: {  	s3 =	ssub.s32 $0x0, s20;
	[sflag:s22] =	ssyncset.done $0x0  }
0xa0: {  	[sflag:s22] =	ssyncadd.s32 s3;
	_ =	sdelay $0x1  }
0xa1: {  	s23 =	simm.s32 $0x1B8B  }
0xa2: {  	_ =	swait.ge [sflag:s23], $0x1  }
0xa3: {  	[sflag:s23] =	ssyncset.done $0x0  }
0xa4: {  	s25 =	simm.s32 $0x1B8E;
	s24 =	sld [smem:$0x3FFE];
	[sflag:s23] =	ssyncadd.s32 $0xFFFFFFFF  }
0xa5: {  	s26 =	simm.s32 $execute0_lowered;
	[smem:$0x3FD2] =	sst s25  }
0xa6: {  	s4 =	sshll.u32 s26, $0x1;
	_ =	strace $0x80000052;
	[dreg:$0x1] =	wrdreg $0xFFFFFFFF  }
0xa7: {  	s28 =	simm.s32 $_size_execute0_lowered;
	s2 =	sadd.s32 s2, s4;
	[dreg:$0x0] =	wrdreg $0x0  }
0xa8: {  	s4 =	sshll.u32 s28, $0x1;
	[dreg:$0x2] =	wrdreg s2  }
0xa9: {  	[dreg:$0x3] =	wrdreg s4  }
0xaa: {  	[dreg:$0x4] =	wrdreg $0xC0  }
0xab: {  	_ =	task [dreg:s6], $0x5FFFF  }
0xac: {  	[dreg:$0x1] =	wrdreg $0xFFFFFFFF  }
0xad: {  	[dreg:$0x0] =	wrdreg $0x60  }
0xae: {  	[dreg:$0x2] =	wrdreg s24  }
0xaf: {  	[dreg:$0x3] =	wrdreg $0xB7800  }
0xb0: {  	[dreg:$0x4] =	wrdreg $0x9  }
0xb1: {  	_ =	task.clear_ibuf [dreg:s6], $0x5FFFF;
	_ =	strace $0x90000052  }
0xb2: {  	s29 =	simm.s32 $0x9;
	_ =	strace $0x80000054  }
0xb3: {  	_ =	swait.ge [sflag:s29], $0x1  }
0xb4: {  	[sflag:s29] =	ssyncadd.s32 $0xFFFFFFFF  }
0xb5: {  	_ =	strace $0x90000054  }
0xb6: {  	_ =	sfence  }
0xb7: {  	s30 =	sld [smem:$0x0];
	_ =	sdelay $0x2  }
0xb8: {  	s31 =	sshll.u32 s1, $0xD;
	s1 =	sshrl.u32 s1, $0x2  }
0xb9: {  	s3 =	sand.u32 $0x4000, s31;
	s1 =	sadd.s32 s1, s30  }
0xba: {  	s0 =	sor.u32 s3, s0;
	s1 =	sshll.u32 s1, $0x11  }
0xbb: {  	s0 =	sor.u32 s1, s0  }
0xbc: {  	s0 =	sadd.s32 $0x8F2B, s0  }
0xbd: {  	[sflag:s0] =	ssyncadd.remote.s32 $0x1  }
0xbe: {  	_ =	sfence.sel $0xFFFF  }
0xbf: {  	[dreg:$0x0] =	wrdreg $0xFFFFFFFF;
	(pc) =	sbr.abs _section_cstart, $3  }
0xc0: {  	[dreg:$0x1] =	wrdreg $0xFFFFFFFF  }
0xc1: {  	_ =	task.clear_ibuf [dreg:s6], $0x2FFFF;
	_ =	strace $0x9FFFFFFF  }
0xc2: {  	(tm) =	ssettm $0x7FFFFFFF  }
0xc3: {  	_ =	shalt  }
tec
execute0_lowered:
.L_overlay_start_1:
0x0: {  	(tag) =	ssettag $0x1  }
0x1: {  	s0 =	srdreg.scid;
	s5 =	rddreg [dreg:$0x0]  }
0x2: {  	s9 =	stileid.u32;
	s2 =	rddreg [dreg:$0x1];
	s19 =	simm.s32 $0x3  }
0x3: {  	s21 =	simm.s32 $0x6780;
	s28 =	simm.s32 $0x26C0;
	s29 =	simm.s32 $0x6500  }
0x4: {  	s30 =	simm.s32 $0x6580;
	s31 =	simm.s32 $0x0;
	s8 =	smul.u32 $0x14000, s9  }
0x5: {  	s0 =	sand.u32 $0x1, s0;
	s22 =	sshll.u32 s9, $0x7;
	s24 =	smul.u32 $0x50000, s9  }
0x6: {  	s1 =	sshll.u32 s0, $0x4;
	s6 =	sand.u32 $0x380, s22;
	s23 =	smul.u32 $0x140000, s0  }
0x7: {  	s0 =	ssub.s32 $0x2, s0;
	s22 =	simm.s32 $0x50;
	s1 =	sor.u32 s9, s1  }
0x8: {  	s25 =	sshrl.u32 s0, $0x1;
	s26 =	sshrl.u32 s24, $0x2;
	s24 =	simm.s32 $0x1  }
0x9: {  	s3 =	sshrl.u32 s1, $0x3;
	s1 =	sshll.u32 s1, $0xB;
	s0 =	ssub.s32 s0, s25  }
0xa: {  	s25 =	simm.s32 $0x2;
	s4 =	smul.u32 $0x13C00, s3;
	s3 =	simm.s32 $0x0  }
0xb: {  	s1 =	sadd.s32 s1, s5;
	s16 =	smax.u32 s0, $0x1;
	[smem:$0x7FF] =	sst s3  }
0xc: {  	s4 =	sor.u32 s6, s4;
	_ =	strace $0x80000053;
	s6 =	sadd.s32 s8, s23  }
0xd: {  	s23 =	simm.s32 $0x8F80;
	s7 =	sshrl.u32 s4, $0x3;
	s6 =	sshrl.u32 s6, $0x3  }
0xe: {  	s4 =	sadd.s32 $0x1F400, s5;
	s7 =	sadd.s32 s7, s5;
	s15 =	sadd.s32 s6, s5  }
0xf: {  	s6 =	sadd.s32 s26, s2;
	s26 =	simm.s32 $0x6480;
	s5 =	sadd.s32 $0x15600, s7  }
0x10: {  	s7 =	sadd.s32 $0x5600, s1;
	s8 =	sadd.s32 $0x2800, s6;
	s9 =	sadd.s32 $0x5000, s6  }
0x11: {  	s10 =	sadd.s32 $0x7800, s6;
	s11 =	sadd.s32 $0xA000, s6;
	s12 =	sadd.s32 $0xC800, s6  }
0x12: {  	v0 =	vimm.f32 $0.0e+00;
	s13 =	sadd.s32 $0xF000, s6;
	s14 =	sadd.s32 $0x11800, s6;
	s15 =	sadd.s32 $0x47400, s15  }
.LBB2_1:
0x13: {  	s0 =	simm.s32 $0x80;
	s1 =	simm.s32 $0x400  }
0x14: {  	[tilespmem:s3], [sflag:$0x3] =	stream.strided.gather [hbm4b:s5+s0], $0x2780, s1, s0, $0x38;
	[tilespmem:$0x1F780] =	vst v63  }
0x15: {  	_ =	swait.ge [sflag:s19], $0x2780  }
0x16: {  	[sflag:s19] =	ssyncset.done $0x0  }
0x17: {  	s20 =	simm.s32 $0x2780;
	[sflag:s19] =	ssyncadd.s32 $0xFFFFD880  }
0x18: {  	[tilespmem:s20], [sflag:$0x3] =	stream.linear.gather [hbm4b:s7+s3], $0x3E80, $0x38;
	[tilespmem:$0x1F780] =	vst v63  }
0x19: {  	_ =	swait.ge [sflag:s19], $0x3E80  }
0x1a: {  	[sflag:s19] =	ssyncset.done $0x0  }
0x1b: {  	s0 =	simm.s32 $0x0;
	s1 =	simm.s32 $0x200;
	[sflag:s19] =	ssyncadd.s32 $0xFFFFC180  }
.LBB2_2:
0x1c: {  	p0 =	sne.s32 s1, $0x9E00;
	[tilespmem:s0+$0x67F0] =	vst v0  }
0x1d: {  	[tilespmem:s0+$0x6780] =	vst v0  }
0x1e: {  	[tilespmem:s0+$0x6790] =	vst v0  }
.Ltmp0:
0x1f: {  	[tilespmem:s0+$0x67A0] =	vst v0;
	(pc) =	sbr.rel @p0 .LBB2_2-.Ltmp0, $4  }
0x20: {  	[tilespmem:s0+$0x67B0] =	vst v0  }
0x21: {  	[tilespmem:s0+$0x67C0] =	vst v0  }
0x22: {  	[tilespmem:s0+$0x67D0] =	vst v0  }
0x23: {  	[tilespmem:s0+$0x67E0] =	vst v0;
	s0 =	sshra.s32 s1, $0x2;
	s1 =	sadd.s32 $0x200, s1  }
0x24: {  	[tilespmem:s0+$0x67F0] =	vst v0  }
0x25: {  	[tilespmem:s0+$0x6780] =	vst v0  }
0x26: {  	[tilespmem:s0+$0x6790] =	vst v0  }
0x27: {  	[tilespmem:s0+$0x67A0] =	vst v0  }
0x28: {  	[tilespmem:s0+$0x67B0] =	vst v0  }
0x29: {  	[tilespmem:s0+$0x67C0] =	vst v0  }
0x2a: {  	[tilespmem:s0+$0x67D0] =	vst v0  }
0x2b: {  	[tilespmem:s0+$0x67E0] =	vst v0  }
0x2c: {  	[spmem:s6] =	stream.linear.scatter [tilespmem:s21], [sflag:$0x3], $0x2800, $0x38;
	[tilespmem:$0x1F780] =	vst v63  }
0x2d: {  	_ =	swait.ge [sflag:s19], $0x2800  }
0x2e: {  	[sflag:s19] =	ssyncset.done $0x0  }
0x2f: {  	[sflag:s19] =	ssyncadd.s32 $0xFFFFD800  }
0x30: {  	[spmem:s8] =	stream.linear.scatter [tilespmem:s21], [sflag:$0x3], $0x2800, $0x38;
	[tilespmem:$0x1F780] =	vst v63  }
0x31: {  	_ =	swait.ge [sflag:s19], $0x2800  }
0x32: {  	[sflag:s19] =	ssyncset.done $0x0  }
0x33: {  	[sflag:s19] =	ssyncadd.s32 $0xFFFFD800  }
0x34: {  	[spmem:s9] =	stream.linear.scatter [tilespmem:s21], [sflag:$0x3], $0x2800, $0x38;
	[tilespmem:$0x1F780] =	vst v63  }
0x35: {  	_ =	swait.ge [sflag:s19], $0x2800  }
0x36: {  	[sflag:s19] =	ssyncset.done $0x0  }
0x37: {  	[sflag:s19] =	ssyncadd.s32 $0xFFFFD800  }
0x38: {  	[spmem:s10] =	stream.linear.scatter [tilespmem:s21], [sflag:$0x3], $0x2800, $0x38;
	[tilespmem:$0x1F780] =	vst v63  }
0x39: {  	_ =	swait.ge [sflag:s19], $0x2800  }
0x3a: {  	[sflag:s19] =	ssyncset.done $0x0  }
0x3b: {  	[sflag:s19] =	ssyncadd.s32 $0xFFFFD800  }
0x3c: {  	[spmem:s11] =	stream.linear.scatter [tilespmem:s21], [sflag:$0x3], $0x2800, $0x38;
	[tilespmem:$0x1F780] =	vst v63  }
0x3d: {  	_ =	swait.ge [sflag:s19], $0x2800  }
0x3e: {  	[sflag:s19] =	ssyncset.done $0x0  }
0x3f: {  	[sflag:s19] =	ssyncadd.s32 $0xFFFFD800  }
0x40: {  	[spmem:s12] =	stream.linear.scatter [tilespmem:s21], [sflag:$0x3], $0x2800, $0x38;
	[tilespmem:$0x1F780] =	vst v63  }
0x41: {  	_ =	swait.ge [sflag:s19], $0x2800  }
0x42: {  	[sflag:s19] =	ssyncset.done $0x0  }
0x43: {  	[sflag:s19] =	ssyncadd.s32 $0xFFFFD800  }
0x44: {  	[spmem:s13] =	stream.linear.scatter [tilespmem:s21], [sflag:$0x3], $0x2800, $0x38;
	[tilespmem:$0x1F780] =	vst v63  }
0x45: {  	_ =	swait.ge [sflag:s19], $0x2800  }
0x46: {  	[sflag:s19] =	ssyncset.done $0x0  }
0x47: {  	[sflag:s19] =	ssyncadd.s32 $0xFFFFD800  }
0x48: {  	[spmem:s14] =	stream.linear.scatter [tilespmem:s21], [sflag:$0x3], $0x2800, $0x38;
	[tilespmem:$0x1F780] =	vst v63  }
0x49: {  	_ =	swait.ge [sflag:s19], $0x2800  }
0x4a: {  	[sflag:s19] =	ssyncset.done $0x0  }
0x4b: {  	s1 =	simm.s32 $0x0;
	[sflag:s19] =	ssyncadd.s32 $0xFFFFD800  }
0x4c: {  	[tilespmem:s21], [sflag:$0x1] =	stream.indirect.gather [hbm4b:s4+s22], $0x80, s1, s22, $0xb8;
	[tilespmem:$0x1F780] =	vst v63  }
0x4d: {  	_ = 	snop  }
0x4e: {  	[tilespmem:s23], [sflag:$0x2] =	stream.indirect.gather [hbm4b:s4+s22], $0x80, s22, s22, $0xb8;
	[tilespmem:$0x1F780] =	vst v63  }
0x4f: {  	[bflag:$0x0] =	sbarrier.arrive $0xFFFF  }
0x50: {  	_ =	swait.ge [sflag:s24], $0x2800  }
0x51: {  	[sflag:s24] =	ssyncset.done $0x0  }
0x52: {  	s17 =	simm.s32 $0x2780;
	[sflag:s24] =	ssyncadd.s32 $0xFFFFD800  }
0x53: {  	[spmem:s2] =	stream.indirect.scatter.add.f32 [tilespmem:s21], [sflag:$0x3], $0x80, s17, s22, $0xb8;
	[tilespmem:$0x1F780] =	vst v63  }
0x54: {  	_ =	swait.ge [sflag:s19], $0x2800  }
0x55: {  	[sflag:s19] =	ssyncset.done $0x0  }
0x56: {  	s18 =	simm.s32 $0xA0;
	[sflag:s19] =	ssyncadd.s32 $0xFFFFD800  }
0x57: {  	[tilespmem:s21], [sflag:$0x1] =	stream.indirect.gather [hbm4b:s4+s22], $0x80, s18, s22, $0xb8;
	[tilespmem:$0x1F780] =	vst v63  }
0x58: {  	_ =	swait.ge [sflag:s25], $0x2800  }
0x59: {  	[sflag:s25] =	ssyncset.done $0x0  }
0x5a: {  	s20 =	simm.s32 $0x2800;
	[sflag:s25] =	ssyncadd.s32 $0xFFFFD800  }
0x5b: {  	[spmem:s2] =	stream.indirect.scatter.add.f32 [tilespmem:s23], [sflag:$0x3], $0x80, s20, s22, $0xb8;
	[tilespmem:$0x1F780] =	vst v63  }
0x5c: {  	_ =	swait.ge [sflag:s19], $0x2800  }
0x5d: {  	s0 =	simm.s32 $0x400;
	[sflag:s19] =	ssyncset.done $0x0  }
0x5e: {  	s1 =	simm.s32 $0xF0;
	s17 =	simm.s32 $0x190;
	[sflag:s19] =	ssyncadd.s32 $0xFFFFD800  }
.LBB2_4:
0x5f: {  	[tilespmem:s23], [sflag:$0x2] =	stream.indirect.gather [hbm4b:s4+s22], $0x80, s1, s22, $0xb8;
	[tilespmem:$0x1F780] =	vst v63  }
0x60: {  	s18 =	smov.u32 s0;
	s1 =	smov.u32 s17  }
0x61: {  	p0 =	sne.s32 s0, $0xF000;
	s0 =	sadd.s32 $0x400, s0;
	_ =	swait.ge [sflag:s24], $0x2800  }
0x62: {  	s18 =	sshra.s32 s18, $0x2;
	[sflag:s24] =	ssyncset.done $0x0  }
0x63: {  	s20 =	sadd.s32 $0x2780, s18;
	[sflag:s24] =	ssyncadd.s32 $0xFFFFD800  }
0x64: {  	[spmem:s2] =	stream.indirect.scatter.add.f32 [tilespmem:s21], [sflag:$0x3], $0x80, s20, s22, $0xb8;
	[tilespmem:$0x1F780] =	vst v63  }
0x65: {  	_ =	swait.ge [sflag:s19], $0x2800  }
0x66: {  	[sflag:s19] =	ssyncset.done $0x0  }
0x67: {  	s20 =	sadd.s32 $0xFFFFFFB0, s17;
	[sflag:s19] =	ssyncadd.s32 $0xFFFFD800  }
0x68: {  	[tilespmem:s21], [sflag:$0x1] =	stream.indirect.gather [hbm4b:s4+s22], $0x80, s20, s22, $0xb8;
	[tilespmem:$0x1F780] =	vst v63  }
0x69: {  	_ =	swait.ge [sflag:s25], $0x2800  }
0x6a: {  	[sflag:s25] =	ssyncset.done $0x0  }
.Ltmp1:
0x6b: {  	s18 =	sadd.s32 $0x2800, s18;
	[sflag:s25] =	ssyncadd.s32 $0xFFFFD800;
	(pc) =	sbr.rel @p0 .LBB2_4-.Ltmp1, $4  }
0x6c: {  	[spmem:s2] =	stream.indirect.scatter.add.f32 [tilespmem:s23], [sflag:$0x3], $0x80, s18, s22, $0xb8;
	[tilespmem:$0x1F780] =	vst v63  }
0x6d: {  	_ =	swait.ge [sflag:s19], $0x2800  }
0x6e: {  	[sflag:s19] =	ssyncset.done $0x0  }
0x6f: {  	s17 =	sadd.s32 $0xA0, s17;
	[sflag:s19] =	ssyncadd.s32 $0xFFFFD800  }
0x70: {  	[tilespmem:s23], [sflag:$0x2] =	stream.indirect.gather [hbm4b:s4+s22], $0x80, s1, s22, $0xb8;
	[tilespmem:$0x1F780] =	vst v63  }
0x71: {  	_ =	swait.ge [sflag:s24], $0x2800  }
0x72: {  	[sflag:s24] =	ssyncset.done $0x0  }
0x73: {  	[sflag:s24] =	ssyncadd.s32 $0xFFFFD800  }
0x74: {  	[spmem:s2] =	stream.indirect.scatter.add.f32 [tilespmem:s21], [sflag:$0x3], $0x80, s26, s22, $0xb8;
	[tilespmem:$0x1F780] =	vst v63  }
0x75: {  	_ =	swait.ge [sflag:s19], $0x2800  }
0x76: {  	[sflag:s19] =	ssyncset.done $0x0  }
0x77: {  	[sflag:s19] =	ssyncadd.s32 $0xFFFFD800  }
0x78: {  	[tilespmem:s21], [sflag:$0x1] =	stream.indirect.gather [hbm4b:s4+s22], $0x80, s28, s22, $0xb8;
	[tilespmem:$0x1F780] =	vst v63  }
0x79: {  	_ =	swait.ge [sflag:s25], $0x2800  }
0x7a: {  	[sflag:s25] =	ssyncset.done $0x0  }
0x7b: {  	[sflag:s25] =	ssyncadd.s32 $0xFFFFD800  }
0x7c: {  	[spmem:s2] =	stream.indirect.scatter.add.f32 [tilespmem:s23], [sflag:$0x3], $0x80, s29, s22, $0xb8;
	[tilespmem:$0x1F780] =	vst v63  }
0x7d: {  	_ =	swait.ge [sflag:s19], $0x2800  }
0x7e: {  	[sflag:s19] =	ssyncset.done $0x0  }
0x7f: {  	[sflag:s19] =	ssyncadd.s32 $0xFFFFD800  }
0x80: {  	_ =	swait.ge [sflag:s24], $0x2800  }
0x81: {  	[sflag:s24] =	ssyncset.done $0x0  }
0x82: {  	[sflag:s24] =	ssyncadd.s32 $0xFFFFD800  }
0x83: {  	[spmem:s2] =	stream.indirect.scatter.add.f32 [tilespmem:s21], [sflag:$0x3], $0x80, s30, s22, $0xb8;
	[tilespmem:$0x1F780] =	vst v63  }
0x84: {  	s0 =	stileid.u32;
	_ =	swait.ge [sflag:s19], $0x2800  }
0x85: {  	s20 =	sshrl.u32 s6, $0x3;
	s31 =	sadd.s32 $0x1, s31;
	[sflag:s19] =	ssyncset.done $0x0  }
0x86: {  	s0 =	sshll.u32 s0, $0x6;
	p0 =	sne.s32 s31, s16;
	[sflag:s19] =	ssyncadd.s32 $0xFFFFD800  }
.Ltmp2:
0x87: {  	s0 =	sor.u32 $0x1C03, s0;
	[bflag:$0x0] =	sbarrier.arrive $0xFFFF;
	(pc) =	sbr.rel @p0 .LBB2_1-.Ltmp2, $4  }
0x88: {  	[hbm:s15], [sflag:s0] =	dma.local [spmem:s20], $0x2800  }
0x89: {  	_ =	swait.ge [sflag:s19], $0x2800  }
0x8a: {  	[sflag:s19] =	ssyncset.done $0x0  }
0x8b: {  	[sflag:s19] =	ssyncadd.s32 $0xFFFFD800  }
0x8c: {  	_ =	sfence.sel $0x180000  }
0x8d: {  	[bflag:$0x0] =	sbarrier.arrive $0xFFFF  }
0x8e: {  	_ =	strace $0x90000053  }
0x8f: {  	s0 =	stileid.u32;
	[bflag:$0x2] =	sbarrier.arrive $0xFFFF  }
0x90: {  	p0 =	sne.s32 s0, $0x0;
	s0 =	rddreg [dreg:$0x2]  }
0x91: {  	s0 =	sadd.s32 @!p0 $0x100000, s0  }
0x92: {  	[sflag:s0] =	ssyncadd.tile.s32 @!p0 $0x1;
	_ =	shalt  }
.Lfunc_end2:
_tile_overlayer_lowered:
.L_overlay_start_2:
0x93: {  	(tag) =	ssettag $0x2  }
0x94: {  	s0 =	rddreg [dreg:$0x0];
	s2 =	stileid.u32  }
0x95: {  	s1 =	rddreg [dreg:$0x1];
	p0 =	sne.s32 s2, $0x0  }
0x96: {  	s3 =	rddreg [dreg:$0x2];
	[bflag:$0x3] =	sbarrier.arrive $0xFFFF;
	s2 =	simm.s32 @!p0 $0x1C03  }
0x97: {  	[timem:s3], [sflag:s2] =	dma.local @!p0 [hbm:s0], s1  }
0x98: {  	s0 =	simm.s32 @!p0 $0x3  }
0x99: {  	_ =	swait.ge @!p0 [sflag:s0], s1  }
0x9a: {  	s1 =	ssub.s32 @!p0 $0x0, s1;
	[sflag:s0] =	ssyncset.done @!p0 $0x0  }
0x9b: {  	[sflag:s0] =	ssyncadd.s32 @!p0 s1  }
0x9c: {  	[bflag:$0x3] =	sbarrier.arrive $0xFFFF  }
0x9d: {  	_ =	shalt  }

// kernel: kernel.28.cloned.1.call-start
scs
__scs_entry_jumppad:
0x0: {  	(pc) =	sbr.rel $0x88, $3  }
0x1: {  	(tag) =	ssettag $0x0;
	lr =	simm.s32 $0x1  }
0x2: {  	[smem:$0x3F95] =	sst lr;
	_ =	strace $0xD0000000  }
0x3: {  	_ = 	snop  }
0x4: {  	_ = 	snop  }
0x5: {  	_ = 	snop  }
0x6: {  	_ = 	snop  }
0x7: {  	_ = 	snop  }
__scs_overlays_trampoline_lowered:
0x8: {  	[smem:$0x3FA4] =	sst s0  }
0x9: {  	[smem:$0x3FA5] =	sst s1  }
0xa: {  	[smem:$0x3FA6] =	sst s2  }
0xb: {  	[smem:$0x3FA7] =	sst s3  }
0xc: {  	[smem:$0x3FA8] =	sst s4  }
0xd: {  	[smem:$0x3FA9] =	sst s5  }
0xe: {  	[smem:$0x3FAA] =	sst s6  }
0xf: {  	[smem:$0x3FAB] =	sst s7  }
0x10: {  	[smem:$0x3FAC] =	sst s8  }
0x11: {  	[smem:$0x3FAD] =	sst s9;
	s0 =	simm.s32 @!p0 $0x0  }
0x12: {  	s1 =	sld [smem:$0x3F93];
	s0 =	simm.s32 @p0 $0x1  }
0x13: {  	[smem:$0x3FAE] =	sst s0;
	s0 =	simm.s32 @!p1 $0x0  }
0x14: {  	s2 =	sld [smem:$0x3F92];
	s0 =	simm.s32 @p1 $0x1  }
0x15: {  	[smem:$0x3FAF] =	sst s0;
	s0 =	simm.s32 @!p2 $0x0  }
0x16: {  	s3 =	sld [smem:$0x3FDB];
	s0 =	simm.s32 @p2 $0x1  }
0x17: {  	s4 =	simm.s32 $0x1BF5;
	[smem:$0x3FB1] =	sst s0  }
0x18: {  	s0 =	sld [smem:$0x3F94];
	_ =	swait.ge [sflag:s4], $0x0  }
0x19: {  	s7 =	sld [smem:$0x3F95]  }
0x1a: {  	s8 =	sadd.s32 $0xFFFFE003, lr  }
0x1b: {  	s9 =	sadd.s32 $0xFFFFFEF7, lr;
	s5 =	simm.s32 $0xFFFFFFFF;
	p2 =	slt.u32 s8, $0xFFFFF086  }
0x1c: {  	p1 =	slt.u32 s9, $0xF7A;
	s5 =	simm.s32 @!p2 $0x0  }
0x1d: {  	s5 =	simm.s32 @p1 $0x1;
	p0 =	seq.s32 s7, s2  }
0x1e: {  	s7 =	smul.u32 @!p0 $0xF7A, s2;
	p2 =	seq.s32 @!p0 s5, $0x0  }
0x1f: {  	s9 =	smul.u32 $0xF7A, s1;
	s8 =	simm.s32 @!p0 $0x1BF5;
	p2 =	por !p2, p0  }
0x20: {  	[sflag:s8] =	ssyncset.s32 @!p0 $0xFFFFF086;
	s6 =	sadd.s32 @!p0 s3, s7;
	s7 =	simm.s32 @!p0 $0x108  }
0x21: {  	s3 =	sadd.s32 s3, s9;
	s6 =	sadd.s32 @!p0 $0x88, s6;
	s7 =	simm.s32 @p2 $0x1082  }
0x22: {  	[simem:s7], [sflag:s8] =	dma.local @!p0 [hbm:s6], $0xF7A  }
0x23: {  	s9 =	sor.u32 $0xD0000000, s2;
	s6 =	simm.s32 $0x108;
	_ =	swait.ge @!p0 [sflag:s8], $0x0  }
0x24: {  	s3 =	sadd.s32 $0x88, s3;
	s6 =	simm.s32 @!p1 $0x1082;
	[sflag:s4] =	ssyncset.s32 $0xFFFFF086  }
0x25: {  	[simem:s6], [sflag:s4] =	dma.local [hbm:s3], $0xF7A  }
0x26: {  	[smem:$0x3F95] =	sst s1;
	(tag) =	ssettag s2;
	_ =	strace s9  }
0x27: {  	s1 =	sld [smem:$0x3FA5]  }
0x28: {  	s2 =	sld [smem:$0x3FA6]  }
0x29: {  	s4 =	sld [smem:$0x3FA8]  }
0x2a: {  	p0 =	seq.s32 s5, $0x0;
	s5 =	sld [smem:$0x3FA9]  }
0x2b: {  	s6 =	sld [smem:$0x3FAA]  }
0x2c: {  	s7 =	sld [smem:$0x3FAB]  }
0x2d: {  	s3 =	simm.s32 $0x108;
	s8 =	sld [smem:$0x3FAC]  }
0x2e: {  	s3 =	simm.s32 @!p0 $0x1082;
	s9 =	sld [smem:$0x3FAD]  }
0x2f: {  	lr =	sadd.s32 s0, s3;
	s0 =	sld [smem:$0x3FA4]  }
0x30: {  	s3 =	sld [smem:$0x3FA7]  }
0x31: {  	[smem:$0x3FB0] =	sst s10  }
0x32: {  	s10 =	sld [smem:$0x3FAE];
	_ =	sdelay $0x3  }
0x33: {  	p0 =	seq.s32 s10, $0x1;
	s10 =	sld [smem:$0x3FB0];
	_ =	sdelay $0x3  }
0x34: {  	[smem:$0x3FB0] =	sst s10  }
0x35: {  	s10 =	sld [smem:$0x3FAF];
	_ =	sdelay $0x3  }
0x36: {  	p1 =	seq.s32 s10, $0x1;
	s10 =	sld [smem:$0x3FB0];
	_ =	sdelay $0x3  }
0x37: {  	[smem:$0x3FB0] =	sst s10  }
0x38: {  	s10 =	sld [smem:$0x3FB1]  }
0x39: {  	_ = 	snop;
	(pc) =	sbr.ind lr, $3  }
0x3a: {  	_ = 	snop  }
0x3b: {  	_ = 	snop  }
0x3c: {  	p2 =	seq.s32 s10, $0x1;
	s10 =	sld [smem:$0x3FB0]  }
0x3d: {  	_ =	shalt  }
0x3e: {  	_ =	shalt  }
0x3f: {  	_ =	shalt  }
0x40: {  	_ =	shalt  }
0x41: {  	_ =	shalt  }
0x42: {  	_ =	shalt  }
0x43: {  	_ =	shalt  }
0x44: {  	_ =	shalt  }
0x45: {  	_ =	shalt  }
0x46: {  	_ =	shalt  }
0x47: {  	_ =	shalt  }
0x48: {  	_ =	shalt  }
0x49: {  	_ =	shalt  }
0x4a: {  	_ =	shalt  }
0x4b: {  	_ =	shalt  }
0x4c: {  	_ =	shalt  }
0x4d: {  	_ =	shalt  }
0x4e: {  	_ =	shalt  }
0x4f: {  	_ =	shalt  }
0x50: {  	_ =	shalt  }
0x51: {  	_ =	shalt  }
0x52: {  	_ =	shalt  }
0x53: {  	_ =	shalt  }
0x54: {  	_ =	shalt  }
0x55: {  	_ =	shalt  }
0x56: {  	_ =	shalt  }
0x57: {  	_ =	shalt  }
0x58: {  	_ =	shalt  }
0x59: {  	_ =	shalt  }
0x5a: {  	_ =	shalt  }
0x5b: {  	_ =	shalt  }
0x5c: {  	_ =	shalt  }
0x5d: {  	_ =	shalt  }
0x5e: {  	_ =	shalt  }
0x5f: {  	_ =	shalt  }
0x60: {  	_ =	shalt  }
0x61: {  	_ =	shalt  }
0x62: {  	_ =	shalt  }
0x63: {  	_ =	shalt  }
0x64: {  	_ =	shalt  }
0x65: {  	_ =	shalt  }
0x66: {  	_ =	shalt  }
0x67: {  	_ =	shalt  }
0x68: {  	_ =	shalt  }
0x69: {  	_ =	shalt  }
0x6a: {  	_ =	shalt  }
0x6b: {  	_ =	shalt  }
0x6c: {  	_ =	shalt  }
0x6d: {  	_ =	shalt  }
0x6e: {  	_ =	shalt  }
0x6f: {  	_ =	shalt  }
0x70: {  	_ =	shalt  }
0x71: {  	_ =	shalt  }
0x72: {  	_ =	shalt  }
0x73: {  	_ =	shalt  }
0x74: {  	_ =	shalt  }
0x75: {  	_ =	shalt  }
0x76: {  	_ =	shalt  }
0x77: {  	_ =	shalt  }
0x78: {  	_ =	shalt  }
0x79: {  	_ =	shalt  }
0x7a: {  	_ =	shalt  }
0x7b: {  	_ =	shalt  }
0x7c: {  	_ =	shalt  }
0x7d: {  	_ =	shalt  }
0x7e: {  	_ =	shalt  }
0x7f: {  	_ =	shalt  }
0x80: {  	_ =	shalt  }
0x81: {  	_ =	shalt  }
0x82: {  	_ =	shalt  }
0x83: {  	_ =	shalt  }
0x84: {  	_ =	shalt  }
0x85: {  	_ =	shalt  }
0x86: {  	_ =	shalt  }
0x87: {  	_ =	shalt  }
.Lfunc_end0:
.L_simem_size_0:
called_computation.5_lowered:
.L_overlay_start_0:
0x88: {  	s2 =	sld [smem:$0x3FD9]  }
0x89: {  	s3 =	sld [smem:$0x3FFE];
	_ =	sdelay $0x1  }
0x8a: {  	s1 =	srdreg.scid  }
0x8b: {  	s0 =	sand.u32 $0x1, s1  }
0x8c: {  	s16 =	sshll.u32 s0, $0xA;
	s2 =	sadd.s32 s3, s2  }
0x8d: {  	s2 =	sadd.s32 s2, s16  }
0x8e: {  	[smem:$0x3FBC] =	sst s2  }
0x8f: {  	_ = 	snop  }
0x90: {  	(tm) =	ssettm $0x1  }
0x91: {  	s17 =	sld [smem:$0x3FFB];
	_ =	sdelay $0x3  }
0x92: {  	_ =	strace s17  }
0x93: {  	s2 =	sld [smem:$0x3FFC];
	_ =	sdelay $0x3  }
0x94: {  	_ =	strace s2  }
0x95: {  	s2 =	sld [smem:$0x3FFD];
	_ =	sdelay $0x3  }
0x96: {  	_ =	strace s2  }
0x97: {  	_ =	strace $0x8FFFFFFF  }
0x98: {  	s18 =	sld [smem:$0x3FDB];
	_ =	sdelay $0x1  }
0x99: {  	s19 =	simm.s32 $_scs_section_size  }
0x9a: {  	s4 =	simm.s32 $_size__tile_overlayer_lowered;
	s5 =	simm.s32 $_tile_overlayer_lowered  }
0x9b: {  	s22 =	simm.s32 $0x1BFF;
	s21 =	sshll.u32 s5, $0x1;
	s2 =	sadd.s32 s19, s18  }
0x9c: {  	s6 =	simm.s32 $0x0;
	s20 =	sshll.u32 s4, $0x1;
	s4 =	sadd.s32 s21, s2  }
0x9d: {  	[timem:s6], [sflag:s22] =	dma.local [hbm:s4], s20  }
0x9e: {  	_ =	swait.ge [sflag:s22], s20  }
0x9f: {  	s3 =	ssub.s32 $0x0, s20;
	[sflag:s22] =	ssyncset.done $0x0  }
0xa0: {  	[sflag:s22] =	ssyncadd.s32 s3;
	_ =	sdelay $0x1  }
0xa1: {  	s23 =	simm.s32 $0x1B8B  }
0xa2: {  	_ =	swait.ge [sflag:s23], $0x1  }
0xa3: {  	[sflag:s23] =	ssyncset.done $0x0  }
0xa4: {  	s25 =	simm.s32 $0x1B8E;
	s24 =	sld [smem:$0x3FFE];
	[sflag:s23] =	ssyncadd.s32 $0xFFFFFFFF  }
0xa5: {  	s26 =	simm.s32 $execute0_lowered;
	[smem:$0x3FD2] =	sst s25  }
0xa6: {  	s4 =	sshll.u32 s26, $0x1;
	_ =	strace $0x80000055;
	[dreg:$0x1] =	wrdreg $0xFFFFFFFF  }
0xa7: {  	s28 =	simm.s32 $_size_execute0_lowered;
	s2 =	sadd.s32 s2, s4;
	[dreg:$0x0] =	wrdreg $0x0  }
0xa8: {  	s4 =	sshll.u32 s28, $0x1;
	[dreg:$0x2] =	wrdreg s2  }
0xa9: {  	[dreg:$0x3] =	wrdreg s4  }
0xaa: {  	[dreg:$0x4] =	wrdreg $0xC0  }
0xab: {  	_ =	task [dreg:s6], $0x5FFFF  }
0xac: {  	[dreg:$0x1] =	wrdreg $0xFFFFFFFF  }
0xad: {  	[dreg:$0x0] =	wrdreg $0x60  }
0xae: {  	[dreg:$0x2] =	wrdreg s24  }
0xaf: {  	[dreg:$0x3] =	wrdreg $0xB7800  }
0xb0: {  	[dreg:$0x4] =	wrdreg $0x9  }
0xb1: {  	_ =	task.clear_ibuf [dreg:s6], $0x5FFFF;
	_ =	strace $0x90000055  }
0xb2: {  	s29 =	simm.s32 $0x9;
	_ =	strace $0x80000057  }
0xb3: {  	_ =	swait.ge [sflag:s29], $0x1  }
0xb4: {  	[sflag:s29] =	ssyncadd.s32 $0xFFFFFFFF  }
0xb5: {  	_ =	strace $0x90000057  }
0xb6: {  	_ =	sfence  }
0xb7: {  	s30 =	sld [smem:$0x0];
	_ =	sdelay $0x2  }
0xb8: {  	s31 =	sshll.u32 s1, $0xD;
	s1 =	sshrl.u32 s1, $0x2  }
0xb9: {  	s3 =	sand.u32 $0x4000, s31;
	s1 =	sadd.s32 s1, s30  }
0xba: {  	s0 =	sor.u32 s3, s0;
	s1 =	sshll.u32 s1, $0x11  }
0xbb: {  	s0 =	sor.u32 s1, s0  }
0xbc: {  	s0 =	sadd.s32 $0x8F2B, s0  }
0xbd: {  	[sflag:s0] =	ssyncadd.remote.s32 $0x1  }
0xbe: {  	_ =	sfence.sel $0xFFFF  }
0xbf: {  	[dreg:$0x0] =	wrdreg $0xFFFFFFFF;
	(pc) =	sbr.abs _section_cstart, $3  }
0xc0: {  	[dreg:$0x1] =	wrdreg $0xFFFFFFFF  }
0xc1: {  	_ =	task.clear_ibuf [dreg:s6], $0x2FFFF;
	_ =	strace $0x9FFFFFFF  }
0xc2: {  	(tm) =	ssettm $0x7FFFFFFF  }
0xc3: {  	_ =	shalt  }
tec
execute0_lowered:
.L_overlay_start_1:
0x0: {  	(tag) =	ssettag $0x1  }
0x1: {  	s0 =	srdreg.scid;
	s5 =	rddreg [dreg:$0x0]  }
0x2: {  	s9 =	stileid.u32;
	s2 =	rddreg [dreg:$0x1];
	s19 =	simm.s32 $0x3  }
0x3: {  	s21 =	simm.s32 $0x6780;
	s28 =	simm.s32 $0x26C0;
	s29 =	simm.s32 $0x6500  }
0x4: {  	s30 =	simm.s32 $0x6580;
	s31 =	simm.s32 $0x0;
	s8 =	smul.u32 $0x14000, s9  }
0x5: {  	s0 =	sand.u32 $0x1, s0;
	s22 =	sshll.u32 s9, $0x7;
	s24 =	smul.u32 $0x50000, s9  }
0x6: {  	s1 =	sshll.u32 s0, $0x4;
	s6 =	sand.u32 $0x380, s22;
	s23 =	smul.u32 $0x140000, s0  }
0x7: {  	s0 =	ssub.s32 $0x2, s0;
	s22 =	simm.s32 $0x50;
	s1 =	sor.u32 s9, s1  }
0x8: {  	s25 =	sshrl.u32 s0, $0x1;
	s26 =	sshrl.u32 s24, $0x2;
	s24 =	simm.s32 $0x1  }
0x9: {  	s3 =	sshrl.u32 s1, $0x3;
	s1 =	sshll.u32 s1, $0xB;
	s0 =	ssub.s32 s0, s25  }
0xa: {  	s25 =	simm.s32 $0x2;
	s4 =	smul.u32 $0x13C00, s3;
	s3 =	simm.s32 $0x0  }
0xb: {  	s1 =	sadd.s32 s1, s5;
	s16 =	smax.u32 s0, $0x1;
	[smem:$0x7FF] =	sst s3  }
0xc: {  	s4 =	sor.u32 s6, s4;
	_ =	strace $0x80000056;
	s6 =	sadd.s32 s8, s23  }
0xd: {  	s23 =	simm.s32 $0x8F80;
	s7 =	sshrl.u32 s4, $0x3;
	s6 =	sshrl.u32 s6, $0x3  }
0xe: {  	s4 =	sadd.s32 $0x1F400, s5;
	s7 =	sadd.s32 s7, s5;
	s15 =	sadd.s32 s6, s5  }
0xf: {  	s6 =	sadd.s32 s26, s2;
	s26 =	simm.s32 $0x6480;
	s5 =	sadd.s32 $0x15600, s7  }
0x10: {  	s7 =	sadd.s32 $0x5600, s1;
	s8 =	sadd.s32 $0x2800, s6;
	s9 =	sadd.s32 $0x5000, s6  }
0x11: {  	s10 =	sadd.s32 $0x7800, s6;
	s11 =	sadd.s32 $0xA000, s6;
	s12 =	sadd.s32 $0xC800, s6  }
0x12: {  	v0 =	vimm.f32 $0.0e+00;
	s13 =	sadd.s32 $0xF000, s6;
	s14 =	sadd.s32 $0x11800, s6;
	s15 =	sadd.s32 $0x47400, s15  }
.LBB2_1:
0x13: {  	s0 =	simm.s32 $0x80;
	s1 =	simm.s32 $0x400  }
0x14: {  	[tilespmem:s3], [sflag:$0x3] =	stream.strided.gather [hbm4b:s5+s0], $0x2780, s1, s0, $0x38;
	[tilespmem:$0x1F780] =	vst v63  }
0x15: {  	_ =	swait.ge [sflag:s19], $0x2780  }
0x16: {  	[sflag:s19] =	ssyncset.done $0x0  }
0x17: {  	s20 =	simm.s32 $0x2780;
	[sflag:s19] =	ssyncadd.s32 $0xFFFFD880  }
0x18: {  	[tilespmem:s20], [sflag:$0x3] =	stream.linear.gather [hbm4b:s7+s3], $0x3E80, $0x38;
	[tilespmem:$0x1F780] =	vst v63  }
0x19: {  	_ =	swait.ge [sflag:s19], $0x3E80  }
0x1a: {  	[sflag:s19] =	ssyncset.done $0x0  }
0x1b: {  	s0 =	simm.s32 $0x0;
	s1 =	simm.s32 $0x200;
	[sflag:s19] =	ssyncadd.s32 $0xFFFFC180  }
.LBB2_2:
0x1c: {  	p0 =	sne.s32 s1, $0x9E00;
	[tilespmem:s0+$0x67F0] =	vst v0  }
0x1d: {  	[tilespmem:s0+$0x6780] =	vst v0  }
0x1e: {  	[tilespmem:s0+$0x6790] =	vst v0  }
.Ltmp0:
0x1f: {  	[tilespmem:s0+$0x67A0] =	vst v0;
	(pc) =	sbr.rel @p0 .LBB2_2-.Ltmp0, $4  }
0x20: {  	[tilespmem:s0+$0x67B0] =	vst v0  }
0x21: {  	[tilespmem:s0+$0x67C0] =	vst v0  }
0x22: {  	[tilespmem:s0+$0x67D0] =	vst v0  }
0x23: {  	[tilespmem:s0+$0x67E0] =	vst v0;
	s0 =	sshra.s32 s1, $0x2;
	s1 =	sadd.s32 $0x200, s1  }
0x24: {  	[tilespmem:s0+$0x67F0] =	vst v0  }
0x25: {  	[tilespmem:s0+$0x6780] =	vst v0  }
0x26: {  	[tilespmem:s0+$0x6790] =	vst v0  }
0x27: {  	[tilespmem:s0+$0x67A0] =	vst v0  }
0x28: {  	[tilespmem:s0+$0x67B0] =	vst v0  }
0x29: {  	[tilespmem:s0+$0x67C0] =	vst v0  }
0x2a: {  	[tilespmem:s0+$0x67D0] =	vst v0  }
0x2b: {  	[tilespmem:s0+$0x67E0] =	vst v0  }
0x2c: {  	[spmem:s6] =	stream.linear.scatter [tilespmem:s21], [sflag:$0x3], $0x2800, $0x38;
	[tilespmem:$0x1F780] =	vst v63  }
0x2d: {  	_ =	swait.ge [sflag:s19], $0x2800  }
0x2e: {  	[sflag:s19] =	ssyncset.done $0x0  }
0x2f: {  	[sflag:s19] =	ssyncadd.s32 $0xFFFFD800  }
0x30: {  	[spmem:s8] =	stream.linear.scatter [tilespmem:s21], [sflag:$0x3], $0x2800, $0x38;
	[tilespmem:$0x1F780] =	vst v63  }
0x31: {  	_ =	swait.ge [sflag:s19], $0x2800  }
0x32: {  	[sflag:s19] =	ssyncset.done $0x0  }
0x33: {  	[sflag:s19] =	ssyncadd.s32 $0xFFFFD800  }
0x34: {  	[spmem:s9] =	stream.linear.scatter [tilespmem:s21], [sflag:$0x3], $0x2800, $0x38;
	[tilespmem:$0x1F780] =	vst v63  }
0x35: {  	_ =	swait.ge [sflag:s19], $0x2800  }
0x36: {  	[sflag:s19] =	ssyncset.done $0x0  }
0x37: {  	[sflag:s19] =	ssyncadd.s32 $0xFFFFD800  }
0x38: {  	[spmem:s10] =	stream.linear.scatter [tilespmem:s21], [sflag:$0x3], $0x2800, $0x38;
	[tilespmem:$0x1F780] =	vst v63  }
0x39: {  	_ =	swait.ge [sflag:s19], $0x2800  }
0x3a: {  	[sflag:s19] =	ssyncset.done $0x0  }
0x3b: {  	[sflag:s19] =	ssyncadd.s32 $0xFFFFD800  }
0x3c: {  	[spmem:s11] =	stream.linear.scatter [tilespmem:s21], [sflag:$0x3], $0x2800, $0x38;
	[tilespmem:$0x1F780] =	vst v63  }
0x3d: {  	_ =	swait.ge [sflag:s19], $0x2800  }
0x3e: {  	[sflag:s19] =	ssyncset.done $0x0  }
0x3f: {  	[sflag:s19] =	ssyncadd.s32 $0xFFFFD800  }
0x40: {  	[spmem:s12] =	stream.linear.scatter [tilespmem:s21], [sflag:$0x3], $0x2800, $0x38;
	[tilespmem:$0x1F780] =	vst v63  }
0x41: {  	_ =	swait.ge [sflag:s19], $0x2800  }
0x42: {  	[sflag:s19] =	ssyncset.done $0x0  }
0x43: {  	[sflag:s19] =	ssyncadd.s32 $0xFFFFD800  }
0x44: {  	[spmem:s13] =	stream.linear.scatter [tilespmem:s21], [sflag:$0x3], $0x2800, $0x38;
	[tilespmem:$0x1F780] =	vst v63  }
0x45: {  	_ =	swait.ge [sflag:s19], $0x2800  }
0x46: {  	[sflag:s19] =	ssyncset.done $0x0  }
0x47: {  	[sflag:s19] =	ssyncadd.s32 $0xFFFFD800  }
0x48: {  	[spmem:s14] =	stream.linear.scatter [tilespmem:s21], [sflag:$0x3], $0x2800, $0x38;
	[tilespmem:$0x1F780] =	vst v63  }
0x49: {  	_ =	swait.ge [sflag:s19], $0x2800  }
0x4a: {  	[sflag:s19] =	ssyncset.done $0x0  }
0x4b: {  	s1 =	simm.s32 $0x0;
	[sflag:s19] =	ssyncadd.s32 $0xFFFFD800  }
0x4c: {  	[tilespmem:s21], [sflag:$0x1] =	stream.indirect.gather [hbm4b:s4+s22], $0x80, s1, s22, $0xb8;
	[tilespmem:$0x1F780] =	vst v63  }
0x4d: {  	_ = 	snop  }
0x4e: {  	[tilespmem:s23], [sflag:$0x2] =	stream.indirect.gather [hbm4b:s4+s22], $0x80, s22, s22, $0xb8;
	[tilespmem:$0x1F780] =	vst v63  }
0x4f: {  	[bflag:$0x0] =	sbarrier.arrive $0xFFFF  }
0x50: {  	_ =	swait.ge [sflag:s24], $0x2800  }
0x51: {  	[sflag:s24] =	ssyncset.done $0x0  }
0x52: {  	s17 =	simm.s32 $0x2780;
	[sflag:s24] =	ssyncadd.s32 $0xFFFFD800  }
0x53: {  	[spmem:s2] =	stream.indirect.scatter.add.f32 [tilespmem:s21], [sflag:$0x3], $0x80, s17, s22, $0xb8;
	[tilespmem:$0x1F780] =	vst v63  }
0x54: {  	_ =	swait.ge [sflag:s19], $0x2800  }
0x55: {  	[sflag:s19] =	ssyncset.done $0x0  }
0x56: {  	s18 =	simm.s32 $0xA0;
	[sflag:s19] =	ssyncadd.s32 $0xFFFFD800  }
0x57: {  	[tilespmem:s21], [sflag:$0x1] =	stream.indirect.gather [hbm4b:s4+s22], $0x80, s18, s22, $0xb8;
	[tilespmem:$0x1F780] =	vst v63  }
0x58: {  	_ =	swait.ge [sflag:s25], $0x2800  }
0x59: {  	[sflag:s25] =	ssyncset.done $0x0  }
0x5a: {  	s20 =	simm.s32 $0x2800;
	[sflag:s25] =	ssyncadd.s32 $0xFFFFD800  }
0x5b: {  	[spmem:s2] =	stream.indirect.scatter.add.f32 [tilespmem:s23], [sflag:$0x3], $0x80, s20, s22, $0xb8;
	[tilespmem:$0x1F780] =	vst v63  }
0x5c: {  	_ =	swait.ge [sflag:s19], $0x2800  }
0x5d: {  	s0 =	simm.s32 $0x400;
	[sflag:s19] =	ssyncset.done $0x0  }
0x5e: {  	s1 =	simm.s32 $0xF0;
	s17 =	simm.s32 $0x190;
	[sflag:s19] =	ssyncadd.s32 $0xFFFFD800  }
.LBB2_4:
0x5f: {  	[tilespmem:s23], [sflag:$0x2] =	stream.indirect.gather [hbm4b:s4+s22], $0x80, s1, s22, $0xb8;
	[tilespmem:$0x1F780] =	vst v63  }
0x60: {  	s18 =	smov.u32 s0;
	s1 =	smov.u32 s17  }
0x61: {  	p0 =	sne.s32 s0, $0xF000;
	s0 =	sadd.s32 $0x400, s0;
	_ =	swait.ge [sflag:s24], $0x2800  }
0x62: {  	s18 =	sshra.s32 s18, $0x2;
	[sflag:s24] =	ssyncset.done $0x0  }
0x63: {  	s20 =	sadd.s32 $0x2780, s18;
	[sflag:s24] =	ssyncadd.s32 $0xFFFFD800  }
0x64: {  	[spmem:s2] =	stream.indirect.scatter.add.f32 [tilespmem:s21], [sflag:$0x3], $0x80, s20, s22, $0xb8;
	[tilespmem:$0x1F780] =	vst v63  }
0x65: {  	_ =	swait.ge [sflag:s19], $0x2800  }
0x66: {  	[sflag:s19] =	ssyncset.done $0x0  }
0x67: {  	s20 =	sadd.s32 $0xFFFFFFB0, s17;
	[sflag:s19] =	ssyncadd.s32 $0xFFFFD800  }
0x68: {  	[tilespmem:s21], [sflag:$0x1] =	stream.indirect.gather [hbm4b:s4+s22], $0x80, s20, s22, $0xb8;
	[tilespmem:$0x1F780] =	vst v63  }
0x69: {  	_ =	swait.ge [sflag:s25], $0x2800  }
0x6a: {  	[sflag:s25] =	ssyncset.done $0x0  }
.Ltmp1:
0x6b: {  	s18 =	sadd.s32 $0x2800, s18;
	[sflag:s25] =	ssyncadd.s32 $0xFFFFD800;
	(pc) =	sbr.rel @p0 .LBB2_4-.Ltmp1, $4  }
0x6c: {  	[spmem:s2] =	stream.indirect.scatter.add.f32 [tilespmem:s23], [sflag:$0x3], $0x80, s18, s22, $0xb8;
	[tilespmem:$0x1F780] =	vst v63  }
0x6d: {  	_ =	swait.ge [sflag:s19], $0x2800  }
0x6e: {  	[sflag:s19] =	ssyncset.done $0x0  }
0x6f: {  	s17 =	sadd.s32 $0xA0, s17;
	[sflag:s19] =	ssyncadd.s32 $0xFFFFD800  }
0x70: {  	[tilespmem:s23], [sflag:$0x2] =	stream.indirect.gather [hbm4b:s4+s22], $0x80, s1, s22, $0xb8;
	[tilespmem:$0x1F780] =	vst v63  }
0x71: {  	_ =	swait.ge [sflag:s24], $0x2800  }
0x72: {  	[sflag:s24] =	ssyncset.done $0x0  }
0x73: {  	[sflag:s24] =	ssyncadd.s32 $0xFFFFD800  }
0x74: {  	[spmem:s2] =	stream.indirect.scatter.add.f32 [tilespmem:s21], [sflag:$0x3], $0x80, s26, s22, $0xb8;
	[tilespmem:$0x1F780] =	vst v63  }
0x75: {  	_ =	swait.ge [sflag:s19], $0x2800  }
0x76: {  	[sflag:s19] =	ssyncset.done $0x0  }
0x77: {  	[sflag:s19] =	ssyncadd.s32 $0xFFFFD800  }
0x78: {  	[tilespmem:s21], [sflag:$0x1] =	stream.indirect.gather [hbm4b:s4+s22], $0x80, s28, s22, $0xb8;
	[tilespmem:$0x1F780] =	vst v63  }
0x79: {  	_ =	swait.ge [sflag:s25], $0x2800  }
0x7a: {  	[sflag:s25] =	ssyncset.done $0x0  }
0x7b: {  	[sflag:s25] =	ssyncadd.s32 $0xFFFFD800  }
0x7c: {  	[spmem:s2] =	stream.indirect.scatter.add.f32 [tilespmem:s23], [sflag:$0x3], $0x80, s29, s22, $0xb8;
	[tilespmem:$0x1F780] =	vst v63  }
0x7d: {  	_ =	swait.ge [sflag:s19], $0x2800  }
0x7e: {  	[sflag:s19] =	ssyncset.done $0x0  }
0x7f: {  	[sflag:s19] =	ssyncadd.s32 $0xFFFFD800  }
0x80: {  	_ =	swait.ge [sflag:s24], $0x2800  }
0x81: {  	[sflag:s24] =	ssyncset.done $0x0  }
0x82: {  	[sflag:s24] =	ssyncadd.s32 $0xFFFFD800  }
0x83: {  	[spmem:s2] =	stream.indirect.scatter.add.f32 [tilespmem:s21], [sflag:$0x3], $0x80, s30, s22, $0xb8;
	[tilespmem:$0x1F780] =	vst v63  }
0x84: {  	s0 =	stileid.u32;
	_ =	swait.ge [sflag:s19], $0x2800  }
0x85: {  	s20 =	sshrl.u32 s6, $0x3;
	s31 =	sadd.s32 $0x1, s31;
	[sflag:s19] =	ssyncset.done $0x0  }
0x86: {  	s0 =	sshll.u32 s0, $0x6;
	p0 =	sne.s32 s31, s16;
	[sflag:s19] =	ssyncadd.s32 $0xFFFFD800  }
.Ltmp2:
0x87: {  	s0 =	sor.u32 $0x1C03, s0;
	[bflag:$0x0] =	sbarrier.arrive $0xFFFF;
	(pc) =	sbr.rel @p0 .LBB2_1-.Ltmp2, $4  }
0x88: {  	[hbm:s15], [sflag:s0] =	dma.local [spmem:s20], $0x2800  }
0x89: {  	_ =	swait.ge [sflag:s19], $0x2800  }
0x8a: {  	[sflag:s19] =	ssyncset.done $0x0  }
0x8b: {  	[sflag:s19] =	ssyncadd.s32 $0xFFFFD800  }
0x8c: {  	_ =	sfence.sel $0x180000  }
0x8d: {  	[bflag:$0x0] =	sbarrier.arrive $0xFFFF  }
0x8e: {  	_ =	strace $0x90000056  }
0x8f: {  	s0 =	stileid.u32;
	[bflag:$0x2] =	sbarrier.arrive $0xFFFF  }
0x90: {  	p0 =	sne.s32 s0, $0x0;
	s0 =	rddreg [dreg:$0x2]  }
0x91: {  	s0 =	sadd.s32 @!p0 $0x100000, s0  }
0x92: {  	[sflag:s0] =	ssyncadd.tile.s32 @!p0 $0x1;
	_ =	shalt  }
.Lfunc_end2:
_tile_overlayer_lowered:
.L_overlay_start_2:
0x93: {  	(tag) =	ssettag $0x2  }
0x94: {  	s0 =	rddreg [dreg:$0x0];
	s2 =	stileid.u32  }
0x95: {  	s1 =	rddreg [dreg:$0x1];
	p0 =	sne.s32 s2, $0x0  }
0x96: {  	s3 =	rddreg [dreg:$0x2];
	[bflag:$0x3] =	sbarrier.arrive $0xFFFF;
	s2 =	simm.s32 @!p0 $0x1C03  }
0x97: {  	[timem:s3], [sflag:s2] =	dma.local @!p0 [hbm:s0], s1  }
0x98: {  	s0 =	simm.s32 @!p0 $0x3  }
0x99: {  	_ =	swait.ge @!p0 [sflag:s0], s1  }
0x9a: {  	s1 =	ssub.s32 @!p0 $0x0, s1;
	[sflag:s0] =	ssyncset.done @!p0 $0x0  }
0x9b: {  	[sflag:s0] =	ssyncadd.s32 @!p0 s1  }
0x9c: {  	[bflag:$0x3] =	sbarrier.arrive $0xFFFF  }
0x9d: {  	_ =	shalt  }

</sc_bundles>
